<compile_context>
chip_gen: v7x
topology: tpu7x:2x2x1
jax: 0.10.2.dev20260603
libtpu: 0.0.44.dev20260713+nightly
codegen_flags: <defaults>
</compile_context>

<pallas_src>
import functools

import jax
import jax.numpy as jnp
from jax import lax
from jax.experimental import pallas as pl
from jax.experimental.pallas import tpu as pltpu, tpu_sc as plsc

N = 50000
E = 800000
G = 32

NP = 50176
Bn = 3136
NB = NP // Bn
Ep = 819200
S = 400
NIT0 = 50
NIT1 = 14
EW0 = 2 * S * NIT0
EW1 = 2 * S * NIT1
EWMX = EW0
EPA = 16 * EW0 + 15 * EW1 + EWMX
APT = NP // 16
NPP = NP // 8
PBn = Bn // 8


@functools.cache
def _mesh():
    return plsc.VectorSubcoreMesh(core_axis_name="c", subcore_axis_name="s",
                                  num_cores=2, num_subcores=16)


@functools.cache
def _sc_pass(nchunks, w, gather):
    scratch = [
        pltpu.VMEM((S,), jnp.int32),
        pltpu.VMEM((S,), jnp.int32),
    ]
    if gather:
        scratch.append(pltpu.VMEM((EWMX,), jnp.int32))
    scratch += [
        pltpu.VMEM((S, w), jnp.float32),
        pltpu.VMEM((S, w), jnp.float32),
        pltpu.VMEM_SHARED((NP, w), jnp.float32),
        pltpu.SemaphoreType.DMA,
        pltpu.SemaphoreType.DMA,
        pltpu.SemaphoreType.DMA,
        pltpu.SemaphoreType.DMA,
    ]

    @functools.partial(
        pl.kernel,
        out_type=jax.ShapeDtypeStruct((2, nchunks, NP, w), jnp.float32),
        mesh=_mesh(),
        compiler_params=pltpu.CompilerParams(use_tc_tiling_on_sc=False),
        scratch_types=scratch,
    )
    def sc_pass(*refs):
        if gather:
            tables = refs[:nchunks]
            (src_h, dst_h, zeros_h, out_h, idxd_a, idxd_b, idxs_all,
             rows_a, rows_b, acc, g_a, g_b, s_a, s_b) = refs[nchunks:]
        else:
            (dst_h, ones_h, zeros_h, out_h, idxd_a, idxd_b,
             rows_a, rows_b, acc, g_a, g_b, s_a, s_b) = refs
        cid = lax.axis_index("c")
        sid = lax.axis_index("s")
        wedge = pl.multiple_of(
            jnp.where(cid == 0, sid * EW0, 16 * EW0 + sid * EW1), 8)
        nit = jnp.where(cid == 0, NIT0, NIT1)
        ew = jnp.where(cid == 0, EW0, EW1)
        arow = pl.multiple_of(sid * APT, 8)

        if gather:
            pltpu.sync_copy(src_h.at[pl.ds(wedge, EWMX)], idxs_all)
        else:
            pltpu.sync_copy(ones_h, rows_a)
            pltpu.sync_copy(ones_h, rows_b)

        def load_d(i, k, buf):
            off = pl.multiple_of(wedge + (2 * i + k) * S, 8)
            pltpu.sync_copy(dst_h.at[pl.ds(off, S)], buf)

        def s_idx(i, k):
            return idxs_all.at[pl.ds(pl.multiple_of((2 * i + k) * S, 8), S)]

        def drain_s(rows, sem):
            pltpu.make_async_copy(rows, acc.at[idxd_a], sem).wait()

        for c in range(nchunks):
            pltpu.sync_copy(zeros_h.at[pl.ds(arow, APT)],
                            acc.at[pl.ds(arow, APT)])
            plsc.subcore_barrier()

            table = tables[c] if gather else None

            def it(i, carry, table=table):
                if gather:
                    @pl.when(i > 0)
                    def _():
                        drain_s(rows_a, s_a)
                    pltpu.async_copy(table.at[s_idx(i, 0)], rows_a, g_a)

                    @pl.when(i > 0)
                    def _():
                        drain_s(rows_b, s_b)
                    pltpu.async_copy(table.at[s_idx(i, 1)], rows_b, g_b)
                    load_d(i, 0, idxd_a)
                    load_d(i, 1, idxd_b)
                    pltpu.make_async_copy(table.at[s_idx(i, 0)],
                                          rows_a, g_a).wait()
                    pltpu.async_copy(rows_a, acc.at[idxd_a], s_a, add=True)
                    pltpu.make_async_copy(table.at[s_idx(i, 1)],
                                          rows_b, g_b).wait()
                    pltpu.async_copy(rows_b, acc.at[idxd_b], s_b, add=True)
                else:
                    @pl.when(i > 0)
                    def _():
                        drain_s(rows_a, s_a)
                        drain_s(rows_b, s_b)
                    load_d(i, 0, idxd_a)
                    load_d(i, 1, idxd_b)
                    pltpu.async_copy(rows_a, acc.at[idxd_a], s_a, add=True)
                    pltpu.async_copy(rows_b, acc.at[idxd_b], s_b, add=True)
                return carry

            lax.fori_loop(0, nit, it, 0)
            drain_s(rows_a, s_a)
            drain_s(rows_b, s_b)
            plsc.subcore_barrier()
            pltpu.sync_copy(acc.at[pl.ds(arow, APT)],
                            out_h.at[cid].at[c].at[pl.ds(arow, APT)])
            plsc.subcore_barrier()

    return sc_pass


def _dis_packed(dp):
    deg = dp[0, 0] + dp[1, 0] + 1.0
    return lax.rsqrt(deg)


def _tc_prep_body(dp_ref, xp_ref, xs_ref):
    xs_ref[...] = xp_ref[...] * _dis_packed(dp_ref[...])


def _tc_mid_body(xs_ref, ax_ref, dp_ref, w_ref, b_ref, *out_refs):
    disp = _dis_packed(dp_ref[...])
    a1p = (xs_ref[...] + ax_ref[0, 0] + ax_ref[1, 0]) * disp
    for c in range(7):
        h = jnp.dot(a1p, w_ref[c], preferred_element_type=jnp.float32)
        h = h + b_ref[c]
        h = h * jax.nn.sigmoid(h)
        out_refs[c][...] = h * disp


def _tc_final_body(t0, t1, t2, t3, t4, t5, t6, ah_ref, dp_ref, bt_ref,
                   w2_ref, b2_ref, wl1_ref, bl1_ref, wl2_ref, bl2_ref,
                   out_ref, sums, cnt):
    i = pl.program_id(0)

    @pl.when(i == 0)
    def _():
        sums[...] = jnp.zeros_like(sums)
        cnt[...] = jnp.zeros_like(cnt)

    disp = _dis_packed(dp_ref[...])
    ts = (t0, t1, t2, t3, t4, t5, t6)
    h2 = b2_ref[...]
    for c in range(7):
        p_c = (ts[c][...] + ah_ref[0, c] + ah_ref[1, c]) * disp
        h2 = h2 + jnp.dot(p_c, w2_ref[c], preferred_element_type=jnp.float32)
    h2 = h2 * jax.nn.sigmoid(h2)
    gids = lax.broadcasted_iota(jnp.int32, (G, PBn), 0)
    for j in range(8):
        ohj = (gids == bt_ref[0, j, :][None, :]).astype(jnp.float32)
        sums[...] += jnp.dot(ohj, h2[:, 200 * j:200 * (j + 1)],
                             preferred_element_type=jnp.float32)
        cnt[...] += jnp.broadcast_to(
            jnp.sum(ohj, axis=1, keepdims=True), (G, 128))

    @pl.when(i == NB - 1)
    def _():
        pooled = sums[...] / jnp.maximum(cnt[:, 0:1], 1.0)
        z = jnp.dot(pooled, wl1_ref[...],
                    preferred_element_type=jnp.float32) + bl1_ref[...]
        z = z * jax.nn.sigmoid(z)
        o = jnp.dot(z, wl2_ref[...],
                    preferred_element_type=jnp.float32) + bl2_ref[...]
        out_ref[...] = o


@functools.cache
def _tc_kernels(interpret=False):
    tc_prep = pl.pallas_call(
        _tc_prep_body,
        interpret=interpret,
        grid=(NB,),
        in_specs=[
            pl.BlockSpec((2, 1, PBn, 128), lambda i: (0, 0, i, 0)),
            pl.BlockSpec((PBn, 128), lambda i: (i, 0)),
        ],
        out_specs=pl.BlockSpec((PBn, 128), lambda i: (i, 0)),
        out_shape=jax.ShapeDtypeStruct((NPP, 128), jnp.float32),
    )
    tc_mid = pl.pallas_call(
        _tc_mid_body,
        interpret=interpret,
        grid=(NB,),
        in_specs=[
            pl.BlockSpec((PBn, 128), lambda i: (i, 0)),
            pl.BlockSpec((2, 1, PBn, 128), lambda i: (0, 0, i, 0)),
            pl.BlockSpec((2, 1, PBn, 128), lambda i: (0, 0, i, 0)),
            pl.BlockSpec((7, 128, 128), lambda i: (0, 0, 0)),
            pl.BlockSpec((7, 1, 128), lambda i: (0, 0, 0)),
        ],
        out_specs=[pl.BlockSpec((PBn, 128), lambda i: (i, 0)) for _ in range(7)],
        out_shape=[jax.ShapeDtypeStruct((NPP, 128), jnp.float32) for _ in range(7)],
    )
    tc_final = pl.pallas_call(
        _tc_final_body,
        interpret=interpret,
        grid=(NB,),
        in_specs=(
            [pl.BlockSpec((PBn, 128), lambda i: (i, 0)) for _ in range(7)] + [
                pl.BlockSpec((2, 7, PBn, 128), lambda i: (0, 0, i, 0)),
                pl.BlockSpec((2, 1, PBn, 128), lambda i: (0, 0, i, 0)),
                pl.BlockSpec((1, 8, PBn), lambda i: (i, 0, 0)),
                pl.BlockSpec((7, 128, 1600), lambda i: (0, 0, 0)),
                pl.BlockSpec((1, 1600), lambda i: (0, 0)),
                pl.BlockSpec((200, 100), lambda i: (0, 0)),
                pl.BlockSpec((1, 100), lambda i: (0, 0)),
                pl.BlockSpec((100, 128), lambda i: (0, 0)),
                pl.BlockSpec((1, 128), lambda i: (0, 0)),
            ]
        ),
        out_specs=pl.BlockSpec((G, 128), lambda i: (0, 0)),
        out_shape=jax.ShapeDtypeStruct((G, 128), jnp.float32),
        scratch_shapes=[
            pltpu.VMEM((G, 200), jnp.float32),
            pltpu.VMEM((G, 128), jnp.float32),
        ],
    )
    return tc_prep, tc_mid, tc_final


def kernel(x, edge_index, batch, W1, b1, W2, b2, Wl1, bl1, Wl2, bl2):
    f32 = jnp.float32
    src = edge_index[0]
    dst = edge_index[1]
    epad = jnp.full((EPA - E,), N, jnp.int32)
    srcp = jnp.concatenate([src, epad])
    dstp = jnp.concatenate([dst, epad])
    xpad = jnp.zeros((NP, 16), f32).at[:N, :3].set(
        x.astype(f32)).reshape(NPP, 128)
    zeros16 = jnp.zeros((NP, 16), f32)
    onesv = jnp.ones((S, 16), f32)
    batchp = jnp.concatenate(
        [batch, jnp.full((NP - N,), G, jnp.int32)]).reshape(
            NB, PBn, 8).transpose(0, 2, 1)
    W1p = jnp.zeros((16, 112), f32).at[:3, :100].set(W1)
    b1p = jnp.zeros((112,), f32).at[:100].set(b1)
    eye8 = jnp.eye(8, dtype=f32)
    W1big = jnp.stack([
        jnp.einsum('ab,km->akbm', eye8,
                   W1p[:, 16 * c:16 * (c + 1)]).reshape(128, 128)
        for c in range(7)])
    b1big = jnp.stack([jnp.tile(b1p[16 * c:16 * (c + 1)], 8).reshape(1, 128)
                       for c in range(7)])
    W2p = jnp.zeros((112, 200), f32).at[:100, :].set(W2)
    W2big = jnp.stack([
        jnp.einsum('ab,km->akbm', eye8,
                   W2p[16 * c:16 * (c + 1), :]).reshape(128, 1600)
        for c in range(7)])
    b2big = jnp.tile(b2, 8).reshape(1, 1600)
    bl1r = bl1.reshape(1, 100)
    Wl2p = jnp.zeros((100, 128), f32).at[:, 0:1].set(Wl2)
    bl2p = jnp.broadcast_to(bl2.reshape(1, 1), (1, 128))

    tc_prep, tc_mid, tc_final = _tc_kernels()
    degpart = _sc_pass(1, 16, False)(dstp, onesv, zeros16)
    degp = degpart.reshape(2, 1, NPP, 128)
    xs_p = tc_prep(degp, xpad)
    xs = xs_p.reshape(NP, 16)
    aggx = _sc_pass(1, 16, True)(xs, srcp, dstp, zeros16)
    ts_p = tc_mid(xs_p, aggx.reshape(2, 1, NPP, 128), degp, W1big, b1big)
    ts = [t.reshape(NP, 16) for t in ts_p]
    aggh = _sc_pass(7, 16, True)(*ts, srcp, dstp, zeros16)
    out = tc_final(*ts_p, aggh.reshape(2, 7, NPP, 128), degp, batchp,
                   W2big, b2big, Wl1, bl1r, Wl2p, bl2p)
    return out[:, 0]

# --- scband reference (transcript-rebuilt; emitter-appended) ---
"""Pipeline reference for scband-gnnmodel-11931419148812 (READ-ONLY COPY).

The authoritative reference and input builder live on the scoring server;
editing this copy changes nothing except your own understanding.
"""

import jax, jax.numpy as jnp
import numpy as np

N = 50000
E = 800000
G = 32


def setup_inputs(seed: int = 0) -> dict:
    key = jax.random.key(seed)
    ks = jax.random.split(key, 12)
    x = jax.random.normal(ks[0], (N, 3), dtype=jnp.float32)
    edge_index = jax.random.randint(ks[1], (2, E), 0, N, dtype=jnp.int32)
    batch = jnp.sort(jax.random.randint(ks[2], (N,), 0, G, dtype=jnp.int32))
    # GCNConv(3, 100)
    W1 = jax.random.normal(ks[3], (3, 100), dtype=jnp.float32) / np.sqrt(3.0)
    b1 = jnp.zeros((100,), dtype=jnp.float32)
    # GCNConv(100, 200)
    W2 = jax.random.normal(ks[4], (100, 200), dtype=jnp.float32) / np.sqrt(100.0)
    b2 = jnp.zeros((200,), dtype=jnp.float32)
    # Linear(200, 100)
    Wl1 = jax.random.normal(ks[5], (200, 100), dtype=jnp.float32) / np.sqrt(200.0)
    bl1 = jnp.zeros((100,), dtype=jnp.float32)
    # Linear(100, 1)
    Wl2 = jax.random.normal(ks[6], (100, 1), dtype=jnp.float32) / np.sqrt(100.0)
    bl2 = jnp.zeros((1,), dtype=jnp.float32)
    return {"x": x, "edge_index": edge_index, "batch": batch,
            "W1": W1, "b1": b1, "W2": W2, "b2": b2,
            "Wl1": Wl1, "bl1": bl1, "Wl2": Wl2, "bl2": bl2}


def _silu(v):
    return v * jax.nn.sigmoid(v)


def _gcn_conv(x, edge_index, W, b, num_nodes):
    # PyG GCNConv: add self-loops, symmetric normalization, x @ W, scatter-add, + bias
    src = edge_index[0]
    dst = edge_index[1]
    loop = jnp.arange(num_nodes, dtype=src.dtype)
    src = jnp.concatenate([src, loop])
    dst = jnp.concatenate([dst, loop])
    deg = jnp.zeros((num_nodes,), dtype=jnp.float32).at[dst].add(1.0)
    dis = jnp.where(deg > 0, jax.lax.rsqrt(jnp.maximum(deg, 1e-12)), 0.0)
    norm = dis[src] * dis[dst]
    h = x @ W
    msg = h[src] * norm[:, None]
    out = jnp.zeros((num_nodes, h.shape[1]), dtype=h.dtype).at[dst].add(msg)
    return out + b


def reference(x, edge_index, batch, W1, b1, W2, b2, Wl1, bl1, Wl2, bl2):
    num_nodes = x.shape[0]
    h = _gcn_conv(x.astype(jnp.float32), edge_index, W1, b1, num_nodes)
    h = _silu(h)
    h = _gcn_conv(h, edge_index, W2, b2, num_nodes)
    h = _silu(h)
    # global_mean_pool over batch ids
    sums = jax.ops.segment_sum(h, batch, num_segments=G)
    cnt = jax.ops.segment_sum(jnp.ones((num_nodes, 1), dtype=jnp.float32), batch, num_segments=G)
    pooled = sums / jnp.maximum(cnt, 1.0)
    o = _silu(pooled @ Wl1 + bl1)
    o = o @ Wl2 + bl2
    return jnp.squeeze(o)

if __name__ == "__main__":
    import jax
    _d = setup_inputs()
    print(jax.jit(kernel)(*tuple(_d.values())))

</pallas_src>

<mosaic_0001>
#map = affine_map<(d0, d1) -> (0)>
#map1 = affine_map<(d0, d1) -> (0, 0)>
#map2 = affine_map<(d0, d1) -> (0, 0, 0, 0)>
module attributes {stable_mosaic.version = 14 : i64} {
  func.func @sc_pass(%arg0: i32, %arg1: i32, %arg2: memref<848000xi32, #tpu.memory_space<hbm>>, %arg3: memref<400x16xf32, #tpu.memory_space<hbm>>, %arg4: memref<50176x16xf32, #tpu.memory_space<hbm>>, %arg5: memref<2x1x50176x16xf32, #tpu.memory_space<hbm>>, %arg6: memref<400xi32, #tpu.memory_space<vmem>>, %arg7: memref<400xi32, #tpu.memory_space<vmem>>, %arg8: memref<400x16xf32, #tpu.memory_space<vmem>>, %arg9: memref<400x16xf32, #tpu.memory_space<vmem>>, %arg10: memref<50176x16xf32, #tpu.memory_space<vmem_shared>>, %arg11: memref<!tpu.dma_semaphore, #tpu.memory_space<semaphore_mem>>, %arg12: memref<!tpu.dma_semaphore, #tpu.memory_space<semaphore_mem>>, %arg13: memref<!tpu.dma_semaphore, #tpu.memory_space<semaphore_mem>>, %arg14: memref<!tpu.dma_semaphore, #tpu.memory_space<semaphore_mem>>) attributes {dimension_semantics = [#tpu.dimension_semantics<core_parallel>, #tpu.dimension_semantics<subcore_parallel>], iteration_bounds = array<i64: 2, 16>, scalar_prefetch = 0 : i64, scratch_operands = 9 : i64, tpu.core_type = #tpu.core_type<sc_vector_subcore>, window_params = [{transform_indices = #map}, {transform_indices = #map1}, {transform_indices = #map1}, {transform_indices = #map2}]} {
    %eq3A = arith.constant 0 : i32
    %eq3A_0 = arith.cmpi eq, %arg0, %eq3A : i32
    %mul3A = arith.constant 40000 : i32
    %mul3A_1 = arith.muli %arg1, %mul3A : i32
    %mul3A_2 = arith.constant 11200 : i32
    %mul3A_3 = arith.muli %arg1, %mul3A_2 : i32
    %add3A = arith.constant 640000 : i32
    %add3A_4 = arith.addi %add3A, %mul3A_3 : i32
    %select_n3A = arith.select %eq3A_0, %mul3A_1, %add3A_4 : i32
    %multiple_of3A = tpu.assume_multiple %select_n3A, 8 : i32
    %eq3A_5 = arith.constant 0 : i32
    %eq3A_6 = arith.cmpi eq, %arg0, %eq3A_5 : i32
    %jit3A = arith.constant 50 : i32
    %jit3A_7 = arith.constant 14 : i32
    %select_n3A_8 = arith.select %eq3A_6, %jit3A, %jit3A_7 : i32
    %eq3A_9 = arith.constant 0 : i32
    %eq3A_10 = arith.cmpi eq, %arg0, %eq3A_9 : i32
    %jit3A_11 = arith.constant 40000 : i32
    %jit3A_12 = arith.constant 11200 : i32
    %select_n3A_13 = arith.select %eq3A_10, %jit3A_11, %jit3A_12 : i32
    %mul3A_14 = arith.constant 3136 : i32
    %mul3A_15 = arith.muli %arg1, %mul3A_14 : i32
    %multiple_of3A_16 = tpu.assume_multiple %mul3A_15, 8 : i32
    "tpu.region"() ({
      %run_scoped3A_33 = tpu.sem_alloc : memref<!tpu.dma_semaphore, #tpu.memory_space<semaphore_mem>>
      tpu.enqueue_dma source(%arg3 : memref<400x16xf32, #tpu.memory_space<hbm>>) target(%arg8 : memref<400x16xf32, #tpu.memory_space<vmem>>) target_semaphore(%run_scoped3A_33 : memref<!tpu.dma_semaphore, #tpu.memory_space<semaphore_mem>>)
      tpu.wait_dma2 semaphore(%run_scoped3A_33 : memref<!tpu.dma_semaphore, #tpu.memory_space<semaphore_mem>>) src(%arg3 : memref<400x16xf32, #tpu.memory_space<hbm>>) dst(%arg8 : memref<400x16xf32, #tpu.memory_space<vmem>>)
      tpu.yield
    }) : () -> ()
    "tpu.region"() ({
      %run_scoped3A_33 = tpu.sem_alloc : memref<!tpu.dma_semaphore, #tpu.memory_space<semaphore_mem>>
      tpu.enqueue_dma source(%arg3 : memref<400x16xf32, #tpu.memory_space<hbm>>) target(%arg9 : memref<400x16xf32, #tpu.memory_space<vmem>>) target_semaphore(%run_scoped3A_33 : memref<!tpu.dma_semaphore, #tpu.memory_space<semaphore_mem>>)
      tpu.wait_dma2 semaphore(%run_scoped3A_33 : memref<!tpu.dma_semaphore, #tpu.memory_space<semaphore_mem>>) src(%arg3 : memref<400x16xf32, #tpu.memory_space<hbm>>) dst(%arg9 : memref<400x16xf32, #tpu.memory_space<vmem>>)
      tpu.yield
    }) : () -> ()
    "tpu.region"() ({
      %run_scoped3A_33 = tpu.sem_alloc : memref<!tpu.dma_semaphore, #tpu.memory_space<semaphore_mem>>
      %dma_start3A = arith.constant 0 : i32
      %dma_start3A_34 = tpu.memref_slice %arg10[%multiple_of3A_16, %dma_start3A] : memref<50176x16xf32, #tpu.memory_space<vmem_shared>> -> memref<3136x16xf32, #tpu.memory_space<vmem_shared>>
      %dma_start3A_35 = arith.constant 0 : i32
      %dma_start3A_36 = tpu.memref_slice %arg4[%multiple_of3A_16, %dma_start3A_35] : memref<50176x16xf32, #tpu.memory_space<hbm>> -> memref<3136x16xf32, #tpu.memory_space<hbm>>
      tpu.enqueue_dma source(%dma_start3A_36 : memref<3136x16xf32, #tpu.memory_space<hbm>>) target(%dma_start3A_34 : memref<3136x16xf32, #tpu.memory_space<vmem_shared>>) target_semaphore(%run_scoped3A_33 : memref<!tpu.dma_semaphore, #tpu.memory_space<semaphore_mem>>)
      %dma_wait3A_37 = arith.constant 0 : i32
      %dma_wait3A_38 = tpu.memref_slice %arg10[%multiple_of3A_16, %dma_wait3A_37] : memref<50176x16xf32, #tpu.memory_space<vmem_shared>> -> memref<3136x16xf32, #tpu.memory_space<vmem_shared>>
      %dma_wait3A_39 = arith.constant 0 : i32
      %dma_wait3A_40 = tpu.memref_slice %arg4[%multiple_of3A_16, %dma_wait3A_39] : memref<50176x16xf32, #tpu.memory_space<hbm>> -> memref<3136x16xf32, #tpu.memory_space<hbm>>
      tpu.wait_dma2 semaphore(%run_scoped3A_33 : memref<!tpu.dma_semaphore, #tpu.memory_space<semaphore_mem>>) src(%dma_wait3A_40 : memref<3136x16xf32, #tpu.memory_space<hbm>>) dst(%dma_wait3A_38 : memref<3136x16xf32, #tpu.memory_space<vmem_shared>>)
      tpu.yield
    }) : () -> ()
    %barrier3A = arith.constant 0 : index
    tpu.barrier barrier_id(%barrier3A)
    %while3A = arith.constant 0 : i32
    %while3A_17 = arith.constant 0 : i32
    %while3A_18 = arith.subi %select_n3A_8, %while3A_17 : i32
    %while3A_19 = arith.addi %while3A_17, %while3A_18 : i32
    %while3A_20 = arith.constant 1 : i32
    %while3A_21 = arith.divsi %while3A_18, %while3A_20 : i32
    %while3A_22 = arith.muli %while3A_21, %while3A_20 : i32
    %while3A_23 = arith.addi %while3A_17, %while3A_22 : i32
    %while3A_24 = arith.constant 1 : i32
    scf.for %while3A_33 = %while3A_17 to %while3A_23 step %while3A_24  : i32 {
      %gt3A = arith.constant 0 : i32
      %gt3A_34 = arith.cmpi sgt, %while3A_33, %gt3A : i32
      %convert_element_type3A = arith.extui %gt3A_34 : i1 to i32
      %cond3A = arith.constant 0 : i32
      %cond3A_35 = arith.cmpi ne, %convert_element_type3A, %cond3A : i32
      scf.if %cond3A_35 {
        %dma_wait3A_57 = arith.constant 0 : i32
        %dma_wait3A_58 = arith.constant 0 : i32
        %dma_wait3A_59 = tpu.memref_slice %arg10[%dma_wait3A_57, %dma_wait3A_58] : memref<50176x16xf32, #tpu.memory_space<vmem_shared>> -> memref<50176x16xf32, #tpu.memory_space<vmem_shared>>
        tpu.wait_indirect_dma semaphore(%arg13 : memref<!tpu.dma_semaphore, #tpu.memory_space<semaphore_mem>>) src(%arg8 : memref<400x16xf32, #tpu.memory_space<vmem>>) dst(%dma_wait3A_59 : memref<50176x16xf32, #tpu.memory_space<vmem_shared>>)
        %dma_wait3A_60 = arith.constant 0 : i32
        %dma_wait3A_61 = arith.constant 0 : i32
        %dma_wait3A_62 = tpu.memref_slice %arg10[%dma_wait3A_60, %dma_wait3A_61] : memref<50176x16xf32, #tpu.memory_space<vmem_shared>> -> memref<50176x16xf32, #tpu.memory_space<vmem_shared>>
        tpu.wait_indirect_dma semaphore(%arg14 : memref<!tpu.dma_semaphore, #tpu.memory_space<semaphore_mem>>) src(%arg9 : memref<400x16xf32, #tpu.memory_space<vmem>>) dst(%dma_wait3A_62 : memref<50176x16xf32, #tpu.memory_space<vmem_shared>>)
      } else {
      }
      %mul3A_36 = arith.constant 2 : i32
      %mul3A_37 = arith.muli %mul3A_36, %while3A_33 : i32
      %add3A_38 = arith.constant 0 : i32
      %add3A_39 = arith.addi %mul3A_37, %add3A_38 : i32
      %mul3A_40 = arith.constant 400 : i32
      %mul3A_41 = arith.muli %add3A_39, %mul3A_40 : i32
      %add3A_42 = arith.addi %multiple_of3A, %mul3A_41 : i32
      %multiple_of3A_43 = tpu.assume_multiple %add3A_42, 8 : i32
      "tpu.region"() ({
        %run_scoped3A_57 = tpu.sem_alloc : memref<!tpu.dma_semaphore, #tpu.memory_space<semaphore_mem>>
        %dma_start3A_58 = tpu.memref_slice %arg2[%multiple_of3A_43] : memref<848000xi32, #tpu.memory_space<hbm>> -> memref<400xi32, #tpu.memory_space<hbm>>
        %dma_start3A_59 = tpu.memref_slice %arg2[%multiple_of3A_43] : memref<848000xi32, #tpu.memory_space<hbm>> -> memref<400xi32, #tpu.memory_space<hbm>>
        tpu.enqueue_dma source(%dma_start3A_59 : memref<400xi32, #tpu.memory_space<hbm>>) target(%arg6 : memref<400xi32, #tpu.memory_space<vmem>>) target_semaphore(%run_scoped3A_57 : memref<!tpu.dma_semaphore, #tpu.memory_space<semaphore_mem>>)
        %dma_wait3A_60 = tpu.memref_slice %arg2[%multiple_of3A_43] : memref<848000xi32, #tpu.memory_space<hbm>> -> memref<400xi32, #tpu.memory_space<hbm>>
        %dma_wait3A_61 = tpu.memref_slice %arg2[%multiple_of3A_43] : memref<848000xi32, #tpu.memory_space<hbm>> -> memref<400xi32, #tpu.memory_space<hbm>>
        tpu.wait_dma2 semaphore(%run_scoped3A_57 : memref<!tpu.dma_semaphore, #tpu.memory_space<semaphore_mem>>) src(%dma_wait3A_61 : memref<400xi32, #tpu.memory_space<hbm>>) dst(%arg6 : memref<400xi32, #tpu.memory_space<vmem>>)
        tpu.yield
      }) : () -> ()
      %mul3A_44 = arith.constant 2 : i32
      %mul3A_45 = arith.muli %mul3A_44, %while3A_33 : i32
      %add3A_46 = arith.constant 1 : i32
      %add3A_47 = arith.addi %mul3A_45, %add3A_46 : i32
      %mul3A_48 = arith.constant 400 : i32
      %mul3A_49 = arith.muli %add3A_47, %mul3A_48 : i32
      %add3A_50 = arith.addi %multiple_of3A, %mul3A_49 : i32
      %multiple_of3A_51 = tpu.assume_multiple %add3A_50, 8 : i32
      "tpu.region"() ({
        %run_scoped3A_57 = tpu.sem_alloc : memref<!tpu.dma_semaphore, #tpu.memory_space<semaphore_mem>>
        %dma_start3A_58 = tpu.memref_slice %arg2[%multiple_of3A_51] : memref<848000xi32, #tpu.memory_space<hbm>> -> memref<400xi32, #tpu.memory_space<hbm>>
        %dma_start3A_59 = tpu.memref_slice %arg2[%multiple_of3A_51] : memref<848000xi32, #tpu.memory_space<hbm>> -> memref<400xi32, #tpu.memory_space<hbm>>
        tpu.enqueue_dma source(%dma_start3A_59 : memref<400xi32, #tpu.memory_space<hbm>>) target(%arg7 : memref<400xi32, #tpu.memory_space<vmem>>) target_semaphore(%run_scoped3A_57 : memref<!tpu.dma_semaphore, #tpu.memory_space<semaphore_mem>>)
        %dma_wait3A_60 = tpu.memref_slice %arg2[%multiple_of3A_51] : memref<848000xi32, #tpu.memory_space<hbm>> -> memref<400xi32, #tpu.memory_space<hbm>>
        %dma_wait3A_61 = tpu.memref_slice %arg2[%multiple_of3A_51] : memref<848000xi32, #tpu.memory_space<hbm>> -> memref<400xi32, #tpu.memory_space<hbm>>
        tpu.wait_dma2 semaphore(%run_scoped3A_57 : memref<!tpu.dma_semaphore, #tpu.memory_space<semaphore_mem>>) src(%dma_wait3A_61 : memref<400xi32, #tpu.memory_space<hbm>>) dst(%arg7 : memref<400xi32, #tpu.memory_space<vmem>>)
        tpu.yield
      }) : () -> ()
      %dma_start3A = arith.constant 0 : i32
      %dma_start3A_52 = arith.constant 0 : i32
      %dma_start3A_53 = tpu.memref_slice %arg10[%dma_start3A, %dma_start3A_52] : memref<50176x16xf32, #tpu.memory_space<vmem_shared>> -> memref<50176x16xf32, #tpu.memory_space<vmem_shared>>
      tpu.enqueue_indirect_dma source(%arg8 : memref<400x16xf32, #tpu.memory_space<vmem>>) target(%dma_start3A_53 : memref<50176x16xf32, #tpu.memory_space<vmem_shared>>) offsets(%arg6 : memref<400xi32, #tpu.memory_space<vmem>>) semaphore(%arg13 : memref<!tpu.dma_semaphore, #tpu.memory_space<semaphore_mem>>) {add = true}
      %dma_start3A_54 = arith.constant 0 : i32
      %dma_start3A_55 = arith.constant 0 : i32
      %dma_start3A_56 = tpu.memref_slice %arg10[%dma_start3A_54, %dma_start3A_55] : memref<50176x16xf32, #tpu.memory_space<vmem_shared>> -> memref<50176x16xf32, #tpu.memory_space<vmem_shared>>
      tpu.enqueue_indirect_dma source(%arg9 : memref<400x16xf32, #tpu.memory_space<vmem>>) target(%dma_start3A_56 : memref<50176x16xf32, #tpu.memory_space<vmem_shared>>) offsets(%arg7 : memref<400xi32, #tpu.memory_space<vmem>>) semaphore(%arg14 : memref<!tpu.dma_semaphore, #tpu.memory_space<semaphore_mem>>) {add = true}
    }
    %while3A_25 = arith.constant 1 : i32
    scf.for %while3A_33 = %while3A_23 to %while3A_19 step %while3A_25  : i32 {
      %gt3A = arith.constant 0 : i32
      %gt3A_34 = arith.cmpi sgt, %while3A_33, %gt3A : i32
      %convert_element_type3A = arith.extui %gt3A_34 : i1 to i32
      %cond3A = arith.constant 0 : i32
      %cond3A_35 = arith.cmpi ne, %convert_element_type3A, %cond3A : i32
      scf.if %cond3A_35 {
        %dma_wait3A_57 = arith.constant 0 : i32
        %dma_wait3A_58 = arith.constant 0 : i32
        %dma_wait3A_59 = tpu.memref_slice %arg10[%dma_wait3A_57, %dma_wait3A_58] : memref<50176x16xf32, #tpu.memory_space<vmem_shared>> -> memref<50176x16xf32, #tpu.memory_space<vmem_shared>>
        tpu.wait_indirect_dma semaphore(%arg13 : memref<!tpu.dma_semaphore, #tpu.memory_space<semaphore_mem>>) src(%arg8 : memref<400x16xf32, #tpu.memory_space<vmem>>) dst(%dma_wait3A_59 : memref<50176x16xf32, #tpu.memory_space<vmem_shared>>)
        %dma_wait3A_60 = arith.constant 0 : i32
        %dma_wait3A_61 = arith.constant 0 : i32
        %dma_wait3A_62 = tpu.memref_slice %arg10[%dma_wait3A_60, %dma_wait3A_61] : memref<50176x16xf32, #tpu.memory_space<vmem_shared>> -> memref<50176x16xf32, #tpu.memory_space<vmem_shared>>
        tpu.wait_indirect_dma semaphore(%arg14 : memref<!tpu.dma_semaphore, #tpu.memory_space<semaphore_mem>>) src(%arg9 : memref<400x16xf32, #tpu.memory_space<vmem>>) dst(%dma_wait3A_62 : memref<50176x16xf32, #tpu.memory_space<vmem_shared>>)
      } else {
      }
      %mul3A_36 = arith.constant 2 : i32
      %mul3A_37 = arith.muli %mul3A_36, %while3A_33 : i32
      %add3A_38 = arith.constant 0 : i32
      %add3A_39 = arith.addi %mul3A_37, %add3A_38 : i32
      %mul3A_40 = arith.constant 400 : i32
      %mul3A_41 = arith.muli %add3A_39, %mul3A_40 : i32
      %add3A_42 = arith.addi %multiple_of3A, %mul3A_41 : i32
      %multiple_of3A_43 = tpu.assume_multiple %add3A_42, 8 : i32
      "tpu.region"() ({
        %run_scoped3A_57 = tpu.sem_alloc : memref<!tpu.dma_semaphore, #tpu.memory_space<semaphore_mem>>
        %dma_start3A_58 = tpu.memref_slice %arg2[%multiple_of3A_43] : memref<848000xi32, #tpu.memory_space<hbm>> -> memref<400xi32, #tpu.memory_space<hbm>>
        %dma_start3A_59 = tpu.memref_slice %arg2[%multiple_of3A_43] : memref<848000xi32, #tpu.memory_space<hbm>> -> memref<400xi32, #tpu.memory_space<hbm>>
        tpu.enqueue_dma source(%dma_start3A_59 : memref<400xi32, #tpu.memory_space<hbm>>) target(%arg6 : memref<400xi32, #tpu.memory_space<vmem>>) target_semaphore(%run_scoped3A_57 : memref<!tpu.dma_semaphore, #tpu.memory_space<semaphore_mem>>)
        %dma_wait3A_60 = tpu.memref_slice %arg2[%multiple_of3A_43] : memref<848000xi32, #tpu.memory_space<hbm>> -> memref<400xi32, #tpu.memory_space<hbm>>
        %dma_wait3A_61 = tpu.memref_slice %arg2[%multiple_of3A_43] : memref<848000xi32, #tpu.memory_space<hbm>> -> memref<400xi32, #tpu.memory_space<hbm>>
        tpu.wait_dma2 semaphore(%run_scoped3A_57 : memref<!tpu.dma_semaphore, #tpu.memory_space<semaphore_mem>>) src(%dma_wait3A_61 : memref<400xi32, #tpu.memory_space<hbm>>) dst(%arg6 : memref<400xi32, #tpu.memory_space<vmem>>)
        tpu.yield
      }) : () -> ()
      %mul3A_44 = arith.constant 2 : i32
      %mul3A_45 = arith.muli %mul3A_44, %while3A_33 : i32
      %add3A_46 = arith.constant 1 : i32
      %add3A_47 = arith.addi %mul3A_45, %add3A_46 : i32
      %mul3A_48 = arith.constant 400 : i32
      %mul3A_49 = arith.muli %add3A_47, %mul3A_48 : i32
      %add3A_50 = arith.addi %multiple_of3A, %mul3A_49 : i32
      %multiple_of3A_51 = tpu.assume_multiple %add3A_50, 8 : i32
      "tpu.region"() ({
        %run_scoped3A_57 = tpu.sem_alloc : memref<!tpu.dma_semaphore, #tpu.memory_space<semaphore_mem>>
        %dma_start3A_58 = tpu.memref_slice %arg2[%multiple_of3A_51] : memref<848000xi32, #tpu.memory_space<hbm>> -> memref<400xi32, #tpu.memory_space<hbm>>
        %dma_start3A_59 = tpu.memref_slice %arg2[%multiple_of3A_51] : memref<848000xi32, #tpu.memory_space<hbm>> -> memref<400xi32, #tpu.memory_space<hbm>>
        tpu.enqueue_dma source(%dma_start3A_59 : memref<400xi32, #tpu.memory_space<hbm>>) target(%arg7 : memref<400xi32, #tpu.memory_space<vmem>>) target_semaphore(%run_scoped3A_57 : memref<!tpu.dma_semaphore, #tpu.memory_space<semaphore_mem>>)
        %dma_wait3A_60 = tpu.memref_slice %arg2[%multiple_of3A_51] : memref<848000xi32, #tpu.memory_space<hbm>> -> memref<400xi32, #tpu.memory_space<hbm>>
        %dma_wait3A_61 = tpu.memref_slice %arg2[%multiple_of3A_51] : memref<848000xi32, #tpu.memory_space<hbm>> -> memref<400xi32, #tpu.memory_space<hbm>>
        tpu.wait_dma2 semaphore(%run_scoped3A_57 : memref<!tpu.dma_semaphore, #tpu.memory_space<semaphore_mem>>) src(%dma_wait3A_61 : memref<400xi32, #tpu.memory_space<hbm>>) dst(%arg7 : memref<400xi32, #tpu.memory_space<vmem>>)
        tpu.yield
      }) : () -> ()
      %dma_start3A = arith.constant 0 : i32
      %dma_start3A_52 = arith.constant 0 : i32
      %dma_start3A_53 = tpu.memref_slice %arg10[%dma_start3A, %dma_start3A_52] : memref<50176x16xf32, #tpu.memory_space<vmem_shared>> -> memref<50176x16xf32, #tpu.memory_space<vmem_shared>>
      tpu.enqueue_indirect_dma source(%arg8 : memref<400x16xf32, #tpu.memory_space<vmem>>) target(%dma_start3A_53 : memref<50176x16xf32, #tpu.memory_space<vmem_shared>>) offsets(%arg6 : memref<400xi32, #tpu.memory_space<vmem>>) semaphore(%arg13 : memref<!tpu.dma_semaphore, #tpu.memory_space<semaphore_mem>>) {add = true}
      %dma_start3A_54 = arith.constant 0 : i32
      %dma_start3A_55 = arith.constant 0 : i32
      %dma_start3A_56 = tpu.memref_slice %arg10[%dma_start3A_54, %dma_start3A_55] : memref<50176x16xf32, #tpu.memory_space<vmem_shared>> -> memref<50176x16xf32, #tpu.memory_space<vmem_shared>>
      tpu.enqueue_indirect_dma source(%arg9 : memref<400x16xf32, #tpu.memory_space<vmem>>) target(%dma_start3A_56 : memref<50176x16xf32, #tpu.memory_space<vmem_shared>>) offsets(%arg7 : memref<400xi32, #tpu.memory_space<vmem>>) semaphore(%arg14 : memref<!tpu.dma_semaphore, #tpu.memory_space<semaphore_mem>>) {add = true}
    }
    %dma_wait3A = arith.constant 0 : i32
    %dma_wait3A_26 = arith.constant 0 : i32
    %dma_wait3A_27 = tpu.memref_slice %arg10[%dma_wait3A, %dma_wait3A_26] : memref<50176x16xf32, #tpu.memory_space<vmem_shared>> -> memref<50176x16xf32, #tpu.memory_space<vmem_shared>>
    tpu.wait_indirect_dma semaphore(%arg13 : memref<!tpu.dma_semaphore, #tpu.memory_space<semaphore_mem>>) src(%arg8 : memref<400x16xf32, #tpu.memory_space<vmem>>) dst(%dma_wait3A_27 : memref<50176x16xf32, #tpu.memory_space<vmem_shared>>)
    %dma_wait3A_28 = arith.constant 0 : i32
    %dma_wait3A_29 = arith.constant 0 : i32
    %dma_wait3A_30 = tpu.memref_slice %arg10[%dma_wait3A_28, %dma_wait3A_29] : memref<50176x16xf32, #tpu.memory_space<vmem_shared>> -> memref<50176x16xf32, #tpu.memory_space<vmem_shared>>
    tpu.wait_indirect_dma semaphore(%arg14 : memref<!tpu.dma_semaphore, #tpu.memory_space<semaphore_mem>>) src(%arg9 : memref<400x16xf32, #tpu.memory_space<vmem>>) dst(%dma_wait3A_30 : memref<50176x16xf32, #tpu.memory_space<vmem_shared>>)
    %barrier3A_31 = arith.constant 0 : index
    tpu.barrier barrier_id(%barrier3A_31)
    %run_scoped3A = arith.constant 0 : i32
    "tpu.region"() ({
      %run_scoped3A_33 = tpu.sem_alloc : memref<!tpu.dma_semaphore, #tpu.memory_space<semaphore_mem>>
      %dma_start3A = arith.constant 0 : i32
      %dma_start3A_34 = arith.constant 0 : i32
      %dma_start3A_35 = arith.constant 0 : i32
      %dma_start3A_36 = tpu.memref_slice %arg5[%arg0, %dma_start3A, %dma_start3A_34, %dma_start3A_35] : memref<2x1x50176x16xf32, #tpu.memory_space<hbm>> -> memref<1x1x50176x16xf32, #tpu.memory_space<hbm>>
      %dma_start3A_37 = tpu.memref_squeeze %dma_start3A_36 : memref<1x1x50176x16xf32, #tpu.memory_space<hbm>> -> memref<1x50176x16xf32, #tpu.memory_space<hbm>>
      %dma_start3A_38 = arith.constant 0 : i32
      %dma_start3A_39 = arith.constant 0 : i32
      %dma_start3A_40 = tpu.memref_slice %dma_start3A_37[%run_scoped3A, %dma_start3A_38, %dma_start3A_39] : memref<1x50176x16xf32, #tpu.memory_space<hbm>> -> memref<1x50176x16xf32, #tpu.memory_space<hbm>>
      %dma_start3A_41 = tpu.memref_squeeze %dma_start3A_40 : memref<1x50176x16xf32, #tpu.memory_space<hbm>> -> memref<50176x16xf32, #tpu.memory_space<hbm>>
      %dma_start3A_42 = arith.constant 0 : i32
      %dma_start3A_43 = tpu.memref_slice %dma_start3A_41[%multiple_of3A_16, %dma_start3A_42] : memref<50176x16xf32, #tpu.memory_space<hbm>> -> memref<3136x16xf32, #tpu.memory_space<hbm>>
      %dma_start3A_44 = arith.constant 0 : i32
      %dma_start3A_45 = tpu.memref_slice %arg10[%multiple_of3A_16, %dma_start3A_44] : memref<50176x16xf32, #tpu.memory_space<vmem_shared>> -> memref<3136x16xf32, #tpu.memory_space<vmem_shared>>
      tpu.enqueue_dma source(%dma_start3A_45 : memref<3136x16xf32, #tpu.memory_space<vmem_shared>>) target(%dma_start3A_43 : memref<3136x16xf32, #tpu.memory_space<hbm>>) target_semaphore(%run_scoped3A_33 : memref<!tpu.dma_semaphore, #tpu.memory_space<semaphore_mem>>)
      %dma_wait3A_46 = arith.constant 0 : i32
      %dma_wait3A_47 = arith.constant 0 : i32
      %dma_wait3A_48 = arith.constant 0 : i32
      %dma_wait3A_49 = tpu.memref_slice %arg5[%arg0, %dma_wait3A_46, %dma_wait3A_47, %dma_wait3A_48] : memref<2x1x50176x16xf32, #tpu.memory_space<hbm>> -> memref<1x1x50176x16xf32, #tpu.memory_space<hbm>>
      %dma_wait3A_50 = tpu.memref_squeeze %dma_wait3A_49 : memref<1x1x50176x16xf32, #tpu.memory_space<hbm>> -> memref<1x50176x16xf32, #tpu.memory_space<hbm>>
      %dma_wait3A_51 = arith.constant 0 : i32
      %dma_wait3A_52 = arith.constant 0 : i32
      %dma_wait3A_53 = tpu.memref_slice %dma_wait3A_50[%run_scoped3A, %dma_wait3A_51, %dma_wait3A_52] : memref<1x50176x16xf32, #tpu.memory_space<hbm>> -> memref<1x50176x16xf32, #tpu.memory_space<hbm>>
      %dma_wait3A_54 = tpu.memref_squeeze %dma_wait3A_53 : memref<1x50176x16xf32, #tpu.memory_space<hbm>> -> memref<50176x16xf32, #tpu.memory_space<hbm>>
      %dma_wait3A_55 = arith.constant 0 : i32
      %dma_wait3A_56 = tpu.memref_slice %dma_wait3A_54[%multiple_of3A_16, %dma_wait3A_55] : memref<50176x16xf32, #tpu.memory_space<hbm>> -> memref<3136x16xf32, #tpu.memory_space<hbm>>
      %dma_wait3A_57 = arith.constant 0 : i32
      %dma_wait3A_58 = tpu.memref_slice %arg10[%multiple_of3A_16, %dma_wait3A_57] : memref<50176x16xf32, #tpu.memory_space<vmem_shared>> -> memref<3136x16xf32, #tpu.memory_space<vmem_shared>>
      tpu.wait_dma2 semaphore(%run_scoped3A_33 : memref<!tpu.dma_semaphore, #tpu.memory_space<semaphore_mem>>) src(%dma_wait3A_58 : memref<3136x16xf32, #tpu.memory_space<vmem_shared>>) dst(%dma_wait3A_56 : memref<3136x16xf32, #tpu.memory_space<hbm>>)
      tpu.yield
    }) : () -> ()
    %barrier3A_32 = arith.constant 0 : index
    tpu.barrier barrier_id(%barrier3A_32)
    return
  }
}

#map = affine_map<(d0, d1) -> (0, 0)>
#map1 = affine_map<(d0, d1) -> (0)>
#map2 = affine_map<(d0, d1) -> (0, 0, 0, 0)>
module attributes {stable_mosaic.version = 14 : i64} {
  func.func @sc_pass(%arg0: i32, %arg1: i32, %arg2: memref<50176x16xf32, #tpu.memory_space<hbm>>, %arg3: memref<848000xi32, #tpu.memory_space<hbm>>, %arg4: memref<848000xi32, #tpu.memory_space<hbm>>, %arg5: memref<50176x16xf32, #tpu.memory_space<hbm>>, %arg6: memref<2x1x50176x16xf32, #tpu.memory_space<hbm>>, %arg7: memref<400xi32, #tpu.memory_space<vmem>>, %arg8: memref<400xi32, #tpu.memory_space<vmem>>, %arg9: memref<40000xi32, #tpu.memory_space<vmem>>, %arg10: memref<400x16xf32, #tpu.memory_space<vmem>>, %arg11: memref<400x16xf32, #tpu.memory_space<vmem>>, %arg12: memref<50176x16xf32, #tpu.memory_space<vmem_shared>>, %arg13: memref<!tpu.dma_semaphore, #tpu.memory_space<semaphore_mem>>, %arg14: memref<!tpu.dma_semaphore, #tpu.memory_space<semaphore_mem>>, %arg15: memref<!tpu.dma_semaphore, #tpu.memory_space<semaphore_mem>>, %arg16: memref<!tpu.dma_semaphore, #tpu.memory_space<semaphore_mem>>) attributes {dimension_semantics = [#tpu.dimension_semantics<core_parallel>, #tpu.dimension_semantics<subcore_parallel>], iteration_bounds = array<i64: 2, 16>, scalar_prefetch = 0 : i64, scratch_operands = 10 : i64, tpu.core_type = #tpu.core_type<sc_vector_subcore>, window_params = [{transform_indices = #map}, {transform_indices = #map1}, {transform_indices = #map1}, {transform_indices = #map}, {transform_indices = #map2}]} {
    %eq3A = arith.constant 0 : i32
    %eq3A_0 = arith.cmpi eq, %arg0, %eq3A : i32
    %mul3A = arith.constant 40000 : i32
    %mul3A_1 = arith.muli %arg1, %mul3A : i32
    %mul3A_2 = arith.constant 11200 : i32
    %mul3A_3 = arith.muli %arg1, %mul3A_2 : i32
    %add3A = arith.constant 640000 : i32
    %add3A_4 = arith.addi %add3A, %mul3A_3 : i32
    %select_n3A = arith.select %eq3A_0, %mul3A_1, %add3A_4 : i32
    %multiple_of3A = tpu.assume_multiple %select_n3A, 8 : i32
    %eq3A_5 = arith.constant 0 : i32
    %eq3A_6 = arith.cmpi eq, %arg0, %eq3A_5 : i32
    %jit3A = arith.constant 50 : i32
    %jit3A_7 = arith.constant 14 : i32
    %select_n3A_8 = arith.select %eq3A_6, %jit3A, %jit3A_7 : i32
    %eq3A_9 = arith.constant 0 : i32
    %eq3A_10 = arith.cmpi eq, %arg0, %eq3A_9 : i32
    %jit3A_11 = arith.constant 40000 : i32
    %jit3A_12 = arith.constant 11200 : i32
    %select_n3A_13 = arith.select %eq3A_10, %jit3A_11, %jit3A_12 : i32
    %mul3A_14 = arith.constant 3136 : i32
    %mul3A_15 = arith.muli %arg1, %mul3A_14 : i32
    %multiple_of3A_16 = tpu.assume_multiple %mul3A_15, 8 : i32
    "tpu.region"() ({
      %run_scoped3A_33 = tpu.sem_alloc : memref<!tpu.dma_semaphore, #tpu.memory_space<semaphore_mem>>
      %dma_start3A = tpu.memref_slice %arg3[%multiple_of3A] : memref<848000xi32, #tpu.memory_space<hbm>> -> memref<40000xi32, #tpu.memory_space<hbm>>
      %dma_start3A_34 = tpu.memref_slice %arg3[%multiple_of3A] : memref<848000xi32, #tpu.memory_space<hbm>> -> memref<40000xi32, #tpu.memory_space<hbm>>
      tpu.enqueue_dma source(%dma_start3A_34 : memref<40000xi32, #tpu.memory_space<hbm>>) target(%arg9 : memref<40000xi32, #tpu.memory_space<vmem>>) target_semaphore(%run_scoped3A_33 : memref<!tpu.dma_semaphore, #tpu.memory_space<semaphore_mem>>)
      %dma_wait3A_35 = tpu.memref_slice %arg3[%multiple_of3A] : memref<848000xi32, #tpu.memory_space<hbm>> -> memref<40000xi32, #tpu.memory_space<hbm>>
      %dma_wait3A_36 = tpu.memref_slice %arg3[%multiple_of3A] : memref<848000xi32, #tpu.memory_space<hbm>> -> memref<40000xi32, #tpu.memory_space<hbm>>
      tpu.wait_dma2 semaphore(%run_scoped3A_33 : memref<!tpu.dma_semaphore, #tpu.memory_space<semaphore_mem>>) src(%dma_wait3A_36 : memref<40000xi32, #tpu.memory_space<hbm>>) dst(%arg9 : memref<40000xi32, #tpu.memory_space<vmem>>)
      tpu.yield
    }) : () -> ()
    "tpu.region"() ({
      %run_scoped3A_33 = tpu.sem_alloc : memref<!tpu.dma_semaphore, #tpu.memory_space<semaphore_mem>>
      %dma_start3A = arith.constant 0 : i32
      %dma_start3A_34 = tpu.memref_slice %arg12[%multiple_of3A_16, %dma_start3A] : memref<50176x16xf32, #tpu.memory_space<vmem_shared>> -> memref<3136x16xf32, #tpu.memory_space<vmem_shared>>
      %dma_start3A_35 = arith.constant 0 : i32
      %dma_start3A_36 = tpu.memref_slice %arg5[%multiple_of3A_16, %dma_start3A_35] : memref<50176x16xf32, #tpu.memory_space<hbm>> -> memref<3136x16xf32, #tpu.memory_space<hbm>>
      tpu.enqueue_dma source(%dma_start3A_36 : memref<3136x16xf32, #tpu.memory_space<hbm>>) target(%dma_start3A_34 : memref<3136x16xf32, #tpu.memory_space<vmem_shared>>) target_semaphore(%run_scoped3A_33 : memref<!tpu.dma_semaphore, #tpu.memory_space<semaphore_mem>>)
      %dma_wait3A_37 = arith.constant 0 : i32
      %dma_wait3A_38 = tpu.memref_slice %arg12[%multiple_of3A_16, %dma_wait3A_37] : memref<50176x16xf32, #tpu.memory_space<vmem_shared>> -> memref<3136x16xf32, #tpu.memory_space<vmem_shared>>
      %dma_wait3A_39 = arith.constant 0 : i32
      %dma_wait3A_40 = tpu.memref_slice %arg5[%multiple_of3A_16, %dma_wait3A_39] : memref<50176x16xf32, #tpu.memory_space<hbm>> -> memref<3136x16xf32, #tpu.memory_space<hbm>>
      tpu.wait_dma2 semaphore(%run_scoped3A_33 : memref<!tpu.dma_semaphore, #tpu.memory_space<semaphore_mem>>) src(%dma_wait3A_40 : memref<3136x16xf32, #tpu.memory_space<hbm>>) dst(%dma_wait3A_38 : memref<3136x16xf32, #tpu.memory_space<vmem_shared>>)
      tpu.yield
    }) : () -> ()
    %barrier3A = arith.constant 0 : index
    tpu.barrier barrier_id(%barrier3A)
    %while3A = arith.constant 0 : i32
    %while3A_17 = arith.constant 0 : i32
    %while3A_18 = arith.subi %select_n3A_8, %while3A_17 : i32
    %while3A_19 = arith.addi %while3A_17, %while3A_18 : i32
    %while3A_20 = arith.constant 1 : i32
    %while3A_21 = arith.divsi %while3A_18, %while3A_20 : i32
    %while3A_22 = arith.muli %while3A_21, %while3A_20 : i32
    %while3A_23 = arith.addi %while3A_17, %while3A_22 : i32
    %while3A_24 = arith.constant 1 : i32
    scf.for %while3A_33 = %while3A_17 to %while3A_23 step %while3A_24  : i32 {
      %gt3A = arith.constant 0 : i32
      %gt3A_34 = arith.cmpi sgt, %while3A_33, %gt3A : i32
      %convert_element_type3A = arith.extui %gt3A_34 : i1 to i32
      %cond3A = arith.constant 0 : i32
      %cond3A_35 = arith.cmpi ne, %convert_element_type3A, %cond3A : i32
      scf.if %cond3A_35 {
        %dma_wait3A_106 = arith.constant 0 : i32
        %dma_wait3A_107 = arith.constant 0 : i32
        %dma_wait3A_108 = tpu.memref_slice %arg12[%dma_wait3A_106, %dma_wait3A_107] : memref<50176x16xf32, #tpu.memory_space<vmem_shared>> -> memref<50176x16xf32, #tpu.memory_space<vmem_shared>>
        tpu.wait_indirect_dma semaphore(%arg15 : memref<!tpu.dma_semaphore, #tpu.memory_space<semaphore_mem>>) src(%arg10 : memref<400x16xf32, #tpu.memory_space<vmem>>) dst(%dma_wait3A_108 : memref<50176x16xf32, #tpu.memory_space<vmem_shared>>)
      } else {
      }
      %mul3A_36 = arith.constant 2 : i32
      %mul3A_37 = arith.muli %mul3A_36, %while3A_33 : i32
      %add3A_38 = arith.constant 0 : i32
      %add3A_39 = arith.addi %mul3A_37, %add3A_38 : i32
      %mul3A_40 = arith.constant 400 : i32
      %mul3A_41 = arith.muli %add3A_39, %mul3A_40 : i32
      %multiple_of3A_42 = tpu.assume_multiple %mul3A_41, 8 : i32
      %dma_start3A = tpu.memref_slice %arg9[%multiple_of3A_42] : memref<40000xi32, #tpu.memory_space<vmem>> -> memref<400xi32, #tpu.memory_space<vmem>>
      %dma_start3A_43 = arith.constant 0 : i32
      %dma_start3A_44 = arith.constant 0 : i32
      %dma_start3A_45 = tpu.memref_slice %arg2[%dma_start3A_43, %dma_start3A_44] : memref<50176x16xf32, #tpu.memory_space<hbm>> -> memref<50176x16xf32, #tpu.memory_space<hbm>>
      tpu.enqueue_indirect_dma source(%dma_start3A_45 : memref<50176x16xf32, #tpu.memory_space<hbm>>) target(%arg10 : memref<400x16xf32, #tpu.memory_space<vmem>>) offsets(%dma_start3A : memref<400xi32, #tpu.memory_space<vmem>>) semaphore(%arg13 : memref<!tpu.dma_semaphore, #tpu.memory_space<semaphore_mem>>)
      %gt3A_46 = arith.constant 0 : i32
      %gt3A_47 = arith.cmpi sgt, %while3A_33, %gt3A_46 : i32
      %convert_element_type3A_48 = arith.extui %gt3A_47 : i1 to i32
      %cond3A_49 = arith.constant 0 : i32
      %cond3A_50 = arith.cmpi ne, %convert_element_type3A_48, %cond3A_49 : i32
      scf.if %cond3A_50 {
        %dma_wait3A_106 = arith.constant 0 : i32
        %dma_wait3A_107 = arith.constant 0 : i32
        %dma_wait3A_108 = tpu.memref_slice %arg12[%dma_wait3A_106, %dma_wait3A_107] : memref<50176x16xf32, #tpu.memory_space<vmem_shared>> -> memref<50176x16xf32, #tpu.memory_space<vmem_shared>>
        tpu.wait_indirect_dma semaphore(%arg16 : memref<!tpu.dma_semaphore, #tpu.memory_space<semaphore_mem>>) src(%arg11 : memref<400x16xf32, #tpu.memory_space<vmem>>) dst(%dma_wait3A_108 : memref<50176x16xf32, #tpu.memory_space<vmem_shared>>)
      } else {
      }
      %mul3A_51 = arith.constant 2 : i32
      %mul3A_52 = arith.muli %mul3A_51, %while3A_33 : i32
      %add3A_53 = arith.constant 1 : i32
      %add3A_54 = arith.addi %mul3A_52, %add3A_53 : i32
      %mul3A_55 = arith.constant 400 : i32
      %mul3A_56 = arith.muli %add3A_54, %mul3A_55 : i32
      %multiple_of3A_57 = tpu.assume_multiple %mul3A_56, 8 : i32
      %dma_start3A_58 = tpu.memref_slice %arg9[%multiple_of3A_57] : memref<40000xi32, #tpu.memory_space<vmem>> -> memref<400xi32, #tpu.memory_space<vmem>>
      %dma_start3A_59 = arith.constant 0 : i32
      %dma_start3A_60 = arith.constant 0 : i32
      %dma_start3A_61 = tpu.memref_slice %arg2[%dma_start3A_59, %dma_start3A_60] : memref<50176x16xf32, #tpu.memory_space<hbm>> -> memref<50176x16xf32, #tpu.memory_space<hbm>>
      tpu.enqueue_indirect_dma source(%dma_start3A_61 : memref<50176x16xf32, #tpu.memory_space<hbm>>) target(%arg11 : memref<400x16xf32, #tpu.memory_space<vmem>>) offsets(%dma_start3A_58 : memref<400xi32, #tpu.memory_space<vmem>>) semaphore(%arg14 : memref<!tpu.dma_semaphore, #tpu.memory_space<semaphore_mem>>)
      %mul3A_62 = arith.constant 2 : i32
      %mul3A_63 = arith.muli %mul3A_62, %while3A_33 : i32
      %add3A_64 = arith.constant 0 : i32
      %add3A_65 = arith.addi %mul3A_63, %add3A_64 : i32
      %mul3A_66 = arith.constant 400 : i32
      %mul3A_67 = arith.muli %add3A_65, %mul3A_66 : i32
      %add3A_68 = arith.addi %multiple_of3A, %mul3A_67 : i32
      %multiple_of3A_69 = tpu.assume_multiple %add3A_68, 8 : i32
      "tpu.region"() ({
        %run_scoped3A_106 = tpu.sem_alloc : memref<!tpu.dma_semaphore, #tpu.memory_space<semaphore_mem>>
        %dma_start3A_107 = tpu.memref_slice %arg4[%multiple_of3A_69] : memref<848000xi32, #tpu.memory_space<hbm>> -> memref<400xi32, #tpu.memory_space<hbm>>
        %dma_start3A_108 = tpu.memref_slice %arg4[%multiple_of3A_69] : memref<848000xi32, #tpu.memory_space<hbm>> -> memref<400xi32, #tpu.memory_space<hbm>>
        tpu.enqueue_dma source(%dma_start3A_108 : memref<400xi32, #tpu.memory_space<hbm>>) target(%arg7 : memref<400xi32, #tpu.memory_space<vmem>>) target_semaphore(%run_scoped3A_106 : memref<!tpu.dma_semaphore, #tpu.memory_space<semaphore_mem>>)
        %dma_wait3A_109 = tpu.memref_slice %arg4[%multiple_of3A_69] : memref<848000xi32, #tpu.memory_space<hbm>> -> memref<400xi32, #tpu.memory_space<hbm>>
        %dma_wait3A_110 = tpu.memref_slice %arg4[%multiple_of3A_69] : memref<848000xi32, #tpu.memory_space<hbm>> -> memref<400xi32, #tpu.memory_space<hbm>>
        tpu.wait_dma2 semaphore(%run_scoped3A_106 : memref<!tpu.dma_semaphore, #tpu.memory_space<semaphore_mem>>) src(%dma_wait3A_110 : memref<400xi32, #tpu.memory_space<hbm>>) dst(%arg7 : memref<400xi32, #tpu.memory_space<vmem>>)
        tpu.yield
      }) : () -> ()
      %mul3A_70 = arith.constant 2 : i32
      %mul3A_71 = arith.muli %mul3A_70, %while3A_33 : i32
      %add3A_72 = arith.constant 1 : i32
      %add3A_73 = arith.addi %mul3A_71, %add3A_72 : i32
      %mul3A_74 = arith.constant 400 : i32
      %mul3A_75 = arith.muli %add3A_73, %mul3A_74 : i32
      %add3A_76 = arith.addi %multiple_of3A, %mul3A_75 : i32
      %multiple_of3A_77 = tpu.assume_multiple %add3A_76, 8 : i32
      "tpu.region"() ({
        %run_scoped3A_106 = tpu.sem_alloc : memref<!tpu.dma_semaphore, #tpu.memory_space<semaphore_mem>>
        %dma_start3A_107 = tpu.memref_slice %arg4[%multiple_of3A_77] : memref<848000xi32, #tpu.memory_space<hbm>> -> memref<400xi32, #tpu.memory_space<hbm>>
        %dma_start3A_108 = tpu.memref_slice %arg4[%multiple_of3A_77] : memref<848000xi32, #tpu.memory_space<hbm>> -> memref<400xi32, #tpu.memory_space<hbm>>
        tpu.enqueue_dma source(%dma_start3A_108 : memref<400xi32, #tpu.memory_space<hbm>>) target(%arg8 : memref<400xi32, #tpu.memory_space<vmem>>) target_semaphore(%run_scoped3A_106 : memref<!tpu.dma_semaphore, #tpu.memory_space<semaphore_mem>>)
        %dma_wait3A_109 = tpu.memref_slice %arg4[%multiple_of3A_77] : memref<848000xi32, #tpu.memory_space<hbm>> -> memref<400xi32, #tpu.memory_space<hbm>>
        %dma_wait3A_110 = tpu.memref_slice %arg4[%multiple_of3A_77] : memref<848000xi32, #tpu.memory_space<hbm>> -> memref<400xi32, #tpu.memory_space<hbm>>
        tpu.wait_dma2 semaphore(%run_scoped3A_106 : memref<!tpu.dma_semaphore, #tpu.memory_space<semaphore_mem>>) src(%dma_wait3A_110 : memref<400xi32, #tpu.memory_space<hbm>>) dst(%arg8 : memref<400xi32, #tpu.memory_space<vmem>>)
        tpu.yield
      }) : () -> ()
      %mul3A_78 = arith.constant 2 : i32
      %mul3A_79 = arith.muli %mul3A_78, %while3A_33 : i32
      %add3A_80 = arith.constant 0 : i32
      %add3A_81 = arith.addi %mul3A_79, %add3A_80 : i32
      %mul3A_82 = arith.constant 400 : i32
      %mul3A_83 = arith.muli %add3A_81, %mul3A_82 : i32
      %multiple_of3A_84 = tpu.assume_multiple %mul3A_83, 8 : i32
      %dma_wait3A_85 = tpu.memref_slice %arg9[%multiple_of3A_84] : memref<40000xi32, #tpu.memory_space<vmem>> -> memref<400xi32, #tpu.memory_space<vmem>>
      %dma_wait3A_86 = arith.constant 0 : i32
      %dma_wait3A_87 = arith.constant 0 : i32
      %dma_wait3A_88 = tpu.memref_slice %arg2[%dma_wait3A_86, %dma_wait3A_87] : memref<50176x16xf32, #tpu.memory_space<hbm>> -> memref<50176x16xf32, #tpu.memory_space<hbm>>
      tpu.wait_indirect_dma semaphore(%arg13 : memref<!tpu.dma_semaphore, #tpu.memory_space<semaphore_mem>>) src(%dma_wait3A_88 : memref<50176x16xf32, #tpu.memory_space<hbm>>) dst(%arg10 : memref<400x16xf32, #tpu.memory_space<vmem>>)
      %dma_start3A_89 = arith.constant 0 : i32
      %dma_start3A_90 = arith.constant 0 : i32
      %dma_start3A_91 = tpu.memref_slice %arg12[%dma_start3A_89, %dma_start3A_90] : memref<50176x16xf32, #tpu.memory_space<vmem_shared>> -> memref<50176x16xf32, #tpu.memory_space<vmem_shared>>
      tpu.enqueue_indirect_dma source(%arg10 : memref<400x16xf32, #tpu.memory_space<vmem>>) target(%dma_start3A_91 : memref<50176x16xf32, #tpu.memory_space<vmem_shared>>) offsets(%arg7 : memref<400xi32, #tpu.memory_space<vmem>>) semaphore(%arg15 : memref<!tpu.dma_semaphore, #tpu.memory_space<semaphore_mem>>) {add = true}
      %mul3A_92 = arith.constant 2 : i32
      %mul3A_93 = arith.muli %mul3A_92, %while3A_33 : i32
      %add3A_94 = arith.constant 1 : i32
      %add3A_95 = arith.addi %mul3A_93, %add3A_94 : i32
      %mul3A_96 = arith.constant 400 : i32
      %mul3A_97 = arith.muli %add3A_95, %mul3A_96 : i32
      %multiple_of3A_98 = tpu.assume_multiple %mul3A_97, 8 : i32
      %dma_wait3A_99 = tpu.memref_slice %arg9[%multiple_of3A_98] : memref<40000xi32, #tpu.memory_space<vmem>> -> memref<400xi32, #tpu.memory_space<vmem>>
      %dma_wait3A_100 = arith.constant 0 : i32
      %dma_wait3A_101 = arith.constant 0 : i32
      %dma_wait3A_102 = tpu.memref_slice %arg2[%dma_wait3A_100, %dma_wait3A_101] : memref<50176x16xf32, #tpu.memory_space<hbm>> -> memref<50176x16xf32, #tpu.memory_space<hbm>>
      tpu.wait_indirect_dma semaphore(%arg14 : memref<!tpu.dma_semaphore, #tpu.memory_space<semaphore_mem>>) src(%dma_wait3A_102 : memref<50176x16xf32, #tpu.memory_space<hbm>>) dst(%arg11 : memref<400x16xf32, #tpu.memory_space<vmem>>)
      %dma_start3A_103 = arith.constant 0 : i32
      %dma_start3A_104 = arith.constant 0 : i32
      %dma_start3A_105 = tpu.memref_slice %arg12[%dma_start3A_103, %dma_start3A_104] : memref<50176x16xf32, #tpu.memory_space<vmem_shared>> -> memref<50176x16xf32, #tpu.memory_space<vmem_shared>>
      tpu.enqueue_indirect_dma source(%arg11 : memref<400x16xf32, #tpu.memory_space<vmem>>) target(%dma_start3A_105 : memref<50176x16xf32, #tpu.memory_space<vmem_shared>>) offsets(%arg8 : memref<400xi32, #tpu.memory_space<vmem>>) semaphore(%arg16 : memref<!tpu.dma_semaphore, #tpu.memory_space<semaphore_mem>>) {add = true}
    }
    %while3A_25 = arith.constant 1 : i32
    scf.for %while3A_33 = %while3A_23 to %while3A_19 step %while3A_25  : i32 {
      %gt3A = arith.constant 0 : i32
      %gt3A_34 = arith.cmpi sgt, %while3A_33, %gt3A : i32
      %convert_element_type3A = arith.extui %gt3A_34 : i1 to i32
      %cond3A = arith.constant 0 : i32
      %cond3A_35 = arith.cmpi ne, %convert_element_type3A, %cond3A : i32
      scf.if %cond3A_35 {
        %dma_wait3A_106 = arith.constant 0 : i32
        %dma_wait3A_107 = arith.constant 0 : i32
        %dma_wait3A_108 = tpu.memref_slice %arg12[%dma_wait3A_106, %dma_wait3A_107] : memref<50176x16xf32, #tpu.memory_space<vmem_shared>> -> memref<50176x16xf32, #tpu.memory_space<vmem_shared>>
        tpu.wait_indirect_dma semaphore(%arg15 : memref<!tpu.dma_semaphore, #tpu.memory_space<semaphore_mem>>) src(%arg10 : memref<400x16xf32, #tpu.memory_space<vmem>>) dst(%dma_wait3A_108 : memref<50176x16xf32, #tpu.memory_space<vmem_shared>>)
      } else {
      }
      %mul3A_36 = arith.constant 2 : i32
      %mul3A_37 = arith.muli %mul3A_36, %while3A_33 : i32
      %add3A_38 = arith.constant 0 : i32
      %add3A_39 = arith.addi %mul3A_37, %add3A_38 : i32
      %mul3A_40 = arith.constant 400 : i32
      %mul3A_41 = arith.muli %add3A_39, %mul3A_40 : i32
      %multiple_of3A_42 = tpu.assume_multiple %mul3A_41, 8 : i32
      %dma_start3A = tpu.memref_slice %arg9[%multiple_of3A_42] : memref<40000xi32, #tpu.memory_space<vmem>> -> memref<400xi32, #tpu.memory_space<vmem>>
      %dma_start3A_43 = arith.constant 0 : i32
      %dma_start3A_44 = arith.constant 0 : i32
      %dma_start3A_45 = tpu.memref_slice %arg2[%dma_start3A_43, %dma_start3A_44] : memref<50176x16xf32, #tpu.memory_space<hbm>> -> memref<50176x16xf32, #tpu.memory_space<hbm>>
      tpu.enqueue_indirect_dma source(%dma_start3A_45 : memref<50176x16xf32, #tpu.memory_space<hbm>>) target(%arg10 : memref<400x16xf32, #tpu.memory_space<vmem>>) offsets(%dma_start3A : memref<400xi32, #tpu.memory_space<vmem>>) semaphore(%arg13 : memref<!tpu.dma_semaphore, #tpu.memory_space<semaphore_mem>>)
      %gt3A_46 = arith.constant 0 : i32
      %gt3A_47 = arith.cmpi sgt, %while3A_33, %gt3A_46 : i32
      %convert_element_type3A_48 = arith.extui %gt3A_47 : i1 to i32
      %cond3A_49 = arith.constant 0 : i32
      %cond3A_50 = arith.cmpi ne, %convert_element_type3A_48, %cond3A_49 : i32
      scf.if %cond3A_50 {
        %dma_wait3A_106 = arith.constant 0 : i32
        %dma_wait3A_107 = arith.constant 0 : i32
        %dma_wait3A_108 = tpu.memref_slice %arg12[%dma_wait3A_106, %dma_wait3A_107] : memref<50176x16xf32, #tpu.memory_space<vmem_shared>> -> memref<50176x16xf32, #tpu.memory_space<vmem_shared>>
        tpu.wait_indirect_dma semaphore(%arg16 : memref<!tpu.dma_semaphore, #tpu.memory_space<semaphore_mem>>) src(%arg11 : memref<400x16xf32, #tpu.memory_space<vmem>>) dst(%dma_wait3A_108 : memref<50176x16xf32, #tpu.memory_space<vmem_shared>>)
      } else {
      }
      %mul3A_51 = arith.constant 2 : i32
      %mul3A_52 = arith.muli %mul3A_51, %while3A_33 : i32
      %add3A_53 = arith.constant 1 : i32
      %add3A_54 = arith.addi %mul3A_52, %add3A_53 : i32
      %mul3A_55 = arith.constant 400 : i32
      %mul3A_56 = arith.muli %add3A_54, %mul3A_55 : i32
      %multiple_of3A_57 = tpu.assume_multiple %mul3A_56, 8 : i32
      %dma_start3A_58 = tpu.memref_slice %arg9[%multiple_of3A_57] : memref<40000xi32, #tpu.memory_space<vmem>> -> memref<400xi32, #tpu.memory_space<vmem>>
      %dma_start3A_59 = arith.constant 0 : i32
      %dma_start3A_60 = arith.constant 0 : i32
      %dma_start3A_61 = tpu.memref_slice %arg2[%dma_start3A_59, %dma_start3A_60] : memref<50176x16xf32, #tpu.memory_space<hbm>> -> memref<50176x16xf32, #tpu.memory_space<hbm>>
      tpu.enqueue_indirect_dma source(%dma_start3A_61 : memref<50176x16xf32, #tpu.memory_space<hbm>>) target(%arg11 : memref<400x16xf32, #tpu.memory_space<vmem>>) offsets(%dma_start3A_58 : memref<400xi32, #tpu.memory_space<vmem>>) semaphore(%arg14 : memref<!tpu.dma_semaphore, #tpu.memory_space<semaphore_mem>>)
      %mul3A_62 = arith.constant 2 : i32
      %mul3A_63 = arith.muli %mul3A_62, %while3A_33 : i32
      %add3A_64 = arith.constant 0 : i32
      %add3A_65 = arith.addi %mul3A_63, %add3A_64 : i32
      %mul3A_66 = arith.constant 400 : i32
      %mul3A_67 = arith.muli %add3A_65, %mul3A_66 : i32
      %add3A_68 = arith.addi %multiple_of3A, %mul3A_67 : i32
      %multiple_of3A_69 = tpu.assume_multiple %add3A_68, 8 : i32
      "tpu.region"() ({
        %run_scoped3A_106 = tpu.sem_alloc : memref<!tpu.dma_semaphore, #tpu.memory_space<semaphore_mem>>
        %dma_start3A_107 = tpu.memref_slice %arg4[%multiple_of3A_69] : memref<848000xi32, #tpu.memory_space<hbm>> -> memref<400xi32, #tpu.memory_space<hbm>>
        %dma_start3A_108 = tpu.memref_slice %arg4[%multiple_of3A_69] : memref<848000xi32, #tpu.memory_space<hbm>> -> memref<400xi32, #tpu.memory_space<hbm>>
        tpu.enqueue_dma source(%dma_start3A_108 : memref<400xi32, #tpu.memory_space<hbm>>) target(%arg7 : memref<400xi32, #tpu.memory_space<vmem>>) target_semaphore(%run_scoped3A_106 : memref<!tpu.dma_semaphore, #tpu.memory_space<semaphore_mem>>)
        %dma_wait3A_109 = tpu.memref_slice %arg4[%multiple_of3A_69] : memref<848000xi32, #tpu.memory_space<hbm>> -> memref<400xi32, #tpu.memory_space<hbm>>
        %dma_wait3A_110 = tpu.memref_slice %arg4[%multiple_of3A_69] : memref<848000xi32, #tpu.memory_space<hbm>> -> memref<400xi32, #tpu.memory_space<hbm>>
        tpu.wait_dma2 semaphore(%run_scoped3A_106 : memref<!tpu.dma_semaphore, #tpu.memory_space<semaphore_mem>>) src(%dma_wait3A_110 : memref<400xi32, #tpu.memory_space<hbm>>) dst(%arg7 : memref<400xi32, #tpu.memory_space<vmem>>)
        tpu.yield
      }) : () -> ()
      %mul3A_70 = arith.constant 2 : i32
      %mul3A_71 = arith.muli %mul3A_70, %while3A_33 : i32
      %add3A_72 = arith.constant 1 : i32
      %add3A_73 = arith.addi %mul3A_71, %add3A_72 : i32
      %mul3A_74 = arith.constant 400 : i32
      %mul3A_75 = arith.muli %add3A_73, %mul3A_74 : i32
      %add3A_76 = arith.addi %multiple_of3A, %mul3A_75 : i32
      %multiple_of3A_77 = tpu.assume_multiple %add3A_76, 8 : i32
      "tpu.region"() ({
        %run_scoped3A_106 = tpu.sem_alloc : memref<!tpu.dma_semaphore, #tpu.memory_space<semaphore_mem>>
        %dma_start3A_107 = tpu.memref_slice %arg4[%multiple_of3A_77] : memref<848000xi32, #tpu.memory_space<hbm>> -> memref<400xi32, #tpu.memory_space<hbm>>
        %dma_start3A_108 = tpu.memref_slice %arg4[%multiple_of3A_77] : memref<848000xi32, #tpu.memory_space<hbm>> -> memref<400xi32, #tpu.memory_space<hbm>>
        tpu.enqueue_dma source(%dma_start3A_108 : memref<400xi32, #tpu.memory_space<hbm>>) target(%arg8 : memref<400xi32, #tpu.memory_space<vmem>>) target_semaphore(%run_scoped3A_106 : memref<!tpu.dma_semaphore, #tpu.memory_space<semaphore_mem>>)
        %dma_wait3A_109 = tpu.memref_slice %arg4[%multiple_of3A_77] : memref<848000xi32, #tpu.memory_space<hbm>> -> memref<400xi32, #tpu.memory_space<hbm>>
        %dma_wait3A_110 = tpu.memref_slice %arg4[%multiple_of3A_77] : memref<848000xi32, #tpu.memory_space<hbm>> -> memref<400xi32, #tpu.memory_space<hbm>>
        tpu.wait_dma2 semaphore(%run_scoped3A_106 : memref<!tpu.dma_semaphore, #tpu.memory_space<semaphore_mem>>) src(%dma_wait3A_110 : memref<400xi32, #tpu.memory_space<hbm>>) dst(%arg8 : memref<400xi32, #tpu.memory_space<vmem>>)
        tpu.yield
      }) : () -> ()
      %mul3A_78 = arith.constant 2 : i32
      %mul3A_79 = arith.muli %mul3A_78, %while3A_33 : i32
      %add3A_80 = arith.constant 0 : i32
      %add3A_81 = arith.addi %mul3A_79, %add3A_80 : i32
      %mul3A_82 = arith.constant 400 : i32
      %mul3A_83 = arith.muli %add3A_81, %mul3A_82 : i32
      %multiple_of3A_84 = tpu.assume_multiple %mul3A_83, 8 : i32
      %dma_wait3A_85 = tpu.memref_slice %arg9[%multiple_of3A_84] : memref<40000xi32, #tpu.memory_space<vmem>> -> memref<400xi32, #tpu.memory_space<vmem>>
      %dma_wait3A_86 = arith.constant 0 : i32
      %dma_wait3A_87 = arith.constant 0 : i32
      %dma_wait3A_88 = tpu.memref_slice %arg2[%dma_wait3A_86, %dma_wait3A_87] : memref<50176x16xf32, #tpu.memory_space<hbm>> -> memref<50176x16xf32, #tpu.memory_space<hbm>>
      tpu.wait_indirect_dma semaphore(%arg13 : memref<!tpu.dma_semaphore, #tpu.memory_space<semaphore_mem>>) src(%dma_wait3A_88 : memref<50176x16xf32, #tpu.memory_space<hbm>>) dst(%arg10 : memref<400x16xf32, #tpu.memory_space<vmem>>)
      %dma_start3A_89 = arith.constant 0 : i32
      %dma_start3A_90 = arith.constant 0 : i32
      %dma_start3A_91 = tpu.memref_slice %arg12[%dma_start3A_89, %dma_start3A_90] : memref<50176x16xf32, #tpu.memory_space<vmem_shared>> -> memref<50176x16xf32, #tpu.memory_space<vmem_shared>>
      tpu.enqueue_indirect_dma source(%arg10 : memref<400x16xf32, #tpu.memory_space<vmem>>) target(%dma_start3A_91 : memref<50176x16xf32, #tpu.memory_space<vmem_shared>>) offsets(%arg7 : memref<400xi32, #tpu.memory_space<vmem>>) semaphore(%arg15 : memref<!tpu.dma_semaphore, #tpu.memory_space<semaphore_mem>>) {add = true}
      %mul3A_92 = arith.constant 2 : i32
      %mul3A_93 = arith.muli %mul3A_92, %while3A_33 : i32
      %add3A_94 = arith.constant 1 : i32
      %add3A_95 = arith.addi %mul3A_93, %add3A_94 : i32
      %mul3A_96 = arith.constant 400 : i32
      %mul3A_97 = arith.muli %add3A_95, %mul3A_96 : i32
      %multiple_of3A_98 = tpu.assume_multiple %mul3A_97, 8 : i32
      %dma_wait3A_99 = tpu.memref_slice %arg9[%multiple_of3A_98] : memref<40000xi32, #tpu.memory_space<vmem>> -> memref<400xi32, #tpu.memory_space<vmem>>
      %dma_wait3A_100 = arith.constant 0 : i32
      %dma_wait3A_101 = arith.constant 0 : i32
      %dma_wait3A_102 = tpu.memref_slice %arg2[%dma_wait3A_100, %dma_wait3A_101] : memref<50176x16xf32, #tpu.memory_space<hbm>> -> memref<50176x16xf32, #tpu.memory_space<hbm>>
      tpu.wait_indirect_dma semaphore(%arg14 : memref<!tpu.dma_semaphore, #tpu.memory_space<semaphore_mem>>) src(%dma_wait3A_102 : memref<50176x16xf32, #tpu.memory_space<hbm>>) dst(%arg11 : memref<400x16xf32, #tpu.memory_space<vmem>>)
      %dma_start3A_103 = arith.constant 0 : i32
      %dma_start3A_104 = arith.constant 0 : i32
      %dma_start3A_105 = tpu.memref_slice %arg12[%dma_start3A_103, %dma_start3A_104] : memref<50176x16xf32, #tpu.memory_space<vmem_shared>> -> memref<50176x16xf32, #tpu.memory_space<vmem_shared>>
      tpu.enqueue_indirect_dma source(%arg11 : memref<400x16xf32, #tpu.memory_space<vmem>>) target(%dma_start3A_105 : memref<50176x16xf32, #tpu.memory_space<vmem_shared>>) offsets(%arg8 : memref<400xi32, #tpu.memory_space<vmem>>) semaphore(%arg16 : memref<!tpu.dma_semaphore, #tpu.memory_space<semaphore_mem>>) {add = true}
    }
    %dma_wait3A = arith.constant 0 : i32
    %dma_wait3A_26 = arith.constant 0 : i32
    %dma_wait3A_27 = tpu.memref_slice %arg12[%dma_wait3A, %dma_wait3A_26] : memref<50176x16xf32, #tpu.memory_space<vmem_shared>> -> memref<50176x16xf32, #tpu.memory_space<vmem_shared>>
    tpu.wait_indirect_dma semaphore(%arg15 : memref<!tpu.dma_semaphore, #tpu.memory_space<semaphore_mem>>) src(%arg10 : memref<400x16xf32, #tpu.memory_space<vmem>>) dst(%dma_wait3A_27 : memref<50176x16xf32, #tpu.memory_space<vmem_shared>>)
    %dma_wait3A_28 = arith.constant 0 : i32
    %dma_wait3A_29 = arith.constant 0 : i32
    %dma_wait3A_30 = tpu.memref_slice %arg12[%dma_wait3A_28, %dma_wait3A_29] : memref<50176x16xf32, #tpu.memory_space<vmem_shared>> -> memref<50176x16xf32, #tpu.memory_space<vmem_shared>>
    tpu.wait_indirect_dma semaphore(%arg16 : memref<!tpu.dma_semaphore, #tpu.memory_space<semaphore_mem>>) src(%arg11 : memref<400x16xf32, #tpu.memory_space<vmem>>) dst(%dma_wait3A_30 : memref<50176x16xf32, #tpu.memory_space<vmem_shared>>)
    %barrier3A_31 = arith.constant 0 : index
    tpu.barrier barrier_id(%barrier3A_31)
    %run_scoped3A = arith.constant 0 : i32
    "tpu.region"() ({
      %run_scoped3A_33 = tpu.sem_alloc : memref<!tpu.dma_semaphore, #tpu.memory_space<semaphore_mem>>
      %dma_start3A = arith.constant 0 : i32
      %dma_start3A_34 = arith.constant 0 : i32
      %dma_start3A_35 = arith.constant 0 : i32
      %dma_start3A_36 = tpu.memref_slice %arg6[%arg0, %dma_start3A, %dma_start3A_34, %dma_start3A_35] : memref<2x1x50176x16xf32, #tpu.memory_space<hbm>> -> memref<1x1x50176x16xf32, #tpu.memory_space<hbm>>
      %dma_start3A_37 = tpu.memref_squeeze %dma_start3A_36 : memref<1x1x50176x16xf32, #tpu.memory_space<hbm>> -> memref<1x50176x16xf32, #tpu.memory_space<hbm>>
      %dma_start3A_38 = arith.constant 0 : i32
      %dma_start3A_39 = arith.constant 0 : i32
      %dma_start3A_40 = tpu.memref_slice %dma_start3A_37[%run_scoped3A, %dma_start3A_38, %dma_start3A_39] : memref<1x50176x16xf32, #tpu.memory_space<hbm>> -> memref<1x50176x16xf32, #tpu.memory_space<hbm>>
      %dma_start3A_41 = tpu.memref_squeeze %dma_start3A_40 : memref<1x50176x16xf32, #tpu.memory_space<hbm>> -> memref<50176x16xf32, #tpu.memory_space<hbm>>
      %dma_start3A_42 = arith.constant 0 : i32
      %dma_start3A_43 = tpu.memref_slice %dma_start3A_41[%multiple_of3A_16, %dma_start3A_42] : memref<50176x16xf32, #tpu.memory_space<hbm>> -> memref<3136x16xf32, #tpu.memory_space<hbm>>
      %dma_start3A_44 = arith.constant 0 : i32
      %dma_start3A_45 = tpu.memref_slice %arg12[%multiple_of3A_16, %dma_start3A_44] : memref<50176x16xf32, #tpu.memory_space<vmem_shared>> -> memref<3136x16xf32, #tpu.memory_space<vmem_shared>>
      tpu.enqueue_dma source(%dma_start3A_45 : memref<3136x16xf32, #tpu.memory_space<vmem_shared>>) target(%dma_start3A_43 : memref<3136x16xf32, #tpu.memory_space<hbm>>) target_semaphore(%run_scoped3A_33 : memref<!tpu.dma_semaphore, #tpu.memory_space<semaphore_mem>>)
      %dma_wait3A_46 = arith.constant 0 : i32
      %dma_wait3A_47 = arith.constant 0 : i32
      %dma_wait3A_48 = arith.constant 0 : i32
      %dma_wait3A_49 = tpu.memref_slice %arg6[%arg0, %dma_wait3A_46, %dma_wait3A_47, %dma_wait3A_48] : memref<2x1x50176x16xf32, #tpu.memory_space<hbm>> -> memref<1x1x50176x16xf32, #tpu.memory_space<hbm>>
      %dma_wait3A_50 = tpu.memref_squeeze %dma_wait3A_49 : memref<1x1x50176x16xf32, #tpu.memory_space<hbm>> -> memref<1x50176x16xf32, #tpu.memory_space<hbm>>
      %dma_wait3A_51 = arith.constant 0 : i32
      %dma_wait3A_52 = arith.constant 0 : i32
      %dma_wait3A_53 = tpu.memref_slice %dma_wait3A_50[%run_scoped3A, %dma_wait3A_51, %dma_wait3A_52] : memref<1x50176x16xf32, #tpu.memory_space<hbm>> -> memref<1x50176x16xf32, #tpu.memory_space<hbm>>
      %dma_wait3A_54 = tpu.memref_squeeze %dma_wait3A_53 : memref<1x50176x16xf32, #tpu.memory_space<hbm>> -> memref<50176x16xf32, #tpu.memory_space<hbm>>
      %dma_wait3A_55 = arith.constant 0 : i32
      %dma_wait3A_56 = tpu.memref_slice %dma_wait3A_54[%multiple_of3A_16, %dma_wait3A_55] : memref<50176x16xf32, #tpu.memory_space<hbm>> -> memref<3136x16xf32, #tpu.memory_space<hbm>>
      %dma_wait3A_57 = arith.constant 0 : i32
      %dma_wait3A_58 = tpu.memref_slice %arg12[%multiple_of3A_16, %dma_wait3A_57] : memref<50176x16xf32, #tpu.memory_space<vmem_shared>> -> memref<3136x16xf32, #tpu.memory_space<vmem_shared>>
      tpu.wait_dma2 semaphore(%run_scoped3A_33 : memref<!tpu.dma_semaphore, #tpu.memory_space<semaphore_mem>>) src(%dma_wait3A_58 : memref<3136x16xf32, #tpu.memory_space<vmem_shared>>) dst(%dma_wait3A_56 : memref<3136x16xf32, #tpu.memory_space<hbm>>)
      tpu.yield
    }) : () -> ()
    %barrier3A_32 = arith.constant 0 : index
    tpu.barrier barrier_id(%barrier3A_32)
    return
  }
}

#map = affine_map<(d0, d1) -> (0, 0)>
#map1 = affine_map<(d0, d1) -> (0)>
#map2 = affine_map<(d0, d1) -> (0, 0, 0, 0)>
module attributes {stable_mosaic.version = 14 : i64} {
  func.func @sc_pass(%arg0: i32, %arg1: i32, %arg2: memref<50176x16xf32, #tpu.memory_space<hbm>>, %arg3: memref<50176x16xf32, #tpu.memory_space<hbm>>, %arg4: memref<50176x16xf32, #tpu.memory_space<hbm>>, %arg5: memref<50176x16xf32, #tpu.memory_space<hbm>>, %arg6: memref<50176x16xf32, #tpu.memory_space<hbm>>, %arg7: memref<50176x16xf32, #tpu.memory_space<hbm>>, %arg8: memref<50176x16xf32, #tpu.memory_space<hbm>>, %arg9: memref<848000xi32, #tpu.memory_space<hbm>>, %arg10: memref<848000xi32, #tpu.memory_space<hbm>>, %arg11: memref<50176x16xf32, #tpu.memory_space<hbm>>, %arg12: memref<2x7x50176x16xf32, #tpu.memory_space<hbm>>, %arg13: memref<400xi32, #tpu.memory_space<vmem>>, %arg14: memref<400xi32, #tpu.memory_space<vmem>>, %arg15: memref<40000xi32, #tpu.memory_space<vmem>>, %arg16: memref<400x16xf32, #tpu.memory_space<vmem>>, %arg17: memref<400x16xf32, #tpu.memory_space<vmem>>, %arg18: memref<50176x16xf32, #tpu.memory_space<vmem_shared>>, %arg19: memref<!tpu.dma_semaphore, #tpu.memory_space<semaphore_mem>>, %arg20: memref<!tpu.dma_semaphore, #tpu.memory_space<semaphore_mem>>, %arg21: memref<!tpu.dma_semaphore, #tpu.memory_space<semaphore_mem>>, %arg22: memref<!tpu.dma_semaphore, #tpu.memory_space<semaphore_mem>>) attributes {dimension_semantics = [#tpu.dimension_semantics<core_parallel>, #tpu.dimension_semantics<subcore_parallel>], iteration_bounds = array<i64: 2, 16>, scalar_prefetch = 0 : i64, scratch_operands = 10 : i64, tpu.core_type = #tpu.core_type<sc_vector_subcore>, window_params = [{transform_indices = #map}, {transform_indices = #map}, {transform_indices = #map}, {transform_indices = #map}, {transform_indices = #map}, {transform_indices = #map}, {transform_indices = #map}, {transform_indices = #map1}, {transform_indices = #map1}, {transform_indices = #map}, {transform_indices = #map2}]} {
    %eq3A = arith.constant 0 : i32
    %eq3A_0 = arith.cmpi eq, %arg0, %eq3A : i32
    %mul3A = arith.constant 40000 : i32
    %mul3A_1 = arith.muli %arg1, %mul3A : i32
    %mul3A_2 = arith.constant 11200 : i32
    %mul3A_3 = arith.muli %arg1, %mul3A_2 : i32
    %add3A = arith.constant 640000 : i32
    %add3A_4 = arith.addi %add3A, %mul3A_3 : i32
    %select_n3A = arith.select %eq3A_0, %mul3A_1, %add3A_4 : i32
    %multiple_of3A = tpu.assume_multiple %select_n3A, 8 : i32
    %eq3A_5 = arith.constant 0 : i32
    %eq3A_6 = arith.cmpi eq, %arg0, %eq3A_5 : i32
    %jit3A = arith.constant 50 : i32
    %jit3A_7 = arith.constant 14 : i32
    %select_n3A_8 = arith.select %eq3A_6, %jit3A, %jit3A_7 : i32
    %eq3A_9 = arith.constant 0 : i32
    %eq3A_10 = arith.cmpi eq, %arg0, %eq3A_9 : i32
    %jit3A_11 = arith.constant 40000 : i32
    %jit3A_12 = arith.constant 11200 : i32
    %select_n3A_13 = arith.select %eq3A_10, %jit3A_11, %jit3A_12 : i32
    %mul3A_14 = arith.constant 3136 : i32
    %mul3A_15 = arith.muli %arg1, %mul3A_14 : i32
    %multiple_of3A_16 = tpu.assume_multiple %mul3A_15, 8 : i32
    "tpu.region"() ({
      %run_scoped3A_153 = tpu.sem_alloc : memref<!tpu.dma_semaphore, #tpu.memory_space<semaphore_mem>>
      %dma_start3A = tpu.memref_slice %arg9[%multiple_of3A] : memref<848000xi32, #tpu.memory_space<hbm>> -> memref<40000xi32, #tpu.memory_space<hbm>>
      %dma_start3A_154 = tpu.memref_slice %arg9[%multiple_of3A] : memref<848000xi32, #tpu.memory_space<hbm>> -> memref<40000xi32, #tpu.memory_space<hbm>>
      tpu.enqueue_dma source(%dma_start3A_154 : memref<40000xi32, #tpu.memory_space<hbm>>) target(%arg15 : memref<40000xi32, #tpu.memory_space<vmem>>) target_semaphore(%run_scoped3A_153 : memref<!tpu.dma_semaphore, #tpu.memory_space<semaphore_mem>>)
      %dma_wait3A_155 = tpu.memref_slice %arg9[%multiple_of3A] : memref<848000xi32, #tpu.memory_space<hbm>> -> memref<40000xi32, #tpu.memory_space<hbm>>
      %dma_wait3A_156 = tpu.memref_slice %arg9[%multiple_of3A] : memref<848000xi32, #tpu.memory_space<hbm>> -> memref<40000xi32, #tpu.memory_space<hbm>>
      tpu.wait_dma2 semaphore(%run_scoped3A_153 : memref<!tpu.dma_semaphore, #tpu.memory_space<semaphore_mem>>) src(%dma_wait3A_156 : memref<40000xi32, #tpu.memory_space<hbm>>) dst(%arg15 : memref<40000xi32, #tpu.memory_space<vmem>>)
      tpu.yield
    }) : () -> ()
    "tpu.region"() ({
      %run_scoped3A_153 = tpu.sem_alloc : memref<!tpu.dma_semaphore, #tpu.memory_space<semaphore_mem>>
      %dma_start3A = arith.constant 0 : i32
      %dma_start3A_154 = tpu.memref_slice %arg18[%multiple_of3A_16, %dma_start3A] : memref<50176x16xf32, #tpu.memory_space<vmem_shared>> -> memref<3136x16xf32, #tpu.memory_space<vmem_shared>>
      %dma_start3A_155 = arith.constant 0 : i32
      %dma_start3A_156 = tpu.memref_slice %arg11[%multiple_of3A_16, %dma_start3A_155] : memref<50176x16xf32, #tpu.memory_space<hbm>> -> memref<3136x16xf32, #tpu.memory_space<hbm>>
      tpu.enqueue_dma source(%dma_start3A_156 : memref<3136x16xf32, #tpu.memory_space<hbm>>) target(%dma_start3A_154 : memref<3136x16xf32, #tpu.memory_space<vmem_shared>>) target_semaphore(%run_scoped3A_153 : memref<!tpu.dma_semaphore, #tpu.memory_space<semaphore_mem>>)
      %dma_wait3A_157 = arith.constant 0 : i32
      %dma_wait3A_158 = tpu.memref_slice %arg18[%multiple_of3A_16, %dma_wait3A_157] : memref<50176x16xf32, #tpu.memory_space<vmem_shared>> -> memref<3136x16xf32, #tpu.memory_space<vmem_shared>>
      %dma_wait3A_159 = arith.constant 0 : i32
      %dma_wait3A_160 = tpu.memref_slice %arg11[%multiple_of3A_16, %dma_wait3A_159] : memref<50176x16xf32, #tpu.memory_space<hbm>> -> memref<3136x16xf32, #tpu.memory_space<hbm>>
      tpu.wait_dma2 semaphore(%run_scoped3A_153 : memref<!tpu.dma_semaphore, #tpu.memory_space<semaphore_mem>>) src(%dma_wait3A_160 : memref<3136x16xf32, #tpu.memory_space<hbm>>) dst(%dma_wait3A_158 : memref<3136x16xf32, #tpu.memory_space<vmem_shared>>)
      tpu.yield
    }) : () -> ()
    %barrier3A = arith.constant 0 : index
    tpu.barrier barrier_id(%barrier3A)
    %while3A = arith.constant 0 : i32
    %while3A_17 = arith.constant 0 : i32
    %while3A_18 = arith.subi %select_n3A_8, %while3A_17 : i32
    %while3A_19 = arith.addi %while3A_17, %while3A_18 : i32
    %while3A_20 = arith.constant 1 : i32
    %while3A_21 = arith.divsi %while3A_18, %while3A_20 : i32
    %while3A_22 = arith.muli %while3A_21, %while3A_20 : i32
    %while3A_23 = arith.addi %while3A_17, %while3A_22 : i32
    %while3A_24 = arith.constant 1 : i32
    scf.for %while3A_153 = %while3A_17 to %while3A_23 step %while3A_24  : i32 {
      %gt3A = arith.constant 0 : i32
      %gt3A_154 = arith.cmpi sgt, %while3A_153, %gt3A : i32
      %convert_element_type3A = arith.extui %gt3A_154 : i1 to i32
      %cond3A = arith.constant 0 : i32
      %cond3A_155 = arith.cmpi ne, %convert_element_type3A, %cond3A : i32
      scf.if %cond3A_155 {
        %dma_wait3A_226 = arith.constant 0 : i32
        %dma_wait3A_227 = arith.constant 0 : i32
        %dma_wait3A_228 = tpu.memref_slice %arg18[%dma_wait3A_226, %dma_wait3A_227] : memref<50176x16xf32, #tpu.memory_space<vmem_shared>> -> memref<50176x16xf32, #tpu.memory_space<vmem_shared>>
        tpu.wait_indirect_dma semaphore(%arg21 : memref<!tpu.dma_semaphore, #tpu.memory_space<semaphore_mem>>) src(%arg16 : memref<400x16xf32, #tpu.memory_space<vmem>>) dst(%dma_wait3A_228 : memref<50176x16xf32, #tpu.memory_space<vmem_shared>>)
      } else {
      }
      %mul3A_156 = arith.constant 2 : i32
      %mul3A_157 = arith.muli %mul3A_156, %while3A_153 : i32
      %add3A_158 = arith.constant 0 : i32
      %add3A_159 = arith.addi %mul3A_157, %add3A_158 : i32
      %mul3A_160 = arith.constant 400 : i32
      %mul3A_161 = arith.muli %add3A_159, %mul3A_160 : i32
      %multiple_of3A_162 = tpu.assume_multiple %mul3A_161, 8 : i32
      %dma_start3A = tpu.memref_slice %arg15[%multiple_of3A_162] : memref<40000xi32, #tpu.memory_space<vmem>> -> memref<400xi32, #tpu.memory_space<vmem>>
      %dma_start3A_163 = arith.constant 0 : i32
      %dma_start3A_164 = arith.constant 0 : i32
      %dma_start3A_165 = tpu.memref_slice %arg2[%dma_start3A_163, %dma_start3A_164] : memref<50176x16xf32, #tpu.memory_space<hbm>> -> memref<50176x16xf32, #tpu.memory_space<hbm>>
      tpu.enqueue_indirect_dma source(%dma_start3A_165 : memref<50176x16xf32, #tpu.memory_space<hbm>>) target(%arg16 : memref<400x16xf32, #tpu.memory_space<vmem>>) offsets(%dma_start3A : memref<400xi32, #tpu.memory_space<vmem>>) semaphore(%arg19 : memref<!tpu.dma_semaphore, #tpu.memory_space<semaphore_mem>>)
      %gt3A_166 = arith.constant 0 : i32
      %gt3A_167 = arith.cmpi sgt, %while3A_153, %gt3A_166 : i32
      %convert_element_type3A_168 = arith.extui %gt3A_167 : i1 to i32
      %cond3A_169 = arith.constant 0 : i32
      %cond3A_170 = arith.cmpi ne, %convert_element_type3A_168, %cond3A_169 : i32
      scf.if %cond3A_170 {
        %dma_wait3A_226 = arith.constant 0 : i32
        %dma_wait3A_227 = arith.constant 0 : i32
        %dma_wait3A_228 = tpu.memref_slice %arg18[%dma_wait3A_226, %dma_wait3A_227] : memref<50176x16xf32, #tpu.memory_space<vmem_shared>> -> memref<50176x16xf32, #tpu.memory_space<vmem_shared>>
        tpu.wait_indirect_dma semaphore(%arg22 : memref<!tpu.dma_semaphore, #tpu.memory_space<semaphore_mem>>) src(%arg17 : memref<400x16xf32, #tpu.memory_space<vmem>>) dst(%dma_wait3A_228 : memref<50176x16xf32, #tpu.memory_space<vmem_shared>>)
      } else {
      }
      %mul3A_171 = arith.constant 2 : i32
      %mul3A_172 = arith.muli %mul3A_171, %while3A_153 : i32
      %add3A_173 = arith.constant 1 : i32
      %add3A_174 = arith.addi %mul3A_172, %add3A_173 : i32
      %mul3A_175 = arith.constant 400 : i32
      %mul3A_176 = arith.muli %add3A_174, %mul3A_175 : i32
      %multiple_of3A_177 = tpu.assume_multiple %mul3A_176, 8 : i32
      %dma_start3A_178 = tpu.memref_slice %arg15[%multiple_of3A_177] : memref<40000xi32, #tpu.memory_space<vmem>> -> memref<400xi32, #tpu.memory_space<vmem>>
      %dma_start3A_179 = arith.constant 0 : i32
      %dma_start3A_180 = arith.constant 0 : i32
      %dma_start3A_181 = tpu.memref_slice %arg2[%dma_start3A_179, %dma_start3A_180] : memref<50176x16xf32, #tpu.memory_space<hbm>> -> memref<50176x16xf32, #tpu.memory_space<hbm>>
      tpu.enqueue_indirect_dma source(%dma_start3A_181 : memref<50176x16xf32, #tpu.memory_space<hbm>>) target(%arg17 : memref<400x16xf32, #tpu.memory_space<vmem>>) offsets(%dma_start3A_178 : memref<400xi32, #tpu.memory_space<vmem>>) semaphore(%arg20 : memref<!tpu.dma_semaphore, #tpu.memory_space<semaphore_mem>>)
      %mul3A_182 = arith.constant 2 : i32
      %mul3A_183 = arith.muli %mul3A_182, %while3A_153 : i32
      %add3A_184 = arith.constant 0 : i32
      %add3A_185 = arith.addi %mul3A_183, %add3A_184 : i32
      %mul3A_186 = arith.constant 400 : i32
      %mul3A_187 = arith.muli %add3A_185, %mul3A_186 : i32
      %add3A_188 = arith.addi %multiple_of3A, %mul3A_187 : i32
      %multiple_of3A_189 = tpu.assume_multiple %add3A_188, 8 : i32
      "tpu.region"() ({
        %run_scoped3A_226 = tpu.sem_alloc : memref<!tpu.dma_semaphore, #tpu.memory_space<semaphore_mem>>
        %dma_start3A_227 = tpu.memref_slice %arg10[%multiple_of3A_189] : memref<848000xi32, #tpu.memory_space<hbm>> -> memref<400xi32, #tpu.memory_space<hbm>>
        %dma_start3A_228 = tpu.memref_slice %arg10[%multiple_of3A_189] : memref<848000xi32, #tpu.memory_space<hbm>> -> memref<400xi32, #tpu.memory_space<hbm>>
        tpu.enqueue_dma source(%dma_start3A_228 : memref<400xi32, #tpu.memory_space<hbm>>) target(%arg13 : memref<400xi32, #tpu.memory_space<vmem>>) target_semaphore(%run_scoped3A_226 : memref<!tpu.dma_semaphore, #tpu.memory_space<semaphore_mem>>)
        %dma_wait3A_229 = tpu.memref_slice %arg10[%multiple_of3A_189] : memref<848000xi32, #tpu.memory_space<hbm>> -> memref<400xi32, #tpu.memory_space<hbm>>
        %dma_wait3A_230 = tpu.memref_slice %arg10[%multiple_of3A_189] : memref<848000xi32, #tpu.memory_space<hbm>> -> memref<400xi32, #tpu.memory_space<hbm>>
        tpu.wait_dma2 semaphore(%run_scoped3A_226 : memref<!tpu.dma_semaphore, #tpu.memory_space<semaphore_mem>>) src(%dma_wait3A_230 : memref<400xi32, #tpu.memory_space<hbm>>) dst(%arg13 : memref<400xi32, #tpu.memory_space<vmem>>)
        tpu.yield
      }) : () -> ()
      %mul3A_190 = arith.constant 2 : i32
      %mul3A_191 = arith.muli %mul3A_190, %while3A_153 : i32
      %add3A_192 = arith.constant 1 : i32
      %add3A_193 = arith.addi %mul3A_191, %add3A_192 : i32
      %mul3A_194 = arith.constant 400 : i32
      %mul3A_195 = arith.muli %add3A_193, %mul3A_194 : i32
      %add3A_196 = arith.addi %multiple_of3A, %mul3A_195 : i32
      %multiple_of3A_197 = tpu.assume_multiple %add3A_196, 8 : i32
      "tpu.region"() ({
        %run_scoped3A_226 = tpu.sem_alloc : memref<!tpu.dma_semaphore, #tpu.memory_space<semaphore_mem>>
        %dma_start3A_227 = tpu.memref_slice %arg10[%multiple_of3A_197] : memref<848000xi32, #tpu.memory_space<hbm>> -> memref<400xi32, #tpu.memory_space<hbm>>
        %dma_start3A_228 = tpu.memref_slice %arg10[%multiple_of3A_197] : memref<848000xi32, #tpu.memory_space<hbm>> -> memref<400xi32, #tpu.memory_space<hbm>>
        tpu.enqueue_dma source(%dma_start3A_228 : memref<400xi32, #tpu.memory_space<hbm>>) target(%arg14 : memref<400xi32, #tpu.memory_space<vmem>>) target_semaphore(%run_scoped3A_226 : memref<!tpu.dma_semaphore, #tpu.memory_space<semaphore_mem>>)
        %dma_wait3A_229 = tpu.memref_slice %arg10[%multiple_of3A_197] : memref<848000xi32, #tpu.memory_space<hbm>> -> memref<400xi32, #tpu.memory_space<hbm>>
        %dma_wait3A_230 = tpu.memref_slice %arg10[%multiple_of3A_197] : memref<848000xi32, #tpu.memory_space<hbm>> -> memref<400xi32, #tpu.memory_space<hbm>>
        tpu.wait_dma2 semaphore(%run_scoped3A_226 : memref<!tpu.dma_semaphore, #tpu.memory_space<semaphore_mem>>) src(%dma_wait3A_230 : memref<400xi32, #tpu.memory_space<hbm>>) dst(%arg14 : memref<400xi32, #tpu.memory_space<vmem>>)
        tpu.yield
      }) : () -> ()
      %mul3A_198 = arith.constant 2 : i32
      %mul3A_199 = arith.muli %mul3A_198, %while3A_153 : i32
      %add3A_200 = arith.constant 0 : i32
      %add3A_201 = arith.addi %mul3A_199, %add3A_200 : i32
      %mul3A_202 = arith.constant 400 : i32
      %mul3A_203 = arith.muli %add3A_201, %mul3A_202 : i32
      %multiple_of3A_204 = tpu.assume_multiple %mul3A_203, 8 : i32
      %dma_wait3A_205 = tpu.memref_slice %arg15[%multiple_of3A_204] : memref<40000xi32, #tpu.memory_space<vmem>> -> memref<400xi32, #tpu.memory_space<vmem>>
      %dma_wait3A_206 = arith.constant 0 : i32
      %dma_wait3A_207 = arith.constant 0 : i32
      %dma_wait3A_208 = tpu.memref_slice %arg2[%dma_wait3A_206, %dma_wait3A_207] : memref<50176x16xf32, #tpu.memory_space<hbm>> -> memref<50176x16xf32, #tpu.memory_space<hbm>>
      tpu.wait_indirect_dma semaphore(%arg19 : memref<!tpu.dma_semaphore, #tpu.memory_space<semaphore_mem>>) src(%dma_wait3A_208 : memref<50176x16xf32, #tpu.memory_space<hbm>>) dst(%arg16 : memref<400x16xf32, #tpu.memory_space<vmem>>)
      %dma_start3A_209 = arith.constant 0 : i32
      %dma_start3A_210 = arith.constant 0 : i32
      %dma_start3A_211 = tpu.memref_slice %arg18[%dma_start3A_209, %dma_start3A_210] : memref<50176x16xf32, #tpu.memory_space<vmem_shared>> -> memref<50176x16xf32, #tpu.memory_space<vmem_shared>>
      tpu.enqueue_indirect_dma source(%arg16 : memref<400x16xf32, #tpu.memory_space<vmem>>) target(%dma_start3A_211 : memref<50176x16xf32, #tpu.memory_space<vmem_shared>>) offsets(%arg13 : memref<400xi32, #tpu.memory_space<vmem>>) semaphore(%arg21 : memref<!tpu.dma_semaphore, #tpu.memory_space<semaphore_mem>>) {add = true}
      %mul3A_212 = arith.constant 2 : i32
      %mul3A_213 = arith.muli %mul3A_212, %while3A_153 : i32
      %add3A_214 = arith.constant 1 : i32
      %add3A_215 = arith.addi %mul3A_213, %add3A_214 : i32
      %mul3A_216 = arith.constant 400 : i32
      %mul3A_217 = arith.muli %add3A_215, %mul3A_216 : i32
      %multiple_of3A_218 = tpu.assume_multiple %mul3A_217, 8 : i32
      %dma_wait3A_219 = tpu.memref_slice %arg15[%multiple_of3A_218] : memref<40000xi32, #tpu.memory_space<vmem>> -> memref<400xi32, #tpu.memory_space<vmem>>
      %dma_wait3A_220 = arith.constant 0 : i32
      %dma_wait3A_221 = arith.constant 0 : i32
      %dma_wait3A_222 = tpu.memref_slice %arg2[%dma_wait3A_220, %dma_wait3A_221] : memref<50176x16xf32, #tpu.memory_space<hbm>> -> memref<50176x16xf32, #tpu.memory_space<hbm>>
      tpu.wait_indirect_dma semaphore(%arg20 : memref<!tpu.dma_semaphore, #tpu.memory_space<semaphore_mem>>) src(%dma_wait3A_222 : memref<50176x16xf32, #tpu.memory_space<hbm>>) dst(%arg17 : memref<400x16xf32, #tpu.memory_space<vmem>>)
      %dma_start3A_223 = arith.constant 0 : i32
      %dma_start3A_224 = arith.constant 0 : i32
      %dma_start3A_225 = tpu.memref_slice %arg18[%dma_start3A_223, %dma_start3A_224] : memref<50176x16xf32, #tpu.memory_space<vmem_shared>> -> memref<50176x16xf32, #tpu.memory_space<vmem_shared>>
      tpu.enqueue_indirect_dma source(%arg17 : memref<400x16xf32, #tpu.memory_space<vmem>>) target(%dma_start3A_225 : memref<50176x16xf32, #tpu.memory_space<vmem_shared>>) offsets(%arg14 : memref<400xi32, #tpu.memory_space<vmem>>) semaphore(%arg22 : memref<!tpu.dma_semaphore, #tpu.memory_space<semaphore_mem>>) {add = true}
    }
    %while3A_25 = arith.constant 1 : i32
    scf.for %while3A_153 = %while3A_23 to %while3A_19 step %while3A_25  : i32 {
      %gt3A = arith.constant 0 : i32
      %gt3A_154 = arith.cmpi sgt, %while3A_153, %gt3A : i32
      %convert_element_type3A = arith.extui %gt3A_154 : i1 to i32
      %cond3A = arith.constant 0 : i32
      %cond3A_155 = arith.cmpi ne, %convert_element_type3A, %cond3A : i32
      scf.if %cond3A_155 {
        %dma_wait3A_226 = arith.constant 0 : i32
        %dma_wait3A_227 = arith.constant 0 : i32
        %dma_wait3A_228 = tpu.memref_slice %arg18[%dma_wait3A_226, %dma_wait3A_227] : memref<50176x16xf32, #tpu.memory_space<vmem_shared>> -> memref<50176x16xf32, #tpu.memory_space<vmem_shared>>
        tpu.wait_indirect_dma semaphore(%arg21 : memref<!tpu.dma_semaphore, #tpu.memory_space<semaphore_mem>>) src(%arg16 : memref<400x16xf32, #tpu.memory_space<vmem>>) dst(%dma_wait3A_228 : memref<50176x16xf32, #tpu.memory_space<vmem_shared>>)
      } else {
      }
      %mul3A_156 = arith.constant 2 : i32
      %mul3A_157 = arith.muli %mul3A_156, %while3A_153 : i32
      %add3A_158 = arith.constant 0 : i32
      %add3A_159 = arith.addi %mul3A_157, %add3A_158 : i32
      %mul3A_160 = arith.constant 400 : i32
      %mul3A_161 = arith.muli %add3A_159, %mul3A_160 : i32
      %multiple_of3A_162 = tpu.assume_multiple %mul3A_161, 8 : i32
      %dma_start3A = tpu.memref_slice %arg15[%multiple_of3A_162] : memref<40000xi32, #tpu.memory_space<vmem>> -> memref<400xi32, #tpu.memory_space<vmem>>
      %dma_start3A_163 = arith.constant 0 : i32
      %dma_start3A_164 = arith.constant 0 : i32
      %dma_start3A_165 = tpu.memref_slice %arg2[%dma_start3A_163, %dma_start3A_164] : memref<50176x16xf32, #tpu.memory_space<hbm>> -> memref<50176x16xf32, #tpu.memory_space<hbm>>
      tpu.enqueue_indirect_dma source(%dma_start3A_165 : memref<50176x16xf32, #tpu.memory_space<hbm>>) target(%arg16 : memref<400x16xf32, #tpu.memory_space<vmem>>) offsets(%dma_start3A : memref<400xi32, #tpu.memory_space<vmem>>) semaphore(%arg19 : memref<!tpu.dma_semaphore, #tpu.memory_space<semaphore_mem>>)
      %gt3A_166 = arith.constant 0 : i32
      %gt3A_167 = arith.cmpi sgt, %while3A_153, %gt3A_166 : i32
      %convert_element_type3A_168 = arith.extui %gt3A_167 : i1 to i32
      %cond3A_169 = arith.constant 0 : i32
      %cond3A_170 = arith.cmpi ne, %convert_element_type3A_168, %cond3A_169 : i32
      scf.if %cond3A_170 {
        %dma_wait3A_226 = arith.constant 0 : i32
        %dma_wait3A_227 = arith.constant 0 : i32
        %dma_wait3A_228 = tpu.memref_slice %arg18[%dma_wait3A_226, %dma_wait3A_227] : memref<50176x16xf32, #tpu.memory_space<vmem_shared>> -> memref<50176x16xf32, #tpu.memory_space<vmem_shared>>
        tpu.wait_indirect_dma semaphore(%arg22 : memref<!tpu.dma_semaphore, #tpu.memory_space<semaphore_mem>>) src(%arg17 : memref<400x16xf32, #tpu.memory_space<vmem>>) dst(%dma_wait3A_228 : memref<50176x16xf32, #tpu.memory_space<vmem_shared>>)
      } else {
      }
      %mul3A_171 = arith.constant 2 : i32
      %mul3A_172 = arith.muli %mul3A_171, %while3A_153 : i32
      %add3A_173 = arith.constant 1 : i32
      %add3A_174 = arith.addi %mul3A_172, %add3A_173 : i32
      %mul3A_175 = arith.constant 400 : i32
      %mul3A_176 = arith.muli %add3A_174, %mul3A_175 : i32
      %multiple_of3A_177 = tpu.assume_multiple %mul3A_176, 8 : i32
      %dma_start3A_178 = tpu.memref_slice %arg15[%multiple_of3A_177] : memref<40000xi32, #tpu.memory_space<vmem>> -> memref<400xi32, #tpu.memory_space<vmem>>
      %dma_start3A_179 = arith.constant 0 : i32
      %dma_start3A_180 = arith.constant 0 : i32
      %dma_start3A_181 = tpu.memref_slice %arg2[%dma_start3A_179, %dma_start3A_180] : memref<50176x16xf32, #tpu.memory_space<hbm>> -> memref<50176x16xf32, #tpu.memory_space<hbm>>
      tpu.enqueue_indirect_dma source(%dma_start3A_181 : memref<50176x16xf32, #tpu.memory_space<hbm>>) target(%arg17 : memref<400x16xf32, #tpu.memory_space<vmem>>) offsets(%dma_start3A_178 : memref<400xi32, #tpu.memory_space<vmem>>) semaphore(%arg20 : memref<!tpu.dma_semaphore, #tpu.memory_space<semaphore_mem>>)
      %mul3A_182 = arith.constant 2 : i32
      %mul3A_183 = arith.muli %mul3A_182, %while3A_153 : i32
      %add3A_184 = arith.constant 0 : i32
      %add3A_185 = arith.addi %mul3A_183, %add3A_184 : i32
      %mul3A_186 = arith.constant 400 : i32
      %mul3A_187 = arith.muli %add3A_185, %mul3A_186 : i32
      %add3A_188 = arith.addi %multiple_of3A, %mul3A_187 : i32
      %multiple_of3A_189 = tpu.assume_multiple %add3A_188, 8 : i32
      "tpu.region"() ({
        %run_scoped3A_226 = tpu.sem_alloc : memref<!tpu.dma_semaphore, #tpu.memory_space<semaphore_mem>>
        %dma_start3A_227 = tpu.memref_slice %arg10[%multiple_of3A_189] : memref<848000xi32, #tpu.memory_space<hbm>> -> memref<400xi32, #tpu.memory_space<hbm>>
        %dma_start3A_228 = tpu.memref_slice %arg10[%multiple_of3A_189] : memref<848000xi32, #tpu.memory_space<hbm>> -> memref<400xi32, #tpu.memory_space<hbm>>
        tpu.enqueue_dma source(%dma_start3A_228 : memref<400xi32, #tpu.memory_space<hbm>>) target(%arg13 : memref<400xi32, #tpu.memory_space<vmem>>) target_semaphore(%run_scoped3A_226 : memref<!tpu.dma_semaphore, #tpu.memory_space<semaphore_mem>>)
        %dma_wait3A_229 = tpu.memref_slice %arg10[%multiple_of3A_189] : memref<848000xi32, #tpu.memory_space<hbm>> -> memref<400xi32, #tpu.memory_space<hbm>>
        %dma_wait3A_230 = tpu.memref_slice %arg10[%multiple_of3A_189] : memref<848000xi32, #tpu.memory_space<hbm>> -> memref<400xi32, #tpu.memory_space<hbm>>
        tpu.wait_dma2 semaphore(%run_scoped3A_226 : memref<!tpu.dma_semaphore, #tpu.memory_space<semaphore_mem>>) src(%dma_wait3A_230 : memref<400xi32, #tpu.memory_space<hbm>>) dst(%arg13 : memref<400xi32, #tpu.memory_space<vmem>>)
        tpu.yield
      }) : () -> ()
      %mul3A_190 = arith.constant 2 : i32
      %mul3A_191 = arith.muli %mul3A_190, %while3A_153 : i32
      %add3A_192 = arith.constant 1 : i32
      %add3A_193 = arith.addi %mul3A_191, %add3A_192 : i32
      %mul3A_194 = arith.constant 400 : i32
      %mul3A_195 = arith.muli %add3A_193, %mul3A_194 : i32
      %add3A_196 = arith.addi %multiple_of3A, %mul3A_195 : i32
      %multiple_of3A_197 = tpu.assume_multiple %add3A_196, 8 : i32
      "tpu.region"() ({
        %run_scoped3A_226 = tpu.sem_alloc : memref<!tpu.dma_semaphore, #tpu.memory_space<semaphore_mem>>
        %dma_start3A_227 = tpu.memref_slice %arg10[%multiple_of3A_197] : memref<848000xi32, #tpu.memory_space<hbm>> -> memref<400xi32, #tpu.memory_space<hbm>>
        %dma_start3A_228 = tpu.memref_slice %arg10[%multiple_of3A_197] : memref<848000xi32, #tpu.memory_space<hbm>> -> memref<400xi32, #tpu.memory_space<hbm>>
        tpu.enqueue_dma source(%dma_start3A_228 : memref<400xi32, #tpu.memory_space<hbm>>) target(%arg14 : memref<400xi32, #tpu.memory_space<vmem>>) target_semaphore(%run_scoped3A_226 : memref<!tpu.dma_semaphore, #tpu.memory_space<semaphore_mem>>)
        %dma_wait3A_229 = tpu.memref_slice %arg10[%multiple_of3A_197] : memref<848000xi32, #tpu.memory_space<hbm>> -> memref<400xi32, #tpu.memory_space<hbm>>
        %dma_wait3A_230 = tpu.memref_slice %arg10[%multiple_of3A_197] : memref<848000xi32, #tpu.memory_space<hbm>> -> memref<400xi32, #tpu.memory_space<hbm>>
        tpu.wait_dma2 semaphore(%run_scoped3A_226 : memref<!tpu.dma_semaphore, #tpu.memory_space<semaphore_mem>>) src(%dma_wait3A_230 : memref<400xi32, #tpu.memory_space<hbm>>) dst(%arg14 : memref<400xi32, #tpu.memory_space<vmem>>)
        tpu.yield
      }) : () -> ()
      %mul3A_198 = arith.constant 2 : i32
      %mul3A_199 = arith.muli %mul3A_198, %while3A_153 : i32
      %add3A_200 = arith.constant 0 : i32
      %add3A_201 = arith.addi %mul3A_199, %add3A_200 : i32
      %mul3A_202 = arith.constant 400 : i32
      %mul3A_203 = arith.muli %add3A_201, %mul3A_202 : i32
      %multiple_of3A_204 = tpu.assume_multiple %mul3A_203, 8 : i32
      %dma_wait3A_205 = tpu.memref_slice %arg15[%multiple_of3A_204] : memref<40000xi32, #tpu.memory_space<vmem>> -> memref<400xi32, #tpu.memory_space<vmem>>
      %dma_wait3A_206 = arith.constant 0 : i32
      %dma_wait3A_207 = arith.constant 0 : i32
      %dma_wait3A_208 = tpu.memref_slice %arg2[%dma_wait3A_206, %dma_wait3A_207] : memref<50176x16xf32, #tpu.memory_space<hbm>> -> memref<50176x16xf32, #tpu.memory_space<hbm>>
      tpu.wait_indirect_dma semaphore(%arg19 : memref<!tpu.dma_semaphore, #tpu.memory_space<semaphore_mem>>) src(%dma_wait3A_208 : memref<50176x16xf32, #tpu.memory_space<hbm>>) dst(%arg16 : memref<400x16xf32, #tpu.memory_space<vmem>>)
      %dma_start3A_209 = arith.constant 0 : i32
      %dma_start3A_210 = arith.constant 0 : i32
      %dma_start3A_211 = tpu.memref_slice %arg18[%dma_start3A_209, %dma_start3A_210] : memref<50176x16xf32, #tpu.memory_space<vmem_shared>> -> memref<50176x16xf32, #tpu.memory_space<vmem_shared>>
      tpu.enqueue_indirect_dma source(%arg16 : memref<400x16xf32, #tpu.memory_space<vmem>>) target(%dma_start3A_211 : memref<50176x16xf32, #tpu.memory_space<vmem_shared>>) offsets(%arg13 : memref<400xi32, #tpu.memory_space<vmem>>) semaphore(%arg21 : memref<!tpu.dma_semaphore, #tpu.memory_space<semaphore_mem>>) {add = true}
      %mul3A_212 = arith.constant 2 : i32
      %mul3A_213 = arith.muli %mul3A_212, %while3A_153 : i32
      %add3A_214 = arith.constant 1 : i32
      %add3A_215 = arith.addi %mul3A_213, %add3A_214 : i32
      %mul3A_216 = arith.constant 400 : i32
      %mul3A_217 = arith.muli %add3A_215, %mul3A_216 : i32
      %multiple_of3A_218 = tpu.assume_multiple %mul3A_217, 8 : i32
      %dma_wait3A_219 = tpu.memref_slice %arg15[%multiple_of3A_218] : memref<40000xi32, #tpu.memory_space<vmem>> -> memref<400xi32, #tpu.memory_space<vmem>>
      %dma_wait3A_220 = arith.constant 0 : i32
      %dma_wait3A_221 = arith.constant 0 : i32
      %dma_wait3A_222 = tpu.memref_slice %arg2[%dma_wait3A_220, %dma_wait3A_221] : memref<50176x16xf32, #tpu.memory_space<hbm>> -> memref<50176x16xf32, #tpu.memory_space<hbm>>
      tpu.wait_indirect_dma semaphore(%arg20 : memref<!tpu.dma_semaphore, #tpu.memory_space<semaphore_mem>>) src(%dma_wait3A_222 : memref<50176x16xf32, #tpu.memory_space<hbm>>) dst(%arg17 : memref<400x16xf32, #tpu.memory_space<vmem>>)
      %dma_start3A_223 = arith.constant 0 : i32
      %dma_start3A_224 = arith.constant 0 : i32
      %dma_start3A_225 = tpu.memref_slice %arg18[%dma_start3A_223, %dma_start3A_224] : memref<50176x16xf32, #tpu.memory_space<vmem_shared>> -> memref<50176x16xf32, #tpu.memory_space<vmem_shared>>
      tpu.enqueue_indirect_dma source(%arg17 : memref<400x16xf32, #tpu.memory_space<vmem>>) target(%dma_start3A_225 : memref<50176x16xf32, #tpu.memory_space<vmem_shared>>) offsets(%arg14 : memref<400xi32, #tpu.memory_space<vmem>>) semaphore(%arg22 : memref<!tpu.dma_semaphore, #tpu.memory_space<semaphore_mem>>) {add = true}
    }
    %dma_wait3A = arith.constant 0 : i32
    %dma_wait3A_26 = arith.constant 0 : i32
    %dma_wait3A_27 = tpu.memref_slice %arg18[%dma_wait3A, %dma_wait3A_26] : memref<50176x16xf32, #tpu.memory_space<vmem_shared>> -> memref<50176x16xf32, #tpu.memory_space<vmem_shared>>
    tpu.wait_indirect_dma semaphore(%arg21 : memref<!tpu.dma_semaphore, #tpu.memory_space<semaphore_mem>>) src(%arg16 : memref<400x16xf32, #tpu.memory_space<vmem>>) dst(%dma_wait3A_27 : memref<50176x16xf32, #tpu.memory_space<vmem_shared>>)
    %dma_wait3A_28 = arith.constant 0 : i32
    %dma_wait3A_29 = arith.constant 0 : i32
    %dma_wait3A_30 = tpu.memref_slice %arg18[%dma_wait3A_28, %dma_wait3A_29] : memref<50176x16xf32, #tpu.memory_space<vmem_shared>> -> memref<50176x16xf32, #tpu.memory_space<vmem_shared>>
    tpu.wait_indirect_dma semaphore(%arg22 : memref<!tpu.dma_semaphore, #tpu.memory_space<semaphore_mem>>) src(%arg17 : memref<400x16xf32, #tpu.memory_space<vmem>>) dst(%dma_wait3A_30 : memref<50176x16xf32, #tpu.memory_space<vmem_shared>>)
    %barrier3A_31 = arith.constant 0 : index
    tpu.barrier barrier_id(%barrier3A_31)
    %run_scoped3A = arith.constant 0 : i32
    "tpu.region"() ({
      %run_scoped3A_153 = tpu.sem_alloc : memref<!tpu.dma_semaphore, #tpu.memory_space<semaphore_mem>>
      %dma_start3A = arith.constant 0 : i32
      %dma_start3A_154 = arith.constant 0 : i32
      %dma_start3A_155 = arith.constant 0 : i32
      %dma_start3A_156 = tpu.memref_slice %arg12[%arg0, %dma_start3A, %dma_start3A_154, %dma_start3A_155] : memref<2x7x50176x16xf32, #tpu.memory_space<hbm>> -> memref<1x7x50176x16xf32, #tpu.memory_space<hbm>>
      %dma_start3A_157 = tpu.memref_squeeze %dma_start3A_156 : memref<1x7x50176x16xf32, #tpu.memory_space<hbm>> -> memref<7x50176x16xf32, #tpu.memory_space<hbm>>
      %dma_start3A_158 = arith.constant 0 : i32
      %dma_start3A_159 = arith.constant 0 : i32
      %dma_start3A_160 = tpu.memref_slice %dma_start3A_157[%run_scoped3A, %dma_start3A_158, %dma_start3A_159] : memref<7x50176x16xf32, #tpu.memory_space<hbm>> -> memref<1x50176x16xf32, #tpu.memory_space<hbm>>
      %dma_start3A_161 = tpu.memref_squeeze %dma_start3A_160 : memref<1x50176x16xf32, #tpu.memory_space<hbm>> -> memref<50176x16xf32, #tpu.memory_space<hbm>>
      %dma_start3A_162 = arith.constant 0 : i32
      %dma_start3A_163 = tpu.memref_slice %dma_start3A_161[%multiple_of3A_16, %dma_start3A_162] : memref<50176x16xf32, #tpu.memory_space<hbm>> -> memref<3136x16xf32, #tpu.memory_space<hbm>>
      %dma_start3A_164 = arith.constant 0 : i32
      %dma_start3A_165 = tpu.memref_slice %arg18[%multiple_of3A_16, %dma_start3A_164] : memref<50176x16xf32, #tpu.memory_space<vmem_shared>> -> memref<3136x16xf32, #tpu.memory_space<vmem_shared>>
      tpu.enqueue_dma source(%dma_start3A_165 : memref<3136x16xf32, #tpu.memory_space<vmem_shared>>) target(%dma_start3A_163 : memref<3136x16xf32, #tpu.memory_space<hbm>>) target_semaphore(%run_scoped3A_153 : memref<!tpu.dma_semaphore, #tpu.memory_space<semaphore_mem>>)
      %dma_wait3A_166 = arith.constant 0 : i32
      %dma_wait3A_167 = arith.constant 0 : i32
      %dma_wait3A_168 = arith.constant 0 : i32
      %dma_wait3A_169 = tpu.memref_slice %arg12[%arg0, %dma_wait3A_166, %dma_wait3A_167, %dma_wait3A_168] : memref<2x7x50176x16xf32, #tpu.memory_space<hbm>> -> memref<1x7x50176x16xf32, #tpu.memory_space<hbm>>
      %dma_wait3A_170 = tpu.memref_squeeze %dma_wait3A_169 : memref<1x7x50176x16xf32, #tpu.memory_space<hbm>> -> memref<7x50176x16xf32, #tpu.memory_space<hbm>>
      %dma_wait3A_171 = arith.constant 0 : i32
      %dma_wait3A_172 = arith.constant 0 : i32
      %dma_wait3A_173 = tpu.memref_slice %dma_wait3A_170[%run_scoped3A, %dma_wait3A_171, %dma_wait3A_172] : memref<7x50176x16xf32, #tpu.memory_space<hbm>> -> memref<1x50176x16xf32, #tpu.memory_space<hbm>>
      %dma_wait3A_174 = tpu.memref_squeeze %dma_wait3A_173 : memref<1x50176x16xf32, #tpu.memory_space<hbm>> -> memref<50176x16xf32, #tpu.memory_space<hbm>>
      %dma_wait3A_175 = arith.constant 0 : i32
      %dma_wait3A_176 = tpu.memref_slice %dma_wait3A_174[%multiple_of3A_16, %dma_wait3A_175] : memref<50176x16xf32, #tpu.memory_space<hbm>> -> memref<3136x16xf32, #tpu.memory_space<hbm>>
      %dma_wait3A_177 = arith.constant 0 : i32
      %dma_wait3A_178 = tpu.memref_slice %arg18[%multiple_of3A_16, %dma_wait3A_177] : memref<50176x16xf32, #tpu.memory_space<vmem_shared>> -> memref<3136x16xf32, #tpu.memory_space<vmem_shared>>
      tpu.wait_dma2 semaphore(%run_scoped3A_153 : memref<!tpu.dma_semaphore, #tpu.memory_space<semaphore_mem>>) src(%dma_wait3A_178 : memref<3136x16xf32, #tpu.memory_space<vmem_shared>>) dst(%dma_wait3A_176 : memref<3136x16xf32, #tpu.memory_space<hbm>>)
      tpu.yield
    }) : () -> ()
    %barrier3A_32 = arith.constant 0 : index
    tpu.barrier barrier_id(%barrier3A_32)
    "tpu.region"() ({
      %run_scoped3A_153 = tpu.sem_alloc : memref<!tpu.dma_semaphore, #tpu.memory_space<semaphore_mem>>
      %dma_start3A = arith.constant 0 : i32
      %dma_start3A_154 = tpu.memref_slice %arg18[%multiple_of3A_16, %dma_start3A] : memref<50176x16xf32, #tpu.memory_space<vmem_shared>> -> memref<3136x16xf32, #tpu.memory_space<vmem_shared>>
      %dma_start3A_155 = arith.constant 0 : i32
      %dma_start3A_156 = tpu.memref_slice %arg11[%multiple_of3A_16, %dma_start3A_155] : memref<50176x16xf32, #tpu.memory_space<hbm>> -> memref<3136x16xf32, #tpu.memory_space<hbm>>
      tpu.enqueue_dma source(%dma_start3A_156 : memref<3136x16xf32, #tpu.memory_space<hbm>>) target(%dma_start3A_154 : memref<3136x16xf32, #tpu.memory_space<vmem_shared>>) target_semaphore(%run_scoped3A_153 : memref<!tpu.dma_semaphore, #tpu.memory_space<semaphore_mem>>)
      %dma_wait3A_157 = arith.constant 0 : i32
      %dma_wait3A_158 = tpu.memref_slice %arg18[%multiple_of3A_16, %dma_wait3A_157] : memref<50176x16xf32, #tpu.memory_space<vmem_shared>> -> memref<3136x16xf32, #tpu.memory_space<vmem_shared>>
      %dma_wait3A_159 = arith.constant 0 : i32
      %dma_wait3A_160 = tpu.memref_slice %arg11[%multiple_of3A_16, %dma_wait3A_159] : memref<50176x16xf32, #tpu.memory_space<hbm>> -> memref<3136x16xf32, #tpu.memory_space<hbm>>
      tpu.wait_dma2 semaphore(%run_scoped3A_153 : memref<!tpu.dma_semaphore, #tpu.memory_space<semaphore_mem>>) src(%dma_wait3A_160 : memref<3136x16xf32, #tpu.memory_space<hbm>>) dst(%dma_wait3A_158 : memref<3136x16xf32, #tpu.memory_space<vmem_shared>>)
      tpu.yield
    }) : () -> ()
    %barrier3A_33 = arith.constant 0 : index
    tpu.barrier barrier_id(%barrier3A_33)
    %while3A_34 = arith.constant 0 : i32
    %while3A_35 = arith.constant 0 : i32
    %while3A_36 = arith.subi %select_n3A_8, %while3A_35 : i32
    %while3A_37 = arith.addi %while3A_35, %while3A_36 : i32
    %while3A_38 = arith.constant 1 : i32
    %while3A_39 = arith.divsi %while3A_36, %while3A_38 : i32
    %while3A_40 = arith.muli %while3A_39, %while3A_38 : i32
    %while3A_41 = arith.addi %while3A_35, %while3A_40 : i32
    %while3A_42 = arith.constant 1 : i32
    scf.for %while3A_153 = %while3A_35 to %while3A_41 step %while3A_42  : i32 {
      %gt3A = arith.constant 0 : i32
      %gt3A_154 = arith.cmpi sgt, %while3A_153, %gt3A : i32
      %convert_element_type3A = arith.extui %gt3A_154 : i1 to i32
      %cond3A = arith.constant 0 : i32
      %cond3A_155 = arith.cmpi ne, %convert_element_type3A, %cond3A : i32
      scf.if %cond3A_155 {
        %dma_wait3A_226 = arith.constant 0 : i32
        %dma_wait3A_227 = arith.constant 0 : i32
        %dma_wait3A_228 = tpu.memref_slice %arg18[%dma_wait3A_226, %dma_wait3A_227] : memref<50176x16xf32, #tpu.memory_space<vmem_shared>> -> memref<50176x16xf32, #tpu.memory_space<vmem_shared>>
        tpu.wait_indirect_dma semaphore(%arg21 : memref<!tpu.dma_semaphore, #tpu.memory_space<semaphore_mem>>) src(%arg16 : memref<400x16xf32, #tpu.memory_space<vmem>>) dst(%dma_wait3A_228 : memref<50176x16xf32, #tpu.memory_space<vmem_shared>>)
      } else {
      }
      %mul3A_156 = arith.constant 2 : i32
      %mul3A_157 = arith.muli %mul3A_156, %while3A_153 : i32
      %add3A_158 = arith.constant 0 : i32
      %add3A_159 = arith.addi %mul3A_157, %add3A_158 : i32
      %mul3A_160 = arith.constant 400 : i32
      %mul3A_161 = arith.muli %add3A_159, %mul3A_160 : i32
      %multiple_of3A_162 = tpu.assume_multiple %mul3A_161, 8 : i32
      %dma_start3A = tpu.memref_slice %arg15[%multiple_of3A_162] : memref<40000xi32, #tpu.memory_space<vmem>> -> memref<400xi32, #tpu.memory_space<vmem>>
      %dma_start3A_163 = arith.constant 0 : i32
      %dma_start3A_164 = arith.constant 0 : i32
      %dma_start3A_165 = tpu.memref_slice %arg3[%dma_start3A_163, %dma_start3A_164] : memref<50176x16xf32, #tpu.memory_space<hbm>> -> memref<50176x16xf32, #tpu.memory_space<hbm>>
      tpu.enqueue_indirect_dma source(%dma_start3A_165 : memref<50176x16xf32, #tpu.memory_space<hbm>>) target(%arg16 : memref<400x16xf32, #tpu.memory_space<vmem>>) offsets(%dma_start3A : memref<400xi32, #tpu.memory_space<vmem>>) semaphore(%arg19 : memref<!tpu.dma_semaphore, #tpu.memory_space<semaphore_mem>>)
      %gt3A_166 = arith.constant 0 : i32
      %gt3A_167 = arith.cmpi sgt, %while3A_153, %gt3A_166 : i32
      %convert_element_type3A_168 = arith.extui %gt3A_167 : i1 to i32
      %cond3A_169 = arith.constant 0 : i32
      %cond3A_170 = arith.cmpi ne, %convert_element_type3A_168, %cond3A_169 : i32
      scf.if %cond3A_170 {
        %dma_wait3A_226 = arith.constant 0 : i32
        %dma_wait3A_227 = arith.constant 0 : i32
        %dma_wait3A_228 = tpu.memref_slice %arg18[%dma_wait3A_226, %dma_wait3A_227] : memref<50176x16xf32, #tpu.memory_space<vmem_shared>> -> memref<50176x16xf32, #tpu.memory_space<vmem_shared>>
        tpu.wait_indirect_dma semaphore(%arg22 : memref<!tpu.dma_semaphore, #tpu.memory_space<semaphore_mem>>) src(%arg17 : memref<400x16xf32, #tpu.memory_space<vmem>>) dst(%dma_wait3A_228 : memref<50176x16xf32, #tpu.memory_space<vmem_shared>>)
      } else {
      }
      %mul3A_171 = arith.constant 2 : i32
      %mul3A_172 = arith.muli %mul3A_171, %while3A_153 : i32
      %add3A_173 = arith.constant 1 : i32
      %add3A_174 = arith.addi %mul3A_172, %add3A_173 : i32
      %mul3A_175 = arith.constant 400 : i32
      %mul3A_176 = arith.muli %add3A_174, %mul3A_175 : i32
      %multiple_of3A_177 = tpu.assume_multiple %mul3A_176, 8 : i32
      %dma_start3A_178 = tpu.memref_slice %arg15[%multiple_of3A_177] : memref<40000xi32, #tpu.memory_space<vmem>> -> memref<400xi32, #tpu.memory_space<vmem>>
      %dma_start3A_179 = arith.constant 0 : i32
      %dma_start3A_180 = arith.constant 0 : i32
      %dma_start3A_181 = tpu.memref_slice %arg3[%dma_start3A_179, %dma_start3A_180] : memref<50176x16xf32, #tpu.memory_space<hbm>> -> memref<50176x16xf32, #tpu.memory_space<hbm>>
      tpu.enqueue_indirect_dma source(%dma_start3A_181 : memref<50176x16xf32, #tpu.memory_space<hbm>>) target(%arg17 : memref<400x16xf32, #tpu.memory_space<vmem>>) offsets(%dma_start3A_178 : memref<400xi32, #tpu.memory_space<vmem>>) semaphore(%arg20 : memref<!tpu.dma_semaphore, #tpu.memory_space<semaphore_mem>>)
      %mul3A_182 = arith.constant 2 : i32
      %mul3A_183 = arith.muli %mul3A_182, %while3A_153 : i32
      %add3A_184 = arith.constant 0 : i32
      %add3A_185 = arith.addi %mul3A_183, %add3A_184 : i32
      %mul3A_186 = arith.constant 400 : i32
      %mul3A_187 = arith.muli %add3A_185, %mul3A_186 : i32
      %add3A_188 = arith.addi %multiple_of3A, %mul3A_187 : i32
      %multiple_of3A_189 = tpu.assume_multiple %add3A_188, 8 : i32
      "tpu.region"() ({
        %run_scoped3A_226 = tpu.sem_alloc : memref<!tpu.dma_semaphore, #tpu.memory_space<semaphore_mem>>
        %dma_start3A_227 = tpu.memref_slice %arg10[%multiple_of3A_189] : memref<848000xi32, #tpu.memory_space<hbm>> -> memref<400xi32, #tpu.memory_space<hbm>>
        %dma_start3A_228 = tpu.memref_slice %arg10[%multiple_of3A_189] : memref<848000xi32, #tpu.memory_space<hbm>> -> memref<400xi32, #tpu.memory_space<hbm>>
        tpu.enqueue_dma source(%dma_start3A_228 : memref<400xi32, #tpu.memory_space<hbm>>) target(%arg13 : memref<400xi32, #tpu.memory_space<vmem>>) target_semaphore(%run_scoped3A_226 : memref<!tpu.dma_semaphore, #tpu.memory_space<semaphore_mem>>)
        %dma_wait3A_229 = tpu.memref_slice %arg10[%multiple_of3A_189] : memref<848000xi32, #tpu.memory_space<hbm>> -> memref<400xi32, #tpu.memory_space<hbm>>
        %dma_wait3A_230 = tpu.memref_slice %arg10[%multiple_of3A_189] : memref<848000xi32, #tpu.memory_space<hbm>> -> memref<400xi32, #tpu.memory_space<hbm>>
        tpu.wait_dma2 semaphore(%run_scoped3A_226 : memref<!tpu.dma_semaphore, #tpu.memory_space<semaphore_mem>>) src(%dma_wait3A_230 : memref<400xi32, #tpu.memory_space<hbm>>) dst(%arg13 : memref<400xi32, #tpu.memory_space<vmem>>)
        tpu.yield
      }) : () -> ()
      %mul3A_190 = arith.constant 2 : i32
      %mul3A_191 = arith.muli %mul3A_190, %while3A_153 : i32
      %add3A_192 = arith.constant 1 : i32
      %add3A_193 = arith.addi %mul3A_191, %add3A_192 : i32
      %mul3A_194 = arith.constant 400 : i32
      %mul3A_195 = arith.muli %add3A_193, %mul3A_194 : i32
      %add3A_196 = arith.addi %multiple_of3A, %mul3A_195 : i32
      %multiple_of3A_197 = tpu.assume_multiple %add3A_196, 8 : i32
      "tpu.region"() ({
        %run_scoped3A_226 = tpu.sem_alloc : memref<!tpu.dma_semaphore, #tpu.memory_space<semaphore_mem>>
        %dma_start3A_227 = tpu.memref_slice %arg10[%multiple_of3A_197] : memref<848000xi32, #tpu.memory_space<hbm>> -> memref<400xi32, #tpu.memory_space<hbm>>
        %dma_start3A_228 = tpu.memref_slice %arg10[%multiple_of3A_197] : memref<848000xi32, #tpu.memory_space<hbm>> -> memref<400xi32, #tpu.memory_space<hbm>>
        tpu.enqueue_dma source(%dma_start3A_228 : memref<400xi32, #tpu.memory_space<hbm>>) target(%arg14 : memref<400xi32, #tpu.memory_space<vmem>>) target_semaphore(%run_scoped3A_226 : memref<!tpu.dma_semaphore, #tpu.memory_space<semaphore_mem>>)
        %dma_wait3A_229 = tpu.memref_slice %arg10[%multiple_of3A_197] : memref<848000xi32, #tpu.memory_space<hbm>> -> memref<400xi32, #tpu.memory_space<hbm>>
        %dma_wait3A_230 = tpu.memref_slice %arg10[%multiple_of3A_197] : memref<848000xi32, #tpu.memory_space<hbm>> -> memref<400xi32, #tpu.memory_space<hbm>>
        tpu.wait_dma2 semaphore(%run_scoped3A_226 : memref<!tpu.dma_semaphore, #tpu.memory_space<semaphore_mem>>) src(%dma_wait3A_230 : memref<400xi32, #tpu.memory_space<hbm>>) dst(%arg14 : memref<400xi32, #tpu.memory_space<vmem>>)
        tpu.yield
      }) : () -> ()
      %mul3A_198 = arith.constant 2 : i32
      %mul3A_199 = arith.muli %mul3A_198, %while3A_153 : i32
      %add3A_200 = arith.constant 0 : i32
      %add3A_201 = arith.addi %mul3A_199, %add3A_200 : i32
      %mul3A_202 = arith.constant 400 : i32
      %mul3A_203 = arith.muli %add3A_201, %mul3A_202 : i32
      %multiple_of3A_204 = tpu.assume_multiple %mul3A_203, 8 : i32
      %dma_wait3A_205 = tpu.memref_slice %arg15[%multiple_of3A_204] : memref<40000xi32, #tpu.memory_space<vmem>> -> memref<400xi32, #tpu.memory_space<vmem>>
      %dma_wait3A_206 = arith.constant 0 : i32
      %dma_wait3A_207 = arith.constant 0 : i32
      %dma_wait3A_208 = tpu.memref_slice %arg3[%dma_wait3A_206, %dma_wait3A_207] : memref<50176x16xf32, #tpu.memory_space<hbm>> -> memref<50176x16xf32, #tpu.memory_space<hbm>>
      tpu.wait_indirect_dma semaphore(%arg19 : memref<!tpu.dma_semaphore, #tpu.memory_space<semaphore_mem>>) src(%dma_wait3A_208 : memref<50176x16xf32, #tpu.memory_space<hbm>>) dst(%arg16 : memref<400x16xf32, #tpu.memory_space<vmem>>)
      %dma_start3A_209 = arith.constant 0 : i32
      %dma_start3A_210 = arith.constant 0 : i32
      %dma_start3A_211 = tpu.memref_slice %arg18[%dma_start3A_209, %dma_start3A_210] : memref<50176x16xf32, #tpu.memory_space<vmem_shared>> -> memref<50176x16xf32, #tpu.memory_space<vmem_shared>>
      tpu.enqueue_indirect_dma source(%arg16 : memref<400x16xf32, #tpu.memory_space<vmem>>) target(%dma_start3A_211 : memref<50176x16xf32, #tpu.memory_space<vmem_shared>>) offsets(%arg13 : memref<400xi32, #tpu.memory_space<vmem>>) semaphore(%arg21 : memref<!tpu.dma_semaphore, #tpu.memory_space<semaphore_mem>>) {add = true}
      %mul3A_212 = arith.constant 2 : i32
      %mul3A_213 = arith.muli %mul3A_212, %while3A_153 : i32
      %add3A_214 = arith.constant 1 : i32
      %add3A_215 = arith.addi %mul3A_213, %add3A_214 : i32
      %mul3A_216 = arith.constant 400 : i32
      %mul3A_217 = arith.muli %add3A_215, %mul3A_216 : i32
      %multiple_of3A_218 = tpu.assume_multiple %mul3A_217, 8 : i32
      %dma_wait3A_219 = tpu.memref_slice %arg15[%multiple_of3A_218] : memref<40000xi32, #tpu.memory_space<vmem>> -> memref<400xi32, #tpu.memory_space<vmem>>
      %dma_wait3A_220 = arith.constant 0 : i32
      %dma_wait3A_221 = arith.constant 0 : i32
      %dma_wait3A_222 = tpu.memref_slice %arg3[%dma_wait3A_220, %dma_wait3A_221] : memref<50176x16xf32, #tpu.memory_space<hbm>> -> memref<50176x16xf32, #tpu.memory_space<hbm>>
      tpu.wait_indirect_dma semaphore(%arg20 : memref<!tpu.dma_semaphore, #tpu.memory_space<semaphore_mem>>) src(%dma_wait3A_222 : memref<50176x16xf32, #tpu.memory_space<hbm>>) dst(%arg17 : memref<400x16xf32, #tpu.memory_space<vmem>>)
      %dma_start3A_223 = arith.constant 0 : i32
      %dma_start3A_224 = arith.constant 0 : i32
      %dma_start3A_225 = tpu.memref_slice %arg18[%dma_start3A_223, %dma_start3A_224] : memref<50176x16xf32, #tpu.memory_space<vmem_shared>> -> memref<50176x16xf32, #tpu.memory_space<vmem_shared>>
      tpu.enqueue_indirect_dma source(%arg17 : memref<400x16xf32, #tpu.memory_space<vmem>>) target(%dma_start3A_225 : memref<50176x16xf32, #tpu.memory_space<vmem_shared>>) offsets(%arg14 : memref<400xi32, #tpu.memory_space<vmem>>) semaphore(%arg22 : memref<!tpu.dma_semaphore, #tpu.memory_space<semaphore_mem>>) {add = true}
    }
    %while3A_43 = arith.constant 1 : i32
    scf.for %while3A_153 = %while3A_41 to %while3A_37 step %while3A_43  : i32 {
      %gt3A = arith.constant 0 : i32
      %gt3A_154 = arith.cmpi sgt, %while3A_153, %gt3A : i32
      %convert_element_type3A = arith.extui %gt3A_154 : i1 to i32
      %cond3A = arith.constant 0 : i32
      %cond3A_155 = arith.cmpi ne, %convert_element_type3A, %cond3A : i32
      scf.if %cond3A_155 {
        %dma_wait3A_226 = arith.constant 0 : i32
        %dma_wait3A_227 = arith.constant 0 : i32
        %dma_wait3A_228 = tpu.memref_slice %arg18[%dma_wait3A_226, %dma_wait3A_227] : memref<50176x16xf32, #tpu.memory_space<vmem_shared>> -> memref<50176x16xf32, #tpu.memory_space<vmem_shared>>
        tpu.wait_indirect_dma semaphore(%arg21 : memref<!tpu.dma_semaphore, #tpu.memory_space<semaphore_mem>>) src(%arg16 : memref<400x16xf32, #tpu.memory_space<vmem>>) dst(%dma_wait3A_228 : memref<50176x16xf32, #tpu.memory_space<vmem_shared>>)
      } else {
      }
      %mul3A_156 = arith.constant 2 : i32
      %mul3A_157 = arith.muli %mul3A_156, %while3A_153 : i32
      %add3A_158 = arith.constant 0 : i32
      %add3A_159 = arith.addi %mul3A_157, %add3A_158 : i32
      %mul3A_160 = arith.constant 400 : i32
      %mul3A_161 = arith.muli %add3A_159, %mul3A_160 : i32
      %multiple_of3A_162 = tpu.assume_multiple %mul3A_161, 8 : i32
      %dma_start3A = tpu.memref_slice %arg15[%multiple_of3A_162] : memref<40000xi32, #tpu.memory_space<vmem>> -> memref<400xi32, #tpu.memory_space<vmem>>
      %dma_start3A_163 = arith.constant 0 : i32
      %dma_start3A_164 = arith.constant 0 : i32
      %dma_start3A_165 = tpu.memref_slice %arg3[%dma_start3A_163, %dma_start3A_164] : memref<50176x16xf32, #tpu.memory_space<hbm>> -> memref<50176x16xf32, #tpu.memory_space<hbm>>
      tpu.enqueue_indirect_dma source(%dma_start3A_165 : memref<50176x16xf32, #tpu.memory_space<hbm>>) target(%arg16 : memref<400x16xf32, #tpu.memory_space<vmem>>) offsets(%dma_start3A : memref<400xi32, #tpu.memory_space<vmem>>) semaphore(%arg19 : memref<!tpu.dma_semaphore, #tpu.memory_space<semaphore_mem>>)
      %gt3A_166 = arith.constant 0 : i32
      %gt3A_167 = arith.cmpi sgt, %while3A_153, %gt3A_166 : i32
      %convert_element_type3A_168 = arith.extui %gt3A_167 : i1 to i32
      %cond3A_169 = arith.constant 0 : i32
      %cond3A_170 = arith.cmpi ne, %convert_element_type3A_168, %cond3A_169 : i32
      scf.if %cond3A_170 {
        %dma_wait3A_226 = arith.constant 0 : i32
        %dma_wait3A_227 = arith.constant 0 : i32
        %dma_wait3A_228 = tpu.memref_slice %arg18[%dma_wait3A_226, %dma_wait3A_227] : memref<50176x16xf32, #tpu.memory_space<vmem_shared>> -> memref<50176x16xf32, #tpu.memory_space<vmem_shared>>
        tpu.wait_indirect_dma semaphore(%arg22 : memref<!tpu.dma_semaphore, #tpu.memory_space<semaphore_mem>>) src(%arg17 : memref<400x16xf32, #tpu.memory_space<vmem>>) dst(%dma_wait3A_228 : memref<50176x16xf32, #tpu.memory_space<vmem_shared>>)
      } else {
      }
      %mul3A_171 = arith.constant 2 : i32
      %mul3A_172 = arith.muli %mul3A_171, %while3A_153 : i32
      %add3A_173 = arith.constant 1 : i32
      %add3A_174 = arith.addi %mul3A_172, %add3A_173 : i32
      %mul3A_175 = arith.constant 400 : i32
      %mul3A_176 = arith.muli %add3A_174, %mul3A_175 : i32
      %multiple_of3A_177 = tpu.assume_multiple %mul3A_176, 8 : i32
      %dma_start3A_178 = tpu.memref_slice %arg15[%multiple_of3A_177] : memref<40000xi32, #tpu.memory_space<vmem>> -> memref<400xi32, #tpu.memory_space<vmem>>
      %dma_start3A_179 = arith.constant 0 : i32
      %dma_start3A_180 = arith.constant 0 : i32
      %dma_start3A_181 = tpu.memref_slice %arg3[%dma_start3A_179, %dma_start3A_180] : memref<50176x16xf32, #tpu.memory_space<hbm>> -> memref<50176x16xf32, #tpu.memory_space<hbm>>
      tpu.enqueue_indirect_dma source(%dma_start3A_181 : memref<50176x16xf32, #tpu.memory_space<hbm>>) target(%arg17 : memref<400x16xf32, #tpu.memory_space<vmem>>) offsets(%dma_start3A_178 : memref<400xi32, #tpu.memory_space<vmem>>) semaphore(%arg20 : memref<!tpu.dma_semaphore, #tpu.memory_space<semaphore_mem>>)
      %mul3A_182 = arith.constant 2 : i32
      %mul3A_183 = arith.muli %mul3A_182, %while3A_153 : i32
      %add3A_184 = arith.constant 0 : i32
      %add3A_185 = arith.addi %mul3A_183, %add3A_184 : i32
      %mul3A_186 = arith.constant 400 : i32
      %mul3A_187 = arith.muli %add3A_185, %mul3A_186 : i32
      %add3A_188 = arith.addi %multiple_of3A, %mul3A_187 : i32
      %multiple_of3A_189 = tpu.assume_multiple %add3A_188, 8 : i32
      "tpu.region"() ({
        %run_scoped3A_226 = tpu.sem_alloc : memref<!tpu.dma_semaphore, #tpu.memory_space<semaphore_mem>>
        %dma_start3A_227 = tpu.memref_slice %arg10[%multiple_of3A_189] : memref<848000xi32, #tpu.memory_space<hbm>> -> memref<400xi32, #tpu.memory_space<hbm>>
        %dma_start3A_228 = tpu.memref_slice %arg10[%multiple_of3A_189] : memref<848000xi32, #tpu.memory_space<hbm>> -> memref<400xi32, #tpu.memory_space<hbm>>
        tpu.enqueue_dma source(%dma_start3A_228 : memref<400xi32, #tpu.memory_space<hbm>>) target(%arg13 : memref<400xi32, #tpu.memory_space<vmem>>) target_semaphore(%run_scoped3A_226 : memref<!tpu.dma_semaphore, #tpu.memory_space<semaphore_mem>>)
        %dma_wait3A_229 = tpu.memref_slice %arg10[%multiple_of3A_189] : memref<848000xi32, #tpu.memory_space<hbm>> -> memref<400xi32, #tpu.memory_space<hbm>>
        %dma_wait3A_230 = tpu.memref_slice %arg10[%multiple_of3A_189] : memref<848000xi32, #tpu.memory_space<hbm>> -> memref<400xi32, #tpu.memory_space<hbm>>
        tpu.wait_dma2 semaphore(%run_scoped3A_226 : memref<!tpu.dma_semaphore, #tpu.memory_space<semaphore_mem>>) src(%dma_wait3A_230 : memref<400xi32, #tpu.memory_space<hbm>>) dst(%arg13 : memref<400xi32, #tpu.memory_space<vmem>>)
        tpu.yield
      }) : () -> ()
      %mul3A_190 = arith.constant 2 : i32
      %mul3A_191 = arith.muli %mul3A_190, %while3A_153 : i32
      %add3A_192 = arith.constant 1 : i32
      %add3A_193 = arith.addi %mul3A_191, %add3A_192 : i32
      %mul3A_194 = arith.constant 400 : i32
      %mul3A_195 = arith.muli %add3A_193, %mul3A_194 : i32
      %add3A_196 = arith.addi %multiple_of3A, %mul3A_195 : i32
      %multiple_of3A_197 = tpu.assume_multiple %add3A_196, 8 : i32
      "tpu.region"() ({
        %run_scoped3A_226 = tpu.sem_alloc : memref<!tpu.dma_semaphore, #tpu.memory_space<semaphore_mem>>
        %dma_start3A_227 = tpu.memref_slice %arg10[%multiple_of3A_197] : memref<848000xi32, #tpu.memory_space<hbm>> -> memref<400xi32, #tpu.memory_space<hbm>>
        %dma_start3A_228 = tpu.memref_slice %arg10[%multiple_of3A_197] : memref<848000xi32, #tpu.memory_space<hbm>> -> memref<400xi32, #tpu.memory_space<hbm>>
        tpu.enqueue_dma source(%dma_start3A_228 : memref<400xi32, #tpu.memory_space<hbm>>) target(%arg14 : memref<400xi32, #tpu.memory_space<vmem>>) target_semaphore(%run_scoped3A_226 : memref<!tpu.dma_semaphore, #tpu.memory_space<semaphore_mem>>)
        %dma_wait3A_229 = tpu.memref_slice %arg10[%multiple_of3A_197] : memref<848000xi32, #tpu.memory_space<hbm>> -> memref<400xi32, #tpu.memory_space<hbm>>
        %dma_wait3A_230 = tpu.memref_slice %arg10[%multiple_of3A_197] : memref<848000xi32, #tpu.memory_space<hbm>> -> memref<400xi32, #tpu.memory_space<hbm>>
        tpu.wait_dma2 semaphore(%run_scoped3A_226 : memref<!tpu.dma_semaphore, #tpu.memory_space<semaphore_mem>>) src(%dma_wait3A_230 : memref<400xi32, #tpu.memory_space<hbm>>) dst(%arg14 : memref<400xi32, #tpu.memory_space<vmem>>)
        tpu.yield
      }) : () -> ()
      %mul3A_198 = arith.constant 2 : i32
      %mul3A_199 = arith.muli %mul3A_198, %while3A_153 : i32
      %add3A_200 = arith.constant 0 : i32
      %add3A_201 = arith.addi %mul3A_199, %add3A_200 : i32
      %mul3A_202 = arith.constant 400 : i32
      %mul3A_203 = arith.muli %add3A_201, %mul3A_202 : i32
      %multiple_of3A_204 = tpu.assume_multiple %mul3A_203, 8 : i32
      %dma_wait3A_205 = tpu.memref_slice %arg15[%multiple_of3A_204] : memref<40000xi32, #tpu.memory_space<vmem>> -> memref<400xi32, #tpu.memory_space<vmem>>
      %dma_wait3A_206 = arith.constant 0 : i32
      %dma_wait3A_207 = arith.constant 0 : i32
      %dma_wait3A_208 = tpu.memref_slice %arg3[%dma_wait3A_206, %dma_wait3A_207] : memref<50176x16xf32, #tpu.memory_space<hbm>> -> memref<50176x16xf32, #tpu.memory_space<hbm>>
      tpu.wait_indirect_dma semaphore(%arg19 : memref<!tpu.dma_semaphore, #tpu.memory_space<semaphore_mem>>) src(%dma_wait3A_208 : memref<50176x16xf32, #tpu.memory_space<hbm>>) dst(%arg16 : memref<400x16xf32, #tpu.memory_space<vmem>>)
      %dma_start3A_209 = arith.constant 0 : i32
      %dma_start3A_210 = arith.constant 0 : i32
      %dma_start3A_211 = tpu.memref_slice %arg18[%dma_start3A_209, %dma_start3A_210] : memref<50176x16xf32, #tpu.memory_space<vmem_shared>> -> memref<50176x16xf32, #tpu.memory_space<vmem_shared>>
      tpu.enqueue_indirect_dma source(%arg16 : memref<400x16xf32, #tpu.memory_space<vmem>>) target(%dma_start3A_211 : memref<50176x16xf32, #tpu.memory_space<vmem_shared>>) offsets(%arg13 : memref<400xi32, #tpu.memory_space<vmem>>) semaphore(%arg21 : memref<!tpu.dma_semaphore, #tpu.memory_space<semaphore_mem>>) {add = true}
      %mul3A_212 = arith.constant 2 : i32
      %mul3A_213 = arith.muli %mul3A_212, %while3A_153 : i32
      %add3A_214 = arith.constant 1 : i32
      %add3A_215 = arith.addi %mul3A_213, %add3A_214 : i32
      %mul3A_216 = arith.constant 400 : i32
      %mul3A_217 = arith.muli %add3A_215, %mul3A_216 : i32
      %multiple_of3A_218 = tpu.assume_multiple %mul3A_217, 8 : i32
      %dma_wait3A_219 = tpu.memref_slice %arg15[%multiple_of3A_218] : memref<40000xi32, #tpu.memory_space<vmem>> -> memref<400xi32, #tpu.memory_space<vmem>>
      %dma_wait3A_220 = arith.constant 0 : i32
      %dma_wait3A_221 = arith.constant 0 : i32
      %dma_wait3A_222 = tpu.memref_slice %arg3[%dma_wait3A_220, %dma_wait3A_221] : memref<50176x16xf32, #tpu.memory_space<hbm>> -> memref<50176x16xf32, #tpu.memory_space<hbm>>
      tpu.wait_indirect_dma semaphore(%arg20 : memref<!tpu.dma_semaphore, #tpu.memory_space<semaphore_mem>>) src(%dma_wait3A_222 : memref<50176x16xf32, #tpu.memory_space<hbm>>) dst(%arg17 : memref<400x16xf32, #tpu.memory_space<vmem>>)
      %dma_start3A_223 = arith.constant 0 : i32
      %dma_start3A_224 = arith.constant 0 : i32
      %dma_start3A_225 = tpu.memref_slice %arg18[%dma_start3A_223, %dma_start3A_224] : memref<50176x16xf32, #tpu.memory_space<vmem_shared>> -> memref<50176x16xf32, #tpu.memory_space<vmem_shared>>
      tpu.enqueue_indirect_dma source(%arg17 : memref<400x16xf32, #tpu.memory_space<vmem>>) target(%dma_start3A_225 : memref<50176x16xf32, #tpu.memory_space<vmem_shared>>) offsets(%arg14 : memref<400xi32, #tpu.memory_space<vmem>>) semaphore(%arg22 : memref<!tpu.dma_semaphore, #tpu.memory_space<semaphore_mem>>) {add = true}
    }
    %dma_wait3A_44 = arith.constant 0 : i32
    %dma_wait3A_45 = arith.constant 0 : i32
    %dma_wait3A_46 = tpu.memref_slice %arg18[%dma_wait3A_44, %dma_wait3A_45] : memref<50176x16xf32, #tpu.memory_space<vmem_shared>> -> memref<50176x16xf32, #tpu.memory_space<vmem_shared>>
    tpu.wait_indirect_dma semaphore(%arg21 : memref<!tpu.dma_semaphore, #tpu.memory_space<semaphore_mem>>) src(%arg16 : memref<400x16xf32, #tpu.memory_space<vmem>>) dst(%dma_wait3A_46 : memref<50176x16xf32, #tpu.memory_space<vmem_shared>>)
    %dma_wait3A_47 = arith.constant 0 : i32
    %dma_wait3A_48 = arith.constant 0 : i32
    %dma_wait3A_49 = tpu.memref_slice %arg18[%dma_wait3A_47, %dma_wait3A_48] : memref<50176x16xf32, #tpu.memory_space<vmem_shared>> -> memref<50176x16xf32, #tpu.memory_space<vmem_shared>>
    tpu.wait_indirect_dma semaphore(%arg22 : memref<!tpu.dma_semaphore, #tpu.memory_space<semaphore_mem>>) src(%arg17 : memref<400x16xf32, #tpu.memory_space<vmem>>) dst(%dma_wait3A_49 : memref<50176x16xf32, #tpu.memory_space<vmem_shared>>)
    %barrier3A_50 = arith.constant 0 : index
    tpu.barrier barrier_id(%barrier3A_50)
    %run_scoped3A_51 = arith.constant 1 : i32
    "tpu.region"() ({
      %run_scoped3A_153 = tpu.sem_alloc : memref<!tpu.dma_semaphore, #tpu.memory_space<semaphore_mem>>
      %dma_start3A = arith.constant 0 : i32
      %dma_start3A_154 = arith.constant 0 : i32
      %dma_start3A_155 = arith.constant 0 : i32
      %dma_start3A_156 = tpu.memref_slice %arg12[%arg0, %dma_start3A, %dma_start3A_154, %dma_start3A_155] : memref<2x7x50176x16xf32, #tpu.memory_space<hbm>> -> memref<1x7x50176x16xf32, #tpu.memory_space<hbm>>
      %dma_start3A_157 = tpu.memref_squeeze %dma_start3A_156 : memref<1x7x50176x16xf32, #tpu.memory_space<hbm>> -> memref<7x50176x16xf32, #tpu.memory_space<hbm>>
      %dma_start3A_158 = arith.constant 0 : i32
      %dma_start3A_159 = arith.constant 0 : i32
      %dma_start3A_160 = tpu.memref_slice %dma_start3A_157[%run_scoped3A_51, %dma_start3A_158, %dma_start3A_159] : memref<7x50176x16xf32, #tpu.memory_space<hbm>> -> memref<1x50176x16xf32, #tpu.memory_space<hbm>>
      %dma_start3A_161 = tpu.memref_squeeze %dma_start3A_160 : memref<1x50176x16xf32, #tpu.memory_space<hbm>> -> memref<50176x16xf32, #tpu.memory_space<hbm>>
      %dma_start3A_162 = arith.constant 0 : i32
      %dma_start3A_163 = tpu.memref_slice %dma_start3A_161[%multiple_of3A_16, %dma_start3A_162] : memref<50176x16xf32, #tpu.memory_space<hbm>> -> memref<3136x16xf32, #tpu.memory_space<hbm>>
      %dma_start3A_164 = arith.constant 0 : i32
      %dma_start3A_165 = tpu.memref_slice %arg18[%multiple_of3A_16, %dma_start3A_164] : memref<50176x16xf32, #tpu.memory_space<vmem_shared>> -> memref<3136x16xf32, #tpu.memory_space<vmem_shared>>
      tpu.enqueue_dma source(%dma_start3A_165 : memref<3136x16xf32, #tpu.memory_space<vmem_shared>>) target(%dma_start3A_163 : memref<3136x16xf32, #tpu.memory_space<hbm>>) target_semaphore(%run_scoped3A_153 : memref<!tpu.dma_semaphore, #tpu.memory_space<semaphore_mem>>)
      %dma_wait3A_166 = arith.constant 0 : i32
      %dma_wait3A_167 = arith.constant 0 : i32
      %dma_wait3A_168 = arith.constant 0 : i32
      %dma_wait3A_169 = tpu.memref_slice %arg12[%arg0, %dma_wait3A_166, %dma_wait3A_167, %dma_wait3A_168] : memref<2x7x50176x16xf32, #tpu.memory_space<hbm>> -> memref<1x7x50176x16xf32, #tpu.memory_space<hbm>>
      %dma_wait3A_170 = tpu.memref_squeeze %dma_wait3A_169 : memref<1x7x50176x16xf32, #tpu.memory_space<hbm>> -> memref<7x50176x16xf32, #tpu.memory_space<hbm>>
      %dma_wait3A_171 = arith.constant 0 : i32
      %dma_wait3A_172 = arith.constant 0 : i32
      %dma_wait3A_173 = tpu.memref_slice %dma_wait3A_170[%run_scoped3A_51, %dma_wait3A_171, %dma_wait3A_172] : memref<7x50176x16xf32, #tpu.memory_space<hbm>> -> memref<1x50176x16xf32, #tpu.memory_space<hbm>>
      %dma_wait3A_174 = tpu.memref_squeeze %dma_wait3A_173 : memref<1x50176x16xf32, #tpu.memory_space<hbm>> -> memref<50176x16xf32, #tpu.memory_space<hbm>>
      %dma_wait3A_175 = arith.constant 0 : i32
      %dma_wait3A_176 = tpu.memref_slice %dma_wait3A_174[%multiple_of3A_16, %dma_wait3A_175] : memref<50176x16xf32, #tpu.memory_space<hbm>> -> memref<3136x16xf32, #tpu.memory_space<hbm>>
      %dma_wait3A_177 = arith.constant 0 : i32
      %dma_wait3A_178 = tpu.memref_slice %arg18[%multiple_of3A_16, %dma_wait3A_177] : memref<50176x16xf32, #tpu.memory_space<vmem_shared>> -> memref<3136x16xf32, #tpu.memory_space<vmem_shared>>
      tpu.wait_dma2 semaphore(%run_scoped3A_153 : memref<!tpu.dma_semaphore, #tpu.memory_space<semaphore_mem>>) src(%dma_wait3A_178 : memref<3136x16xf32, #tpu.memory_space<vmem_shared>>) dst(%dma_wait3A_176 : memref<3136x16xf32, #tpu.memory_space<hbm>>)
      tpu.yield
    }) : () -> ()
    %barrier3A_52 = arith.constant 0 : index
    tpu.barrier barrier_id(%barrier3A_52)
    "tpu.region"() ({
      %run_scoped3A_153 = tpu.sem_alloc : memref<!tpu.dma_semaphore, #tpu.memory_space<semaphore_mem>>
      %dma_start3A = arith.constant 0 : i32
      %dma_start3A_154 = tpu.memref_slice %arg18[%multiple_of3A_16, %dma_start3A] : memref<50176x16xf32, #tpu.memory_space<vmem_shared>> -> memref<3136x16xf32, #tpu.memory_space<vmem_shared>>
      %dma_start3A_155 = arith.constant 0 : i32
      %dma_start3A_156 = tpu.memref_slice %arg11[%multiple_of3A_16, %dma_start3A_155] : memref<50176x16xf32, #tpu.memory_space<hbm>> -> memref<3136x16xf32, #tpu.memory_space<hbm>>
      tpu.enqueue_dma source(%dma_start3A_156 : memref<3136x16xf32, #tpu.memory_space<hbm>>) target(%dma_start3A_154 : memref<3136x16xf32, #tpu.memory_space<vmem_shared>>) target_semaphore(%run_scoped3A_153 : memref<!tpu.dma_semaphore, #tpu.memory_space<semaphore_mem>>)
      %dma_wait3A_157 = arith.constant 0 : i32
      %dma_wait3A_158 = tpu.memref_slice %arg18[%multiple_of3A_16, %dma_wait3A_157] : memref<50176x16xf32, #tpu.memory_space<vmem_shared>> -> memref<3136x16xf32, #tpu.memory_space<vmem_shared>>
      %dma_wait3A_159 = arith.constant 0 : i32
      %dma_wait3A_160 = tpu.memref_slice %arg11[%multiple_of3A_16, %dma_wait3A_159] : memref<50176x16xf32, #tpu.memory_space<hbm>> -> memref<3136x16xf32, #tpu.memory_space<hbm>>
      tpu.wait_dma2 semaphore(%run_scoped3A_153 : memref<!tpu.dma_semaphore, #tpu.memory_space<semaphore_mem>>) src(%dma_wait3A_160 : memref<3136x16xf32, #tpu.memory_space<hbm>>) dst(%dma_wait3A_158 : memref<3136x16xf32, #tpu.memory_space<vmem_shared>>)
      tpu.yield
    }) : () -> ()
    %barrier3A_53 = arith.constant 0 : index
    tpu.barrier barrier_id(%barrier3A_53)
    %while3A_54 = arith.constant 0 : i32
    %while3A_55 = arith.constant 0 : i32
    %while3A_56 = arith.subi %select_n3A_8, %while3A_55 : i32
    %while3A_57 = arith.addi %while3A_55, %while3A_56 : i32
    %while3A_58 = arith.constant 1 : i32
    %while3A_59 = arith.divsi %while3A_56, %while3A_58 : i32
    %while3A_60 = arith.muli %while3A_59, %while3A_58 : i32
    %while3A_61 = arith.addi %while3A_55, %while3A_60 : i32
    %while3A_62 = arith.constant 1 : i32
    scf.for %while3A_153 = %while3A_55 to %while3A_61 step %while3A_62  : i32 {
      %gt3A = arith.constant 0 : i32
      %gt3A_154 = arith.cmpi sgt, %while3A_153, %gt3A : i32
      %convert_element_type3A = arith.extui %gt3A_154 : i1 to i32
      %cond3A = arith.constant 0 : i32
      %cond3A_155 = arith.cmpi ne, %convert_element_type3A, %cond3A : i32
      scf.if %cond3A_155 {
        %dma_wait3A_226 = arith.constant 0 : i32
        %dma_wait3A_227 = arith.constant 0 : i32
        %dma_wait3A_228 = tpu.memref_slice %arg18[%dma_wait3A_226, %dma_wait3A_227] : memref<50176x16xf32, #tpu.memory_space<vmem_shared>> -> memref<50176x16xf32, #tpu.memory_space<vmem_shared>>
        tpu.wait_indirect_dma semaphore(%arg21 : memref<!tpu.dma_semaphore, #tpu.memory_space<semaphore_mem>>) src(%arg16 : memref<400x16xf32, #tpu.memory_space<vmem>>) dst(%dma_wait3A_228 : memref<50176x16xf32, #tpu.memory_space<vmem_shared>>)
      } else {
      }
      %mul3A_156 = arith.constant 2 : i32
      %mul3A_157 = arith.muli %mul3A_156, %while3A_153 : i32
      %add3A_158 = arith.constant 0 : i32
      %add3A_159 = arith.addi %mul3A_157, %add3A_158 : i32
      %mul3A_160 = arith.constant 400 : i32
      %mul3A_161 = arith.muli %add3A_159, %mul3A_160 : i32
      %multiple_of3A_162 = tpu.assume_multiple %mul3A_161, 8 : i32
      %dma_start3A = tpu.memref_slice %arg15[%multiple_of3A_162] : memref<40000xi32, #tpu.memory_space<vmem>> -> memref<400xi32, #tpu.memory_space<vmem>>
      %dma_start3A_163 = arith.constant 0 : i32
      %dma_start3A_164 = arith.constant 0 : i32
      %dma_start3A_165 = tpu.memref_slice %arg4[%dma_start3A_163, %dma_start3A_164] : memref<50176x16xf32, #tpu.memory_space<hbm>> -> memref<50176x16xf32, #tpu.memory_space<hbm>>
      tpu.enqueue_indirect_dma source(%dma_start3A_165 : memref<50176x16xf32, #tpu.memory_space<hbm>>) target(%arg16 : memref<400x16xf32, #tpu.memory_space<vmem>>) offsets(%dma_start3A : memref<400xi32, #tpu.memory_space<vmem>>) semaphore(%arg19 : memref<!tpu.dma_semaphore, #tpu.memory_space<semaphore_mem>>)
      %gt3A_166 = arith.constant 0 : i32
      %gt3A_167 = arith.cmpi sgt, %while3A_153, %gt3A_166 : i32
      %convert_element_type3A_168 = arith.extui %gt3A_167 : i1 to i32
      %cond3A_169 = arith.constant 0 : i32
      %cond3A_170 = arith.cmpi ne, %convert_element_type3A_168, %cond3A_169 : i32
      scf.if %cond3A_170 {
        %dma_wait3A_226 = arith.constant 0 : i32
        %dma_wait3A_227 = arith.constant 0 : i32
        %dma_wait3A_228 = tpu.memref_slice %arg18[%dma_wait3A_226, %dma_wait3A_227] : memref<50176x16xf32, #tpu.memory_space<vmem_shared>> -> memref<50176x16xf32, #tpu.memory_space<vmem_shared>>
        tpu.wait_indirect_dma semaphore(%arg22 : memref<!tpu.dma_semaphore, #tpu.memory_space<semaphore_mem>>) src(%arg17 : memref<400x16xf32, #tpu.memory_space<vmem>>) dst(%dma_wait3A_228 : memref<50176x16xf32, #tpu.memory_space<vmem_shared>>)
      } else {
      }
      %mul3A_171 = arith.constant 2 : i32
      %mul3A_172 = arith.muli %mul3A_171, %while3A_153 : i32
      %add3A_173 = arith.constant 1 : i32
      %add3A_174 = arith.addi %mul3A_172, %add3A_173 : i32
      %mul3A_175 = arith.constant 400 : i32
      %mul3A_176 = arith.muli %add3A_174, %mul3A_175 : i32
      %multiple_of3A_177 = tpu.assume_multiple %mul3A_176, 8 : i32
      %dma_start3A_178 = tpu.memref_slice %arg15[%multiple_of3A_177] : memref<40000xi32, #tpu.memory_space<vmem>> -> memref<400xi32, #tpu.memory_space<vmem>>
      %dma_start3A_179 = arith.constant 0 : i32
      %dma_start3A_180 = arith.constant 0 : i32
      %dma_start3A_181 = tpu.memref_slice %arg4[%dma_start3A_179, %dma_start3A_180] : memref<50176x16xf32, #tpu.memory_space<hbm>> -> memref<50176x16xf32, #tpu.memory_space<hbm>>
      tpu.enqueue_indirect_dma source(%dma_start3A_181 : memref<50176x16xf32, #tpu.memory_space<hbm>>) target(%arg17 : memref<400x16xf32, #tpu.memory_space<vmem>>) offsets(%dma_start3A_178 : memref<400xi32, #tpu.memory_space<vmem>>) semaphore(%arg20 : memref<!tpu.dma_semaphore, #tpu.memory_space<semaphore_mem>>)
      %mul3A_182 = arith.constant 2 : i32
      %mul3A_183 = arith.muli %mul3A_182, %while3A_153 : i32
      %add3A_184 = arith.constant 0 : i32
      %add3A_185 = arith.addi %mul3A_183, %add3A_184 : i32
      %mul3A_186 = arith.constant 400 : i32
      %mul3A_187 = arith.muli %add3A_185, %mul3A_186 : i32
      %add3A_188 = arith.addi %multiple_of3A, %mul3A_187 : i32
      %multiple_of3A_189 = tpu.assume_multiple %add3A_188, 8 : i32
      "tpu.region"() ({
        %run_scoped3A_226 = tpu.sem_alloc : memref<!tpu.dma_semaphore, #tpu.memory_space<semaphore_mem>>
        %dma_start3A_227 = tpu.memref_slice %arg10[%multiple_of3A_189] : memref<848000xi32, #tpu.memory_space<hbm>> -> memref<400xi32, #tpu.memory_space<hbm>>
        %dma_start3A_228 = tpu.memref_slice %arg10[%multiple_of3A_189] : memref<848000xi32, #tpu.memory_space<hbm>> -> memref<400xi32, #tpu.memory_space<hbm>>
        tpu.enqueue_dma source(%dma_start3A_228 : memref<400xi32, #tpu.memory_space<hbm>>) target(%arg13 : memref<400xi32, #tpu.memory_space<vmem>>) target_semaphore(%run_scoped3A_226 : memref<!tpu.dma_semaphore, #tpu.memory_space<semaphore_mem>>)
        %dma_wait3A_229 = tpu.memref_slice %arg10[%multiple_of3A_189] : memref<848000xi32, #tpu.memory_space<hbm>> -> memref<400xi32, #tpu.memory_space<hbm>>
        %dma_wait3A_230 = tpu.memref_slice %arg10[%multiple_of3A_189] : memref<848000xi32, #tpu.memory_space<hbm>> -> memref<400xi32, #tpu.memory_space<hbm>>
        tpu.wait_dma2 semaphore(%run_scoped3A_226 : memref<!tpu.dma_semaphore, #tpu.memory_space<semaphore_mem>>) src(%dma_wait3A_230 : memref<400xi32, #tpu.memory_space<hbm>>) dst(%arg13 : memref<400xi32, #tpu.memory_space<vmem>>)
        tpu.yield
      }) : () -> ()
      %mul3A_190 = arith.constant 2 : i32
      %mul3A_191 = arith.muli %mul3A_190, %while3A_153 : i32
      %add3A_192 = arith.constant 1 : i32
      %add3A_193 = arith.addi %mul3A_191, %add3A_192 : i32
      %mul3A_194 = arith.constant 400 : i32
      %mul3A_195 = arith.muli %add3A_193, %mul3A_194 : i32
      %add3A_196 = arith.addi %multiple_of3A, %mul3A_195 : i32
      %multiple_of3A_197 = tpu.assume_multiple %add3A_196, 8 : i32
      "tpu.region"() ({
        %run_scoped3A_226 = tpu.sem_alloc : memref<!tpu.dma_semaphore, #tpu.memory_space<semaphore_mem>>
        %dma_start3A_227 = tpu.memref_slice %arg10[%multiple_of3A_197] : memref<848000xi32, #tpu.memory_space<hbm>> -> memref<400xi32, #tpu.memory_space<hbm>>
        %dma_start3A_228 = tpu.memref_slice %arg10[%multiple_of3A_197] : memref<848000xi32, #tpu.memory_space<hbm>> -> memref<400xi32, #tpu.memory_space<hbm>>
        tpu.enqueue_dma source(%dma_start3A_228 : memref<400xi32, #tpu.memory_space<hbm>>) target(%arg14 : memref<400xi32, #tpu.memory_space<vmem>>) target_semaphore(%run_scoped3A_226 : memref<!tpu.dma_semaphore, #tpu.memory_space<semaphore_mem>>)
        %dma_wait3A_229 = tpu.memref_slice %arg10[%multiple_of3A_197] : memref<848000xi32, #tpu.memory_space<hbm>> -> memref<400xi32, #tpu.memory_space<hbm>>
        %dma_wait3A_230 = tpu.memref_slice %arg10[%multiple_of3A_197] : memref<848000xi32, #tpu.memory_space<hbm>> -> memref<400xi32, #tpu.memory_space<hbm>>
        tpu.wait_dma2 semaphore(%run_scoped3A_226 : memref<!tpu.dma_semaphore, #tpu.memory_space<semaphore_mem>>) src(%dma_wait3A_230 : memref<400xi32, #tpu.memory_space<hbm>>) dst(%arg14 : memref<400xi32, #tpu.memory_space<vmem>>)
        tpu.yield
      }) : () -> ()
      %mul3A_198 = arith.constant 2 : i32
      %mul3A_199 = arith.muli %mul3A_198, %while3A_153 : i32
      %add3A_200 = arith.constant 0 : i32
      %add3A_201 = arith.addi %mul3A_199, %add3A_200 : i32
      %mul3A_202 = arith.constant 400 : i32
      %mul3A_203 = arith.muli %add3A_201, %mul3A_202 : i32
      %multiple_of3A_204 = tpu.assume_multiple %mul3A_203, 8 : i32
      %dma_wait3A_205 = tpu.memref_slice %arg15[%multiple_of3A_204] : memref<40000xi32, #tpu.memory_space<vmem>> -> memref<400xi32, #tpu.memory_space<vmem>>
      %dma_wait3A_206 = arith.constant 0 : i32
      %dma_wait3A_207 = arith.constant 0 : i32
      %dma_wait3A_208 = tpu.memref_slice %arg4[%dma_wait3A_206, %dma_wait3A_207] : memref<50176x16xf32, #tpu.memory_space<hbm>> -> memref<50176x16xf32, #tpu.memory_space<hbm>>
      tpu.wait_indirect_dma semaphore(%arg19 : memref<!tpu.dma_semaphore, #tpu.memory_space<semaphore_mem>>) src(%dma_wait3A_208 : memref<50176x16xf32, #tpu.memory_space<hbm>>) dst(%arg16 : memref<400x16xf32, #tpu.memory_space<vmem>>)
      %dma_start3A_209 = arith.constant 0 : i32
      %dma_start3A_210 = arith.constant 0 : i32
      %dma_start3A_211 = tpu.memref_slice %arg18[%dma_start3A_209, %dma_start3A_210] : memref<50176x16xf32, #tpu.memory_space<vmem_shared>> -> memref<50176x16xf32, #tpu.memory_space<vmem_shared>>
      tpu.enqueue_indirect_dma source(%arg16 : memref<400x16xf32, #tpu.memory_space<vmem>>) target(%dma_start3A_211 : memref<50176x16xf32, #tpu.memory_space<vmem_shared>>) offsets(%arg13 : memref<400xi32, #tpu.memory_space<vmem>>) semaphore(%arg21 : memref<!tpu.dma_semaphore, #tpu.memory_space<semaphore_mem>>) {add = true}
      %mul3A_212 = arith.constant 2 : i32
      %mul3A_213 = arith.muli %mul3A_212, %while3A_153 : i32
      %add3A_214 = arith.constant 1 : i32
      %add3A_215 = arith.addi %mul3A_213, %add3A_214 : i32
      %mul3A_216 = arith.constant 400 : i32
      %mul3A_217 = arith.muli %add3A_215, %mul3A_216 : i32
      %multiple_of3A_218 = tpu.assume_multiple %mul3A_217, 8 : i32
      %dma_wait3A_219 = tpu.memref_slice %arg15[%multiple_of3A_218] : memref<40000xi32, #tpu.memory_space<vmem>> -> memref<400xi32, #tpu.memory_space<vmem>>
      %dma_wait3A_220 = arith.constant 0 : i32
      %dma_wait3A_221 = arith.constant 0 : i32
      %dma_wait3A_222 = tpu.memref_slice %arg4[%dma_wait3A_220, %dma_wait3A_221] : memref<50176x16xf32, #tpu.memory_space<hbm>> -> memref<50176x16xf32, #tpu.memory_space<hbm>>
      tpu.wait_indirect_dma semaphore(%arg20 : memref<!tpu.dma_semaphore, #tpu.memory_space<semaphore_mem>>) src(%dma_wait3A_222 : memref<50176x16xf32, #tpu.memory_space<hbm>>) dst(%arg17 : memref<400x16xf32, #tpu.memory_space<vmem>>)
      %dma_start3A_223 = arith.constant 0 : i32
      %dma_start3A_224 = arith.constant 0 : i32
      %dma_start3A_225 = tpu.memref_slice %arg18[%dma_start3A_223, %dma_start3A_224] : memref<50176x16xf32, #tpu.memory_space<vmem_shared>> -> memref<50176x16xf32, #tpu.memory_space<vmem_shared>>
      tpu.enqueue_indirect_dma source(%arg17 : memref<400x16xf32, #tpu.memory_space<vmem>>) target(%dma_start3A_225 : memref<50176x16xf32, #tpu.memory_space<vmem_shared>>) offsets(%arg14 : memref<400xi32, #tpu.memory_space<vmem>>) semaphore(%arg22 : memref<!tpu.dma_semaphore, #tpu.memory_space<semaphore_mem>>) {add = true}
    }
    %while3A_63 = arith.constant 1 : i32
    scf.for %while3A_153 = %while3A_61 to %while3A_57 step %while3A_63  : i32 {
      %gt3A = arith.constant 0 : i32
      %gt3A_154 = arith.cmpi sgt, %while3A_153, %gt3A : i32
      %convert_element_type3A = arith.extui %gt3A_154 : i1 to i32
      %cond3A = arith.constant 0 : i32
      %cond3A_155 = arith.cmpi ne, %convert_element_type3A, %cond3A : i32
      scf.if %cond3A_155 {
        %dma_wait3A_226 = arith.constant 0 : i32
        %dma_wait3A_227 = arith.constant 0 : i32
        %dma_wait3A_228 = tpu.memref_slice %arg18[%dma_wait3A_226, %dma_wait3A_227] : memref<50176x16xf32, #tpu.memory_space<vmem_shared>> -> memref<50176x16xf32, #tpu.memory_space<vmem_shared>>
        tpu.wait_indirect_dma semaphore(%arg21 : memref<!tpu.dma_semaphore, #tpu.memory_space<semaphore_mem>>) src(%arg16 : memref<400x16xf32, #tpu.memory_space<vmem>>) dst(%dma_wait3A_228 : memref<50176x16xf32, #tpu.memory_space<vmem_shared>>)
      } else {
      }
      %mul3A_156 = arith.constant 2 : i32
      %mul3A_157 = arith.muli %mul3A_156, %while3A_153 : i32
      %add3A_158 = arith.constant 0 : i32
      %add3A_159 = arith.addi %mul3A_157, %add3A_158 : i32
      %mul3A_160 = arith.constant 400 : i32
      %mul3A_161 = arith.muli %add3A_159, %mul3A_160 : i32
      %multiple_of3A_162 = tpu.assume_multiple %mul3A_161, 8 : i32
      %dma_start3A = tpu.memref_slice %arg15[%multiple_of3A_162] : memref<40000xi32, #tpu.memory_space<vmem>> -> memref<400xi32, #tpu.memory_space<vmem>>
      %dma_start3A_163 = arith.constant 0 : i32
      %dma_start3A_164 = arith.constant 0 : i32
      %dma_start3A_165 = tpu.memref_slice %arg4[%dma_start3A_163, %dma_start3A_164] : memref<50176x16xf32, #tpu.memory_space<hbm>> -> memref<50176x16xf32, #tpu.memory_space<hbm>>
      tpu.enqueue_indirect_dma source(%dma_start3A_165 : memref<50176x16xf32, #tpu.memory_space<hbm>>) target(%arg16 : memref<400x16xf32, #tpu.memory_space<vmem>>) offsets(%dma_start3A : memref<400xi32, #tpu.memory_space<vmem>>) semaphore(%arg19 : memref<!tpu.dma_semaphore, #tpu.memory_space<semaphore_mem>>)
      %gt3A_166 = arith.constant 0 : i32
      %gt3A_167 = arith.cmpi sgt, %while3A_153, %gt3A_166 : i32
      %convert_element_type3A_168 = arith.extui %gt3A_167 : i1 to i32
      %cond3A_169 = arith.constant 0 : i32
      %cond3A_170 = arith.cmpi ne, %convert_element_type3A_168, %cond3A_169 : i32
      scf.if %cond3A_170 {
        %dma_wait3A_226 = arith.constant 0 : i32
        %dma_wait3A_227 = arith.constant 0 : i32
        %dma_wait3A_228 = tpu.memref_slice %arg18[%dma_wait3A_226, %dma_wait3A_227] : memref<50176x16xf32, #tpu.memory_space<vmem_shared>> -> memref<50176x16xf32, #tpu.memory_space<vmem_shared>>
        tpu.wait_indirect_dma semaphore(%arg22 : memref<!tpu.dma_semaphore, #tpu.memory_space<semaphore_mem>>) src(%arg17 : memref<400x16xf32, #tpu.memory_space<vmem>>) dst(%dma_wait3A_228 : memref<50176x16xf32, #tpu.memory_space<vmem_shared>>)
      } else {
      }
      %mul3A_171 = arith.constant 2 : i32
      %mul3A_172 = arith.muli %mul3A_171, %while3A_153 : i32
      %add3A_173 = arith.constant 1 : i32
      %add3A_174 = arith.addi %mul3A_172, %add3A_173 : i32
      %mul3A_175 = arith.constant 400 : i32
      %mul3A_176 = arith.muli %add3A_174, %mul3A_175 : i32
      %multiple_of3A_177 = tpu.assume_multiple %mul3A_176, 8 : i32
      %dma_start3A_178 = tpu.memref_slice %arg15[%multiple_of3A_177] : memref<40000xi32, #tpu.memory_space<vmem>> -> memref<400xi32, #tpu.memory_space<vmem>>
      %dma_start3A_179 = arith.constant 0 : i32
      %dma_start3A_180 = arith.constant 0 : i32
      %dma_start3A_181 = tpu.memref_slice %arg4[%dma_start3A_179, %dma_start3A_180] : memref<50176x16xf32, #tpu.memory_space<hbm>> -> memref<50176x16xf32, #tpu.memory_space<hbm>>
      tpu.enqueue_indirect_dma source(%dma_start3A_181 : memref<50176x16xf32, #tpu.memory_space<hbm>>) target(%arg17 : memref<400x16xf32, #tpu.memory_space<vmem>>) offsets(%dma_start3A_178 : memref<400xi32, #tpu.memory_space<vmem>>) semaphore(%arg20 : memref<!tpu.dma_semaphore, #tpu.memory_space<semaphore_mem>>)
      %mul3A_182 = arith.constant 2 : i32
      %mul3A_183 = arith.muli %mul3A_182, %while3A_153 : i32
      %add3A_184 = arith.constant 0 : i32
      %add3A_185 = arith.addi %mul3A_183, %add3A_184 : i32
      %mul3A_186 = arith.constant 400 : i32
      %mul3A_187 = arith.muli %add3A_185, %mul3A_186 : i32
      %add3A_188 = arith.addi %multiple_of3A, %mul3A_187 : i32
      %multiple_of3A_189 = tpu.assume_multiple %add3A_188, 8 : i32
      "tpu.region"() ({
        %run_scoped3A_226 = tpu.sem_alloc : memref<!tpu.dma_semaphore, #tpu.memory_space<semaphore_mem>>
        %dma_start3A_227 = tpu.memref_slice %arg10[%multiple_of3A_189] : memref<848000xi32, #tpu.memory_space<hbm>> -> memref<400xi32, #tpu.memory_space<hbm>>
        %dma_start3A_228 = tpu.memref_slice %arg10[%multiple_of3A_189] : memref<848000xi32, #tpu.memory_space<hbm>> -> memref<400xi32, #tpu.memory_space<hbm>>
        tpu.enqueue_dma source(%dma_start3A_228 : memref<400xi32, #tpu.memory_space<hbm>>) target(%arg13 : memref<400xi32, #tpu.memory_space<vmem>>) target_semaphore(%run_scoped3A_226 : memref<!tpu.dma_semaphore, #tpu.memory_space<semaphore_mem>>)
        %dma_wait3A_229 = tpu.memref_slice %arg10[%multiple_of3A_189] : memref<848000xi32, #tpu.memory_space<hbm>> -> memref<400xi32, #tpu.memory_space<hbm>>
        %dma_wait3A_230 = tpu.memref_slice %arg10[%multiple_of3A_189] : memref<848000xi32, #tpu.memory_space<hbm>> -> memref<400xi32, #tpu.memory_space<hbm>>
        tpu.wait_dma2 semaphore(%run_scoped3A_226 : memref<!tpu.dma_semaphore, #tpu.memory_space<semaphore_mem>>) src(%dma_wait3A_230 : memref<400xi32, #tpu.memory_space<hbm>>) dst(%arg13 : memref<400xi32, #tpu.memory_space<vmem>>)
        tpu.yield
      }) : () -> ()
      %mul3A_190 = arith.constant 2 : i32
      %mul3A_191 = arith.muli %mul3A_190, %while3A_153 : i32
      %add3A_192 = arith.constant 1 : i32
      %add3A_193 = arith.addi %mul3A_191, %add3A_192 : i32
      %mul3A_194 = arith.constant 400 : i32
      %mul3A_195 = arith.muli %add3A_193, %mul3A_194 : i32
      %add3A_196 = arith.addi %multiple_of3A, %mul3A_195 : i32
      %multiple_of3A_197 = tpu.assume_multiple %add3A_196, 8 : i32
      "tpu.region"() ({
        %run_scoped3A_226 = tpu.sem_alloc : memref<!tpu.dma_semaphore, #tpu.memory_space<semaphore_mem>>
        %dma_start3A_227 = tpu.memref_slice %arg10[%multiple_of3A_197] : memref<848000xi32, #tpu.memory_space<hbm>> -> memref<400xi32, #tpu.memory_space<hbm>>
        %dma_start3A_228 = tpu.memref_slice %arg10[%multiple_of3A_197] : memref<848000xi32, #tpu.memory_space<hbm>> -> memref<400xi32, #tpu.memory_space<hbm>>
        tpu.enqueue_dma source(%dma_start3A_228 : memref<400xi32, #tpu.memory_space<hbm>>) target(%arg14 : memref<400xi32, #tpu.memory_space<vmem>>) target_semaphore(%run_scoped3A_226 : memref<!tpu.dma_semaphore, #tpu.memory_space<semaphore_mem>>)
        %dma_wait3A_229 = tpu.memref_slice %arg10[%multiple_of3A_197] : memref<848000xi32, #tpu.memory_space<hbm>> -> memref<400xi32, #tpu.memory_space<hbm>>
        %dma_wait3A_230 = tpu.memref_slice %arg10[%multiple_of3A_197] : memref<848000xi32, #tpu.memory_space<hbm>> -> memref<400xi32, #tpu.memory_space<hbm>>
        tpu.wait_dma2 semaphore(%run_scoped3A_226 : memref<!tpu.dma_semaphore, #tpu.memory_space<semaphore_mem>>) src(%dma_wait3A_230 : memref<400xi32, #tpu.memory_space<hbm>>) dst(%arg14 : memref<400xi32, #tpu.memory_space<vmem>>)
        tpu.yield
      }) : () -> ()
      %mul3A_198 = arith.constant 2 : i32
      %mul3A_199 = arith.muli %mul3A_198, %while3A_153 : i32
      %add3A_200 = arith.constant 0 : i32
      %add3A_201 = arith.addi %mul3A_199, %add3A_200 : i32
      %mul3A_202 = arith.constant 400 : i32
      %mul3A_203 = arith.muli %add3A_201, %mul3A_202 : i32
      %multiple_of3A_204 = tpu.assume_multiple %mul3A_203, 8 : i32
      %dma_wait3A_205 = tpu.memref_slice %arg15[%multiple_of3A_204] : memref<40000xi32, #tpu.memory_space<vmem>> -> memref<400xi32, #tpu.memory_space<vmem>>
      %dma_wait3A_206 = arith.constant 0 : i32
      %dma_wait3A_207 = arith.constant 0 : i32
      %dma_wait3A_208 = tpu.memref_slice %arg4[%dma_wait3A_206, %dma_wait3A_207] : memref<50176x16xf32, #tpu.memory_space<hbm>> -> memref<50176x16xf32, #tpu.memory_space<hbm>>
      tpu.wait_indirect_dma semaphore(%arg19 : memref<!tpu.dma_semaphore, #tpu.memory_space<semaphore_mem>>) src(%dma_wait3A_208 : memref<50176x16xf32, #tpu.memory_space<hbm>>) dst(%arg16 : memref<400x16xf32, #tpu.memory_space<vmem>>)
      %dma_start3A_209 = arith.constant 0 : i32
      %dma_start3A_210 = arith.constant 0 : i32
      %dma_start3A_211 = tpu.memref_slice %arg18[%dma_start3A_209, %dma_start3A_210] : memref<50176x16xf32, #tpu.memory_space<vmem_shared>> -> memref<50176x16xf32, #tpu.memory_space<vmem_shared>>
      tpu.enqueue_indirect_dma source(%arg16 : memref<400x16xf32, #tpu.memory_space<vmem>>) target(%dma_start3A_211 : memref<50176x16xf32, #tpu.memory_space<vmem_shared>>) offsets(%arg13 : memref<400xi32, #tpu.memory_space<vmem>>) semaphore(%arg21 : memref<!tpu.dma_semaphore, #tpu.memory_space<semaphore_mem>>) {add = true}
      %mul3A_212 = arith.constant 2 : i32
      %mul3A_213 = arith.muli %mul3A_212, %while3A_153 : i32
      %add3A_214 = arith.constant 1 : i32
      %add3A_215 = arith.addi %mul3A_213, %add3A_214 : i32
      %mul3A_216 = arith.constant 400 : i32
      %mul3A_217 = arith.muli %add3A_215, %mul3A_216 : i32
      %multiple_of3A_218 = tpu.assume_multiple %mul3A_217, 8 : i32
      %dma_wait3A_219 = tpu.memref_slice %arg15[%multiple_of3A_218] : memref<40000xi32, #tpu.memory_space<vmem>> -> memref<400xi32, #tpu.memory_space<vmem>>
      %dma_wait3A_220 = arith.constant 0 : i32
      %dma_wait3A_221 = arith.constant 0 : i32
      %dma_wait3A_222 = tpu.memref_slice %arg4[%dma_wait3A_220, %dma_wait3A_221] : memref<50176x16xf32, #tpu.memory_space<hbm>> -> memref<50176x16xf32, #tpu.memory_space<hbm>>
      tpu.wait_indirect_dma semaphore(%arg20 : memref<!tpu.dma_semaphore, #tpu.memory_space<semaphore_mem>>) src(%dma_wait3A_222 : memref<50176x16xf32, #tpu.memory_space<hbm>>) dst(%arg17 : memref<400x16xf32, #tpu.memory_space<vmem>>)
      %dma_start3A_223 = arith.constant 0 : i32
      %dma_start3A_224 = arith.constant 0 : i32
      %dma_start3A_225 = tpu.memref_slice %arg18[%dma_start3A_223, %dma_start3A_224] : memref<50176x16xf32, #tpu.memory_space<vmem_shared>> -> memref<50176x16xf32, #tpu.memory_space<vmem_shared>>
      tpu.enqueue_indirect_dma source(%arg17 : memref<400x16xf32, #tpu.memory_space<vmem>>) target(%dma_start3A_225 : memref<50176x16xf32, #tpu.memory_space<vmem_shared>>) offsets(%arg14 : memref<400xi32, #tpu.memory_space<vmem>>) semaphore(%arg22 : memref<!tpu.dma_semaphore, #tpu.memory_space<semaphore_mem>>) {add = true}
    }
    %dma_wait3A_64 = arith.constant 0 : i32
    %dma_wait3A_65 = arith.constant 0 : i32
    %dma_wait3A_66 = tpu.memref_slice %arg18[%dma_wait3A_64, %dma_wait3A_65] : memref<50176x16xf32, #tpu.memory_space<vmem_shared>> -> memref<50176x16xf32, #tpu.memory_space<vmem_shared>>
    tpu.wait_indirect_dma semaphore(%arg21 : memref<!tpu.dma_semaphore, #tpu.memory_space<semaphore_mem>>) src(%arg16 : memref<400x16xf32, #tpu.memory_space<vmem>>) dst(%dma_wait3A_66 : memref<50176x16xf32, #tpu.memory_space<vmem_shared>>)
    %dma_wait3A_67 = arith.constant 0 : i32
    %dma_wait3A_68 = arith.constant 0 : i32
    %dma_wait3A_69 = tpu.memref_slice %arg18[%dma_wait3A_67, %dma_wait3A_68] : memref<50176x16xf32, #tpu.memory_space<vmem_shared>> -> memref<50176x16xf32, #tpu.memory_space<vmem_shared>>
    tpu.wait_indirect_dma semaphore(%arg22 : memref<!tpu.dma_semaphore, #tpu.memory_space<semaphore_mem>>) src(%arg17 : memref<400x16xf32, #tpu.memory_space<vmem>>) dst(%dma_wait3A_69 : memref<50176x16xf32, #tpu.memory_space<vmem_shared>>)
    %barrier3A_70 = arith.constant 0 : index
    tpu.barrier barrier_id(%barrier3A_70)
    %run_scoped3A_71 = arith.constant 2 : i32
    "tpu.region"() ({
      %run_scoped3A_153 = tpu.sem_alloc : memref<!tpu.dma_semaphore, #tpu.memory_space<semaphore_mem>>
      %dma_start3A = arith.constant 0 : i32
      %dma_start3A_154 = arith.constant 0 : i32
      %dma_start3A_155 = arith.constant 0 : i32
      %dma_start3A_156 = tpu.memref_slice %arg12[%arg0, %dma_start3A, %dma_start3A_154, %dma_start3A_155] : memref<2x7x50176x16xf32, #tpu.memory_space<hbm>> -> memref<1x7x50176x16xf32, #tpu.memory_space<hbm>>
      %dma_start3A_157 = tpu.memref_squeeze %dma_start3A_156 : memref<1x7x50176x16xf32, #tpu.memory_space<hbm>> -> memref<7x50176x16xf32, #tpu.memory_space<hbm>>
      %dma_start3A_158 = arith.constant 0 : i32
      %dma_start3A_159 = arith.constant 0 : i32
      %dma_start3A_160 = tpu.memref_slice %dma_start3A_157[%run_scoped3A_71, %dma_start3A_158, %dma_start3A_159] : memref<7x50176x16xf32, #tpu.memory_space<hbm>> -> memref<1x50176x16xf32, #tpu.memory_space<hbm>>
      %dma_start3A_161 = tpu.memref_squeeze %dma_start3A_160 : memref<1x50176x16xf32, #tpu.memory_space<hbm>> -> memref<50176x16xf32, #tpu.memory_space<hbm>>
      %dma_start3A_162 = arith.constant 0 : i32
      %dma_start3A_163 = tpu.memref_slice %dma_start3A_161[%multiple_of3A_16, %dma_start3A_162] : memref<50176x16xf32, #tpu.memory_space<hbm>> -> memref<3136x16xf32, #tpu.memory_space<hbm>>
      %dma_start3A_164 = arith.constant 0 : i32
      %dma_start3A_165 = tpu.memref_slice %arg18[%multiple_of3A_16, %dma_start3A_164] : memref<50176x16xf32, #tpu.memory_space<vmem_shared>> -> memref<3136x16xf32, #tpu.memory_space<vmem_shared>>
      tpu.enqueue_dma source(%dma_start3A_165 : memref<3136x16xf32, #tpu.memory_space<vmem_shared>>) target(%dma_start3A_163 : memref<3136x16xf32, #tpu.memory_space<hbm>>) target_semaphore(%run_scoped3A_153 : memref<!tpu.dma_semaphore, #tpu.memory_space<semaphore_mem>>)
      %dma_wait3A_166 = arith.constant 0 : i32
      %dma_wait3A_167 = arith.constant 0 : i32
      %dma_wait3A_168 = arith.constant 0 : i32
      %dma_wait3A_169 = tpu.memref_slice %arg12[%arg0, %dma_wait3A_166, %dma_wait3A_167, %dma_wait3A_168] : memref<2x7x50176x16xf32, #tpu.memory_space<hbm>> -> memref<1x7x50176x16xf32, #tpu.memory_space<hbm>>
      %dma_wait3A_170 = tpu.memref_squeeze %dma_wait3A_169 : memref<1x7x50176x16xf32, #tpu.memory_space<hbm>> -> memref<7x50176x16xf32, #tpu.memory_space<hbm>>
      %dma_wait3A_171 = arith.constant 0 : i32
      %dma_wait3A_172 = arith.constant 0 : i32
      %dma_wait3A_173 = tpu.memref_slice %dma_wait3A_170[%run_scoped3A_71, %dma_wait3A_171, %dma_wait3A_172] : memref<7x50176x16xf32, #tpu.memory_space<hbm>> -> memref<1x50176x16xf32, #tpu.memory_space<hbm>>
      %dma_wait3A_174 = tpu.memref_squeeze %dma_wait3A_173 : memref<1x50176x16xf32, #tpu.memory_space<hbm>> -> memref<50176x16xf32, #tpu.memory_space<hbm>>
      %dma_wait3A_175 = arith.constant 0 : i32
      %dma_wait3A_176 = tpu.memref_slice %dma_wait3A_174[%multiple_of3A_16, %dma_wait3A_175] : memref<50176x16xf32, #tpu.memory_space<hbm>> -> memref<3136x16xf32, #tpu.memory_space<hbm>>
      %dma_wait3A_177 = arith.constant 0 : i32
      %dma_wait3A_178 = tpu.memref_slice %arg18[%multiple_of3A_16, %dma_wait3A_177] : memref<50176x16xf32, #tpu.memory_space<vmem_shared>> -> memref<3136x16xf32, #tpu.memory_space<vmem_shared>>
      tpu.wait_dma2 semaphore(%run_scoped3A_153 : memref<!tpu.dma_semaphore, #tpu.memory_space<semaphore_mem>>) src(%dma_wait3A_178 : memref<3136x16xf32, #tpu.memory_space<vmem_shared>>) dst(%dma_wait3A_176 : memref<3136x16xf32, #tpu.memory_space<hbm>>)
      tpu.yield
    }) : () -> ()
    %barrier3A_72 = arith.constant 0 : index
    tpu.barrier barrier_id(%barrier3A_72)
    "tpu.region"() ({
      %run_scoped3A_153 = tpu.sem_alloc : memref<!tpu.dma_semaphore, #tpu.memory_space<semaphore_mem>>
      %dma_start3A = arith.constant 0 : i32
      %dma_start3A_154 = tpu.memref_slice %arg18[%multiple_of3A_16, %dma_start3A] : memref<50176x16xf32, #tpu.memory_space<vmem_shared>> -> memref<3136x16xf32, #tpu.memory_space<vmem_shared>>
      %dma_start3A_155 = arith.constant 0 : i32
      %dma_start3A_156 = tpu.memref_slice %arg11[%multiple_of3A_16, %dma_start3A_155] : memref<50176x16xf32, #tpu.memory_space<hbm>> -> memref<3136x16xf32, #tpu.memory_space<hbm>>
      tpu.enqueue_dma source(%dma_start3A_156 : memref<3136x16xf32, #tpu.memory_space<hbm>>) target(%dma_start3A_154 : memref<3136x16xf32, #tpu.memory_space<vmem_shared>>) target_semaphore(%run_scoped3A_153 : memref<!tpu.dma_semaphore, #tpu.memory_space<semaphore_mem>>)
      %dma_wait3A_157 = arith.constant 0 : i32
      %dma_wait3A_158 = tpu.memref_slice %arg18[%multiple_of3A_16, %dma_wait3A_157] : memref<50176x16xf32, #tpu.memory_space<vmem_shared>> -> memref<3136x16xf32, #tpu.memory_space<vmem_shared>>
      %dma_wait3A_159 = arith.constant 0 : i32
      %dma_wait3A_160 = tpu.memref_slice %arg11[%multiple_of3A_16, %dma_wait3A_159] : memref<50176x16xf32, #tpu.memory_space<hbm>> -> memref<3136x16xf32, #tpu.memory_space<hbm>>
      tpu.wait_dma2 semaphore(%run_scoped3A_153 : memref<!tpu.dma_semaphore, #tpu.memory_space<semaphore_mem>>) src(%dma_wait3A_160 : memref<3136x16xf32, #tpu.memory_space<hbm>>) dst(%dma_wait3A_158 : memref<3136x16xf32, #tpu.memory_space<vmem_shared>>)
      tpu.yield
    }) : () -> ()
    %barrier3A_73 = arith.constant 0 : index
    tpu.barrier barrier_id(%barrier3A_73)
    %while3A_74 = arith.constant 0 : i32
    %while3A_75 = arith.constant 0 : i32
    %while3A_76 = arith.subi %select_n3A_8, %while3A_75 : i32
    %while3A_77 = arith.addi %while3A_75, %while3A_76 : i32
    %while3A_78 = arith.constant 1 : i32
    %while3A_79 = arith.divsi %while3A_76, %while3A_78 : i32
    %while3A_80 = arith.muli %while3A_79, %while3A_78 : i32
    %while3A_81 = arith.addi %while3A_75, %while3A_80 : i32
    %while3A_82 = arith.constant 1 : i32
    scf.for %while3A_153 = %while3A_75 to %while3A_81 step %while3A_82  : i32 {
      %gt3A = arith.constant 0 : i32
      %gt3A_154 = arith.cmpi sgt, %while3A_153, %gt3A : i32
      %convert_element_type3A = arith.extui %gt3A_154 : i1 to i32
      %cond3A = arith.constant 0 : i32
      %cond3A_155 = arith.cmpi ne, %convert_element_type3A, %cond3A : i32
      scf.if %cond3A_155 {
        %dma_wait3A_226 = arith.constant 0 : i32
        %dma_wait3A_227 = arith.constant 0 : i32
        %dma_wait3A_228 = tpu.memref_slice %arg18[%dma_wait3A_226, %dma_wait3A_227] : memref<50176x16xf32, #tpu.memory_space<vmem_shared>> -> memref<50176x16xf32, #tpu.memory_space<vmem_shared>>
        tpu.wait_indirect_dma semaphore(%arg21 : memref<!tpu.dma_semaphore, #tpu.memory_space<semaphore_mem>>) src(%arg16 : memref<400x16xf32, #tpu.memory_space<vmem>>) dst(%dma_wait3A_228 : memref<50176x16xf32, #tpu.memory_space<vmem_shared>>)
      } else {
      }
      %mul3A_156 = arith.constant 2 : i32
      %mul3A_157 = arith.muli %mul3A_156, %while3A_153 : i32
      %add3A_158 = arith.constant 0 : i32
      %add3A_159 = arith.addi %mul3A_157, %add3A_158 : i32
      %mul3A_160 = arith.constant 400 : i32
      %mul3A_161 = arith.muli %add3A_159, %mul3A_160 : i32
      %multiple_of3A_162 = tpu.assume_multiple %mul3A_161, 8 : i32
      %dma_start3A = tpu.memref_slice %arg15[%multiple_of3A_162] : memref<40000xi32, #tpu.memory_space<vmem>> -> memref<400xi32, #tpu.memory_space<vmem>>
      %dma_start3A_163 = arith.constant 0 : i32
      %dma_start3A_164 = arith.constant 0 : i32
      %dma_start3A_165 = tpu.memref_slice %arg5[%dma_start3A_163, %dma_start3A_164] : memref<50176x16xf32, #tpu.memory_space<hbm>> -> memref<50176x16xf32, #tpu.memory_space<hbm>>
      tpu.enqueue_indirect_dma source(%dma_start3A_165 : memref<50176x16xf32, #tpu.memory_space<hbm>>) target(%arg16 : memref<400x16xf32, #tpu.memory_space<vmem>>) offsets(%dma_start3A : memref<400xi32, #tpu.memory_space<vmem>>) semaphore(%arg19 : memref<!tpu.dma_semaphore, #tpu.memory_space<semaphore_mem>>)
      %gt3A_166 = arith.constant 0 : i32
      %gt3A_167 = arith.cmpi sgt, %while3A_153, %gt3A_166 : i32
      %convert_element_type3A_168 = arith.extui %gt3A_167 : i1 to i32
      %cond3A_169 = arith.constant 0 : i32
      %cond3A_170 = arith.cmpi ne, %convert_element_type3A_168, %cond3A_169 : i32
      scf.if %cond3A_170 {
        %dma_wait3A_226 = arith.constant 0 : i32
        %dma_wait3A_227 = arith.constant 0 : i32
        %dma_wait3A_228 = tpu.memref_slice %arg18[%dma_wait3A_226, %dma_wait3A_227] : memref<50176x16xf32, #tpu.memory_space<vmem_shared>> -> memref<50176x16xf32, #tpu.memory_space<vmem_shared>>
        tpu.wait_indirect_dma semaphore(%arg22 : memref<!tpu.dma_semaphore, #tpu.memory_space<semaphore_mem>>) src(%arg17 : memref<400x16xf32, #tpu.memory_space<vmem>>) dst(%dma_wait3A_228 : memref<50176x16xf32, #tpu.memory_space<vmem_shared>>)
      } else {
      }
      %mul3A_171 = arith.constant 2 : i32
      %mul3A_172 = arith.muli %mul3A_171, %while3A_153 : i32
      %add3A_173 = arith.constant 1 : i32
      %add3A_174 = arith.addi %mul3A_172, %add3A_173 : i32
      %mul3A_175 = arith.constant 400 : i32
      %mul3A_176 = arith.muli %add3A_174, %mul3A_175 : i32
      %multiple_of3A_177 = tpu.assume_multiple %mul3A_176, 8 : i32
      %dma_start3A_178 = tpu.memref_slice %arg15[%multiple_of3A_177] : memref<40000xi32, #tpu.memory_space<vmem>> -> memref<400xi32, #tpu.memory_space<vmem>>
      %dma_start3A_179 = arith.constant 0 : i32
      %dma_start3A_180 = arith.constant 0 : i32
      %dma_start3A_181 = tpu.memref_slice %arg5[%dma_start3A_179, %dma_start3A_180] : memref<50176x16xf32, #tpu.memory_space<hbm>> -> memref<50176x16xf32, #tpu.memory_space<hbm>>
      tpu.enqueue_indirect_dma source(%dma_start3A_181 : memref<50176x16xf32, #tpu.memory_space<hbm>>) target(%arg17 : memref<400x16xf32, #tpu.memory_space<vmem>>) offsets(%dma_start3A_178 : memref<400xi32, #tpu.memory_space<vmem>>) semaphore(%arg20 : memref<!tpu.dma_semaphore, #tpu.memory_space<semaphore_mem>>)
      %mul3A_182 = arith.constant 2 : i32
      %mul3A_183 = arith.muli %mul3A_182, %while3A_153 : i32
      %add3A_184 = arith.constant 0 : i32
      %add3A_185 = arith.addi %mul3A_183, %add3A_184 : i32
      %mul3A_186 = arith.constant 400 : i32
      %mul3A_187 = arith.muli %add3A_185, %mul3A_186 : i32
      %add3A_188 = arith.addi %multiple_of3A, %mul3A_187 : i32
      %multiple_of3A_189 = tpu.assume_multiple %add3A_188, 8 : i32
      "tpu.region"() ({
        %run_scoped3A_226 = tpu.sem_alloc : memref<!tpu.dma_semaphore, #tpu.memory_space<semaphore_mem>>
        %dma_start3A_227 = tpu.memref_slice %arg10[%multiple_of3A_189] : memref<848000xi32, #tpu.memory_space<hbm>> -> memref<400xi32, #tpu.memory_space<hbm>>
        %dma_start3A_228 = tpu.memref_slice %arg10[%multiple_of3A_189] : memref<848000xi32, #tpu.memory_space<hbm>> -> memref<400xi32, #tpu.memory_space<hbm>>
        tpu.enqueue_dma source(%dma_start3A_228 : memref<400xi32, #tpu.memory_space<hbm>>) target(%arg13 : memref<400xi32, #tpu.memory_space<vmem>>) target_semaphore(%run_scoped3A_226 : memref<!tpu.dma_semaphore, #tpu.memory_space<semaphore_mem>>)
        %dma_wait3A_229 = tpu.memref_slice %arg10[%multiple_of3A_189] : memref<848000xi32, #tpu.memory_space<hbm>> -> memref<400xi32, #tpu.memory_space<hbm>>
        %dma_wait3A_230 = tpu.memref_slice %arg10[%multiple_of3A_189] : memref<848000xi32, #tpu.memory_space<hbm>> -> memref<400xi32, #tpu.memory_space<hbm>>
        tpu.wait_dma2 semaphore(%run_scoped3A_226 : memref<!tpu.dma_semaphore, #tpu.memory_space<semaphore_mem>>) src(%dma_wait3A_230 : memref<400xi32, #tpu.memory_space<hbm>>) dst(%arg13 : memref<400xi32, #tpu.memory_space<vmem>>)
        tpu.yield
      }) : () -> ()
      %mul3A_190 = arith.constant 2 : i32
      %mul3A_191 = arith.muli %mul3A_190, %while3A_153 : i32
      %add3A_192 = arith.constant 1 : i32
      %add3A_193 = arith.addi %mul3A_191, %add3A_192 : i32
      %mul3A_194 = arith.constant 400 : i32
      %mul3A_195 = arith.muli %add3A_193, %mul3A_194 : i32
      %add3A_196 = arith.addi %multiple_of3A, %mul3A_195 : i32
      %multiple_of3A_197 = tpu.assume_multiple %add3A_196, 8 : i32
      "tpu.region"() ({
        %run_scoped3A_226 = tpu.sem_alloc : memref<!tpu.dma_semaphore, #tpu.memory_space<semaphore_mem>>
        %dma_start3A_227 = tpu.memref_slice %arg10[%multiple_of3A_197] : memref<848000xi32, #tpu.memory_space<hbm>> -> memref<400xi32, #tpu.memory_space<hbm>>
        %dma_start3A_228 = tpu.memref_slice %arg10[%multiple_of3A_197] : memref<848000xi32, #tpu.memory_space<hbm>> -> memref<400xi32, #tpu.memory_space<hbm>>
        tpu.enqueue_dma source(%dma_start3A_228 : memref<400xi32, #tpu.memory_space<hbm>>) target(%arg14 : memref<400xi32, #tpu.memory_space<vmem>>) target_semaphore(%run_scoped3A_226 : memref<!tpu.dma_semaphore, #tpu.memory_space<semaphore_mem>>)
        %dma_wait3A_229 = tpu.memref_slice %arg10[%multiple_of3A_197] : memref<848000xi32, #tpu.memory_space<hbm>> -> memref<400xi32, #tpu.memory_space<hbm>>
        %dma_wait3A_230 = tpu.memref_slice %arg10[%multiple_of3A_197] : memref<848000xi32, #tpu.memory_space<hbm>> -> memref<400xi32, #tpu.memory_space<hbm>>
        tpu.wait_dma2 semaphore(%run_scoped3A_226 : memref<!tpu.dma_semaphore, #tpu.memory_space<semaphore_mem>>) src(%dma_wait3A_230 : memref<400xi32, #tpu.memory_space<hbm>>) dst(%arg14 : memref<400xi32, #tpu.memory_space<vmem>>)
        tpu.yield
      }) : () -> ()
      %mul3A_198 = arith.constant 2 : i32
      %mul3A_199 = arith.muli %mul3A_198, %while3A_153 : i32
      %add3A_200 = arith.constant 0 : i32
      %add3A_201 = arith.addi %mul3A_199, %add3A_200 : i32
      %mul3A_202 = arith.constant 400 : i32
      %mul3A_203 = arith.muli %add3A_201, %mul3A_202 : i32
      %multiple_of3A_204 = tpu.assume_multiple %mul3A_203, 8 : i32
      %dma_wait3A_205 = tpu.memref_slice %arg15[%multiple_of3A_204] : memref<40000xi32, #tpu.memory_space<vmem>> -> memref<400xi32, #tpu.memory_space<vmem>>
      %dma_wait3A_206 = arith.constant 0 : i32
      %dma_wait3A_207 = arith.constant 0 : i32
      %dma_wait3A_208 = tpu.memref_slice %arg5[%dma_wait3A_206, %dma_wait3A_207] : memref<50176x16xf32, #tpu.memory_space<hbm>> -> memref<50176x16xf32, #tpu.memory_space<hbm>>
      tpu.wait_indirect_dma semaphore(%arg19 : memref<!tpu.dma_semaphore, #tpu.memory_space<semaphore_mem>>) src(%dma_wait3A_208 : memref<50176x16xf32, #tpu.memory_space<hbm>>) dst(%arg16 : memref<400x16xf32, #tpu.memory_space<vmem>>)
      %dma_start3A_209 = arith.constant 0 : i32
      %dma_start3A_210 = arith.constant 0 : i32
      %dma_start3A_211 = tpu.memref_slice %arg18[%dma_start3A_209, %dma_start3A_210] : memref<50176x16xf32, #tpu.memory_space<vmem_shared>> -> memref<50176x16xf32, #tpu.memory_space<vmem_shared>>
      tpu.enqueue_indirect_dma source(%arg16 : memref<400x16xf32, #tpu.memory_space<vmem>>) target(%dma_start3A_211 : memref<50176x16xf32, #tpu.memory_space<vmem_shared>>) offsets(%arg13 : memref<400xi32, #tpu.memory_space<vmem>>) semaphore(%arg21 : memref<!tpu.dma_semaphore, #tpu.memory_space<semaphore_mem>>) {add = true}
      %mul3A_212 = arith.constant 2 : i32
      %mul3A_213 = arith.muli %mul3A_212, %while3A_153 : i32
      %add3A_214 = arith.constant 1 : i32
      %add3A_215 = arith.addi %mul3A_213, %add3A_214 : i32
      %mul3A_216 = arith.constant 400 : i32
      %mul3A_217 = arith.muli %add3A_215, %mul3A_216 : i32
      %multiple_of3A_218 = tpu.assume_multiple %mul3A_217, 8 : i32
      %dma_wait3A_219 = tpu.memref_slice %arg15[%multiple_of3A_218] : memref<40000xi32, #tpu.memory_space<vmem>> -> memref<400xi32, #tpu.memory_space<vmem>>
      %dma_wait3A_220 = arith.constant 0 : i32
      %dma_wait3A_221 = arith.constant 0 : i32
      %dma_wait3A_222 = tpu.memref_slice %arg5[%dma_wait3A_220, %dma_wait3A_221] : memref<50176x16xf32, #tpu.memory_space<hbm>> -> memref<50176x16xf32, #tpu.memory_space<hbm>>
      tpu.wait_indirect_dma semaphore(%arg20 : memref<!tpu.dma_semaphore, #tpu.memory_space<semaphore_mem>>) src(%dma_wait3A_222 : memref<50176x16xf32, #tpu.memory_space<hbm>>) dst(%arg17 : memref<400x16xf32, #tpu.memory_space<vmem>>)
      %dma_start3A_223 = arith.constant 0 : i32
      %dma_start3A_224 = arith.constant 0 : i32
      %dma_start3A_225 = tpu.memref_slice %arg18[%dma_start3A_223, %dma_start3A_224] : memref<50176x16xf32, #tpu.memory_space<vmem_shared>> -> memref<50176x16xf32, #tpu.memory_space<vmem_shared>>
      tpu.enqueue_indirect_dma source(%arg17 : memref<400x16xf32, #tpu.memory_space<vmem>>) target(%dma_start3A_225 : memref<50176x16xf32, #tpu.memory_space<vmem_shared>>) offsets(%arg14 : memref<400xi32, #tpu.memory_space<vmem>>) semaphore(%arg22 : memref<!tpu.dma_semaphore, #tpu.memory_space<semaphore_mem>>) {add = true}
    }
    %while3A_83 = arith.constant 1 : i32
    scf.for %while3A_153 = %while3A_81 to %while3A_77 step %while3A_83  : i32 {
      %gt3A = arith.constant 0 : i32
      %gt3A_154 = arith.cmpi sgt, %while3A_153, %gt3A : i32
      %convert_element_type3A = arith.extui %gt3A_154 : i1 to i32
      %cond3A = arith.constant 0 : i32
      %cond3A_155 = arith.cmpi ne, %convert_element_type3A, %cond3A : i32
      scf.if %cond3A_155 {
        %dma_wait3A_226 = arith.constant 0 : i32
        %dma_wait3A_227 = arith.constant 0 : i32
        %dma_wait3A_228 = tpu.memref_slice %arg18[%dma_wait3A_226, %dma_wait3A_227] : memref<50176x16xf32, #tpu.memory_space<vmem_shared>> -> memref<50176x16xf32, #tpu.memory_space<vmem_shared>>
        tpu.wait_indirect_dma semaphore(%arg21 : memref<!tpu.dma_semaphore, #tpu.memory_space<semaphore_mem>>) src(%arg16 : memref<400x16xf32, #tpu.memory_space<vmem>>) dst(%dma_wait3A_228 : memref<50176x16xf32, #tpu.memory_space<vmem_shared>>)
      } else {
      }
      %mul3A_156 = arith.constant 2 : i32
      %mul3A_157 = arith.muli %mul3A_156, %while3A_153 : i32
      %add3A_158 = arith.constant 0 : i32
      %add3A_159 = arith.addi %mul3A_157, %add3A_158 : i32
      %mul3A_160 = arith.constant 400 : i32
      %mul3A_161 = arith.muli %add3A_159, %mul3A_160 : i32
      %multiple_of3A_162 = tpu.assume_multiple %mul3A_161, 8 : i32
      %dma_start3A = tpu.memref_slice %arg15[%multiple_of3A_162] : memref<40000xi32, #tpu.memory_space<vmem>> -> memref<400xi32, #tpu.memory_space<vmem>>
      %dma_start3A_163 = arith.constant 0 : i32
      %dma_start3A_164 = arith.constant 0 : i32
      %dma_start3A_165 = tpu.memref_slice %arg5[%dma_start3A_163, %dma_start3A_164] : memref<50176x16xf32, #tpu.memory_space<hbm>> -> memref<50176x16xf32, #tpu.memory_space<hbm>>
      tpu.enqueue_indirect_dma source(%dma_start3A_165 : memref<50176x16xf32, #tpu.memory_space<hbm>>) target(%arg16 : memref<400x16xf32, #tpu.memory_space<vmem>>) offsets(%dma_start3A : memref<400xi32, #tpu.memory_space<vmem>>) semaphore(%arg19 : memref<!tpu.dma_semaphore, #tpu.memory_space<semaphore_mem>>)
      %gt3A_166 = arith.constant 0 : i32
      %gt3A_167 = arith.cmpi sgt, %while3A_153, %gt3A_166 : i32
      %convert_element_type3A_168 = arith.extui %gt3A_167 : i1 to i32
      %cond3A_169 = arith.constant 0 : i32
      %cond3A_170 = arith.cmpi ne, %convert_element_type3A_168, %cond3A_169 : i32
      scf.if %cond3A_170 {
        %dma_wait3A_226 = arith.constant 0 : i32
        %dma_wait3A_227 = arith.constant 0 : i32
        %dma_wait3A_228 = tpu.memref_slice %arg18[%dma_wait3A_226, %dma_wait3A_227] : memref<50176x16xf32, #tpu.memory_space<vmem_shared>> -> memref<50176x16xf32, #tpu.memory_space<vmem_shared>>
        tpu.wait_indirect_dma semaphore(%arg22 : memref<!tpu.dma_semaphore, #tpu.memory_space<semaphore_mem>>) src(%arg17 : memref<400x16xf32, #tpu.memory_space<vmem>>) dst(%dma_wait3A_228 : memref<50176x16xf32, #tpu.memory_space<vmem_shared>>)
      } else {
      }
      %mul3A_171 = arith.constant 2 : i32
      %mul3A_172 = arith.muli %mul3A_171, %while3A_153 : i32
      %add3A_173 = arith.constant 1 : i32
      %add3A_174 = arith.addi %mul3A_172, %add3A_173 : i32
      %mul3A_175 = arith.constant 400 : i32
      %mul3A_176 = arith.muli %add3A_174, %mul3A_175 : i32
      %multiple_of3A_177 = tpu.assume_multiple %mul3A_176, 8 : i32
      %dma_start3A_178 = tpu.memref_slice %arg15[%multiple_of3A_177] : memref<40000xi32, #tpu.memory_space<vmem>> -> memref<400xi32, #tpu.memory_space<vmem>>
      %dma_start3A_179 = arith.constant 0 : i32
      %dma_start3A_180 = arith.constant 0 : i32
      %dma_start3A_181 = tpu.memref_slice %arg5[%dma_start3A_179, %dma_start3A_180] : memref<50176x16xf32, #tpu.memory_space<hbm>> -> memref<50176x16xf32, #tpu.memory_space<hbm>>
      tpu.enqueue_indirect_dma source(%dma_start3A_181 : memref<50176x16xf32, #tpu.memory_space<hbm>>) target(%arg17 : memref<400x16xf32, #tpu.memory_space<vmem>>) offsets(%dma_start3A_178 : memref<400xi32, #tpu.memory_space<vmem>>) semaphore(%arg20 : memref<!tpu.dma_semaphore, #tpu.memory_space<semaphore_mem>>)
      %mul3A_182 = arith.constant 2 : i32
      %mul3A_183 = arith.muli %mul3A_182, %while3A_153 : i32
      %add3A_184 = arith.constant 0 : i32
      %add3A_185 = arith.addi %mul3A_183, %add3A_184 : i32
      %mul3A_186 = arith.constant 400 : i32
      %mul3A_187 = arith.muli %add3A_185, %mul3A_186 : i32
      %add3A_188 = arith.addi %multiple_of3A, %mul3A_187 : i32
      %multiple_of3A_189 = tpu.assume_multiple %add3A_188, 8 : i32
      "tpu.region"() ({
        %run_scoped3A_226 = tpu.sem_alloc : memref<!tpu.dma_semaphore, #tpu.memory_space<semaphore_mem>>
        %dma_start3A_227 = tpu.memref_slice %arg10[%multiple_of3A_189] : memref<848000xi32, #tpu.memory_space<hbm>> -> memref<400xi32, #tpu.memory_space<hbm>>
        %dma_start3A_228 = tpu.memref_slice %arg10[%multiple_of3A_189] : memref<848000xi32, #tpu.memory_space<hbm>> -> memref<400xi32, #tpu.memory_space<hbm>>
        tpu.enqueue_dma source(%dma_start3A_228 : memref<400xi32, #tpu.memory_space<hbm>>) target(%arg13 : memref<400xi32, #tpu.memory_space<vmem>>) target_semaphore(%run_scoped3A_226 : memref<!tpu.dma_semaphore, #tpu.memory_space<semaphore_mem>>)
        %dma_wait3A_229 = tpu.memref_slice %arg10[%multiple_of3A_189] : memref<848000xi32, #tpu.memory_space<hbm>> -> memref<400xi32, #tpu.memory_space<hbm>>
        %dma_wait3A_230 = tpu.memref_slice %arg10[%multiple_of3A_189] : memref<848000xi32, #tpu.memory_space<hbm>> -> memref<400xi32, #tpu.memory_space<hbm>>
        tpu.wait_dma2 semaphore(%run_scoped3A_226 : memref<!tpu.dma_semaphore, #tpu.memory_space<semaphore_mem>>) src(%dma_wait3A_230 : memref<400xi32, #tpu.memory_space<hbm>>) dst(%arg13 : memref<400xi32, #tpu.memory_space<vmem>>)
        tpu.yield
      }) : () -> ()
      %mul3A_190 = arith.constant 2 : i32
      %mul3A_191 = arith.muli %mul3A_190, %while3A_153 : i32
      %add3A_192 = arith.constant 1 : i32
      %add3A_193 = arith.addi %mul3A_191, %add3A_192 : i32
      %mul3A_194 = arith.constant 400 : i32
      %mul3A_195 = arith.muli %add3A_193, %mul3A_194 : i32
      %add3A_196 = arith.addi %multiple_of3A, %mul3A_195 : i32
      %multiple_of3A_197 = tpu.assume_multiple %add3A_196, 8 : i32
      "tpu.region"() ({
        %run_scoped3A_226 = tpu.sem_alloc : memref<!tpu.dma_semaphore, #tpu.memory_space<semaphore_mem>>
        %dma_start3A_227 = tpu.memref_slice %arg10[%multiple_of3A_197] : memref<848000xi32, #tpu.memory_space<hbm>> -> memref<400xi32, #tpu.memory_space<hbm>>
        %dma_start3A_228 = tpu.memref_slice %arg10[%multiple_of3A_197] : memref<848000xi32, #tpu.memory_space<hbm>> -> memref<400xi32, #tpu.memory_space<hbm>>
        tpu.enqueue_dma source(%dma_start3A_228 : memref<400xi32, #tpu.memory_space<hbm>>) target(%arg14 : memref<400xi32, #tpu.memory_space<vmem>>) target_semaphore(%run_scoped3A_226 : memref<!tpu.dma_semaphore, #tpu.memory_space<semaphore_mem>>)
        %dma_wait3A_229 = tpu.memref_slice %arg10[%multiple_of3A_197] : memref<848000xi32, #tpu.memory_space<hbm>> -> memref<400xi32, #tpu.memory_space<hbm>>
        %dma_wait3A_230 = tpu.memref_slice %arg10[%multiple_of3A_197] : memref<848000xi32, #tpu.memory_space<hbm>> -> memref<400xi32, #tpu.memory_space<hbm>>
        tpu.wait_dma2 semaphore(%run_scoped3A_226 : memref<!tpu.dma_semaphore, #tpu.memory_space<semaphore_mem>>) src(%dma_wait3A_230 : memref<400xi32, #tpu.memory_space<hbm>>) dst(%arg14 : memref<400xi32, #tpu.memory_space<vmem>>)
        tpu.yield
      }) : () -> ()
      %mul3A_198 = arith.constant 2 : i32
      %mul3A_199 = arith.muli %mul3A_198, %while3A_153 : i32
      %add3A_200 = arith.constant 0 : i32
      %add3A_201 = arith.addi %mul3A_199, %add3A_200 : i32
      %mul3A_202 = arith.constant 400 : i32
      %mul3A_203 = arith.muli %add3A_201, %mul3A_202 : i32
      %multiple_of3A_204 = tpu.assume_multiple %mul3A_203, 8 : i32
      %dma_wait3A_205 = tpu.memref_slice %arg15[%multiple_of3A_204] : memref<40000xi32, #tpu.memory_space<vmem>> -> memref<400xi32, #tpu.memory_space<vmem>>
      %dma_wait3A_206 = arith.constant 0 : i32
      %dma_wait3A_207 = arith.constant 0 : i32
      %dma_wait3A_208 = tpu.memref_slice %arg5[%dma_wait3A_206, %dma_wait3A_207] : memref<50176x16xf32, #tpu.memory_space<hbm>> -> memref<50176x16xf32, #tpu.memory_space<hbm>>
      tpu.wait_indirect_dma semaphore(%arg19 : memref<!tpu.dma_semaphore, #tpu.memory_space<semaphore_mem>>) src(%dma_wait3A_208 : memref<50176x16xf32, #tpu.memory_space<hbm>>) dst(%arg16 : memref<400x16xf32, #tpu.memory_space<vmem>>)
      %dma_start3A_209 = arith.constant 0 : i32
      %dma_start3A_210 = arith.constant 0 : i32
      %dma_start3A_211 = tpu.memref_slice %arg18[%dma_start3A_209, %dma_start3A_210] : memref<50176x16xf32, #tpu.memory_space<vmem_shared>> -> memref<50176x16xf32, #tpu.memory_space<vmem_shared>>
      tpu.enqueue_indirect_dma source(%arg16 : memref<400x16xf32, #tpu.memory_space<vmem>>) target(%dma_start3A_211 : memref<50176x16xf32, #tpu.memory_space<vmem_shared>>) offsets(%arg13 : memref<400xi32, #tpu.memory_space<vmem>>) semaphore(%arg21 : memref<!tpu.dma_semaphore, #tpu.memory_space<semaphore_mem>>) {add = true}
      %mul3A_212 = arith.constant 2 : i32
      %mul3A_213 = arith.muli %mul3A_212, %while3A_153 : i32
      %add3A_214 = arith.constant 1 : i32
      %add3A_215 = arith.addi %mul3A_213, %add3A_214 : i32
      %mul3A_216 = arith.constant 400 : i32
      %mul3A_217 = arith.muli %add3A_215, %mul3A_216 : i32
      %multiple_of3A_218 = tpu.assume_multiple %mul3A_217, 8 : i32
      %dma_wait3A_219 = tpu.memref_slice %arg15[%multiple_of3A_218] : memref<40000xi32, #tpu.memory_space<vmem>> -> memref<400xi32, #tpu.memory_space<vmem>>
      %dma_wait3A_220 = arith.constant 0 : i32
      %dma_wait3A_221 = arith.constant 0 : i32
      %dma_wait3A_222 = tpu.memref_slice %arg5[%dma_wait3A_220, %dma_wait3A_221] : memref<50176x16xf32, #tpu.memory_space<hbm>> -> memref<50176x16xf32, #tpu.memory_space<hbm>>
      tpu.wait_indirect_dma semaphore(%arg20 : memref<!tpu.dma_semaphore, #tpu.memory_space<semaphore_mem>>) src(%dma_wait3A_222 : memref<50176x16xf32, #tpu.memory_space<hbm>>) dst(%arg17 : memref<400x16xf32, #tpu.memory_space<vmem>>)
      %dma_start3A_223 = arith.constant 0 : i32
      %dma_start3A_224 = arith.constant 0 : i32
      %dma_start3A_225 = tpu.memref_slice %arg18[%dma_start3A_223, %dma_start3A_224] : memref<50176x16xf32, #tpu.memory_space<vmem_shared>> -> memref<50176x16xf32, #tpu.memory_space<vmem_shared>>
      tpu.enqueue_indirect_dma source(%arg17 : memref<400x16xf32, #tpu.memory_space<vmem>>) target(%dma_start3A_225 : memref<50176x16xf32, #tpu.memory_space<vmem_shared>>) offsets(%arg14 : memref<400xi32, #tpu.memory_space<vmem>>) semaphore(%arg22 : memref<!tpu.dma_semaphore, #tpu.memory_space<semaphore_mem>>) {add = true}
    }
    %dma_wait3A_84 = arith.constant 0 : i32
    %dma_wait3A_85 = arith.constant 0 : i32
    %dma_wait3A_86 = tpu.memref_slice %arg18[%dma_wait3A_84, %dma_wait3A_85] : memref<50176x16xf32, #tpu.memory_space<vmem_shared>> -> memref<50176x16xf32, #tpu.memory_space<vmem_shared>>
    tpu.wait_indirect_dma semaphore(%arg21 : memref<!tpu.dma_semaphore, #tpu.memory_space<semaphore_mem>>) src(%arg16 : memref<400x16xf32, #tpu.memory_space<vmem>>) dst(%dma_wait3A_86 : memref<50176x16xf32, #tpu.memory_space<vmem_shared>>)
    %dma_wait3A_87 = arith.constant 0 : i32
    %dma_wait3A_88 = arith.constant 0 : i32
    %dma_wait3A_89 = tpu.memref_slice %arg18[%dma_wait3A_87, %dma_wait3A_88] : memref<50176x16xf32, #tpu.memory_space<vmem_shared>> -> memref<50176x16xf32, #tpu.memory_space<vmem_shared>>
    tpu.wait_indirect_dma semaphore(%arg22 : memref<!tpu.dma_semaphore, #tpu.memory_space<semaphore_mem>>) src(%arg17 : memref<400x16xf32, #tpu.memory_space<vmem>>) dst(%dma_wait3A_89 : memref<50176x16xf32, #tpu.memory_space<vmem_shared>>)
    %barrier3A_90 = arith.constant 0 : index
    tpu.barrier barrier_id(%barrier3A_90)
    %run_scoped3A_91 = arith.constant 3 : i32
    "tpu.region"() ({
      %run_scoped3A_153 = tpu.sem_alloc : memref<!tpu.dma_semaphore, #tpu.memory_space<semaphore_mem>>
      %dma_start3A = arith.constant 0 : i32
      %dma_start3A_154 = arith.constant 0 : i32
      %dma_start3A_155 = arith.constant 0 : i32
      %dma_start3A_156 = tpu.memref_slice %arg12[%arg0, %dma_start3A, %dma_start3A_154, %dma_start3A_155] : memref<2x7x50176x16xf32, #tpu.memory_space<hbm>> -> memref<1x7x50176x16xf32, #tpu.memory_space<hbm>>
      %dma_start3A_157 = tpu.memref_squeeze %dma_start3A_156 : memref<1x7x50176x16xf32, #tpu.memory_space<hbm>> -> memref<7x50176x16xf32, #tpu.memory_space<hbm>>
      %dma_start3A_158 = arith.constant 0 : i32
      %dma_start3A_159 = arith.constant 0 : i32
      %dma_start3A_160 = tpu.memref_slice %dma_start3A_157[%run_scoped3A_91, %dma_start3A_158, %dma_start3A_159] : memref<7x50176x16xf32, #tpu.memory_space<hbm>> -> memref<1x50176x16xf32, #tpu.memory_space<hbm>>
      %dma_start3A_161 = tpu.memref_squeeze %dma_start3A_160 : memref<1x50176x16xf32, #tpu.memory_space<hbm>> -> memref<50176x16xf32, #tpu.memory_space<hbm>>
      %dma_start3A_162 = arith.constant 0 : i32
      %dma_start3A_163 = tpu.memref_slice %dma_start3A_161[%multiple_of3A_16, %dma_start3A_162] : memref<50176x16xf32, #tpu.memory_space<hbm>> -> memref<3136x16xf32, #tpu.memory_space<hbm>>
      %dma_start3A_164 = arith.constant 0 : i32
      %dma_start3A_165 = tpu.memref_slice %arg18[%multiple_of3A_16, %dma_start3A_164] : memref<50176x16xf32, #tpu.memory_space<vmem_shared>> -> memref<3136x16xf32, #tpu.memory_space<vmem_shared>>
      tpu.enqueue_dma source(%dma_start3A_165 : memref<3136x16xf32, #tpu.memory_space<vmem_shared>>) target(%dma_start3A_163 : memref<3136x16xf32, #tpu.memory_space<hbm>>) target_semaphore(%run_scoped3A_153 : memref<!tpu.dma_semaphore, #tpu.memory_space<semaphore_mem>>)
      %dma_wait3A_166 = arith.constant 0 : i32
      %dma_wait3A_167 = arith.constant 0 : i32
      %dma_wait3A_168 = arith.constant 0 : i32
      %dma_wait3A_169 = tpu.memref_slice %arg12[%arg0, %dma_wait3A_166, %dma_wait3A_167, %dma_wait3A_168] : memref<2x7x50176x16xf32, #tpu.memory_space<hbm>> -> memref<1x7x50176x16xf32, #tpu.memory_space<hbm>>
      %dma_wait3A_170 = tpu.memref_squeeze %dma_wait3A_169 : memref<1x7x50176x16xf32, #tpu.memory_space<hbm>> -> memref<7x50176x16xf32, #tpu.memory_space<hbm>>
      %dma_wait3A_171 = arith.constant 0 : i32
      %dma_wait3A_172 = arith.constant 0 : i32
      %dma_wait3A_173 = tpu.memref_slice %dma_wait3A_170[%run_scoped3A_91, %dma_wait3A_171, %dma_wait3A_172] : memref<7x50176x16xf32, #tpu.memory_space<hbm>> -> memref<1x50176x16xf32, #tpu.memory_space<hbm>>
      %dma_wait3A_174 = tpu.memref_squeeze %dma_wait3A_173 : memref<1x50176x16xf32, #tpu.memory_space<hbm>> -> memref<50176x16xf32, #tpu.memory_space<hbm>>
      %dma_wait3A_175 = arith.constant 0 : i32
      %dma_wait3A_176 = tpu.memref_slice %dma_wait3A_174[%multiple_of3A_16, %dma_wait3A_175] : memref<50176x16xf32, #tpu.memory_space<hbm>> -> memref<3136x16xf32, #tpu.memory_space<hbm>>
      %dma_wait3A_177 = arith.constant 0 : i32
      %dma_wait3A_178 = tpu.memref_slice %arg18[%multiple_of3A_16, %dma_wait3A_177] : memref<50176x16xf32, #tpu.memory_space<vmem_shared>> -> memref<3136x16xf32, #tpu.memory_space<vmem_shared>>
      tpu.wait_dma2 semaphore(%run_scoped3A_153 : memref<!tpu.dma_semaphore, #tpu.memory_space<semaphore_mem>>) src(%dma_wait3A_178 : memref<3136x16xf32, #tpu.memory_space<vmem_shared>>) dst(%dma_wait3A_176 : memref<3136x16xf32, #tpu.memory_space<hbm>>)
      tpu.yield
    }) : () -> ()
    %barrier3A_92 = arith.constant 0 : index
    tpu.barrier barrier_id(%barrier3A_92)
    "tpu.region"() ({
      %run_scoped3A_153 = tpu.sem_alloc : memref<!tpu.dma_semaphore, #tpu.memory_space<semaphore_mem>>
      %dma_start3A = arith.constant 0 : i32
      %dma_start3A_154 = tpu.memref_slice %arg18[%multiple_of3A_16, %dma_start3A] : memref<50176x16xf32, #tpu.memory_space<vmem_shared>> -> memref<3136x16xf32, #tpu.memory_space<vmem_shared>>
      %dma_start3A_155 = arith.constant 0 : i32
      %dma_start3A_156 = tpu.memref_slice %arg11[%multiple_of3A_16, %dma_start3A_155] : memref<50176x16xf32, #tpu.memory_space<hbm>> -> memref<3136x16xf32, #tpu.memory_space<hbm>>
      tpu.enqueue_dma source(%dma_start3A_156 : memref<3136x16xf32, #tpu.memory_space<hbm>>) target(%dma_start3A_154 : memref<3136x16xf32, #tpu.memory_space<vmem_shared>>) target_semaphore(%run_scoped3A_153 : memref<!tpu.dma_semaphore, #tpu.memory_space<semaphore_mem>>)
      %dma_wait3A_157 = arith.constant 0 : i32
      %dma_wait3A_158 = tpu.memref_slice %arg18[%multiple_of3A_16, %dma_wait3A_157] : memref<50176x16xf32, #tpu.memory_space<vmem_shared>> -> memref<3136x16xf32, #tpu.memory_space<vmem_shared>>
      %dma_wait3A_159 = arith.constant 0 : i32
      %dma_wait3A_160 = tpu.memref_slice %arg11[%multiple_of3A_16, %dma_wait3A_159] : memref<50176x16xf32, #tpu.memory_space<hbm>> -> memref<3136x16xf32, #tpu.memory_space<hbm>>
      tpu.wait_dma2 semaphore(%run_scoped3A_153 : memref<!tpu.dma_semaphore, #tpu.memory_space<semaphore_mem>>) src(%dma_wait3A_160 : memref<3136x16xf32, #tpu.memory_space<hbm>>) dst(%dma_wait3A_158 : memref<3136x16xf32, #tpu.memory_space<vmem_shared>>)
      tpu.yield
    }) : () -> ()
    %barrier3A_93 = arith.constant 0 : index
    tpu.barrier barrier_id(%barrier3A_93)
    %while3A_94 = arith.constant 0 : i32
    %while3A_95 = arith.constant 0 : i32
    %while3A_96 = arith.subi %select_n3A_8, %while3A_95 : i32
    %while3A_97 = arith.addi %while3A_95, %while3A_96 : i32
    %while3A_98 = arith.constant 1 : i32
    %while3A_99 = arith.divsi %while3A_96, %while3A_98 : i32
    %while3A_100 = arith.muli %while3A_99, %while3A_98 : i32
    %while3A_101 = arith.addi %while3A_95, %while3A_100 : i32
    %while3A_102 = arith.constant 1 : i32
    scf.for %while3A_153 = %while3A_95 to %while3A_101 step %while3A_102  : i32 {
      %gt3A = arith.constant 0 : i32
      %gt3A_154 = arith.cmpi sgt, %while3A_153, %gt3A : i32
      %convert_element_type3A = arith.extui %gt3A_154 : i1 to i32
      %cond3A = arith.constant 0 : i32
      %cond3A_155 = arith.cmpi ne, %convert_element_type3A, %cond3A : i32
      scf.if %cond3A_155 {
        %dma_wait3A_226 = arith.constant 0 : i32
        %dma_wait3A_227 = arith.constant 0 : i32
        %dma_wait3A_228 = tpu.memref_slice %arg18[%dma_wait3A_226, %dma_wait3A_227] : memref<50176x16xf32, #tpu.memory_space<vmem_shared>> -> memref<50176x16xf32, #tpu.memory_space<vmem_shared>>
        tpu.wait_indirect_dma semaphore(%arg21 : memref<!tpu.dma_semaphore, #tpu.memory_space<semaphore_mem>>) src(%arg16 : memref<400x16xf32, #tpu.memory_space<vmem>>) dst(%dma_wait3A_228 : memref<50176x16xf32, #tpu.memory_space<vmem_shared>>)
      } else {
      }
      %mul3A_156 = arith.constant 2 : i32
      %mul3A_157 = arith.muli %mul3A_156, %while3A_153 : i32
      %add3A_158 = arith.constant 0 : i32
      %add3A_159 = arith.addi %mul3A_157, %add3A_158 : i32
      %mul3A_160 = arith.constant 400 : i32
      %mul3A_161 = arith.muli %add3A_159, %mul3A_160 : i32
      %multiple_of3A_162 = tpu.assume_multiple %mul3A_161, 8 : i32
      %dma_start3A = tpu.memref_slice %arg15[%multiple_of3A_162] : memref<40000xi32, #tpu.memory_space<vmem>> -> memref<400xi32, #tpu.memory_space<vmem>>
      %dma_start3A_163 = arith.constant 0 : i32
      %dma_start3A_164 = arith.constant 0 : i32
      %dma_start3A_165 = tpu.memref_slice %arg6[%dma_start3A_163, %dma_start3A_164] : memref<50176x16xf32, #tpu.memory_space<hbm>> -> memref<50176x16xf32, #tpu.memory_space<hbm>>
      tpu.enqueue_indirect_dma source(%dma_start3A_165 : memref<50176x16xf32, #tpu.memory_space<hbm>>) target(%arg16 : memref<400x16xf32, #tpu.memory_space<vmem>>) offsets(%dma_start3A : memref<400xi32, #tpu.memory_space<vmem>>) semaphore(%arg19 : memref<!tpu.dma_semaphore, #tpu.memory_space<semaphore_mem>>)
      %gt3A_166 = arith.constant 0 : i32
      %gt3A_167 = arith.cmpi sgt, %while3A_153, %gt3A_166 : i32
      %convert_element_type3A_168 = arith.extui %gt3A_167 : i1 to i32
      %cond3A_169 = arith.constant 0 : i32
      %cond3A_170 = arith.cmpi ne, %convert_element_type3A_168, %cond3A_169 : i32
      scf.if %cond3A_170 {
        %dma_wait3A_226 = arith.constant 0 : i32
        %dma_wait3A_227 = arith.constant 0 : i32
        %dma_wait3A_228 = tpu.memref_slice %arg18[%dma_wait3A_226, %dma_wait3A_227] : memref<50176x16xf32, #tpu.memory_space<vmem_shared>> -> memref<50176x16xf32, #tpu.memory_space<vmem_shared>>
        tpu.wait_indirect_dma semaphore(%arg22 : memref<!tpu.dma_semaphore, #tpu.memory_space<semaphore_mem>>) src(%arg17 : memref<400x16xf32, #tpu.memory_space<vmem>>) dst(%dma_wait3A_228 : memref<50176x16xf32, #tpu.memory_space<vmem_shared>>)
      } else {
      }
      %mul3A_171 = arith.constant 2 : i32
      %mul3A_172 = arith.muli %mul3A_171, %while3A_153 : i32
      %add3A_173 = arith.constant 1 : i32
      %add3A_174 = arith.addi %mul3A_172, %add3A_173 : i32
      %mul3A_175 = arith.constant 400 : i32
      %mul3A_176 = arith.muli %add3A_174, %mul3A_175 : i32
      %multiple_of3A_177 = tpu.assume_multiple %mul3A_176, 8 : i32
      %dma_start3A_178 = tpu.memref_slice %arg15[%multiple_of3A_177] : memref<40000xi32, #tpu.memory_space<vmem>> -> memref<400xi32, #tpu.memory_space<vmem>>
      %dma_start3A_179 = arith.constant 0 : i32
      %dma_start3A_180 = arith.constant 0 : i32
      %dma_start3A_181 = tpu.memref_slice %arg6[%dma_start3A_179, %dma_start3A_180] : memref<50176x16xf32, #tpu.memory_space<hbm>> -> memref<50176x16xf32, #tpu.memory_space<hbm>>
      tpu.enqueue_indirect_dma source(%dma_start3A_181 : memref<50176x16xf32, #tpu.memory_space<hbm>>) target(%arg17 : memref<400x16xf32, #tpu.memory_space<vmem>>) offsets(%dma_start3A_178 : memref<400xi32, #tpu.memory_space<vmem>>) semaphore(%arg20 : memref<!tpu.dma_semaphore, #tpu.memory_space<semaphore_mem>>)
      %mul3A_182 = arith.constant 2 : i32
      %mul3A_183 = arith.muli %mul3A_182, %while3A_153 : i32
      %add3A_184 = arith.constant 0 : i32
      %add3A_185 = arith.addi %mul3A_183, %add3A_184 : i32
      %mul3A_186 = arith.constant 400 : i32
      %mul3A_187 = arith.muli %add3A_185, %mul3A_186 : i32
      %add3A_188 = arith.addi %multiple_of3A, %mul3A_187 : i32
      %multiple_of3A_189 = tpu.assume_multiple %add3A_188, 8 : i32
      "tpu.region"() ({
        %run_scoped3A_226 = tpu.sem_alloc : memref<!tpu.dma_semaphore, #tpu.memory_space<semaphore_mem>>
        %dma_start3A_227 = tpu.memref_slice %arg10[%multiple_of3A_189] : memref<848000xi32, #tpu.memory_space<hbm>> -> memref<400xi32, #tpu.memory_space<hbm>>
        %dma_start3A_228 = tpu.memref_slice %arg10[%multiple_of3A_189] : memref<848000xi32, #tpu.memory_space<hbm>> -> memref<400xi32, #tpu.memory_space<hbm>>
        tpu.enqueue_dma source(%dma_start3A_228 : memref<400xi32, #tpu.memory_space<hbm>>) target(%arg13 : memref<400xi32, #tpu.memory_space<vmem>>) target_semaphore(%run_scoped3A_226 : memref<!tpu.dma_semaphore, #tpu.memory_space<semaphore_mem>>)
        %dma_wait3A_229 = tpu.memref_slice %arg10[%multiple_of3A_189] : memref<848000xi32, #tpu.memory_space<hbm>> -> memref<400xi32, #tpu.memory_space<hbm>>
        %dma_wait3A_230 = tpu.memref_slice %arg10[%multiple_of3A_189] : memref<848000xi32, #tpu.memory_space<hbm>> -> memref<400xi32, #tpu.memory_space<hbm>>
        tpu.wait_dma2 semaphore(%run_scoped3A_226 : memref<!tpu.dma_semaphore, #tpu.memory_space<semaphore_mem>>) src(%dma_wait3A_230 : memref<400xi32, #tpu.memory_space<hbm>>) dst(%arg13 : memref<400xi32, #tpu.memory_space<vmem>>)
        tpu.yield
      }) : () -> ()
      %mul3A_190 = arith.constant 2 : i32
      %mul3A_191 = arith.muli %mul3A_190, %while3A_153 : i32
      %add3A_192 = arith.constant 1 : i32
      %add3A_193 = arith.addi %mul3A_191, %add3A_192 : i32
      %mul3A_194 = arith.constant 400 : i32
      %mul3A_195 = arith.muli %add3A_193, %mul3A_194 : i32
      %add3A_196 = arith.addi %multiple_of3A, %mul3A_195 : i32
      %multiple_of3A_197 = tpu.assume_multiple %add3A_196, 8 : i32
      "tpu.region"() ({
        %run_scoped3A_226 = tpu.sem_alloc : memref<!tpu.dma_semaphore, #tpu.memory_space<semaphore_mem>>
        %dma_start3A_227 = tpu.memref_slice %arg10[%multiple_of3A_197] : memref<848000xi32, #tpu.memory_space<hbm>> -> memref<400xi32, #tpu.memory_space<hbm>>
        %dma_start3A_228 = tpu.memref_slice %arg10[%multiple_of3A_197] : memref<848000xi32, #tpu.memory_space<hbm>> -> memref<400xi32, #tpu.memory_space<hbm>>
        tpu.enqueue_dma source(%dma_start3A_228 : memref<400xi32, #tpu.memory_space<hbm>>) target(%arg14 : memref<400xi32, #tpu.memory_space<vmem>>) target_semaphore(%run_scoped3A_226 : memref<!tpu.dma_semaphore, #tpu.memory_space<semaphore_mem>>)
        %dma_wait3A_229 = tpu.memref_slice %arg10[%multiple_of3A_197] : memref<848000xi32, #tpu.memory_space<hbm>> -> memref<400xi32, #tpu.memory_space<hbm>>
        %dma_wait3A_230 = tpu.memref_slice %arg10[%multiple_of3A_197] : memref<848000xi32, #tpu.memory_space<hbm>> -> memref<400xi32, #tpu.memory_space<hbm>>
        tpu.wait_dma2 semaphore(%run_scoped3A_226 : memref<!tpu.dma_semaphore, #tpu.memory_space<semaphore_mem>>) src(%dma_wait3A_230 : memref<400xi32, #tpu.memory_space<hbm>>) dst(%arg14 : memref<400xi32, #tpu.memory_space<vmem>>)
        tpu.yield
      }) : () -> ()
      %mul3A_198 = arith.constant 2 : i32
      %mul3A_199 = arith.muli %mul3A_198, %while3A_153 : i32
      %add3A_200 = arith.constant 0 : i32
      %add3A_201 = arith.addi %mul3A_199, %add3A_200 : i32
      %mul3A_202 = arith.constant 400 : i32
      %mul3A_203 = arith.muli %add3A_201, %mul3A_202 : i32
      %multiple_of3A_204 = tpu.assume_multiple %mul3A_203, 8 : i32
      %dma_wait3A_205 = tpu.memref_slice %arg15[%multiple_of3A_204] : memref<40000xi32, #tpu.memory_space<vmem>> -> memref<400xi32, #tpu.memory_space<vmem>>
      %dma_wait3A_206 = arith.constant 0 : i32
      %dma_wait3A_207 = arith.constant 0 : i32
      %dma_wait3A_208 = tpu.memref_slice %arg6[%dma_wait3A_206, %dma_wait3A_207] : memref<50176x16xf32, #tpu.memory_space<hbm>> -> memref<50176x16xf32, #tpu.memory_space<hbm>>
      tpu.wait_indirect_dma semaphore(%arg19 : memref<!tpu.dma_semaphore, #tpu.memory_space<semaphore_mem>>) src(%dma_wait3A_208 : memref<50176x16xf32, #tpu.memory_space<hbm>>) dst(%arg16 : memref<400x16xf32, #tpu.memory_space<vmem>>)
      %dma_start3A_209 = arith.constant 0 : i32
      %dma_start3A_210 = arith.constant 0 : i32
      %dma_start3A_211 = tpu.memref_slice %arg18[%dma_start3A_209, %dma_start3A_210] : memref<50176x16xf32, #tpu.memory_space<vmem_shared>> -> memref<50176x16xf32, #tpu.memory_space<vmem_shared>>
      tpu.enqueue_indirect_dma source(%arg16 : memref<400x16xf32, #tpu.memory_space<vmem>>) target(%dma_start3A_211 : memref<50176x16xf32, #tpu.memory_space<vmem_shared>>) offsets(%arg13 : memref<400xi32, #tpu.memory_space<vmem>>) semaphore(%arg21 : memref<!tpu.dma_semaphore, #tpu.memory_space<semaphore_mem>>) {add = true}
      %mul3A_212 = arith.constant 2 : i32
      %mul3A_213 = arith.muli %mul3A_212, %while3A_153 : i32
      %add3A_214 = arith.constant 1 : i32
      %add3A_215 = arith.addi %mul3A_213, %add3A_214 : i32
      %mul3A_216 = arith.constant 400 : i32
      %mul3A_217 = arith.muli %add3A_215, %mul3A_216 : i32
      %multiple_of3A_218 = tpu.assume_multiple %mul3A_217, 8 : i32
      %dma_wait3A_219 = tpu.memref_slice %arg15[%multiple_of3A_218] : memref<40000xi32, #tpu.memory_space<vmem>> -> memref<400xi32, #tpu.memory_space<vmem>>
      %dma_wait3A_220 = arith.constant 0 : i32
      %dma_wait3A_221 = arith.constant 0 : i32
      %dma_wait3A_222 = tpu.memref_slice %arg6[%dma_wait3A_220, %dma_wait3A_221] : memref<50176x16xf32, #tpu.memory_space<hbm>> -> memref<50176x16xf32, #tpu.memory_space<hbm>>
      tpu.wait_indirect_dma semaphore(%arg20 : memref<!tpu.dma_semaphore, #tpu.memory_space<semaphore_mem>>) src(%dma_wait3A_222 : memref<50176x16xf32, #tpu.memory_space<hbm>>) dst(%arg17 : memref<400x16xf32, #tpu.memory_space<vmem>>)
      %dma_start3A_223 = arith.constant 0 : i32
      %dma_start3A_224 = arith.constant 0 : i32
      %dma_start3A_225 = tpu.memref_slice %arg18[%dma_start3A_223, %dma_start3A_224] : memref<50176x16xf32, #tpu.memory_space<vmem_shared>> -> memref<50176x16xf32, #tpu.memory_space<vmem_shared>>
      tpu.enqueue_indirect_dma source(%arg17 : memref<400x16xf32, #tpu.memory_space<vmem>>) target(%dma_start3A_225 : memref<50176x16xf32, #tpu.memory_space<vmem_shared>>) offsets(%arg14 : memref<400xi32, #tpu.memory_space<vmem>>) semaphore(%arg22 : memref<!tpu.dma_semaphore, #tpu.memory_space<semaphore_mem>>) {add = true}
    }
    %while3A_103 = arith.constant 1 : i32
    scf.for %while3A_153 = %while3A_101 to %while3A_97 step %while3A_103  : i32 {
      %gt3A = arith.constant 0 : i32
      %gt3A_154 = arith.cmpi sgt, %while3A_153, %gt3A : i32
      %convert_element_type3A = arith.extui %gt3A_154 : i1 to i32
      %cond3A = arith.constant 0 : i32
      %cond3A_155 = arith.cmpi ne, %convert_element_type3A, %cond3A : i32
      scf.if %cond3A_155 {
        %dma_wait3A_226 = arith.constant 0 : i32
        %dma_wait3A_227 = arith.constant 0 : i32
        %dma_wait3A_228 = tpu.memref_slice %arg18[%dma_wait3A_226, %dma_wait3A_227] : memref<50176x16xf32, #tpu.memory_space<vmem_shared>> -> memref<50176x16xf32, #tpu.memory_space<vmem_shared>>
        tpu.wait_indirect_dma semaphore(%arg21 : memref<!tpu.dma_semaphore, #tpu.memory_space<semaphore_mem>>) src(%arg16 : memref<400x16xf32, #tpu.memory_space<vmem>>) dst(%dma_wait3A_228 : memref<50176x16xf32, #tpu.memory_space<vmem_shared>>)
      } else {
      }
      %mul3A_156 = arith.constant 2 : i32
      %mul3A_157 = arith.muli %mul3A_156, %while3A_153 : i32
      %add3A_158 = arith.constant 0 : i32
      %add3A_159 = arith.addi %mul3A_157, %add3A_158 : i32
      %mul3A_160 = arith.constant 400 : i32
      %mul3A_161 = arith.muli %add3A_159, %mul3A_160 : i32
      %multiple_of3A_162 = tpu.assume_multiple %mul3A_161, 8 : i32
      %dma_start3A = tpu.memref_slice %arg15[%multiple_of3A_162] : memref<40000xi32, #tpu.memory_space<vmem>> -> memref<400xi32, #tpu.memory_space<vmem>>
      %dma_start3A_163 = arith.constant 0 : i32
      %dma_start3A_164 = arith.constant 0 : i32
      %dma_start3A_165 = tpu.memref_slice %arg6[%dma_start3A_163, %dma_start3A_164] : memref<50176x16xf32, #tpu.memory_space<hbm>> -> memref<50176x16xf32, #tpu.memory_space<hbm>>
      tpu.enqueue_indirect_dma source(%dma_start3A_165 : memref<50176x16xf32, #tpu.memory_space<hbm>>) target(%arg16 : memref<400x16xf32, #tpu.memory_space<vmem>>) offsets(%dma_start3A : memref<400xi32, #tpu.memory_space<vmem>>) semaphore(%arg19 : memref<!tpu.dma_semaphore, #tpu.memory_space<semaphore_mem>>)
      %gt3A_166 = arith.constant 0 : i32
      %gt3A_167 = arith.cmpi sgt, %while3A_153, %gt3A_166 : i32
      %convert_element_type3A_168 = arith.extui %gt3A_167 : i1 to i32
      %cond3A_169 = arith.constant 0 : i32
      %cond3A_170 = arith.cmpi ne, %convert_element_type3A_168, %cond3A_169 : i32
      scf.if %cond3A_170 {
        %dma_wait3A_226 = arith.constant 0 : i32
        %dma_wait3A_227 = arith.constant 0 : i32
        %dma_wait3A_228 = tpu.memref_slice %arg18[%dma_wait3A_226, %dma_wait3A_227] : memref<50176x16xf32, #tpu.memory_space<vmem_shared>> -> memref<50176x16xf32, #tpu.memory_space<vmem_shared>>
        tpu.wait_indirect_dma semaphore(%arg22 : memref<!tpu.dma_semaphore, #tpu.memory_space<semaphore_mem>>) src(%arg17 : memref<400x16xf32, #tpu.memory_space<vmem>>) dst(%dma_wait3A_228 : memref<50176x16xf32, #tpu.memory_space<vmem_shared>>)
      } else {
      }
      %mul3A_171 = arith.constant 2 : i32
      %mul3A_172 = arith.muli %mul3A_171, %while3A_153 : i32
      %add3A_173 = arith.constant 1 : i32
      %add3A_174 = arith.addi %mul3A_172, %add3A_173 : i32
      %mul3A_175 = arith.constant 400 : i32
      %mul3A_176 = arith.muli %add3A_174, %mul3A_175 : i32
      %multiple_of3A_177 = tpu.assume_multiple %mul3A_176, 8 : i32
      %dma_start3A_178 = tpu.memref_slice %arg15[%multiple_of3A_177] : memref<40000xi32, #tpu.memory_space<vmem>> -> memref<400xi32, #tpu.memory_space<vmem>>
      %dma_start3A_179 = arith.constant 0 : i32
      %dma_start3A_180 = arith.constant 0 : i32
      %dma_start3A_181 = tpu.memref_slice %arg6[%dma_start3A_179, %dma_start3A_180] : memref<50176x16xf32, #tpu.memory_space<hbm>> -> memref<50176x16xf32, #tpu.memory_space<hbm>>
      tpu.enqueue_indirect_dma source(%dma_start3A_181 : memref<50176x16xf32, #tpu.memory_space<hbm>>) target(%arg17 : memref<400x16xf32, #tpu.memory_space<vmem>>) offsets(%dma_start3A_178 : memref<400xi32, #tpu.memory_space<vmem>>) semaphore(%arg20 : memref<!tpu.dma_semaphore, #tpu.memory_space<semaphore_mem>>)
      %mul3A_182 = arith.constant 2 : i32
      %mul3A_183 = arith.muli %mul3A_182, %while3A_153 : i32
      %add3A_184 = arith.constant 0 : i32
      %add3A_185 = arith.addi %mul3A_183, %add3A_184 : i32
      %mul3A_186 = arith.constant 400 : i32
      %mul3A_187 = arith.muli %add3A_185, %mul3A_186 : i32
      %add3A_188 = arith.addi %multiple_of3A, %mul3A_187 : i32
      %multiple_of3A_189 = tpu.assume_multiple %add3A_188, 8 : i32
      "tpu.region"() ({
        %run_scoped3A_226 = tpu.sem_alloc : memref<!tpu.dma_semaphore, #tpu.memory_space<semaphore_mem>>
        %dma_start3A_227 = tpu.memref_slice %arg10[%multiple_of3A_189] : memref<848000xi32, #tpu.memory_space<hbm>> -> memref<400xi32, #tpu.memory_space<hbm>>
        %dma_start3A_228 = tpu.memref_slice %arg10[%multiple_of3A_189] : memref<848000xi32, #tpu.memory_space<hbm>> -> memref<400xi32, #tpu.memory_space<hbm>>
        tpu.enqueue_dma source(%dma_start3A_228 : memref<400xi32, #tpu.memory_space<hbm>>) target(%arg13 : memref<400xi32, #tpu.memory_space<vmem>>) target_semaphore(%run_scoped3A_226 : memref<!tpu.dma_semaphore, #tpu.memory_space<semaphore_mem>>)
        %dma_wait3A_229 = tpu.memref_slice %arg10[%multiple_of3A_189] : memref<848000xi32, #tpu.memory_space<hbm>> -> memref<400xi32, #tpu.memory_space<hbm>>
        %dma_wait3A_230 = tpu.memref_slice %arg10[%multiple_of3A_189] : memref<848000xi32, #tpu.memory_space<hbm>> -> memref<400xi32, #tpu.memory_space<hbm>>
        tpu.wait_dma2 semaphore(%run_scoped3A_226 : memref<!tpu.dma_semaphore, #tpu.memory_space<semaphore_mem>>) src(%dma_wait3A_230 : memref<400xi32, #tpu.memory_space<hbm>>) dst(%arg13 : memref<400xi32, #tpu.memory_space<vmem>>)
        tpu.yield
      }) : () -> ()
      %mul3A_190 = arith.constant 2 : i32
      %mul3A_191 = arith.muli %mul3A_190, %while3A_153 : i32
      %add3A_192 = arith.constant 1 : i32
      %add3A_193 = arith.addi %mul3A_191, %add3A_192 : i32
      %mul3A_194 = arith.constant 400 : i32
      %mul3A_195 = arith.muli %add3A_193, %mul3A_194 : i32
      %add3A_196 = arith.addi %multiple_of3A, %mul3A_195 : i32
      %multiple_of3A_197 = tpu.assume_multiple %add3A_196, 8 : i32
      "tpu.region"() ({
        %run_scoped3A_226 = tpu.sem_alloc : memref<!tpu.dma_semaphore, #tpu.memory_space<semaphore_mem>>
        %dma_start3A_227 = tpu.memref_slice %arg10[%multiple_of3A_197] : memref<848000xi32, #tpu.memory_space<hbm>> -> memref<400xi32, #tpu.memory_space<hbm>>
        %dma_start3A_228 = tpu.memref_slice %arg10[%multiple_of3A_197] : memref<848000xi32, #tpu.memory_space<hbm>> -> memref<400xi32, #tpu.memory_space<hbm>>
        tpu.enqueue_dma source(%dma_start3A_228 : memref<400xi32, #tpu.memory_space<hbm>>) target(%arg14 : memref<400xi32, #tpu.memory_space<vmem>>) target_semaphore(%run_scoped3A_226 : memref<!tpu.dma_semaphore, #tpu.memory_space<semaphore_mem>>)
        %dma_wait3A_229 = tpu.memref_slice %arg10[%multiple_of3A_197] : memref<848000xi32, #tpu.memory_space<hbm>> -> memref<400xi32, #tpu.memory_space<hbm>>
        %dma_wait3A_230 = tpu.memref_slice %arg10[%multiple_of3A_197] : memref<848000xi32, #tpu.memory_space<hbm>> -> memref<400xi32, #tpu.memory_space<hbm>>
        tpu.wait_dma2 semaphore(%run_scoped3A_226 : memref<!tpu.dma_semaphore, #tpu.memory_space<semaphore_mem>>) src(%dma_wait3A_230 : memref<400xi32, #tpu.memory_space<hbm>>) dst(%arg14 : memref<400xi32, #tpu.memory_space<vmem>>)
        tpu.yield
      }) : () -> ()
      %mul3A_198 = arith.constant 2 : i32
      %mul3A_199 = arith.muli %mul3A_198, %while3A_153 : i32
      %add3A_200 = arith.constant 0 : i32
      %add3A_201 = arith.addi %mul3A_199, %add3A_200 : i32
      %mul3A_202 = arith.constant 400 : i32
      %mul3A_203 = arith.muli %add3A_201, %mul3A_202 : i32
      %multiple_of3A_204 = tpu.assume_multiple %mul3A_203, 8 : i32
      %dma_wait3A_205 = tpu.memref_slice %arg15[%multiple_of3A_204] : memref<40000xi32, #tpu.memory_space<vmem>> -> memref<400xi32, #tpu.memory_space<vmem>>
      %dma_wait3A_206 = arith.constant 0 : i32
      %dma_wait3A_207 = arith.constant 0 : i32
      %dma_wait3A_208 = tpu.memref_slice %arg6[%dma_wait3A_206, %dma_wait3A_207] : memref<50176x16xf32, #tpu.memory_space<hbm>> -> memref<50176x16xf32, #tpu.memory_space<hbm>>
      tpu.wait_indirect_dma semaphore(%arg19 : memref<!tpu.dma_semaphore, #tpu.memory_space<semaphore_mem>>) src(%dma_wait3A_208 : memref<50176x16xf32, #tpu.memory_space<hbm>>) dst(%arg16 : memref<400x16xf32, #tpu.memory_space<vmem>>)
      %dma_start3A_209 = arith.constant 0 : i32
      %dma_start3A_210 = arith.constant 0 : i32
      %dma_start3A_211 = tpu.memref_slice %arg18[%dma_start3A_209, %dma_start3A_210] : memref<50176x16xf32, #tpu.memory_space<vmem_shared>> -> memref<50176x16xf32, #tpu.memory_space<vmem_shared>>
      tpu.enqueue_indirect_dma source(%arg16 : memref<400x16xf32, #tpu.memory_space<vmem>>) target(%dma_start3A_211 : memref<50176x16xf32, #tpu.memory_space<vmem_shared>>) offsets(%arg13 : memref<400xi32, #tpu.memory_space<vmem>>) semaphore(%arg21 : memref<!tpu.dma_semaphore, #tpu.memory_space<semaphore_mem>>) {add = true}
      %mul3A_212 = arith.constant 2 : i32
      %mul3A_213 = arith.muli %mul3A_212, %while3A_153 : i32
      %add3A_214 = arith.constant 1 : i32
      %add3A_215 = arith.addi %mul3A_213, %add3A_214 : i32
      %mul3A_216 = arith.constant 400 : i32
      %mul3A_217 = arith.muli %add3A_215, %mul3A_216 : i32
      %multiple_of3A_218 = tpu.assume_multiple %mul3A_217, 8 : i32
      %dma_wait3A_219 = tpu.memref_slice %arg15[%multiple_of3A_218] : memref<40000xi32, #tpu.memory_space<vmem>> -> memref<400xi32, #tpu.memory_space<vmem>>
      %dma_wait3A_220 = arith.constant 0 : i32
      %dma_wait3A_221 = arith.constant 0 : i32
      %dma_wait3A_222 = tpu.memref_slice %arg6[%dma_wait3A_220, %dma_wait3A_221] : memref<50176x16xf32, #tpu.memory_space<hbm>> -> memref<50176x16xf32, #tpu.memory_space<hbm>>
      tpu.wait_indirect_dma semaphore(%arg20 : memref<!tpu.dma_semaphore, #tpu.memory_space<semaphore_mem>>) src(%dma_wait3A_222 : memref<50176x16xf32, #tpu.memory_space<hbm>>) dst(%arg17 : memref<400x16xf32, #tpu.memory_space<vmem>>)
      %dma_start3A_223 = arith.constant 0 : i32
      %dma_start3A_224 = arith.constant 0 : i32
      %dma_start3A_225 = tpu.memref_slice %arg18[%dma_start3A_223, %dma_start3A_224] : memref<50176x16xf32, #tpu.memory_space<vmem_shared>> -> memref<50176x16xf32, #tpu.memory_space<vmem_shared>>
      tpu.enqueue_indirect_dma source(%arg17 : memref<400x16xf32, #tpu.memory_space<vmem>>) target(%dma_start3A_225 : memref<50176x16xf32, #tpu.memory_space<vmem_shared>>) offsets(%arg14 : memref<400xi32, #tpu.memory_space<vmem>>) semaphore(%arg22 : memref<!tpu.dma_semaphore, #tpu.memory_space<semaphore_mem>>) {add = true}
    }
    %dma_wait3A_104 = arith.constant 0 : i32
    %dma_wait3A_105 = arith.constant 0 : i32
    %dma_wait3A_106 = tpu.memref_slice %arg18[%dma_wait3A_104, %dma_wait3A_105] : memref<50176x16xf32, #tpu.memory_space<vmem_shared>> -> memref<50176x16xf32, #tpu.memory_space<vmem_shared>>
    tpu.wait_indirect_dma semaphore(%arg21 : memref<!tpu.dma_semaphore, #tpu.memory_space<semaphore_mem>>) src(%arg16 : memref<400x16xf32, #tpu.memory_space<vmem>>) dst(%dma_wait3A_106 : memref<50176x16xf32, #tpu.memory_space<vmem_shared>>)
    %dma_wait3A_107 = arith.constant 0 : i32
    %dma_wait3A_108 = arith.constant 0 : i32
    %dma_wait3A_109 = tpu.memref_slice %arg18[%dma_wait3A_107, %dma_wait3A_108] : memref<50176x16xf32, #tpu.memory_space<vmem_shared>> -> memref<50176x16xf32, #tpu.memory_space<vmem_shared>>
    tpu.wait_indirect_dma semaphore(%arg22 : memref<!tpu.dma_semaphore, #tpu.memory_space<semaphore_mem>>) src(%arg17 : memref<400x16xf32, #tpu.memory_space<vmem>>) dst(%dma_wait3A_109 : memref<50176x16xf32, #tpu.memory_space<vmem_shared>>)
    %barrier3A_110 = arith.constant 0 : index
    tpu.barrier barrier_id(%barrier3A_110)
    %run_scoped3A_111 = arith.constant 4 : i32
    "tpu.region"() ({
      %run_scoped3A_153 = tpu.sem_alloc : memref<!tpu.dma_semaphore, #tpu.memory_space<semaphore_mem>>
      %dma_start3A = arith.constant 0 : i32
      %dma_start3A_154 = arith.constant 0 : i32
      %dma_start3A_155 = arith.constant 0 : i32
      %dma_start3A_156 = tpu.memref_slice %arg12[%arg0, %dma_start3A, %dma_start3A_154, %dma_start3A_155] : memref<2x7x50176x16xf32, #tpu.memory_space<hbm>> -> memref<1x7x50176x16xf32, #tpu.memory_space<hbm>>
      %dma_start3A_157 = tpu.memref_squeeze %dma_start3A_156 : memref<1x7x50176x16xf32, #tpu.memory_space<hbm>> -> memref<7x50176x16xf32, #tpu.memory_space<hbm>>
      %dma_start3A_158 = arith.constant 0 : i32
      %dma_start3A_159 = arith.constant 0 : i32
      %dma_start3A_160 = tpu.memref_slice %dma_start3A_157[%run_scoped3A_111, %dma_start3A_158, %dma_start3A_159] : memref<7x50176x16xf32, #tpu.memory_space<hbm>> -> memref<1x50176x16xf32, #tpu.memory_space<hbm>>
      %dma_start3A_161 = tpu.memref_squeeze %dma_start3A_160 : memref<1x50176x16xf32, #tpu.memory_space<hbm>> -> memref<50176x16xf32, #tpu.memory_space<hbm>>
      %dma_start3A_162 = arith.constant 0 : i32
      %dma_start3A_163 = tpu.memref_slice %dma_start3A_161[%multiple_of3A_16, %dma_start3A_162] : memref<50176x16xf32, #tpu.memory_space<hbm>> -> memref<3136x16xf32, #tpu.memory_space<hbm>>
      %dma_start3A_164 = arith.constant 0 : i32
      %dma_start3A_165 = tpu.memref_slice %arg18[%multiple_of3A_16, %dma_start3A_164] : memref<50176x16xf32, #tpu.memory_space<vmem_shared>> -> memref<3136x16xf32, #tpu.memory_space<vmem_shared>>
      tpu.enqueue_dma source(%dma_start3A_165 : memref<3136x16xf32, #tpu.memory_space<vmem_shared>>) target(%dma_start3A_163 : memref<3136x16xf32, #tpu.memory_space<hbm>>) target_semaphore(%run_scoped3A_153 : memref<!tpu.dma_semaphore, #tpu.memory_space<semaphore_mem>>)
      %dma_wait3A_166 = arith.constant 0 : i32
      %dma_wait3A_167 = arith.constant 0 : i32
      %dma_wait3A_168 = arith.constant 0 : i32
      %dma_wait3A_169 = tpu.memref_slice %arg12[%arg0, %dma_wait3A_166, %dma_wait3A_167, %dma_wait3A_168] : memref<2x7x50176x16xf32, #tpu.memory_space<hbm>> -> memref<1x7x50176x16xf32, #tpu.memory_space<hbm>>
      %dma_wait3A_170 = tpu.memref_squeeze %dma_wait3A_169 : memref<1x7x50176x16xf32, #tpu.memory_space<hbm>> -> memref<7x50176x16xf32, #tpu.memory_space<hbm>>
      %dma_wait3A_171 = arith.constant 0 : i32
      %dma_wait3A_172 = arith.constant 0 : i32
      %dma_wait3A_173 = tpu.memref_slice %dma_wait3A_170[%run_scoped3A_111, %dma_wait3A_171, %dma_wait3A_172] : memref<7x50176x16xf32, #tpu.memory_space<hbm>> -> memref<1x50176x16xf32, #tpu.memory_space<hbm>>
      %dma_wait3A_174 = tpu.memref_squeeze %dma_wait3A_173 : memref<1x50176x16xf32, #tpu.memory_space<hbm>> -> memref<50176x16xf32, #tpu.memory_space<hbm>>
      %dma_wait3A_175 = arith.constant 0 : i32
      %dma_wait3A_176 = tpu.memref_slice %dma_wait3A_174[%multiple_of3A_16, %dma_wait3A_175] : memref<50176x16xf32, #tpu.memory_space<hbm>> -> memref<3136x16xf32, #tpu.memory_space<hbm>>
      %dma_wait3A_177 = arith.constant 0 : i32
      %dma_wait3A_178 = tpu.memref_slice %arg18[%multiple_of3A_16, %dma_wait3A_177] : memref<50176x16xf32, #tpu.memory_space<vmem_shared>> -> memref<3136x16xf32, #tpu.memory_space<vmem_shared>>
      tpu.wait_dma2 semaphore(%run_scoped3A_153 : memref<!tpu.dma_semaphore, #tpu.memory_space<semaphore_mem>>) src(%dma_wait3A_178 : memref<3136x16xf32, #tpu.memory_space<vmem_shared>>) dst(%dma_wait3A_176 : memref<3136x16xf32, #tpu.memory_space<hbm>>)
      tpu.yield
    }) : () -> ()
    %barrier3A_112 = arith.constant 0 : index
    tpu.barrier barrier_id(%barrier3A_112)
    "tpu.region"() ({
      %run_scoped3A_153 = tpu.sem_alloc : memref<!tpu.dma_semaphore, #tpu.memory_space<semaphore_mem>>
      %dma_start3A = arith.constant 0 : i32
      %dma_start3A_154 = tpu.memref_slice %arg18[%multiple_of3A_16, %dma_start3A] : memref<50176x16xf32, #tpu.memory_space<vmem_shared>> -> memref<3136x16xf32, #tpu.memory_space<vmem_shared>>
      %dma_start3A_155 = arith.constant 0 : i32
      %dma_start3A_156 = tpu.memref_slice %arg11[%multiple_of3A_16, %dma_start3A_155] : memref<50176x16xf32, #tpu.memory_space<hbm>> -> memref<3136x16xf32, #tpu.memory_space<hbm>>
      tpu.enqueue_dma source(%dma_start3A_156 : memref<3136x16xf32, #tpu.memory_space<hbm>>) target(%dma_start3A_154 : memref<3136x16xf32, #tpu.memory_space<vmem_shared>>) target_semaphore(%run_scoped3A_153 : memref<!tpu.dma_semaphore, #tpu.memory_space<semaphore_mem>>)
      %dma_wait3A_157 = arith.constant 0 : i32
      %dma_wait3A_158 = tpu.memref_slice %arg18[%multiple_of3A_16, %dma_wait3A_157] : memref<50176x16xf32, #tpu.memory_space<vmem_shared>> -> memref<3136x16xf32, #tpu.memory_space<vmem_shared>>
      %dma_wait3A_159 = arith.constant 0 : i32
      %dma_wait3A_160 = tpu.memref_slice %arg11[%multiple_of3A_16, %dma_wait3A_159] : memref<50176x16xf32, #tpu.memory_space<hbm>> -> memref<3136x16xf32, #tpu.memory_space<hbm>>
      tpu.wait_dma2 semaphore(%run_scoped3A_153 : memref<!tpu.dma_semaphore, #tpu.memory_space<semaphore_mem>>) src(%dma_wait3A_160 : memref<3136x16xf32, #tpu.memory_space<hbm>>) dst(%dma_wait3A_158 : memref<3136x16xf32, #tpu.memory_space<vmem_shared>>)
      tpu.yield
    }) : () -> ()
    %barrier3A_113 = arith.constant 0 : index
    tpu.barrier barrier_id(%barrier3A_113)
    %while3A_114 = arith.constant 0 : i32
    %while3A_115 = arith.constant 0 : i32
    %while3A_116 = arith.subi %select_n3A_8, %while3A_115 : i32
    %while3A_117 = arith.addi %while3A_115, %while3A_116 : i32
    %while3A_118 = arith.constant 1 : i32
    %while3A_119 = arith.divsi %while3A_116, %while3A_118 : i32
    %while3A_120 = arith.muli %while3A_119, %while3A_118 : i32
    %while3A_121 = arith.addi %while3A_115, %while3A_120 : i32
    %while3A_122 = arith.constant 1 : i32
    scf.for %while3A_153 = %while3A_115 to %while3A_121 step %while3A_122  : i32 {
      %gt3A = arith.constant 0 : i32
      %gt3A_154 = arith.cmpi sgt, %while3A_153, %gt3A : i32
      %convert_element_type3A = arith.extui %gt3A_154 : i1 to i32
      %cond3A = arith.constant 0 : i32
      %cond3A_155 = arith.cmpi ne, %convert_element_type3A, %cond3A : i32
      scf.if %cond3A_155 {
        %dma_wait3A_226 = arith.constant 0 : i32
        %dma_wait3A_227 = arith.constant 0 : i32
        %dma_wait3A_228 = tpu.memref_slice %arg18[%dma_wait3A_226, %dma_wait3A_227] : memref<50176x16xf32, #tpu.memory_space<vmem_shared>> -> memref<50176x16xf32, #tpu.memory_space<vmem_shared>>
        tpu.wait_indirect_dma semaphore(%arg21 : memref<!tpu.dma_semaphore, #tpu.memory_space<semaphore_mem>>) src(%arg16 : memref<400x16xf32, #tpu.memory_space<vmem>>) dst(%dma_wait3A_228 : memref<50176x16xf32, #tpu.memory_space<vmem_shared>>)
      } else {
      }
      %mul3A_156 = arith.constant 2 : i32
      %mul3A_157 = arith.muli %mul3A_156, %while3A_153 : i32
      %add3A_158 = arith.constant 0 : i32
      %add3A_159 = arith.addi %mul3A_157, %add3A_158 : i32
      %mul3A_160 = arith.constant 400 : i32
      %mul3A_161 = arith.muli %add3A_159, %mul3A_160 : i32
      %multiple_of3A_162 = tpu.assume_multiple %mul3A_161, 8 : i32
      %dma_start3A = tpu.memref_slice %arg15[%multiple_of3A_162] : memref<40000xi32, #tpu.memory_space<vmem>> -> memref<400xi32, #tpu.memory_space<vmem>>
      %dma_start3A_163 = arith.constant 0 : i32
      %dma_start3A_164 = arith.constant 0 : i32
      %dma_start3A_165 = tpu.memref_slice %arg7[%dma_start3A_163, %dma_start3A_164] : memref<50176x16xf32, #tpu.memory_space<hbm>> -> memref<50176x16xf32, #tpu.memory_space<hbm>>
      tpu.enqueue_indirect_dma source(%dma_start3A_165 : memref<50176x16xf32, #tpu.memory_space<hbm>>) target(%arg16 : memref<400x16xf32, #tpu.memory_space<vmem>>) offsets(%dma_start3A : memref<400xi32, #tpu.memory_space<vmem>>) semaphore(%arg19 : memref<!tpu.dma_semaphore, #tpu.memory_space<semaphore_mem>>)
      %gt3A_166 = arith.constant 0 : i32
      %gt3A_167 = arith.cmpi sgt, %while3A_153, %gt3A_166 : i32
      %convert_element_type3A_168 = arith.extui %gt3A_167 : i1 to i32
      %cond3A_169 = arith.constant 0 : i32
      %cond3A_170 = arith.cmpi ne, %convert_element_type3A_168, %cond3A_169 : i32
      scf.if %cond3A_170 {
        %dma_wait3A_226 = arith.constant 0 : i32
        %dma_wait3A_227 = arith.constant 0 : i32
        %dma_wait3A_228 = tpu.memref_slice %arg18[%dma_wait3A_226, %dma_wait3A_227] : memref<50176x16xf32, #tpu.memory_space<vmem_shared>> -> memref<50176x16xf32, #tpu.memory_space<vmem_shared>>
        tpu.wait_indirect_dma semaphore(%arg22 : memref<!tpu.dma_semaphore, #tpu.memory_space<semaphore_mem>>) src(%arg17 : memref<400x16xf32, #tpu.memory_space<vmem>>) dst(%dma_wait3A_228 : memref<50176x16xf32, #tpu.memory_space<vmem_shared>>)
      } else {
      }
      %mul3A_171 = arith.constant 2 : i32
      %mul3A_172 = arith.muli %mul3A_171, %while3A_153 : i32
      %add3A_173 = arith.constant 1 : i32
      %add3A_174 = arith.addi %mul3A_172, %add3A_173 : i32
      %mul3A_175 = arith.constant 400 : i32
      %mul3A_176 = arith.muli %add3A_174, %mul3A_175 : i32
      %multiple_of3A_177 = tpu.assume_multiple %mul3A_176, 8 : i32
      %dma_start3A_178 = tpu.memref_slice %arg15[%multiple_of3A_177] : memref<40000xi32, #tpu.memory_space<vmem>> -> memref<400xi32, #tpu.memory_space<vmem>>
      %dma_start3A_179 = arith.constant 0 : i32
      %dma_start3A_180 = arith.constant 0 : i32
      %dma_start3A_181 = tpu.memref_slice %arg7[%dma_start3A_179, %dma_start3A_180] : memref<50176x16xf32, #tpu.memory_space<hbm>> -> memref<50176x16xf32, #tpu.memory_space<hbm>>
      tpu.enqueue_indirect_dma source(%dma_start3A_181 : memref<50176x16xf32, #tpu.memory_space<hbm>>) target(%arg17 : memref<400x16xf32, #tpu.memory_space<vmem>>) offsets(%dma_start3A_178 : memref<400xi32, #tpu.memory_space<vmem>>) semaphore(%arg20 : memref<!tpu.dma_semaphore, #tpu.memory_space<semaphore_mem>>)
      %mul3A_182 = arith.constant 2 : i32
      %mul3A_183 = arith.muli %mul3A_182, %while3A_153 : i32
      %add3A_184 = arith.constant 0 : i32
      %add3A_185 = arith.addi %mul3A_183, %add3A_184 : i32
      %mul3A_186 = arith.constant 400 : i32
      %mul3A_187 = arith.muli %add3A_185, %mul3A_186 : i32
      %add3A_188 = arith.addi %multiple_of3A, %mul3A_187 : i32
      %multiple_of3A_189 = tpu.assume_multiple %add3A_188, 8 : i32
      "tpu.region"() ({
        %run_scoped3A_226 = tpu.sem_alloc : memref<!tpu.dma_semaphore, #tpu.memory_space<semaphore_mem>>
        %dma_start3A_227 = tpu.memref_slice %arg10[%multiple_of3A_189] : memref<848000xi32, #tpu.memory_space<hbm>> -> memref<400xi32, #tpu.memory_space<hbm>>
        %dma_start3A_228 = tpu.memref_slice %arg10[%multiple_of3A_189] : memref<848000xi32, #tpu.memory_space<hbm>> -> memref<400xi32, #tpu.memory_space<hbm>>
        tpu.enqueue_dma source(%dma_start3A_228 : memref<400xi32, #tpu.memory_space<hbm>>) target(%arg13 : memref<400xi32, #tpu.memory_space<vmem>>) target_semaphore(%run_scoped3A_226 : memref<!tpu.dma_semaphore, #tpu.memory_space<semaphore_mem>>)
        %dma_wait3A_229 = tpu.memref_slice %arg10[%multiple_of3A_189] : memref<848000xi32, #tpu.memory_space<hbm>> -> memref<400xi32, #tpu.memory_space<hbm>>
        %dma_wait3A_230 = tpu.memref_slice %arg10[%multiple_of3A_189] : memref<848000xi32, #tpu.memory_space<hbm>> -> memref<400xi32, #tpu.memory_space<hbm>>
        tpu.wait_dma2 semaphore(%run_scoped3A_226 : memref<!tpu.dma_semaphore, #tpu.memory_space<semaphore_mem>>) src(%dma_wait3A_230 : memref<400xi32, #tpu.memory_space<hbm>>) dst(%arg13 : memref<400xi32, #tpu.memory_space<vmem>>)
        tpu.yield
      }) : () -> ()
      %mul3A_190 = arith.constant 2 : i32
      %mul3A_191 = arith.muli %mul3A_190, %while3A_153 : i32
      %add3A_192 = arith.constant 1 : i32
      %add3A_193 = arith.addi %mul3A_191, %add3A_192 : i32
      %mul3A_194 = arith.constant 400 : i32
      %mul3A_195 = arith.muli %add3A_193, %mul3A_194 : i32
      %add3A_196 = arith.addi %multiple_of3A, %mul3A_195 : i32
      %multiple_of3A_197 = tpu.assume_multiple %add3A_196, 8 : i32
      "tpu.region"() ({
        %run_scoped3A_226 = tpu.sem_alloc : memref<!tpu.dma_semaphore, #tpu.memory_space<semaphore_mem>>
        %dma_start3A_227 = tpu.memref_slice %arg10[%multiple_of3A_197] : memref<848000xi32, #tpu.memory_space<hbm>> -> memref<400xi32, #tpu.memory_space<hbm>>
        %dma_start3A_228 = tpu.memref_slice %arg10[%multiple_of3A_197] : memref<848000xi32, #tpu.memory_space<hbm>> -> memref<400xi32, #tpu.memory_space<hbm>>
        tpu.enqueue_dma source(%dma_start3A_228 : memref<400xi32, #tpu.memory_space<hbm>>) target(%arg14 : memref<400xi32, #tpu.memory_space<vmem>>) target_semaphore(%run_scoped3A_226 : memref<!tpu.dma_semaphore, #tpu.memory_space<semaphore_mem>>)
        %dma_wait3A_229 = tpu.memref_slice %arg10[%multiple_of3A_197] : memref<848000xi32, #tpu.memory_space<hbm>> -> memref<400xi32, #tpu.memory_space<hbm>>
        %dma_wait3A_230 = tpu.memref_slice %arg10[%multiple_of3A_197] : memref<848000xi32, #tpu.memory_space<hbm>> -> memref<400xi32, #tpu.memory_space<hbm>>
        tpu.wait_dma2 semaphore(%run_scoped3A_226 : memref<!tpu.dma_semaphore, #tpu.memory_space<semaphore_mem>>) src(%dma_wait3A_230 : memref<400xi32, #tpu.memory_space<hbm>>) dst(%arg14 : memref<400xi32, #tpu.memory_space<vmem>>)
        tpu.yield
      }) : () -> ()
      %mul3A_198 = arith.constant 2 : i32
      %mul3A_199 = arith.muli %mul3A_198, %while3A_153 : i32
      %add3A_200 = arith.constant 0 : i32
      %add3A_201 = arith.addi %mul3A_199, %add3A_200 : i32
      %mul3A_202 = arith.constant 400 : i32
      %mul3A_203 = arith.muli %add3A_201, %mul3A_202 : i32
      %multiple_of3A_204 = tpu.assume_multiple %mul3A_203, 8 : i32
      %dma_wait3A_205 = tpu.memref_slice %arg15[%multiple_of3A_204] : memref<40000xi32, #tpu.memory_space<vmem>> -> memref<400xi32, #tpu.memory_space<vmem>>
      %dma_wait3A_206 = arith.constant 0 : i32
      %dma_wait3A_207 = arith.constant 0 : i32
      %dma_wait3A_208 = tpu.memref_slice %arg7[%dma_wait3A_206, %dma_wait3A_207] : memref<50176x16xf32, #tpu.memory_space<hbm>> -> memref<50176x16xf32, #tpu.memory_space<hbm>>
      tpu.wait_indirect_dma semaphore(%arg19 : memref<!tpu.dma_semaphore, #tpu.memory_space<semaphore_mem>>) src(%dma_wait3A_208 : memref<50176x16xf32, #tpu.memory_space<hbm>>) dst(%arg16 : memref<400x16xf32, #tpu.memory_space<vmem>>)
      %dma_start3A_209 = arith.constant 0 : i32
      %dma_start3A_210 = arith.constant 0 : i32
      %dma_start3A_211 = tpu.memref_slice %arg18[%dma_start3A_209, %dma_start3A_210] : memref<50176x16xf32, #tpu.memory_space<vmem_shared>> -> memref<50176x16xf32, #tpu.memory_space<vmem_shared>>
      tpu.enqueue_indirect_dma source(%arg16 : memref<400x16xf32, #tpu.memory_space<vmem>>) target(%dma_start3A_211 : memref<50176x16xf32, #tpu.memory_space<vmem_shared>>) offsets(%arg13 : memref<400xi32, #tpu.memory_space<vmem>>) semaphore(%arg21 : memref<!tpu.dma_semaphore, #tpu.memory_space<semaphore_mem>>) {add = true}
      %mul3A_212 = arith.constant 2 : i32
      %mul3A_213 = arith.muli %mul3A_212, %while3A_153 : i32
      %add3A_214 = arith.constant 1 : i32
      %add3A_215 = arith.addi %mul3A_213, %add3A_214 : i32
      %mul3A_216 = arith.constant 400 : i32
      %mul3A_217 = arith.muli %add3A_215, %mul3A_216 : i32
      %multiple_of3A_218 = tpu.assume_multiple %mul3A_217, 8 : i32
      %dma_wait3A_219 = tpu.memref_slice %arg15[%multiple_of3A_218] : memref<40000xi32, #tpu.memory_space<vmem>> -> memref<400xi32, #tpu.memory_space<vmem>>
      %dma_wait3A_220 = arith.constant 0 : i32
      %dma_wait3A_221 = arith.constant 0 : i32
      %dma_wait3A_222 = tpu.memref_slice %arg7[%dma_wait3A_220, %dma_wait3A_221] : memref<50176x16xf32, #tpu.memory_space<hbm>> -> memref<50176x16xf32, #tpu.memory_space<hbm>>
      tpu.wait_indirect_dma semaphore(%arg20 : memref<!tpu.dma_semaphore, #tpu.memory_space<semaphore_mem>>) src(%dma_wait3A_222 : memref<50176x16xf32, #tpu.memory_space<hbm>>) dst(%arg17 : memref<400x16xf32, #tpu.memory_space<vmem>>)
      %dma_start3A_223 = arith.constant 0 : i32
      %dma_start3A_224 = arith.constant 0 : i32
      %dma_start3A_225 = tpu.memref_slice %arg18[%dma_start3A_223, %dma_start3A_224] : memref<50176x16xf32, #tpu.memory_space<vmem_shared>> -> memref<50176x16xf32, #tpu.memory_space<vmem_shared>>
      tpu.enqueue_indirect_dma source(%arg17 : memref<400x16xf32, #tpu.memory_space<vmem>>) target(%dma_start3A_225 : memref<50176x16xf32, #tpu.memory_space<vmem_shared>>) offsets(%arg14 : memref<400xi32, #tpu.memory_space<vmem>>) semaphore(%arg22 : memref<!tpu.dma_semaphore, #tpu.memory_space<semaphore_mem>>) {add = true}
    }
    %while3A_123 = arith.constant 1 : i32
    scf.for %while3A_153 = %while3A_121 to %while3A_117 step %while3A_123  : i32 {
      %gt3A = arith.constant 0 : i32
      %gt3A_154 = arith.cmpi sgt, %while3A_153, %gt3A : i32
      %convert_element_type3A = arith.extui %gt3A_154 : i1 to i32
      %cond3A = arith.constant 0 : i32
      %cond3A_155 = arith.cmpi ne, %convert_element_type3A, %cond3A : i32
      scf.if %cond3A_155 {
        %dma_wait3A_226 = arith.constant 0 : i32
        %dma_wait3A_227 = arith.constant 0 : i32
        %dma_wait3A_228 = tpu.memref_slice %arg18[%dma_wait3A_226, %dma_wait3A_227] : memref<50176x16xf32, #tpu.memory_space<vmem_shared>> -> memref<50176x16xf32, #tpu.memory_space<vmem_shared>>
        tpu.wait_indirect_dma semaphore(%arg21 : memref<!tpu.dma_semaphore, #tpu.memory_space<semaphore_mem>>) src(%arg16 : memref<400x16xf32, #tpu.memory_space<vmem>>) dst(%dma_wait3A_228 : memref<50176x16xf32, #tpu.memory_space<vmem_shared>>)
      } else {
      }
      %mul3A_156 = arith.constant 2 : i32
      %mul3A_157 = arith.muli %mul3A_156, %while3A_153 : i32
      %add3A_158 = arith.constant 0 : i32
      %add3A_159 = arith.addi %mul3A_157, %add3A_158 : i32
      %mul3A_160 = arith.constant 400 : i32
      %mul3A_161 = arith.muli %add3A_159, %mul3A_160 : i32
      %multiple_of3A_162 = tpu.assume_multiple %mul3A_161, 8 : i32
      %dma_start3A = tpu.memref_slice %arg15[%multiple_of3A_162] : memref<40000xi32, #tpu.memory_space<vmem>> -> memref<400xi32, #tpu.memory_space<vmem>>
      %dma_start3A_163 = arith.constant 0 : i32
      %dma_start3A_164 = arith.constant 0 : i32
      %dma_start3A_165 = tpu.memref_slice %arg7[%dma_start3A_163, %dma_start3A_164] : memref<50176x16xf32, #tpu.memory_space<hbm>> -> memref<50176x16xf32, #tpu.memory_space<hbm>>
      tpu.enqueue_indirect_dma source(%dma_start3A_165 : memref<50176x16xf32, #tpu.memory_space<hbm>>) target(%arg16 : memref<400x16xf32, #tpu.memory_space<vmem>>) offsets(%dma_start3A : memref<400xi32, #tpu.memory_space<vmem>>) semaphore(%arg19 : memref<!tpu.dma_semaphore, #tpu.memory_space<semaphore_mem>>)
      %gt3A_166 = arith.constant 0 : i32
      %gt3A_167 = arith.cmpi sgt, %while3A_153, %gt3A_166 : i32
      %convert_element_type3A_168 = arith.extui %gt3A_167 : i1 to i32
      %cond3A_169 = arith.constant 0 : i32
      %cond3A_170 = arith.cmpi ne, %convert_element_type3A_168, %cond3A_169 : i32
      scf.if %cond3A_170 {
        %dma_wait3A_226 = arith.constant 0 : i32
        %dma_wait3A_227 = arith.constant 0 : i32
        %dma_wait3A_228 = tpu.memref_slice %arg18[%dma_wait3A_226, %dma_wait3A_227] : memref<50176x16xf32, #tpu.memory_space<vmem_shared>> -> memref<50176x16xf32, #tpu.memory_space<vmem_shared>>
        tpu.wait_indirect_dma semaphore(%arg22 : memref<!tpu.dma_semaphore, #tpu.memory_space<semaphore_mem>>) src(%arg17 : memref<400x16xf32, #tpu.memory_space<vmem>>) dst(%dma_wait3A_228 : memref<50176x16xf32, #tpu.memory_space<vmem_shared>>)
      } else {
      }
      %mul3A_171 = arith.constant 2 : i32
      %mul3A_172 = arith.muli %mul3A_171, %while3A_153 : i32
      %add3A_173 = arith.constant 1 : i32
      %add3A_174 = arith.addi %mul3A_172, %add3A_173 : i32
      %mul3A_175 = arith.constant 400 : i32
      %mul3A_176 = arith.muli %add3A_174, %mul3A_175 : i32
      %multiple_of3A_177 = tpu.assume_multiple %mul3A_176, 8 : i32
      %dma_start3A_178 = tpu.memref_slice %arg15[%multiple_of3A_177] : memref<40000xi32, #tpu.memory_space<vmem>> -> memref<400xi32, #tpu.memory_space<vmem>>
      %dma_start3A_179 = arith.constant 0 : i32
      %dma_start3A_180 = arith.constant 0 : i32
      %dma_start3A_181 = tpu.memref_slice %arg7[%dma_start3A_179, %dma_start3A_180] : memref<50176x16xf32, #tpu.memory_space<hbm>> -> memref<50176x16xf32, #tpu.memory_space<hbm>>
      tpu.enqueue_indirect_dma source(%dma_start3A_181 : memref<50176x16xf32, #tpu.memory_space<hbm>>) target(%arg17 : memref<400x16xf32, #tpu.memory_space<vmem>>) offsets(%dma_start3A_178 : memref<400xi32, #tpu.memory_space<vmem>>) semaphore(%arg20 : memref<!tpu.dma_semaphore, #tpu.memory_space<semaphore_mem>>)
      %mul3A_182 = arith.constant 2 : i32
      %mul3A_183 = arith.muli %mul3A_182, %while3A_153 : i32
      %add3A_184 = arith.constant 0 : i32
      %add3A_185 = arith.addi %mul3A_183, %add3A_184 : i32
      %mul3A_186 = arith.constant 400 : i32
      %mul3A_187 = arith.muli %add3A_185, %mul3A_186 : i32
      %add3A_188 = arith.addi %multiple_of3A, %mul3A_187 : i32
      %multiple_of3A_189 = tpu.assume_multiple %add3A_188, 8 : i32
      "tpu.region"() ({
        %run_scoped3A_226 = tpu.sem_alloc : memref<!tpu.dma_semaphore, #tpu.memory_space<semaphore_mem>>
        %dma_start3A_227 = tpu.memref_slice %arg10[%multiple_of3A_189] : memref<848000xi32, #tpu.memory_space<hbm>> -> memref<400xi32, #tpu.memory_space<hbm>>
        %dma_start3A_228 = tpu.memref_slice %arg10[%multiple_of3A_189] : memref<848000xi32, #tpu.memory_space<hbm>> -> memref<400xi32, #tpu.memory_space<hbm>>
        tpu.enqueue_dma source(%dma_start3A_228 : memref<400xi32, #tpu.memory_space<hbm>>) target(%arg13 : memref<400xi32, #tpu.memory_space<vmem>>) target_semaphore(%run_scoped3A_226 : memref<!tpu.dma_semaphore, #tpu.memory_space<semaphore_mem>>)
        %dma_wait3A_229 = tpu.memref_slice %arg10[%multiple_of3A_189] : memref<848000xi32, #tpu.memory_space<hbm>> -> memref<400xi32, #tpu.memory_space<hbm>>
        %dma_wait3A_230 = tpu.memref_slice %arg10[%multiple_of3A_189] : memref<848000xi32, #tpu.memory_space<hbm>> -> memref<400xi32, #tpu.memory_space<hbm>>
        tpu.wait_dma2 semaphore(%run_scoped3A_226 : memref<!tpu.dma_semaphore, #tpu.memory_space<semaphore_mem>>) src(%dma_wait3A_230 : memref<400xi32, #tpu.memory_space<hbm>>) dst(%arg13 : memref<400xi32, #tpu.memory_space<vmem>>)
        tpu.yield
      }) : () -> ()
      %mul3A_190 = arith.constant 2 : i32
      %mul3A_191 = arith.muli %mul3A_190, %while3A_153 : i32
      %add3A_192 = arith.constant 1 : i32
      %add3A_193 = arith.addi %mul3A_191, %add3A_192 : i32
      %mul3A_194 = arith.constant 400 : i32
      %mul3A_195 = arith.muli %add3A_193, %mul3A_194 : i32
      %add3A_196 = arith.addi %multiple_of3A, %mul3A_195 : i32
      %multiple_of3A_197 = tpu.assume_multiple %add3A_196, 8 : i32
      "tpu.region"() ({
        %run_scoped3A_226 = tpu.sem_alloc : memref<!tpu.dma_semaphore, #tpu.memory_space<semaphore_mem>>
        %dma_start3A_227 = tpu.memref_slice %arg10[%multiple_of3A_197] : memref<848000xi32, #tpu.memory_space<hbm>> -> memref<400xi32, #tpu.memory_space<hbm>>
        %dma_start3A_228 = tpu.memref_slice %arg10[%multiple_of3A_197] : memref<848000xi32, #tpu.memory_space<hbm>> -> memref<400xi32, #tpu.memory_space<hbm>>
        tpu.enqueue_dma source(%dma_start3A_228 : memref<400xi32, #tpu.memory_space<hbm>>) target(%arg14 : memref<400xi32, #tpu.memory_space<vmem>>) target_semaphore(%run_scoped3A_226 : memref<!tpu.dma_semaphore, #tpu.memory_space<semaphore_mem>>)
        %dma_wait3A_229 = tpu.memref_slice %arg10[%multiple_of3A_197] : memref<848000xi32, #tpu.memory_space<hbm>> -> memref<400xi32, #tpu.memory_space<hbm>>
        %dma_wait3A_230 = tpu.memref_slice %arg10[%multiple_of3A_197] : memref<848000xi32, #tpu.memory_space<hbm>> -> memref<400xi32, #tpu.memory_space<hbm>>
        tpu.wait_dma2 semaphore(%run_scoped3A_226 : memref<!tpu.dma_semaphore, #tpu.memory_space<semaphore_mem>>) src(%dma_wait3A_230 : memref<400xi32, #tpu.memory_space<hbm>>) dst(%arg14 : memref<400xi32, #tpu.memory_space<vmem>>)
        tpu.yield
      }) : () -> ()
      %mul3A_198 = arith.constant 2 : i32
      %mul3A_199 = arith.muli %mul3A_198, %while3A_153 : i32
      %add3A_200 = arith.constant 0 : i32
      %add3A_201 = arith.addi %mul3A_199, %add3A_200 : i32
      %mul3A_202 = arith.constant 400 : i32
      %mul3A_203 = arith.muli %add3A_201, %mul3A_202 : i32
      %multiple_of3A_204 = tpu.assume_multiple %mul3A_203, 8 : i32
      %dma_wait3A_205 = tpu.memref_slice %arg15[%multiple_of3A_204] : memref<40000xi32, #tpu.memory_space<vmem>> -> memref<400xi32, #tpu.memory_space<vmem>>
      %dma_wait3A_206 = arith.constant 0 : i32
      %dma_wait3A_207 = arith.constant 0 : i32
      %dma_wait3A_208 = tpu.memref_slice %arg7[%dma_wait3A_206, %dma_wait3A_207] : memref<50176x16xf32, #tpu.memory_space<hbm>> -> memref<50176x16xf32, #tpu.memory_space<hbm>>
      tpu.wait_indirect_dma semaphore(%arg19 : memref<!tpu.dma_semaphore, #tpu.memory_space<semaphore_mem>>) src(%dma_wait3A_208 : memref<50176x16xf32, #tpu.memory_space<hbm>>) dst(%arg16 : memref<400x16xf32, #tpu.memory_space<vmem>>)
      %dma_start3A_209 = arith.constant 0 : i32
      %dma_start3A_210 = arith.constant 0 : i32
      %dma_start3A_211 = tpu.memref_slice %arg18[%dma_start3A_209, %dma_start3A_210] : memref<50176x16xf32, #tpu.memory_space<vmem_shared>> -> memref<50176x16xf32, #tpu.memory_space<vmem_shared>>
      tpu.enqueue_indirect_dma source(%arg16 : memref<400x16xf32, #tpu.memory_space<vmem>>) target(%dma_start3A_211 : memref<50176x16xf32, #tpu.memory_space<vmem_shared>>) offsets(%arg13 : memref<400xi32, #tpu.memory_space<vmem>>) semaphore(%arg21 : memref<!tpu.dma_semaphore, #tpu.memory_space<semaphore_mem>>) {add = true}
      %mul3A_212 = arith.constant 2 : i32
      %mul3A_213 = arith.muli %mul3A_212, %while3A_153 : i32
      %add3A_214 = arith.constant 1 : i32
      %add3A_215 = arith.addi %mul3A_213, %add3A_214 : i32
      %mul3A_216 = arith.constant 400 : i32
      %mul3A_217 = arith.muli %add3A_215, %mul3A_216 : i32
      %multiple_of3A_218 = tpu.assume_multiple %mul3A_217, 8 : i32
      %dma_wait3A_219 = tpu.memref_slice %arg15[%multiple_of3A_218] : memref<40000xi32, #tpu.memory_space<vmem>> -> memref<400xi32, #tpu.memory_space<vmem>>
      %dma_wait3A_220 = arith.constant 0 : i32
      %dma_wait3A_221 = arith.constant 0 : i32
      %dma_wait3A_222 = tpu.memref_slice %arg7[%dma_wait3A_220, %dma_wait3A_221] : memref<50176x16xf32, #tpu.memory_space<hbm>> -> memref<50176x16xf32, #tpu.memory_space<hbm>>
      tpu.wait_indirect_dma semaphore(%arg20 : memref<!tpu.dma_semaphore, #tpu.memory_space<semaphore_mem>>) src(%dma_wait3A_222 : memref<50176x16xf32, #tpu.memory_space<hbm>>) dst(%arg17 : memref<400x16xf32, #tpu.memory_space<vmem>>)
      %dma_start3A_223 = arith.constant 0 : i32
      %dma_start3A_224 = arith.constant 0 : i32
      %dma_start3A_225 = tpu.memref_slice %arg18[%dma_start3A_223, %dma_start3A_224] : memref<50176x16xf32, #tpu.memory_space<vmem_shared>> -> memref<50176x16xf32, #tpu.memory_space<vmem_shared>>
      tpu.enqueue_indirect_dma source(%arg17 : memref<400x16xf32, #tpu.memory_space<vmem>>) target(%dma_start3A_225 : memref<50176x16xf32, #tpu.memory_space<vmem_shared>>) offsets(%arg14 : memref<400xi32, #tpu.memory_space<vmem>>) semaphore(%arg22 : memref<!tpu.dma_semaphore, #tpu.memory_space<semaphore_mem>>) {add = true}
    }
    %dma_wait3A_124 = arith.constant 0 : i32
    %dma_wait3A_125 = arith.constant 0 : i32
    %dma_wait3A_126 = tpu.memref_slice %arg18[%dma_wait3A_124, %dma_wait3A_125] : memref<50176x16xf32, #tpu.memory_space<vmem_shared>> -> memref<50176x16xf32, #tpu.memory_space<vmem_shared>>
    tpu.wait_indirect_dma semaphore(%arg21 : memref<!tpu.dma_semaphore, #tpu.memory_space<semaphore_mem>>) src(%arg16 : memref<400x16xf32, #tpu.memory_space<vmem>>) dst(%dma_wait3A_126 : memref<50176x16xf32, #tpu.memory_space<vmem_shared>>)
    %dma_wait3A_127 = arith.constant 0 : i32
    %dma_wait3A_128 = arith.constant 0 : i32
    %dma_wait3A_129 = tpu.memref_slice %arg18[%dma_wait3A_127, %dma_wait3A_128] : memref<50176x16xf32, #tpu.memory_space<vmem_shared>> -> memref<50176x16xf32, #tpu.memory_space<vmem_shared>>
    tpu.wait_indirect_dma semaphore(%arg22 : memref<!tpu.dma_semaphore, #tpu.memory_space<semaphore_mem>>) src(%arg17 : memref<400x16xf32, #tpu.memory_space<vmem>>) dst(%dma_wait3A_129 : memref<50176x16xf32, #tpu.memory_space<vmem_shared>>)
    %barrier3A_130 = arith.constant 0 : index
    tpu.barrier barrier_id(%barrier3A_130)
    %run_scoped3A_131 = arith.constant 5 : i32
    "tpu.region"() ({
      %run_scoped3A_153 = tpu.sem_alloc : memref<!tpu.dma_semaphore, #tpu.memory_space<semaphore_mem>>
      %dma_start3A = arith.constant 0 : i32
      %dma_start3A_154 = arith.constant 0 : i32
      %dma_start3A_155 = arith.constant 0 : i32
      %dma_start3A_156 = tpu.memref_slice %arg12[%arg0, %dma_start3A, %dma_start3A_154, %dma_start3A_155] : memref<2x7x50176x16xf32, #tpu.memory_space<hbm>> -> memref<1x7x50176x16xf32, #tpu.memory_space<hbm>>
      %dma_start3A_157 = tpu.memref_squeeze %dma_start3A_156 : memref<1x7x50176x16xf32, #tpu.memory_space<hbm>> -> memref<7x50176x16xf32, #tpu.memory_space<hbm>>
      %dma_start3A_158 = arith.constant 0 : i32
      %dma_start3A_159 = arith.constant 0 : i32
      %dma_start3A_160 = tpu.memref_slice %dma_start3A_157[%run_scoped3A_131, %dma_start3A_158, %dma_start3A_159] : memref<7x50176x16xf32, #tpu.memory_space<hbm>> -> memref<1x50176x16xf32, #tpu.memory_space<hbm>>
      %dma_start3A_161 = tpu.memref_squeeze %dma_start3A_160 : memref<1x50176x16xf32, #tpu.memory_space<hbm>> -> memref<50176x16xf32, #tpu.memory_space<hbm>>
      %dma_start3A_162 = arith.constant 0 : i32
      %dma_start3A_163 = tpu.memref_slice %dma_start3A_161[%multiple_of3A_16, %dma_start3A_162] : memref<50176x16xf32, #tpu.memory_space<hbm>> -> memref<3136x16xf32, #tpu.memory_space<hbm>>
      %dma_start3A_164 = arith.constant 0 : i32
      %dma_start3A_165 = tpu.memref_slice %arg18[%multiple_of3A_16, %dma_start3A_164] : memref<50176x16xf32, #tpu.memory_space<vmem_shared>> -> memref<3136x16xf32, #tpu.memory_space<vmem_shared>>
      tpu.enqueue_dma source(%dma_start3A_165 : memref<3136x16xf32, #tpu.memory_space<vmem_shared>>) target(%dma_start3A_163 : memref<3136x16xf32, #tpu.memory_space<hbm>>) target_semaphore(%run_scoped3A_153 : memref<!tpu.dma_semaphore, #tpu.memory_space<semaphore_mem>>)
      %dma_wait3A_166 = arith.constant 0 : i32
      %dma_wait3A_167 = arith.constant 0 : i32
      %dma_wait3A_168 = arith.constant 0 : i32
      %dma_wait3A_169 = tpu.memref_slice %arg12[%arg0, %dma_wait3A_166, %dma_wait3A_167, %dma_wait3A_168] : memref<2x7x50176x16xf32, #tpu.memory_space<hbm>> -> memref<1x7x50176x16xf32, #tpu.memory_space<hbm>>
      %dma_wait3A_170 = tpu.memref_squeeze %dma_wait3A_169 : memref<1x7x50176x16xf32, #tpu.memory_space<hbm>> -> memref<7x50176x16xf32, #tpu.memory_space<hbm>>
      %dma_wait3A_171 = arith.constant 0 : i32
      %dma_wait3A_172 = arith.constant 0 : i32
      %dma_wait3A_173 = tpu.memref_slice %dma_wait3A_170[%run_scoped3A_131, %dma_wait3A_171, %dma_wait3A_172] : memref<7x50176x16xf32, #tpu.memory_space<hbm>> -> memref<1x50176x16xf32, #tpu.memory_space<hbm>>
      %dma_wait3A_174 = tpu.memref_squeeze %dma_wait3A_173 : memref<1x50176x16xf32, #tpu.memory_space<hbm>> -> memref<50176x16xf32, #tpu.memory_space<hbm>>
      %dma_wait3A_175 = arith.constant 0 : i32
      %dma_wait3A_176 = tpu.memref_slice %dma_wait3A_174[%multiple_of3A_16, %dma_wait3A_175] : memref<50176x16xf32, #tpu.memory_space<hbm>> -> memref<3136x16xf32, #tpu.memory_space<hbm>>
      %dma_wait3A_177 = arith.constant 0 : i32
      %dma_wait3A_178 = tpu.memref_slice %arg18[%multiple_of3A_16, %dma_wait3A_177] : memref<50176x16xf32, #tpu.memory_space<vmem_shared>> -> memref<3136x16xf32, #tpu.memory_space<vmem_shared>>
      tpu.wait_dma2 semaphore(%run_scoped3A_153 : memref<!tpu.dma_semaphore, #tpu.memory_space<semaphore_mem>>) src(%dma_wait3A_178 : memref<3136x16xf32, #tpu.memory_space<vmem_shared>>) dst(%dma_wait3A_176 : memref<3136x16xf32, #tpu.memory_space<hbm>>)
      tpu.yield
    }) : () -> ()
    %barrier3A_132 = arith.constant 0 : index
    tpu.barrier barrier_id(%barrier3A_132)
    "tpu.region"() ({
      %run_scoped3A_153 = tpu.sem_alloc : memref<!tpu.dma_semaphore, #tpu.memory_space<semaphore_mem>>
      %dma_start3A = arith.constant 0 : i32
      %dma_start3A_154 = tpu.memref_slice %arg18[%multiple_of3A_16, %dma_start3A] : memref<50176x16xf32, #tpu.memory_space<vmem_shared>> -> memref<3136x16xf32, #tpu.memory_space<vmem_shared>>
      %dma_start3A_155 = arith.constant 0 : i32
      %dma_start3A_156 = tpu.memref_slice %arg11[%multiple_of3A_16, %dma_start3A_155] : memref<50176x16xf32, #tpu.memory_space<hbm>> -> memref<3136x16xf32, #tpu.memory_space<hbm>>
      tpu.enqueue_dma source(%dma_start3A_156 : memref<3136x16xf32, #tpu.memory_space<hbm>>) target(%dma_start3A_154 : memref<3136x16xf32, #tpu.memory_space<vmem_shared>>) target_semaphore(%run_scoped3A_153 : memref<!tpu.dma_semaphore, #tpu.memory_space<semaphore_mem>>)
      %dma_wait3A_157 = arith.constant 0 : i32
      %dma_wait3A_158 = tpu.memref_slice %arg18[%multiple_of3A_16, %dma_wait3A_157] : memref<50176x16xf32, #tpu.memory_space<vmem_shared>> -> memref<3136x16xf32, #tpu.memory_space<vmem_shared>>
      %dma_wait3A_159 = arith.constant 0 : i32
      %dma_wait3A_160 = tpu.memref_slice %arg11[%multiple_of3A_16, %dma_wait3A_159] : memref<50176x16xf32, #tpu.memory_space<hbm>> -> memref<3136x16xf32, #tpu.memory_space<hbm>>
      tpu.wait_dma2 semaphore(%run_scoped3A_153 : memref<!tpu.dma_semaphore, #tpu.memory_space<semaphore_mem>>) src(%dma_wait3A_160 : memref<3136x16xf32, #tpu.memory_space<hbm>>) dst(%dma_wait3A_158 : memref<3136x16xf32, #tpu.memory_space<vmem_shared>>)
      tpu.yield
    }) : () -> ()
    %barrier3A_133 = arith.constant 0 : index
    tpu.barrier barrier_id(%barrier3A_133)
    %while3A_134 = arith.constant 0 : i32
    %while3A_135 = arith.constant 0 : i32
    %while3A_136 = arith.subi %select_n3A_8, %while3A_135 : i32
    %while3A_137 = arith.addi %while3A_135, %while3A_136 : i32
    %while3A_138 = arith.constant 1 : i32
    %while3A_139 = arith.divsi %while3A_136, %while3A_138 : i32
    %while3A_140 = arith.muli %while3A_139, %while3A_138 : i32
    %while3A_141 = arith.addi %while3A_135, %while3A_140 : i32
    %while3A_142 = arith.constant 1 : i32
    scf.for %while3A_153 = %while3A_135 to %while3A_141 step %while3A_142  : i32 {
      %gt3A = arith.constant 0 : i32
      %gt3A_154 = arith.cmpi sgt, %while3A_153, %gt3A : i32
      %convert_element_type3A = arith.extui %gt3A_154 : i1 to i32
      %cond3A = arith.constant 0 : i32
      %cond3A_155 = arith.cmpi ne, %convert_element_type3A, %cond3A : i32
      scf.if %cond3A_155 {
        %dma_wait3A_226 = arith.constant 0 : i32
        %dma_wait3A_227 = arith.constant 0 : i32
        %dma_wait3A_228 = tpu.memref_slice %arg18[%dma_wait3A_226, %dma_wait3A_227] : memref<50176x16xf32, #tpu.memory_space<vmem_shared>> -> memref<50176x16xf32, #tpu.memory_space<vmem_shared>>
        tpu.wait_indirect_dma semaphore(%arg21 : memref<!tpu.dma_semaphore, #tpu.memory_space<semaphore_mem>>) src(%arg16 : memref<400x16xf32, #tpu.memory_space<vmem>>) dst(%dma_wait3A_228 : memref<50176x16xf32, #tpu.memory_space<vmem_shared>>)
      } else {
      }
      %mul3A_156 = arith.constant 2 : i32
      %mul3A_157 = arith.muli %mul3A_156, %while3A_153 : i32
      %add3A_158 = arith.constant 0 : i32
      %add3A_159 = arith.addi %mul3A_157, %add3A_158 : i32
      %mul3A_160 = arith.constant 400 : i32
      %mul3A_161 = arith.muli %add3A_159, %mul3A_160 : i32
      %multiple_of3A_162 = tpu.assume_multiple %mul3A_161, 8 : i32
      %dma_start3A = tpu.memref_slice %arg15[%multiple_of3A_162] : memref<40000xi32, #tpu.memory_space<vmem>> -> memref<400xi32, #tpu.memory_space<vmem>>
      %dma_start3A_163 = arith.constant 0 : i32
      %dma_start3A_164 = arith.constant 0 : i32
      %dma_start3A_165 = tpu.memref_slice %arg8[%dma_start3A_163, %dma_start3A_164] : memref<50176x16xf32, #tpu.memory_space<hbm>> -> memref<50176x16xf32, #tpu.memory_space<hbm>>
      tpu.enqueue_indirect_dma source(%dma_start3A_165 : memref<50176x16xf32, #tpu.memory_space<hbm>>) target(%arg16 : memref<400x16xf32, #tpu.memory_space<vmem>>) offsets(%dma_start3A : memref<400xi32, #tpu.memory_space<vmem>>) semaphore(%arg19 : memref<!tpu.dma_semaphore, #tpu.memory_space<semaphore_mem>>)
      %gt3A_166 = arith.constant 0 : i32
      %gt3A_167 = arith.cmpi sgt, %while3A_153, %gt3A_166 : i32
      %convert_element_type3A_168 = arith.extui %gt3A_167 : i1 to i32
      %cond3A_169 = arith.constant 0 : i32
      %cond3A_170 = arith.cmpi ne, %convert_element_type3A_168, %cond3A_169 : i32
      scf.if %cond3A_170 {
        %dma_wait3A_226 = arith.constant 0 : i32
        %dma_wait3A_227 = arith.constant 0 : i32
        %dma_wait3A_228 = tpu.memref_slice %arg18[%dma_wait3A_226, %dma_wait3A_227] : memref<50176x16xf32, #tpu.memory_space<vmem_shared>> -> memref<50176x16xf32, #tpu.memory_space<vmem_shared>>
        tpu.wait_indirect_dma semaphore(%arg22 : memref<!tpu.dma_semaphore, #tpu.memory_space<semaphore_mem>>) src(%arg17 : memref<400x16xf32, #tpu.memory_space<vmem>>) dst(%dma_wait3A_228 : memref<50176x16xf32, #tpu.memory_space<vmem_shared>>)
      } else {
      }
      %mul3A_171 = arith.constant 2 : i32
      %mul3A_172 = arith.muli %mul3A_171, %while3A_153 : i32
      %add3A_173 = arith.constant 1 : i32
      %add3A_174 = arith.addi %mul3A_172, %add3A_173 : i32
      %mul3A_175 = arith.constant 400 : i32
      %mul3A_176 = arith.muli %add3A_174, %mul3A_175 : i32
      %multiple_of3A_177 = tpu.assume_multiple %mul3A_176, 8 : i32
      %dma_start3A_178 = tpu.memref_slice %arg15[%multiple_of3A_177] : memref<40000xi32, #tpu.memory_space<vmem>> -> memref<400xi32, #tpu.memory_space<vmem>>
      %dma_start3A_179 = arith.constant 0 : i32
      %dma_start3A_180 = arith.constant 0 : i32
      %dma_start3A_181 = tpu.memref_slice %arg8[%dma_start3A_179, %dma_start3A_180] : memref<50176x16xf32, #tpu.memory_space<hbm>> -> memref<50176x16xf32, #tpu.memory_space<hbm>>
      tpu.enqueue_indirect_dma source(%dma_start3A_181 : memref<50176x16xf32, #tpu.memory_space<hbm>>) target(%arg17 : memref<400x16xf32, #tpu.memory_space<vmem>>) offsets(%dma_start3A_178 : memref<400xi32, #tpu.memory_space<vmem>>) semaphore(%arg20 : memref<!tpu.dma_semaphore, #tpu.memory_space<semaphore_mem>>)
      %mul3A_182 = arith.constant 2 : i32
      %mul3A_183 = arith.muli %mul3A_182, %while3A_153 : i32
      %add3A_184 = arith.constant 0 : i32
      %add3A_185 = arith.addi %mul3A_183, %add3A_184 : i32
      %mul3A_186 = arith.constant 400 : i32
      %mul3A_187 = arith.muli %add3A_185, %mul3A_186 : i32
      %add3A_188 = arith.addi %multiple_of3A, %mul3A_187 : i32
      %multiple_of3A_189 = tpu.assume_multiple %add3A_188, 8 : i32
      "tpu.region"() ({
        %run_scoped3A_226 = tpu.sem_alloc : memref<!tpu.dma_semaphore, #tpu.memory_space<semaphore_mem>>
        %dma_start3A_227 = tpu.memref_slice %arg10[%multiple_of3A_189] : memref<848000xi32, #tpu.memory_space<hbm>> -> memref<400xi32, #tpu.memory_space<hbm>>
        %dma_start3A_228 = tpu.memref_slice %arg10[%multiple_of3A_189] : memref<848000xi32, #tpu.memory_space<hbm>> -> memref<400xi32, #tpu.memory_space<hbm>>
        tpu.enqueue_dma source(%dma_start3A_228 : memref<400xi32, #tpu.memory_space<hbm>>) target(%arg13 : memref<400xi32, #tpu.memory_space<vmem>>) target_semaphore(%run_scoped3A_226 : memref<!tpu.dma_semaphore, #tpu.memory_space<semaphore_mem>>)
        %dma_wait3A_229 = tpu.memref_slice %arg10[%multiple_of3A_189] : memref<848000xi32, #tpu.memory_space<hbm>> -> memref<400xi32, #tpu.memory_space<hbm>>
        %dma_wait3A_230 = tpu.memref_slice %arg10[%multiple_of3A_189] : memref<848000xi32, #tpu.memory_space<hbm>> -> memref<400xi32, #tpu.memory_space<hbm>>
        tpu.wait_dma2 semaphore(%run_scoped3A_226 : memref<!tpu.dma_semaphore, #tpu.memory_space<semaphore_mem>>) src(%dma_wait3A_230 : memref<400xi32, #tpu.memory_space<hbm>>) dst(%arg13 : memref<400xi32, #tpu.memory_space<vmem>>)
        tpu.yield
      }) : () -> ()
      %mul3A_190 = arith.constant 2 : i32
      %mul3A_191 = arith.muli %mul3A_190, %while3A_153 : i32
      %add3A_192 = arith.constant 1 : i32
      %add3A_193 = arith.addi %mul3A_191, %add3A_192 : i32
      %mul3A_194 = arith.constant 400 : i32
      %mul3A_195 = arith.muli %add3A_193, %mul3A_194 : i32
      %add3A_196 = arith.addi %multiple_of3A, %mul3A_195 : i32
      %multiple_of3A_197 = tpu.assume_multiple %add3A_196, 8 : i32
      "tpu.region"() ({
        %run_scoped3A_226 = tpu.sem_alloc : memref<!tpu.dma_semaphore, #tpu.memory_space<semaphore_mem>>
        %dma_start3A_227 = tpu.memref_slice %arg10[%multiple_of3A_197] : memref<848000xi32, #tpu.memory_space<hbm>> -> memref<400xi32, #tpu.memory_space<hbm>>
        %dma_start3A_228 = tpu.memref_slice %arg10[%multiple_of3A_197] : memref<848000xi32, #tpu.memory_space<hbm>> -> memref<400xi32, #tpu.memory_space<hbm>>
        tpu.enqueue_dma source(%dma_start3A_228 : memref<400xi32, #tpu.memory_space<hbm>>) target(%arg14 : memref<400xi32, #tpu.memory_space<vmem>>) target_semaphore(%run_scoped3A_226 : memref<!tpu.dma_semaphore, #tpu.memory_space<semaphore_mem>>)
        %dma_wait3A_229 = tpu.memref_slice %arg10[%multiple_of3A_197] : memref<848000xi32, #tpu.memory_space<hbm>> -> memref<400xi32, #tpu.memory_space<hbm>>
        %dma_wait3A_230 = tpu.memref_slice %arg10[%multiple_of3A_197] : memref<848000xi32, #tpu.memory_space<hbm>> -> memref<400xi32, #tpu.memory_space<hbm>>
        tpu.wait_dma2 semaphore(%run_scoped3A_226 : memref<!tpu.dma_semaphore, #tpu.memory_space<semaphore_mem>>) src(%dma_wait3A_230 : memref<400xi32, #tpu.memory_space<hbm>>) dst(%arg14 : memref<400xi32, #tpu.memory_space<vmem>>)
        tpu.yield
      }) : () -> ()
      %mul3A_198 = arith.constant 2 : i32
      %mul3A_199 = arith.muli %mul3A_198, %while3A_153 : i32
      %add3A_200 = arith.constant 0 : i32
      %add3A_201 = arith.addi %mul3A_199, %add3A_200 : i32
      %mul3A_202 = arith.constant 400 : i32
      %mul3A_203 = arith.muli %add3A_201, %mul3A_202 : i32
      %multiple_of3A_204 = tpu.assume_multiple %mul3A_203, 8 : i32
      %dma_wait3A_205 = tpu.memref_slice %arg15[%multiple_of3A_204] : memref<40000xi32, #tpu.memory_space<vmem>> -> memref<400xi32, #tpu.memory_space<vmem>>
      %dma_wait3A_206 = arith.constant 0 : i32
      %dma_wait3A_207 = arith.constant 0 : i32
      %dma_wait3A_208 = tpu.memref_slice %arg8[%dma_wait3A_206, %dma_wait3A_207] : memref<50176x16xf32, #tpu.memory_space<hbm>> -> memref<50176x16xf32, #tpu.memory_space<hbm>>
      tpu.wait_indirect_dma semaphore(%arg19 : memref<!tpu.dma_semaphore, #tpu.memory_space<semaphore_mem>>) src(%dma_wait3A_208 : memref<50176x16xf32, #tpu.memory_space<hbm>>) dst(%arg16 : memref<400x16xf32, #tpu.memory_space<vmem>>)
      %dma_start3A_209 = arith.constant 0 : i32
      %dma_start3A_210 = arith.constant 0 : i32
      %dma_start3A_211 = tpu.memref_slice %arg18[%dma_start3A_209, %dma_start3A_210] : memref<50176x16xf32, #tpu.memory_space<vmem_shared>> -> memref<50176x16xf32, #tpu.memory_space<vmem_shared>>
      tpu.enqueue_indirect_dma source(%arg16 : memref<400x16xf32, #tpu.memory_space<vmem>>) target(%dma_start3A_211 : memref<50176x16xf32, #tpu.memory_space<vmem_shared>>) offsets(%arg13 : memref<400xi32, #tpu.memory_space<vmem>>) semaphore(%arg21 : memref<!tpu.dma_semaphore, #tpu.memory_space<semaphore_mem>>) {add = true}
      %mul3A_212 = arith.constant 2 : i32
      %mul3A_213 = arith.muli %mul3A_212, %while3A_153 : i32
      %add3A_214 = arith.constant 1 : i32
      %add3A_215 = arith.addi %mul3A_213, %add3A_214 : i32
      %mul3A_216 = arith.constant 400 : i32
      %mul3A_217 = arith.muli %add3A_215, %mul3A_216 : i32
      %multiple_of3A_218 = tpu.assume_multiple %mul3A_217, 8 : i32
      %dma_wait3A_219 = tpu.memref_slice %arg15[%multiple_of3A_218] : memref<40000xi32, #tpu.memory_space<vmem>> -> memref<400xi32, #tpu.memory_space<vmem>>
      %dma_wait3A_220 = arith.constant 0 : i32
      %dma_wait3A_221 = arith.constant 0 : i32
      %dma_wait3A_222 = tpu.memref_slice %arg8[%dma_wait3A_220, %dma_wait3A_221] : memref<50176x16xf32, #tpu.memory_space<hbm>> -> memref<50176x16xf32, #tpu.memory_space<hbm>>
      tpu.wait_indirect_dma semaphore(%arg20 : memref<!tpu.dma_semaphore, #tpu.memory_space<semaphore_mem>>) src(%dma_wait3A_222 : memref<50176x16xf32, #tpu.memory_space<hbm>>) dst(%arg17 : memref<400x16xf32, #tpu.memory_space<vmem>>)
      %dma_start3A_223 = arith.constant 0 : i32
      %dma_start3A_224 = arith.constant 0 : i32
      %dma_start3A_225 = tpu.memref_slice %arg18[%dma_start3A_223, %dma_start3A_224] : memref<50176x16xf32, #tpu.memory_space<vmem_shared>> -> memref<50176x16xf32, #tpu.memory_space<vmem_shared>>
      tpu.enqueue_indirect_dma source(%arg17 : memref<400x16xf32, #tpu.memory_space<vmem>>) target(%dma_start3A_225 : memref<50176x16xf32, #tpu.memory_space<vmem_shared>>) offsets(%arg14 : memref<400xi32, #tpu.memory_space<vmem>>) semaphore(%arg22 : memref<!tpu.dma_semaphore, #tpu.memory_space<semaphore_mem>>) {add = true}
    }
    %while3A_143 = arith.constant 1 : i32
    scf.for %while3A_153 = %while3A_141 to %while3A_137 step %while3A_143  : i32 {
      %gt3A = arith.constant 0 : i32
      %gt3A_154 = arith.cmpi sgt, %while3A_153, %gt3A : i32
      %convert_element_type3A = arith.extui %gt3A_154 : i1 to i32
      %cond3A = arith.constant 0 : i32
      %cond3A_155 = arith.cmpi ne, %convert_element_type3A, %cond3A : i32
      scf.if %cond3A_155 {
        %dma_wait3A_226 = arith.constant 0 : i32
        %dma_wait3A_227 = arith.constant 0 : i32
        %dma_wait3A_228 = tpu.memref_slice %arg18[%dma_wait3A_226, %dma_wait3A_227] : memref<50176x16xf32, #tpu.memory_space<vmem_shared>> -> memref<50176x16xf32, #tpu.memory_space<vmem_shared>>
        tpu.wait_indirect_dma semaphore(%arg21 : memref<!tpu.dma_semaphore, #tpu.memory_space<semaphore_mem>>) src(%arg16 : memref<400x16xf32, #tpu.memory_space<vmem>>) dst(%dma_wait3A_228 : memref<50176x16xf32, #tpu.memory_space<vmem_shared>>)
      } else {
      }
      %mul3A_156 = arith.constant 2 : i32
      %mul3A_157 = arith.muli %mul3A_156, %while3A_153 : i32
      %add3A_158 = arith.constant 0 : i32
      %add3A_159 = arith.addi %mul3A_157, %add3A_158 : i32
      %mul3A_160 = arith.constant 400 : i32
      %mul3A_161 = arith.muli %add3A_159, %mul3A_160 : i32
      %multiple_of3A_162 = tpu.assume_multiple %mul3A_161, 8 : i32
      %dma_start3A = tpu.memref_slice %arg15[%multiple_of3A_162] : memref<40000xi32, #tpu.memory_space<vmem>> -> memref<400xi32, #tpu.memory_space<vmem>>
      %dma_start3A_163 = arith.constant 0 : i32
      %dma_start3A_164 = arith.constant 0 : i32
      %dma_start3A_165 = tpu.memref_slice %arg8[%dma_start3A_163, %dma_start3A_164] : memref<50176x16xf32, #tpu.memory_space<hbm>> -> memref<50176x16xf32, #tpu.memory_space<hbm>>
      tpu.enqueue_indirect_dma source(%dma_start3A_165 : memref<50176x16xf32, #tpu.memory_space<hbm>>) target(%arg16 : memref<400x16xf32, #tpu.memory_space<vmem>>) offsets(%dma_start3A : memref<400xi32, #tpu.memory_space<vmem>>) semaphore(%arg19 : memref<!tpu.dma_semaphore, #tpu.memory_space<semaphore_mem>>)
      %gt3A_166 = arith.constant 0 : i32
      %gt3A_167 = arith.cmpi sgt, %while3A_153, %gt3A_166 : i32
      %convert_element_type3A_168 = arith.extui %gt3A_167 : i1 to i32
      %cond3A_169 = arith.constant 0 : i32
      %cond3A_170 = arith.cmpi ne, %convert_element_type3A_168, %cond3A_169 : i32
      scf.if %cond3A_170 {
        %dma_wait3A_226 = arith.constant 0 : i32
        %dma_wait3A_227 = arith.constant 0 : i32
        %dma_wait3A_228 = tpu.memref_slice %arg18[%dma_wait3A_226, %dma_wait3A_227] : memref<50176x16xf32, #tpu.memory_space<vmem_shared>> -> memref<50176x16xf32, #tpu.memory_space<vmem_shared>>
        tpu.wait_indirect_dma semaphore(%arg22 : memref<!tpu.dma_semaphore, #tpu.memory_space<semaphore_mem>>) src(%arg17 : memref<400x16xf32, #tpu.memory_space<vmem>>) dst(%dma_wait3A_228 : memref<50176x16xf32, #tpu.memory_space<vmem_shared>>)
      } else {
      }
      %mul3A_171 = arith.constant 2 : i32
      %mul3A_172 = arith.muli %mul3A_171, %while3A_153 : i32
      %add3A_173 = arith.constant 1 : i32
      %add3A_174 = arith.addi %mul3A_172, %add3A_173 : i32
      %mul3A_175 = arith.constant 400 : i32
      %mul3A_176 = arith.muli %add3A_174, %mul3A_175 : i32
      %multiple_of3A_177 = tpu.assume_multiple %mul3A_176, 8 : i32
      %dma_start3A_178 = tpu.memref_slice %arg15[%multiple_of3A_177] : memref<40000xi32, #tpu.memory_space<vmem>> -> memref<400xi32, #tpu.memory_space<vmem>>
      %dma_start3A_179 = arith.constant 0 : i32
      %dma_start3A_180 = arith.constant 0 : i32
      %dma_start3A_181 = tpu.memref_slice %arg8[%dma_start3A_179, %dma_start3A_180] : memref<50176x16xf32, #tpu.memory_space<hbm>> -> memref<50176x16xf32, #tpu.memory_space<hbm>>
      tpu.enqueue_indirect_dma source(%dma_start3A_181 : memref<50176x16xf32, #tpu.memory_space<hbm>>) target(%arg17 : memref<400x16xf32, #tpu.memory_space<vmem>>) offsets(%dma_start3A_178 : memref<400xi32, #tpu.memory_space<vmem>>) semaphore(%arg20 : memref<!tpu.dma_semaphore, #tpu.memory_space<semaphore_mem>>)
      %mul3A_182 = arith.constant 2 : i32
      %mul3A_183 = arith.muli %mul3A_182, %while3A_153 : i32
      %add3A_184 = arith.constant 0 : i32
      %add3A_185 = arith.addi %mul3A_183, %add3A_184 : i32
      %mul3A_186 = arith.constant 400 : i32
      %mul3A_187 = arith.muli %add3A_185, %mul3A_186 : i32
      %add3A_188 = arith.addi %multiple_of3A, %mul3A_187 : i32
      %multiple_of3A_189 = tpu.assume_multiple %add3A_188, 8 : i32
      "tpu.region"() ({
        %run_scoped3A_226 = tpu.sem_alloc : memref<!tpu.dma_semaphore, #tpu.memory_space<semaphore_mem>>
        %dma_start3A_227 = tpu.memref_slice %arg10[%multiple_of3A_189] : memref<848000xi32, #tpu.memory_space<hbm>> -> memref<400xi32, #tpu.memory_space<hbm>>
        %dma_start3A_228 = tpu.memref_slice %arg10[%multiple_of3A_189] : memref<848000xi32, #tpu.memory_space<hbm>> -> memref<400xi32, #tpu.memory_space<hbm>>
        tpu.enqueue_dma source(%dma_start3A_228 : memref<400xi32, #tpu.memory_space<hbm>>) target(%arg13 : memref<400xi32, #tpu.memory_space<vmem>>) target_semaphore(%run_scoped3A_226 : memref<!tpu.dma_semaphore, #tpu.memory_space<semaphore_mem>>)
        %dma_wait3A_229 = tpu.memref_slice %arg10[%multiple_of3A_189] : memref<848000xi32, #tpu.memory_space<hbm>> -> memref<400xi32, #tpu.memory_space<hbm>>
        %dma_wait3A_230 = tpu.memref_slice %arg10[%multiple_of3A_189] : memref<848000xi32, #tpu.memory_space<hbm>> -> memref<400xi32, #tpu.memory_space<hbm>>
        tpu.wait_dma2 semaphore(%run_scoped3A_226 : memref<!tpu.dma_semaphore, #tpu.memory_space<semaphore_mem>>) src(%dma_wait3A_230 : memref<400xi32, #tpu.memory_space<hbm>>) dst(%arg13 : memref<400xi32, #tpu.memory_space<vmem>>)
        tpu.yield
      }) : () -> ()
      %mul3A_190 = arith.constant 2 : i32
      %mul3A_191 = arith.muli %mul3A_190, %while3A_153 : i32
      %add3A_192 = arith.constant 1 : i32
      %add3A_193 = arith.addi %mul3A_191, %add3A_192 : i32
      %mul3A_194 = arith.constant 400 : i32
      %mul3A_195 = arith.muli %add3A_193, %mul3A_194 : i32
      %add3A_196 = arith.addi %multiple_of3A, %mul3A_195 : i32
      %multiple_of3A_197 = tpu.assume_multiple %add3A_196, 8 : i32
      "tpu.region"() ({
        %run_scoped3A_226 = tpu.sem_alloc : memref<!tpu.dma_semaphore, #tpu.memory_space<semaphore_mem>>
        %dma_start3A_227 = tpu.memref_slice %arg10[%multiple_of3A_197] : memref<848000xi32, #tpu.memory_space<hbm>> -> memref<400xi32, #tpu.memory_space<hbm>>
        %dma_start3A_228 = tpu.memref_slice %arg10[%multiple_of3A_197] : memref<848000xi32, #tpu.memory_space<hbm>> -> memref<400xi32, #tpu.memory_space<hbm>>
        tpu.enqueue_dma source(%dma_start3A_228 : memref<400xi32, #tpu.memory_space<hbm>>) target(%arg14 : memref<400xi32, #tpu.memory_space<vmem>>) target_semaphore(%run_scoped3A_226 : memref<!tpu.dma_semaphore, #tpu.memory_space<semaphore_mem>>)
        %dma_wait3A_229 = tpu.memref_slice %arg10[%multiple_of3A_197] : memref<848000xi32, #tpu.memory_space<hbm>> -> memref<400xi32, #tpu.memory_space<hbm>>
        %dma_wait3A_230 = tpu.memref_slice %arg10[%multiple_of3A_197] : memref<848000xi32, #tpu.memory_space<hbm>> -> memref<400xi32, #tpu.memory_space<hbm>>
        tpu.wait_dma2 semaphore(%run_scoped3A_226 : memref<!tpu.dma_semaphore, #tpu.memory_space<semaphore_mem>>) src(%dma_wait3A_230 : memref<400xi32, #tpu.memory_space<hbm>>) dst(%arg14 : memref<400xi32, #tpu.memory_space<vmem>>)
        tpu.yield
      }) : () -> ()
      %mul3A_198 = arith.constant 2 : i32
      %mul3A_199 = arith.muli %mul3A_198, %while3A_153 : i32
      %add3A_200 = arith.constant 0 : i32
      %add3A_201 = arith.addi %mul3A_199, %add3A_200 : i32
      %mul3A_202 = arith.constant 400 : i32
      %mul3A_203 = arith.muli %add3A_201, %mul3A_202 : i32
      %multiple_of3A_204 = tpu.assume_multiple %mul3A_203, 8 : i32
      %dma_wait3A_205 = tpu.memref_slice %arg15[%multiple_of3A_204] : memref<40000xi32, #tpu.memory_space<vmem>> -> memref<400xi32, #tpu.memory_space<vmem>>
      %dma_wait3A_206 = arith.constant 0 : i32
      %dma_wait3A_207 = arith.constant 0 : i32
      %dma_wait3A_208 = tpu.memref_slice %arg8[%dma_wait3A_206, %dma_wait3A_207] : memref<50176x16xf32, #tpu.memory_space<hbm>> -> memref<50176x16xf32, #tpu.memory_space<hbm>>
      tpu.wait_indirect_dma semaphore(%arg19 : memref<!tpu.dma_semaphore, #tpu.memory_space<semaphore_mem>>) src(%dma_wait3A_208 : memref<50176x16xf32, #tpu.memory_space<hbm>>) dst(%arg16 : memref<400x16xf32, #tpu.memory_space<vmem>>)
      %dma_start3A_209 = arith.constant 0 : i32
      %dma_start3A_210 = arith.constant 0 : i32
      %dma_start3A_211 = tpu.memref_slice %arg18[%dma_start3A_209, %dma_start3A_210] : memref<50176x16xf32, #tpu.memory_space<vmem_shared>> -> memref<50176x16xf32, #tpu.memory_space<vmem_shared>>
      tpu.enqueue_indirect_dma source(%arg16 : memref<400x16xf32, #tpu.memory_space<vmem>>) target(%dma_start3A_211 : memref<50176x16xf32, #tpu.memory_space<vmem_shared>>) offsets(%arg13 : memref<400xi32, #tpu.memory_space<vmem>>) semaphore(%arg21 : memref<!tpu.dma_semaphore, #tpu.memory_space<semaphore_mem>>) {add = true}
      %mul3A_212 = arith.constant 2 : i32
      %mul3A_213 = arith.muli %mul3A_212, %while3A_153 : i32
      %add3A_214 = arith.constant 1 : i32
      %add3A_215 = arith.addi %mul3A_213, %add3A_214 : i32
      %mul3A_216 = arith.constant 400 : i32
      %mul3A_217 = arith.muli %add3A_215, %mul3A_216 : i32
      %multiple_of3A_218 = tpu.assume_multiple %mul3A_217, 8 : i32
      %dma_wait3A_219 = tpu.memref_slice %arg15[%multiple_of3A_218] : memref<40000xi32, #tpu.memory_space<vmem>> -> memref<400xi32, #tpu.memory_space<vmem>>
      %dma_wait3A_220 = arith.constant 0 : i32
      %dma_wait3A_221 = arith.constant 0 : i32
      %dma_wait3A_222 = tpu.memref_slice %arg8[%dma_wait3A_220, %dma_wait3A_221] : memref<50176x16xf32, #tpu.memory_space<hbm>> -> memref<50176x16xf32, #tpu.memory_space<hbm>>
      tpu.wait_indirect_dma semaphore(%arg20 : memref<!tpu.dma_semaphore, #tpu.memory_space<semaphore_mem>>) src(%dma_wait3A_222 : memref<50176x16xf32, #tpu.memory_space<hbm>>) dst(%arg17 : memref<400x16xf32, #tpu.memory_space<vmem>>)
      %dma_start3A_223 = arith.constant 0 : i32
      %dma_start3A_224 = arith.constant 0 : i32
      %dma_start3A_225 = tpu.memref_slice %arg18[%dma_start3A_223, %dma_start3A_224] : memref<50176x16xf32, #tpu.memory_space<vmem_shared>> -> memref<50176x16xf32, #tpu.memory_space<vmem_shared>>
      tpu.enqueue_indirect_dma source(%arg17 : memref<400x16xf32, #tpu.memory_space<vmem>>) target(%dma_start3A_225 : memref<50176x16xf32, #tpu.memory_space<vmem_shared>>) offsets(%arg14 : memref<400xi32, #tpu.memory_space<vmem>>) semaphore(%arg22 : memref<!tpu.dma_semaphore, #tpu.memory_space<semaphore_mem>>) {add = true}
    }
    %dma_wait3A_144 = arith.constant 0 : i32
    %dma_wait3A_145 = arith.constant 0 : i32
    %dma_wait3A_146 = tpu.memref_slice %arg18[%dma_wait3A_144, %dma_wait3A_145] : memref<50176x16xf32, #tpu.memory_space<vmem_shared>> -> memref<50176x16xf32, #tpu.memory_space<vmem_shared>>
    tpu.wait_indirect_dma semaphore(%arg21 : memref<!tpu.dma_semaphore, #tpu.memory_space<semaphore_mem>>) src(%arg16 : memref<400x16xf32, #tpu.memory_space<vmem>>) dst(%dma_wait3A_146 : memref<50176x16xf32, #tpu.memory_space<vmem_shared>>)
    %dma_wait3A_147 = arith.constant 0 : i32
    %dma_wait3A_148 = arith.constant 0 : i32
    %dma_wait3A_149 = tpu.memref_slice %arg18[%dma_wait3A_147, %dma_wait3A_148] : memref<50176x16xf32, #tpu.memory_space<vmem_shared>> -> memref<50176x16xf32, #tpu.memory_space<vmem_shared>>
    tpu.wait_indirect_dma semaphore(%arg22 : memref<!tpu.dma_semaphore, #tpu.memory_space<semaphore_mem>>) src(%arg17 : memref<400x16xf32, #tpu.memory_space<vmem>>) dst(%dma_wait3A_149 : memref<50176x16xf32, #tpu.memory_space<vmem_shared>>)
    %barrier3A_150 = arith.constant 0 : index
    tpu.barrier barrier_id(%barrier3A_150)
    %run_scoped3A_151 = arith.constant 6 : i32
    "tpu.region"() ({
      %run_scoped3A_153 = tpu.sem_alloc : memref<!tpu.dma_semaphore, #tpu.memory_space<semaphore_mem>>
      %dma_start3A = arith.constant 0 : i32
      %dma_start3A_154 = arith.constant 0 : i32
      %dma_start3A_155 = arith.constant 0 : i32
      %dma_start3A_156 = tpu.memref_slice %arg12[%arg0, %dma_start3A, %dma_start3A_154, %dma_start3A_155] : memref<2x7x50176x16xf32, #tpu.memory_space<hbm>> -> memref<1x7x50176x16xf32, #tpu.memory_space<hbm>>
      %dma_start3A_157 = tpu.memref_squeeze %dma_start3A_156 : memref<1x7x50176x16xf32, #tpu.memory_space<hbm>> -> memref<7x50176x16xf32, #tpu.memory_space<hbm>>
      %dma_start3A_158 = arith.constant 0 : i32
      %dma_start3A_159 = arith.constant 0 : i32
      %dma_start3A_160 = tpu.memref_slice %dma_start3A_157[%run_scoped3A_151, %dma_start3A_158, %dma_start3A_159] : memref<7x50176x16xf32, #tpu.memory_space<hbm>> -> memref<1x50176x16xf32, #tpu.memory_space<hbm>>
      %dma_start3A_161 = tpu.memref_squeeze %dma_start3A_160 : memref<1x50176x16xf32, #tpu.memory_space<hbm>> -> memref<50176x16xf32, #tpu.memory_space<hbm>>
      %dma_start3A_162 = arith.constant 0 : i32
      %dma_start3A_163 = tpu.memref_slice %dma_start3A_161[%multiple_of3A_16, %dma_start3A_162] : memref<50176x16xf32, #tpu.memory_space<hbm>> -> memref<3136x16xf32, #tpu.memory_space<hbm>>
      %dma_start3A_164 = arith.constant 0 : i32
      %dma_start3A_165 = tpu.memref_slice %arg18[%multiple_of3A_16, %dma_start3A_164] : memref<50176x16xf32, #tpu.memory_space<vmem_shared>> -> memref<3136x16xf32, #tpu.memory_space<vmem_shared>>
      tpu.enqueue_dma source(%dma_start3A_165 : memref<3136x16xf32, #tpu.memory_space<vmem_shared>>) target(%dma_start3A_163 : memref<3136x16xf32, #tpu.memory_space<hbm>>) target_semaphore(%run_scoped3A_153 : memref<!tpu.dma_semaphore, #tpu.memory_space<semaphore_mem>>)
      %dma_wait3A_166 = arith.constant 0 : i32
      %dma_wait3A_167 = arith.constant 0 : i32
      %dma_wait3A_168 = arith.constant 0 : i32
      %dma_wait3A_169 = tpu.memref_slice %arg12[%arg0, %dma_wait3A_166, %dma_wait3A_167, %dma_wait3A_168] : memref<2x7x50176x16xf32, #tpu.memory_space<hbm>> -> memref<1x7x50176x16xf32, #tpu.memory_space<hbm>>
      %dma_wait3A_170 = tpu.memref_squeeze %dma_wait3A_169 : memref<1x7x50176x16xf32, #tpu.memory_space<hbm>> -> memref<7x50176x16xf32, #tpu.memory_space<hbm>>
      %dma_wait3A_171 = arith.constant 0 : i32
      %dma_wait3A_172 = arith.constant 0 : i32
      %dma_wait3A_173 = tpu.memref_slice %dma_wait3A_170[%run_scoped3A_151, %dma_wait3A_171, %dma_wait3A_172] : memref<7x50176x16xf32, #tpu.memory_space<hbm>> -> memref<1x50176x16xf32, #tpu.memory_space<hbm>>
      %dma_wait3A_174 = tpu.memref_squeeze %dma_wait3A_173 : memref<1x50176x16xf32, #tpu.memory_space<hbm>> -> memref<50176x16xf32, #tpu.memory_space<hbm>>
      %dma_wait3A_175 = arith.constant 0 : i32
      %dma_wait3A_176 = tpu.memref_slice %dma_wait3A_174[%multiple_of3A_16, %dma_wait3A_175] : memref<50176x16xf32, #tpu.memory_space<hbm>> -> memref<3136x16xf32, #tpu.memory_space<hbm>>
      %dma_wait3A_177 = arith.constant 0 : i32
      %dma_wait3A_178 = tpu.memref_slice %arg18[%multiple_of3A_16, %dma_wait3A_177] : memref<50176x16xf32, #tpu.memory_space<vmem_shared>> -> memref<3136x16xf32, #tpu.memory_space<vmem_shared>>
      tpu.wait_dma2 semaphore(%run_scoped3A_153 : memref<!tpu.dma_semaphore, #tpu.memory_space<semaphore_mem>>) src(%dma_wait3A_178 : memref<3136x16xf32, #tpu.memory_space<vmem_shared>>) dst(%dma_wait3A_176 : memref<3136x16xf32, #tpu.memory_space<hbm>>)
      tpu.yield
    }) : () -> ()
    %barrier3A_152 = arith.constant 0 : index
    tpu.barrier barrier_id(%barrier3A_152)
    return
  }
}

module attributes {stable_mosaic.version = 14 : i64} {
  func.func @_tc_prep_body(%arg0: i32, %arg1: memref<2x1x392x128xf32, #tpu.memory_space<vmem>>, %arg2: memref<392x128xf32, #tpu.memory_space<vmem>>, %arg3: memref<392x128xf32, #tpu.memory_space<vmem>>) attributes {dimension_semantics = [#tpu.dimension_semantics<arbitrary>], iteration_bounds = array<i64: 16>, scalar_prefetch = 0 : i64, scratch_operands = 0 : i64, tpu.core_type = #tpu.core_type<tc>, window_params = [{transform_indices = @transform_0, window_bounds = array<i64: 2, 1, 392, 128>}, {transform_indices = @transform_1, window_bounds = array<i64: 392, 128>}, {transform_indices = @transform_2, window_bounds = array<i64: 392, 128>}]} {
    %get3A = arith.constant 0 : index
    %get3A_0 = arith.constant 0 : index
    %get3A_1 = vector.load %arg2[%get3A, %get3A_0] : memref<392x128xf32, #tpu.memory_space<vmem>>, vector<392x128xf32>
    %get3A_2 = arith.constant 0 : index
    %get3A_3 = arith.constant 0 : index
    %get3A_4 = arith.constant 0 : index
    %get3A_5 = arith.constant 0 : index
    %get3A_6 = vector.load %arg1[%get3A_2, %get3A_3, %get3A_4, %get3A_5] : memref<2x1x392x128xf32, #tpu.memory_space<vmem>>, vector<2x1x392x128xf32>
    %slice3A = vector.extract_strided_slice %get3A_6 {offsets = [0, 0, 0, 0], sizes = [1, 1, 392, 128], strides = [1, 1, 1, 1]} : vector<2x1x392x128xf32> to vector<1x1x392x128xf32>
    %squeeze3A = vector.shape_cast %slice3A : vector<1x1x392x128xf32> to vector<392x128xf32>
    %slice3A_7 = vector.extract_strided_slice %get3A_6 {offsets = [1, 0, 0, 0], sizes = [1, 1, 392, 128], strides = [1, 1, 1, 1]} : vector<2x1x392x128xf32> to vector<1x1x392x128xf32>
    %squeeze3A_8 = vector.shape_cast %slice3A_7 : vector<1x1x392x128xf32> to vector<392x128xf32>
    %add3A = arith.addf %squeeze3A, %squeeze3A_8 : vector<392x128xf32>
    %add3A_9 = arith.constant 1.000000e+00 : f32
    %add3A_10 = vector.broadcast %add3A_9 : f32 to vector<392x128xf32>
    %add3A_11 = arith.addf %add3A, %add3A_10 : vector<392x128xf32>
    %rsqrt3A = math.rsqrt %add3A_11 : vector<392x128xf32>
    %mul3A = arith.mulf %get3A_1, %rsqrt3A : vector<392x128xf32>
    %swap3A = arith.constant 0 : index
    %swap3A_12 = arith.constant 0 : index
    %swap3A_13 = vector.load %arg3[%swap3A, %swap3A_12] : memref<392x128xf32, #tpu.memory_space<vmem>>, vector<392x128xf32>
    tpu.vector_store %arg3[%swap3A, %swap3A_12], %mul3A {strides = array<i32>} : memref<392x128xf32, #tpu.memory_space<vmem>>, vector<392x128xf32>,
    return
  }
  func.func @transform_0(%arg0: i32) -> (i32, i32, i32, i32) {
    %c0_i32 = arith.constant 0 : i32
    %c0_i32_0 = arith.constant 0 : i32
    %c0_i32_1 = arith.constant 0 : i32
    %c0_i32_2 = arith.constant 0 : i32
    return %c0_i32, %c0_i32_0, %arg0, %c0_i32_1 : i32, i32, i32, i32
  }
  func.func @transform_1(%arg0: i32) -> (i32, i32) {
    %c0_i32 = arith.constant 0 : i32
    %c0_i32_0 = arith.constant 0 : i32
    return %arg0, %c0_i32 : i32, i32
  }
  func.func @transform_2(%arg0: i32) -> (i32, i32) {
    %c0_i32 = arith.constant 0 : i32
    %c0_i32_0 = arith.constant 0 : i32
    return %arg0, %c0_i32 : i32, i32
  }
}

module attributes {stable_mosaic.version = 14 : i64} {
  func.func @_tc_mid_body(%arg0: i32, %arg1: memref<392x128xf32, #tpu.memory_space<vmem>>, %arg2: memref<2x1x392x128xf32, #tpu.memory_space<vmem>>, %arg3: memref<2x1x392x128xf32, #tpu.memory_space<vmem>>, %arg4: memref<7x128x128xf32, #tpu.memory_space<vmem>>, %arg5: memref<7x1x128xf32, #tpu.memory_space<vmem>>, %arg6: memref<392x128xf32, #tpu.memory_space<vmem>>, %arg7: memref<392x128xf32, #tpu.memory_space<vmem>>, %arg8: memref<392x128xf32, #tpu.memory_space<vmem>>, %arg9: memref<392x128xf32, #tpu.memory_space<vmem>>, %arg10: memref<392x128xf32, #tpu.memory_space<vmem>>, %arg11: memref<392x128xf32, #tpu.memory_space<vmem>>, %arg12: memref<392x128xf32, #tpu.memory_space<vmem>>) attributes {dimension_semantics = [#tpu.dimension_semantics<arbitrary>], iteration_bounds = array<i64: 16>, scalar_prefetch = 0 : i64, scratch_operands = 0 : i64, tpu.core_type = #tpu.core_type<tc>, window_params = [{transform_indices = @transform_0, window_bounds = array<i64: 392, 128>}, {transform_indices = @transform_1, window_bounds = array<i64: 2, 1, 392, 128>}, {transform_indices = @transform_2, window_bounds = array<i64: 2, 1, 392, 128>}, {pipeline_mode = #tpu.pipeline_mode<synchronous>, transform_indices = @transform_3, window_bounds = array<i64: 7, 128, 128>}, {pipeline_mode = #tpu.pipeline_mode<synchronous>, transform_indices = @transform_4, window_bounds = array<i64: 7, 1, 128>}, {transform_indices = @transform_5, window_bounds = array<i64: 392, 128>}, {transform_indices = @transform_6, window_bounds = array<i64: 392, 128>}, {transform_indices = @transform_7, window_bounds = array<i64: 392, 128>}, {transform_indices = @transform_8, window_bounds = array<i64: 392, 128>}, {transform_indices = @transform_9, window_bounds = array<i64: 392, 128>}, {transform_indices = @transform_10, window_bounds = array<i64: 392, 128>}, {transform_indices = @transform_11, window_bounds = array<i64: 392, 128>}]} {
    %get3A = arith.constant 0 : index
    %get3A_0 = arith.constant 0 : index
    %get3A_1 = arith.constant 0 : index
    %get3A_2 = arith.constant 0 : index
    %get3A_3 = vector.load %arg3[%get3A, %get3A_0, %get3A_1, %get3A_2] : memref<2x1x392x128xf32, #tpu.memory_space<vmem>>, vector<2x1x392x128xf32>
    %slice3A = vector.extract_strided_slice %get3A_3 {offsets = [0, 0, 0, 0], sizes = [1, 1, 392, 128], strides = [1, 1, 1, 1]} : vector<2x1x392x128xf32> to vector<1x1x392x128xf32>
    %squeeze3A = vector.shape_cast %slice3A : vector<1x1x392x128xf32> to vector<392x128xf32>
    %slice3A_4 = vector.extract_strided_slice %get3A_3 {offsets = [1, 0, 0, 0], sizes = [1, 1, 392, 128], strides = [1, 1, 1, 1]} : vector<2x1x392x128xf32> to vector<1x1x392x128xf32>
    %squeeze3A_5 = vector.shape_cast %slice3A_4 : vector<1x1x392x128xf32> to vector<392x128xf32>
    %add3A = arith.addf %squeeze3A, %squeeze3A_5 : vector<392x128xf32>
    %add3A_6 = arith.constant 1.000000e+00 : f32
    %add3A_7 = vector.broadcast %add3A_6 : f32 to vector<392x128xf32>
    %add3A_8 = arith.addf %add3A, %add3A_7 : vector<392x128xf32>
    %rsqrt3A = math.rsqrt %add3A_8 : vector<392x128xf32>
    %get3A_9 = arith.constant 0 : index
    %get3A_10 = arith.constant 0 : index
    %get3A_11 = vector.load %arg1[%get3A_9, %get3A_10] : memref<392x128xf32, #tpu.memory_space<vmem>>, vector<392x128xf32>
    %get3A_12 = arith.constant 0 : index
    %get3A_13 = arith.constant 0 : index
    %get3A_14 = arith.constant 0 : index
    %get3A_15 = arith.constant 0 : index
    %get3A_16 = vector.load %arg2[%get3A_12, %get3A_13, %get3A_14, %get3A_15] : memref<2x1x392x128xf32, #tpu.memory_space<vmem>>, vector<1x1x392x128xf32>
    %get3A_17 = vector.shape_cast %get3A_16 : vector<1x1x392x128xf32> to vector<392x128xf32>
    %add3A_18 = arith.addf %get3A_11, %get3A_17 : vector<392x128xf32>
    %get3A_19 = arith.constant 1 : index
    %get3A_20 = arith.constant 0 : index
    %get3A_21 = arith.constant 0 : index
    %get3A_22 = arith.constant 0 : index
    %get3A_23 = vector.load %arg2[%get3A_19, %get3A_20, %get3A_21, %get3A_22] : memref<2x1x392x128xf32, #tpu.memory_space<vmem>>, vector<1x1x392x128xf32>
    %get3A_24 = vector.shape_cast %get3A_23 : vector<1x1x392x128xf32> to vector<392x128xf32>
    %add3A_25 = arith.addf %add3A_18, %get3A_24 : vector<392x128xf32>
    %mul3A = arith.mulf %add3A_25, %rsqrt3A : vector<392x128xf32>
    %get3A_26 = arith.constant 0 : index
    %get3A_27 = arith.constant 0 : index
    %get3A_28 = arith.constant 0 : index
    %get3A_29 = vector.load %arg4[%get3A_26, %get3A_27, %get3A_28] : memref<7x128x128xf32, #tpu.memory_space<vmem>>, vector<1x128x128xf32>
    %get3A_30 = vector.shape_cast %get3A_29 : vector<1x128x128xf32> to vector<128x128xf32>
    %dot_general3A = arith.constant dense<0.000000e+00> : vector<392x128xf32>
    %dot_general3A_31 = tpu.matmul %mul3A, %get3A_30, %dot_general3A {dimension_numbers = #tpu.dot_dimension_numbers<[1], [0], [0], [1], [0, 0, 1, 1], [], []>, transpose_lhs_hint = false} : vector<392x128xf32>, vector<128x128xf32>, vector<392x128xf32> -> vector<392x128xf32>
    %get3A_32 = arith.constant 0 : index
    %get3A_33 = arith.constant 0 : index
    %get3A_34 = arith.constant 0 : index
    %get3A_35 = vector.load %arg5[%get3A_32, %get3A_33, %get3A_34] : memref<7x1x128xf32, #tpu.memory_space<vmem>>, vector<1x1x128xf32>
    %get3A_36 = vector.shape_cast %get3A_35 : vector<1x1x128xf32> to vector<1x128xf32>
    %add3A_37 = vector.broadcast %get3A_36 : vector<1x128xf32> to vector<392x128xf32>
    %add3A_38 = arith.addf %dot_general3A_31, %add3A_37 : vector<392x128xf32>
    %logistic3A = arith.negf %add3A_38 : vector<392x128xf32>
    %logistic3A_39 = math.exp %logistic3A : vector<392x128xf32>
    %logistic3A_40 = arith.constant 1.000000e+00 : f32
    %logistic3A_41 = vector.broadcast %logistic3A_40 : f32 to vector<392x128xf32>
    %logistic3A_42 = arith.addf %logistic3A_41, %logistic3A_39 : vector<392x128xf32>
    %logistic3A_43 = arith.divf %logistic3A_41, %logistic3A_42 : vector<392x128xf32>
    %mul3A_44 = arith.mulf %add3A_38, %logistic3A_43 : vector<392x128xf32>
    %mul3A_45 = arith.mulf %mul3A_44, %rsqrt3A : vector<392x128xf32>
    %swap3A = arith.constant 0 : index
    %swap3A_46 = arith.constant 0 : index
    %swap3A_47 = vector.load %arg6[%swap3A, %swap3A_46] : memref<392x128xf32, #tpu.memory_space<vmem>>, vector<392x128xf32>
    tpu.vector_store %arg6[%swap3A, %swap3A_46], %mul3A_45 {strides = array<i32>} : memref<392x128xf32, #tpu.memory_space<vmem>>, vector<392x128xf32>,
    %get3A_48 = arith.constant 1 : index
    %get3A_49 = arith.constant 0 : index
    %get3A_50 = arith.constant 0 : index
    %get3A_51 = vector.load %arg4[%get3A_48, %get3A_49, %get3A_50] : memref<7x128x128xf32, #tpu.memory_space<vmem>>, vector<1x128x128xf32>
    %get3A_52 = vector.shape_cast %get3A_51 : vector<1x128x128xf32> to vector<128x128xf32>
    %dot_general3A_53 = arith.constant dense<0.000000e+00> : vector<392x128xf32>
    %dot_general3A_54 = tpu.matmul %mul3A, %get3A_52, %dot_general3A_53 {dimension_numbers = #tpu.dot_dimension_numbers<[1], [0], [0], [1], [0, 0, 1, 1], [], []>, transpose_lhs_hint = false} : vector<392x128xf32>, vector<128x128xf32>, vector<392x128xf32> -> vector<392x128xf32>
    %get3A_55 = arith.constant 1 : index
    %get3A_56 = arith.constant 0 : index
    %get3A_57 = arith.constant 0 : index
    %get3A_58 = vector.load %arg5[%get3A_55, %get3A_56, %get3A_57] : memref<7x1x128xf32, #tpu.memory_space<vmem>>, vector<1x1x128xf32>
    %get3A_59 = vector.shape_cast %get3A_58 : vector<1x1x128xf32> to vector<1x128xf32>
    %add3A_60 = vector.broadcast %get3A_59 : vector<1x128xf32> to vector<392x128xf32>
    %add3A_61 = arith.addf %dot_general3A_54, %add3A_60 : vector<392x128xf32>
    %logistic3A_62 = arith.negf %add3A_61 : vector<392x128xf32>
    %logistic3A_63 = math.exp %logistic3A_62 : vector<392x128xf32>
    %logistic3A_64 = arith.constant 1.000000e+00 : f32
    %logistic3A_65 = vector.broadcast %logistic3A_64 : f32 to vector<392x128xf32>
    %logistic3A_66 = arith.addf %logistic3A_65, %logistic3A_63 : vector<392x128xf32>
    %logistic3A_67 = arith.divf %logistic3A_65, %logistic3A_66 : vector<392x128xf32>
    %mul3A_68 = arith.mulf %add3A_61, %logistic3A_67 : vector<392x128xf32>
    %mul3A_69 = arith.mulf %mul3A_68, %rsqrt3A : vector<392x128xf32>
    %swap3A_70 = arith.constant 0 : index
    %swap3A_71 = arith.constant 0 : index
    %swap3A_72 = vector.load %arg7[%swap3A_70, %swap3A_71] : memref<392x128xf32, #tpu.memory_space<vmem>>, vector<392x128xf32>
    tpu.vector_store %arg7[%swap3A_70, %swap3A_71], %mul3A_69 {strides = array<i32>} : memref<392x128xf32, #tpu.memory_space<vmem>>, vector<392x128xf32>,
    %get3A_73 = arith.constant 2 : index
    %get3A_74 = arith.constant 0 : index
    %get3A_75 = arith.constant 0 : index
    %get3A_76 = vector.load %arg4[%get3A_73, %get3A_74, %get3A_75] : memref<7x128x128xf32, #tpu.memory_space<vmem>>, vector<1x128x128xf32>
    %get3A_77 = vector.shape_cast %get3A_76 : vector<1x128x128xf32> to vector<128x128xf32>
    %dot_general3A_78 = arith.constant dense<0.000000e+00> : vector<392x128xf32>
    %dot_general3A_79 = tpu.matmul %mul3A, %get3A_77, %dot_general3A_78 {dimension_numbers = #tpu.dot_dimension_numbers<[1], [0], [0], [1], [0, 0, 1, 1], [], []>, transpose_lhs_hint = false} : vector<392x128xf32>, vector<128x128xf32>, vector<392x128xf32> -> vector<392x128xf32>
    %get3A_80 = arith.constant 2 : index
    %get3A_81 = arith.constant 0 : index
    %get3A_82 = arith.constant 0 : index
    %get3A_83 = vector.load %arg5[%get3A_80, %get3A_81, %get3A_82] : memref<7x1x128xf32, #tpu.memory_space<vmem>>, vector<1x1x128xf32>
    %get3A_84 = vector.shape_cast %get3A_83 : vector<1x1x128xf32> to vector<1x128xf32>
    %add3A_85 = vector.broadcast %get3A_84 : vector<1x128xf32> to vector<392x128xf32>
    %add3A_86 = arith.addf %dot_general3A_79, %add3A_85 : vector<392x128xf32>
    %logistic3A_87 = arith.negf %add3A_86 : vector<392x128xf32>
    %logistic3A_88 = math.exp %logistic3A_87 : vector<392x128xf32>
    %logistic3A_89 = arith.constant 1.000000e+00 : f32
    %logistic3A_90 = vector.broadcast %logistic3A_89 : f32 to vector<392x128xf32>
    %logistic3A_91 = arith.addf %logistic3A_90, %logistic3A_88 : vector<392x128xf32>
    %logistic3A_92 = arith.divf %logistic3A_90, %logistic3A_91 : vector<392x128xf32>
    %mul3A_93 = arith.mulf %add3A_86, %logistic3A_92 : vector<392x128xf32>
    %mul3A_94 = arith.mulf %mul3A_93, %rsqrt3A : vector<392x128xf32>
    %swap3A_95 = arith.constant 0 : index
    %swap3A_96 = arith.constant 0 : index
    %swap3A_97 = vector.load %arg8[%swap3A_95, %swap3A_96] : memref<392x128xf32, #tpu.memory_space<vmem>>, vector<392x128xf32>
    tpu.vector_store %arg8[%swap3A_95, %swap3A_96], %mul3A_94 {strides = array<i32>} : memref<392x128xf32, #tpu.memory_space<vmem>>, vector<392x128xf32>,
    %get3A_98 = arith.constant 3 : index
    %get3A_99 = arith.constant 0 : index
    %get3A_100 = arith.constant 0 : index
    %get3A_101 = vector.load %arg4[%get3A_98, %get3A_99, %get3A_100] : memref<7x128x128xf32, #tpu.memory_space<vmem>>, vector<1x128x128xf32>
    %get3A_102 = vector.shape_cast %get3A_101 : vector<1x128x128xf32> to vector<128x128xf32>
    %dot_general3A_103 = arith.constant dense<0.000000e+00> : vector<392x128xf32>
    %dot_general3A_104 = tpu.matmul %mul3A, %get3A_102, %dot_general3A_103 {dimension_numbers = #tpu.dot_dimension_numbers<[1], [0], [0], [1], [0, 0, 1, 1], [], []>, transpose_lhs_hint = false} : vector<392x128xf32>, vector<128x128xf32>, vector<392x128xf32> -> vector<392x128xf32>
    %get3A_105 = arith.constant 3 : index
    %get3A_106 = arith.constant 0 : index
    %get3A_107 = arith.constant 0 : index
    %get3A_108 = vector.load %arg5[%get3A_105, %get3A_106, %get3A_107] : memref<7x1x128xf32, #tpu.memory_space<vmem>>, vector<1x1x128xf32>
    %get3A_109 = vector.shape_cast %get3A_108 : vector<1x1x128xf32> to vector<1x128xf32>
    %add3A_110 = vector.broadcast %get3A_109 : vector<1x128xf32> to vector<392x128xf32>
    %add3A_111 = arith.addf %dot_general3A_104, %add3A_110 : vector<392x128xf32>
    %logistic3A_112 = arith.negf %add3A_111 : vector<392x128xf32>
    %logistic3A_113 = math.exp %logistic3A_112 : vector<392x128xf32>
    %logistic3A_114 = arith.constant 1.000000e+00 : f32
    %logistic3A_115 = vector.broadcast %logistic3A_114 : f32 to vector<392x128xf32>
    %logistic3A_116 = arith.addf %logistic3A_115, %logistic3A_113 : vector<392x128xf32>
    %logistic3A_117 = arith.divf %logistic3A_115, %logistic3A_116 : vector<392x128xf32>
    %mul3A_118 = arith.mulf %add3A_111, %logistic3A_117 : vector<392x128xf32>
    %mul3A_119 = arith.mulf %mul3A_118, %rsqrt3A : vector<392x128xf32>
    %swap3A_120 = arith.constant 0 : index
    %swap3A_121 = arith.constant 0 : index
    %swap3A_122 = vector.load %arg9[%swap3A_120, %swap3A_121] : memref<392x128xf32, #tpu.memory_space<vmem>>, vector<392x128xf32>
    tpu.vector_store %arg9[%swap3A_120, %swap3A_121], %mul3A_119 {strides = array<i32>} : memref<392x128xf32, #tpu.memory_space<vmem>>, vector<392x128xf32>,
    %get3A_123 = arith.constant 4 : index
    %get3A_124 = arith.constant 0 : index
    %get3A_125 = arith.constant 0 : index
    %get3A_126 = vector.load %arg4[%get3A_123, %get3A_124, %get3A_125] : memref<7x128x128xf32, #tpu.memory_space<vmem>>, vector<1x128x128xf32>
    %get3A_127 = vector.shape_cast %get3A_126 : vector<1x128x128xf32> to vector<128x128xf32>
    %dot_general3A_128 = arith.constant dense<0.000000e+00> : vector<392x128xf32>
    %dot_general3A_129 = tpu.matmul %mul3A, %get3A_127, %dot_general3A_128 {dimension_numbers = #tpu.dot_dimension_numbers<[1], [0], [0], [1], [0, 0, 1, 1], [], []>, transpose_lhs_hint = false} : vector<392x128xf32>, vector<128x128xf32>, vector<392x128xf32> -> vector<392x128xf32>
    %get3A_130 = arith.constant 4 : index
    %get3A_131 = arith.constant 0 : index
    %get3A_132 = arith.constant 0 : index
    %get3A_133 = vector.load %arg5[%get3A_130, %get3A_131, %get3A_132] : memref<7x1x128xf32, #tpu.memory_space<vmem>>, vector<1x1x128xf32>
    %get3A_134 = vector.shape_cast %get3A_133 : vector<1x1x128xf32> to vector<1x128xf32>
    %add3A_135 = vector.broadcast %get3A_134 : vector<1x128xf32> to vector<392x128xf32>
    %add3A_136 = arith.addf %dot_general3A_129, %add3A_135 : vector<392x128xf32>
    %logistic3A_137 = arith.negf %add3A_136 : vector<392x128xf32>
    %logistic3A_138 = math.exp %logistic3A_137 : vector<392x128xf32>
    %logistic3A_139 = arith.constant 1.000000e+00 : f32
    %logistic3A_140 = vector.broadcast %logistic3A_139 : f32 to vector<392x128xf32>
    %logistic3A_141 = arith.addf %logistic3A_140, %logistic3A_138 : vector<392x128xf32>
    %logistic3A_142 = arith.divf %logistic3A_140, %logistic3A_141 : vector<392x128xf32>
    %mul3A_143 = arith.mulf %add3A_136, %logistic3A_142 : vector<392x128xf32>
    %mul3A_144 = arith.mulf %mul3A_143, %rsqrt3A : vector<392x128xf32>
    %swap3A_145 = arith.constant 0 : index
    %swap3A_146 = arith.constant 0 : index
    %swap3A_147 = vector.load %arg10[%swap3A_145, %swap3A_146] : memref<392x128xf32, #tpu.memory_space<vmem>>, vector<392x128xf32>
    tpu.vector_store %arg10[%swap3A_145, %swap3A_146], %mul3A_144 {strides = array<i32>} : memref<392x128xf32, #tpu.memory_space<vmem>>, vector<392x128xf32>,
    %get3A_148 = arith.constant 5 : index
    %get3A_149 = arith.constant 0 : index
    %get3A_150 = arith.constant 0 : index
    %get3A_151 = vector.load %arg4[%get3A_148, %get3A_149, %get3A_150] : memref<7x128x128xf32, #tpu.memory_space<vmem>>, vector<1x128x128xf32>
    %get3A_152 = vector.shape_cast %get3A_151 : vector<1x128x128xf32> to vector<128x128xf32>
    %dot_general3A_153 = arith.constant dense<0.000000e+00> : vector<392x128xf32>
    %dot_general3A_154 = tpu.matmul %mul3A, %get3A_152, %dot_general3A_153 {dimension_numbers = #tpu.dot_dimension_numbers<[1], [0], [0], [1], [0, 0, 1, 1], [], []>, transpose_lhs_hint = false} : vector<392x128xf32>, vector<128x128xf32>, vector<392x128xf32> -> vector<392x128xf32>
    %get3A_155 = arith.constant 5 : index
    %get3A_156 = arith.constant 0 : index
    %get3A_157 = arith.constant 0 : index
    %get3A_158 = vector.load %arg5[%get3A_155, %get3A_156, %get3A_157] : memref<7x1x128xf32, #tpu.memory_space<vmem>>, vector<1x1x128xf32>
    %get3A_159 = vector.shape_cast %get3A_158 : vector<1x1x128xf32> to vector<1x128xf32>
    %add3A_160 = vector.broadcast %get3A_159 : vector<1x128xf32> to vector<392x128xf32>
    %add3A_161 = arith.addf %dot_general3A_154, %add3A_160 : vector<392x128xf32>
    %logistic3A_162 = arith.negf %add3A_161 : vector<392x128xf32>
    %logistic3A_163 = math.exp %logistic3A_162 : vector<392x128xf32>
    %logistic3A_164 = arith.constant 1.000000e+00 : f32
    %logistic3A_165 = vector.broadcast %logistic3A_164 : f32 to vector<392x128xf32>
    %logistic3A_166 = arith.addf %logistic3A_165, %logistic3A_163 : vector<392x128xf32>
    %logistic3A_167 = arith.divf %logistic3A_165, %logistic3A_166 : vector<392x128xf32>
    %mul3A_168 = arith.mulf %add3A_161, %logistic3A_167 : vector<392x128xf32>
    %mul3A_169 = arith.mulf %mul3A_168, %rsqrt3A : vector<392x128xf32>
    %swap3A_170 = arith.constant 0 : index
    %swap3A_171 = arith.constant 0 : index
    %swap3A_172 = vector.load %arg11[%swap3A_170, %swap3A_171] : memref<392x128xf32, #tpu.memory_space<vmem>>, vector<392x128xf32>
    tpu.vector_store %arg11[%swap3A_170, %swap3A_171], %mul3A_169 {strides = array<i32>} : memref<392x128xf32, #tpu.memory_space<vmem>>, vector<392x128xf32>,
    %get3A_173 = arith.constant 6 : index
    %get3A_174 = arith.constant 0 : index
    %get3A_175 = arith.constant 0 : index
    %get3A_176 = vector.load %arg4[%get3A_173, %get3A_174, %get3A_175] : memref<7x128x128xf32, #tpu.memory_space<vmem>>, vector<1x128x128xf32>
    %get3A_177 = vector.shape_cast %get3A_176 : vector<1x128x128xf32> to vector<128x128xf32>
    %dot_general3A_178 = arith.constant dense<0.000000e+00> : vector<392x128xf32>
    %dot_general3A_179 = tpu.matmul %mul3A, %get3A_177, %dot_general3A_178 {dimension_numbers = #tpu.dot_dimension_numbers<[1], [0], [0], [1], [0, 0, 1, 1], [], []>, transpose_lhs_hint = false} : vector<392x128xf32>, vector<128x128xf32>, vector<392x128xf32> -> vector<392x128xf32>
    %get3A_180 = arith.constant 6 : index
    %get3A_181 = arith.constant 0 : index
    %get3A_182 = arith.constant 0 : index
    %get3A_183 = vector.load %arg5[%get3A_180, %get3A_181, %get3A_182] : memref<7x1x128xf32, #tpu.memory_space<vmem>>, vector<1x1x128xf32>
    %get3A_184 = vector.shape_cast %get3A_183 : vector<1x1x128xf32> to vector<1x128xf32>
    %add3A_185 = vector.broadcast %get3A_184 : vector<1x128xf32> to vector<392x128xf32>
    %add3A_186 = arith.addf %dot_general3A_179, %add3A_185 : vector<392x128xf32>
    %logistic3A_187 = arith.negf %add3A_186 : vector<392x128xf32>
    %logistic3A_188 = math.exp %logistic3A_187 : vector<392x128xf32>
    %logistic3A_189 = arith.constant 1.000000e+00 : f32
    %logistic3A_190 = vector.broadcast %logistic3A_189 : f32 to vector<392x128xf32>
    %logistic3A_191 = arith.addf %logistic3A_190, %logistic3A_188 : vector<392x128xf32>
    %logistic3A_192 = arith.divf %logistic3A_190, %logistic3A_191 : vector<392x128xf32>
    %mul3A_193 = arith.mulf %add3A_186, %logistic3A_192 : vector<392x128xf32>
    %mul3A_194 = arith.mulf %mul3A_193, %rsqrt3A : vector<392x128xf32>
    %swap3A_195 = arith.constant 0 : index
    %swap3A_196 = arith.constant 0 : index
    %swap3A_197 = vector.load %arg12[%swap3A_195, %swap3A_196] : memref<392x128xf32, #tpu.memory_space<vmem>>, vector<392x128xf32>
    tpu.vector_store %arg12[%swap3A_195, %swap3A_196], %mul3A_194 {strides = array<i32>} : memref<392x128xf32, #tpu.memory_space<vmem>>, vector<392x128xf32>,
    return
  }
  func.func @transform_0(%arg0: i32) -> (i32, i32) {
    %c0_i32 = arith.constant 0 : i32
    %c0_i32_0 = arith.constant 0 : i32
    return %arg0, %c0_i32 : i32, i32
  }
  func.func @transform_1(%arg0: i32) -> (i32, i32, i32, i32) {
    %c0_i32 = arith.constant 0 : i32
    %c0_i32_0 = arith.constant 0 : i32
    %c0_i32_1 = arith.constant 0 : i32
    %c0_i32_2 = arith.constant 0 : i32
    return %c0_i32, %c0_i32_0, %arg0, %c0_i32_1 : i32, i32, i32, i32
  }
  func.func @transform_2(%arg0: i32) -> (i32, i32, i32, i32) {
    %c0_i32 = arith.constant 0 : i32
    %c0_i32_0 = arith.constant 0 : i32
    %c0_i32_1 = arith.constant 0 : i32
    %c0_i32_2 = arith.constant 0 : i32
    return %c0_i32, %c0_i32_0, %arg0, %c0_i32_1 : i32, i32, i32, i32
  }
  func.func @transform_3(%arg0: i32) -> (i32, i32, i32) {
    %c0_i32 = arith.constant 0 : i32
    %c0_i32_0 = arith.constant 0 : i32
    %c0_i32_1 = arith.constant 0 : i32
    %c0_i32_2 = arith.constant 0 : i32
    return %c0_i32, %c0_i32_0, %c0_i32_1 : i32, i32, i32
  }
  func.func @transform_4(%arg0: i32) -> (i32, i32, i32) {
    %c0_i32 = arith.constant 0 : i32
    %c0_i32_0 = arith.constant 0 : i32
    %c0_i32_1 = arith.constant 0 : i32
    %c0_i32_2 = arith.constant 0 : i32
    return %c0_i32, %c0_i32_0, %c0_i32_1 : i32, i32, i32
  }
  func.func @transform_5(%arg0: i32) -> (i32, i32) {
    %c0_i32 = arith.constant 0 : i32
    %c0_i32_0 = arith.constant 0 : i32
    return %arg0, %c0_i32 : i32, i32
  }
  func.func @transform_6(%arg0: i32) -> (i32, i32) {
    %c0_i32 = arith.constant 0 : i32
    %c0_i32_0 = arith.constant 0 : i32
    return %arg0, %c0_i32 : i32, i32
  }
  func.func @transform_7(%arg0: i32) -> (i32, i32) {
    %c0_i32 = arith.constant 0 : i32
    %c0_i32_0 = arith.constant 0 : i32
    return %arg0, %c0_i32 : i32, i32
  }
  func.func @transform_8(%arg0: i32) -> (i32, i32) {
    %c0_i32 = arith.constant 0 : i32
    %c0_i32_0 = arith.constant 0 : i32
    return %arg0, %c0_i32 : i32, i32
  }
  func.func @transform_9(%arg0: i32) -> (i32, i32) {
    %c0_i32 = arith.constant 0 : i32
    %c0_i32_0 = arith.constant 0 : i32
    return %arg0, %c0_i32 : i32, i32
  }
  func.func @transform_10(%arg0: i32) -> (i32, i32) {
    %c0_i32 = arith.constant 0 : i32
    %c0_i32_0 = arith.constant 0 : i32
    return %arg0, %c0_i32 : i32, i32
  }
  func.func @transform_11(%arg0: i32) -> (i32, i32) {
    %c0_i32 = arith.constant 0 : i32
    %c0_i32_0 = arith.constant 0 : i32
    return %arg0, %c0_i32 : i32, i32
  }
}

module attributes {stable_mosaic.version = 14 : i64} {
  func.func @_tc_final_body(%arg0: i32, %arg1: memref<392x128xf32, #tpu.memory_space<vmem>>, %arg2: memref<392x128xf32, #tpu.memory_space<vmem>>, %arg3: memref<392x128xf32, #tpu.memory_space<vmem>>, %arg4: memref<392x128xf32, #tpu.memory_space<vmem>>, %arg5: memref<392x128xf32, #tpu.memory_space<vmem>>, %arg6: memref<392x128xf32, #tpu.memory_space<vmem>>, %arg7: memref<392x128xf32, #tpu.memory_space<vmem>>, %arg8: memref<2x7x392x128xf32, #tpu.memory_space<vmem>>, %arg9: memref<2x1x392x128xf32, #tpu.memory_space<vmem>>, %arg10: memref<1x8x392xi32, #tpu.memory_space<vmem>>, %arg11: memref<7x128x1600xf32, #tpu.memory_space<vmem>>, %arg12: memref<1x1600xf32, #tpu.memory_space<vmem>>, %arg13: memref<200x100xf32, #tpu.memory_space<vmem>>, %arg14: memref<1x100xf32, #tpu.memory_space<vmem>>, %arg15: memref<100x128xf32, #tpu.memory_space<vmem>>, %arg16: memref<1x128xf32, #tpu.memory_space<vmem>>, %arg17: memref<32x128xf32, #tpu.memory_space<vmem>>, %arg18: memref<32x200xf32, #tpu.memory_space<vmem>>, %arg19: memref<32x128xf32, #tpu.memory_space<vmem>>) attributes {dimension_semantics = [#tpu.dimension_semantics<arbitrary>], iteration_bounds = array<i64: 16>, scalar_prefetch = 0 : i64, scratch_operands = 2 : i64, tpu.core_type = #tpu.core_type<tc>, window_params = [{transform_indices = @transform_0, window_bounds = array<i64: 392, 128>}, {transform_indices = @transform_1, window_bounds = array<i64: 392, 128>}, {transform_indices = @transform_2, window_bounds = array<i64: 392, 128>}, {transform_indices = @transform_3, window_bounds = array<i64: 392, 128>}, {transform_indices = @transform_4, window_bounds = array<i64: 392, 128>}, {transform_indices = @transform_5, window_bounds = array<i64: 392, 128>}, {transform_indices = @transform_6, window_bounds = array<i64: 392, 128>}, {transform_indices = @transform_7, window_bounds = array<i64: 2, 7, 392, 128>}, {transform_indices = @transform_8, window_bounds = array<i64: 2, 1, 392, 128>}, {transform_indices = @transform_9, window_bounds = array<i64: 1, 8, 392>}, {pipeline_mode = #tpu.pipeline_mode<synchronous>, transform_indices = @transform_10, window_bounds = array<i64: 7, 128, 1600>}, {pipeline_mode = #tpu.pipeline_mode<synchronous>, transform_indices = @transform_11, window_bounds = array<i64: 1, 1600>}, {pipeline_mode = #tpu.pipeline_mode<synchronous>, transform_indices = @transform_12, window_bounds = array<i64: 200, 100>}, {pipeline_mode = #tpu.pipeline_mode<synchronous>, transform_indices = @transform_13, window_bounds = array<i64: 1, 100>}, {pipeline_mode = #tpu.pipeline_mode<synchronous>, transform_indices = @transform_14, window_bounds = array<i64: 100, 128>}, {pipeline_mode = #tpu.pipeline_mode<synchronous>, transform_indices = @transform_15, window_bounds = array<i64: 1, 128>}, {pipeline_mode = #tpu.pipeline_mode<synchronous>, transform_indices = @transform_16, window_bounds = array<i64: 32, 128>}]} {
    %eq3A = arith.constant 0 : i32
    %eq3A_0 = arith.cmpi eq, %arg0, %eq3A : i32
    %convert_element_type3A = arith.extui %eq3A_0 : i1 to i32
    %cond3A = arith.constant 0 : i32
    %cond3A_1 = arith.cmpi ne, %convert_element_type3A, %cond3A : i32
    scf.if %cond3A_1 {
      %broadcast_in_dim3A_459 = arith.constant 0.000000e+00 : f32
      %broadcast_in_dim3A_460 = vector.broadcast %broadcast_in_dim3A_459 : f32 to vector<32x200xf32>
      %swap3A_461 = arith.constant 0 : index
      %swap3A_462 = arith.constant 0 : index
      %swap3A_463 = vector.load %arg18[%swap3A_461, %swap3A_462] : memref<32x200xf32, #tpu.memory_space<vmem>>, vector<32x200xf32>
      tpu.vector_store %arg18[%swap3A_461, %swap3A_462], %broadcast_in_dim3A_460 {strides = array<i32>} : memref<32x200xf32, #tpu.memory_space<vmem>>, vector<32x200xf32>,
      %broadcast_in_dim3A_464 = arith.constant 0.000000e+00 : f32
      %broadcast_in_dim3A_465 = vector.broadcast %broadcast_in_dim3A_464 : f32 to vector<32x128xf32>
      %swap3A_466 = arith.constant 0 : index
      %swap3A_467 = arith.constant 0 : index
      %swap3A_468 = vector.load %arg19[%swap3A_466, %swap3A_467] : memref<32x128xf32, #tpu.memory_space<vmem>>, vector<32x128xf32>
      tpu.vector_store %arg19[%swap3A_466, %swap3A_467], %broadcast_in_dim3A_465 {strides = array<i32>} : memref<32x128xf32, #tpu.memory_space<vmem>>, vector<32x128xf32>,
    } else {
    }
    %get3A = arith.constant 0 : index
    %get3A_2 = arith.constant 0 : index
    %get3A_3 = arith.constant 0 : index
    %get3A_4 = arith.constant 0 : index
    %get3A_5 = vector.load %arg9[%get3A, %get3A_2, %get3A_3, %get3A_4] : memref<2x1x392x128xf32, #tpu.memory_space<vmem>>, vector<2x1x392x128xf32>
    %slice3A = vector.extract_strided_slice %get3A_5 {offsets = [0, 0, 0, 0], sizes = [1, 1, 392, 128], strides = [1, 1, 1, 1]} : vector<2x1x392x128xf32> to vector<1x1x392x128xf32>
    %squeeze3A = vector.shape_cast %slice3A : vector<1x1x392x128xf32> to vector<392x128xf32>
    %slice3A_6 = vector.extract_strided_slice %get3A_5 {offsets = [1, 0, 0, 0], sizes = [1, 1, 392, 128], strides = [1, 1, 1, 1]} : vector<2x1x392x128xf32> to vector<1x1x392x128xf32>
    %squeeze3A_7 = vector.shape_cast %slice3A_6 : vector<1x1x392x128xf32> to vector<392x128xf32>
    %add3A = arith.addf %squeeze3A, %squeeze3A_7 : vector<392x128xf32>
    %add3A_8 = arith.constant 1.000000e+00 : f32
    %add3A_9 = vector.broadcast %add3A_8 : f32 to vector<392x128xf32>
    %add3A_10 = arith.addf %add3A, %add3A_9 : vector<392x128xf32>
    %rsqrt3A = math.rsqrt %add3A_10 : vector<392x128xf32>
    %get3A_11 = arith.constant 0 : index
    %get3A_12 = arith.constant 0 : index
    %get3A_13 = vector.load %arg12[%get3A_11, %get3A_12] : memref<1x1600xf32, #tpu.memory_space<vmem>>, vector<1x1600xf32>
    %get3A_14 = arith.constant 0 : index
    %get3A_15 = arith.constant 0 : index
    %get3A_16 = vector.load %arg1[%get3A_14, %get3A_15] : memref<392x128xf32, #tpu.memory_space<vmem>>, vector<392x128xf32>
    %get3A_17 = arith.constant 0 : index
    %get3A_18 = arith.constant 0 : index
    %get3A_19 = arith.constant 0 : index
    %get3A_20 = arith.constant 0 : index
    %get3A_21 = vector.load %arg8[%get3A_17, %get3A_18, %get3A_19, %get3A_20] : memref<2x7x392x128xf32, #tpu.memory_space<vmem>>, vector<1x1x392x128xf32>
    %get3A_22 = vector.shape_cast %get3A_21 : vector<1x1x392x128xf32> to vector<392x128xf32>
    %add3A_23 = arith.addf %get3A_16, %get3A_22 : vector<392x128xf32>
    %get3A_24 = arith.constant 1 : index
    %get3A_25 = arith.constant 0 : index
    %get3A_26 = arith.constant 0 : index
    %get3A_27 = arith.constant 0 : index
    %get3A_28 = vector.load %arg8[%get3A_24, %get3A_25, %get3A_26, %get3A_27] : memref<2x7x392x128xf32, #tpu.memory_space<vmem>>, vector<1x1x392x128xf32>
    %get3A_29 = vector.shape_cast %get3A_28 : vector<1x1x392x128xf32> to vector<392x128xf32>
    %add3A_30 = arith.addf %add3A_23, %get3A_29 : vector<392x128xf32>
    %mul3A = arith.mulf %add3A_30, %rsqrt3A : vector<392x128xf32>
    %get3A_31 = arith.constant 0 : index
    %get3A_32 = arith.constant 0 : index
    %get3A_33 = arith.constant 0 : index
    %get3A_34 = vector.load %arg11[%get3A_31, %get3A_32, %get3A_33] : memref<7x128x1600xf32, #tpu.memory_space<vmem>>, vector<1x128x1600xf32>
    %get3A_35 = vector.shape_cast %get3A_34 : vector<1x128x1600xf32> to vector<128x1600xf32>
    %dot_general3A = arith.constant dense<0.000000e+00> : vector<392x1600xf32>
    %dot_general3A_36 = tpu.matmul %mul3A, %get3A_35, %dot_general3A {dimension_numbers = #tpu.dot_dimension_numbers<[1], [0], [0], [1], [0, 0, 1, 1], [], []>, transpose_lhs_hint = false} : vector<392x128xf32>, vector<128x1600xf32>, vector<392x1600xf32> -> vector<392x1600xf32>
    %add3A_37 = vector.broadcast %get3A_13 : vector<1x1600xf32> to vector<392x1600xf32>
    %add3A_38 = arith.addf %add3A_37, %dot_general3A_36 : vector<392x1600xf32>
    %get3A_39 = arith.constant 0 : index
    %get3A_40 = arith.constant 0 : index
    %get3A_41 = vector.load %arg2[%get3A_39, %get3A_40] : memref<392x128xf32, #tpu.memory_space<vmem>>, vector<392x128xf32>
    %get3A_42 = arith.constant 0 : index
    %get3A_43 = arith.constant 1 : index
    %get3A_44 = arith.constant 0 : index
    %get3A_45 = arith.constant 0 : index
    %get3A_46 = vector.load %arg8[%get3A_42, %get3A_43, %get3A_44, %get3A_45] : memref<2x7x392x128xf32, #tpu.memory_space<vmem>>, vector<1x1x392x128xf32>
    %get3A_47 = vector.shape_cast %get3A_46 : vector<1x1x392x128xf32> to vector<392x128xf32>
    %add3A_48 = arith.addf %get3A_41, %get3A_47 : vector<392x128xf32>
    %get3A_49 = arith.constant 1 : index
    %get3A_50 = arith.constant 1 : index
    %get3A_51 = arith.constant 0 : index
    %get3A_52 = arith.constant 0 : index
    %get3A_53 = vector.load %arg8[%get3A_49, %get3A_50, %get3A_51, %get3A_52] : memref<2x7x392x128xf32, #tpu.memory_space<vmem>>, vector<1x1x392x128xf32>
    %get3A_54 = vector.shape_cast %get3A_53 : vector<1x1x392x128xf32> to vector<392x128xf32>
    %add3A_55 = arith.addf %add3A_48, %get3A_54 : vector<392x128xf32>
    %mul3A_56 = arith.mulf %add3A_55, %rsqrt3A : vector<392x128xf32>
    %get3A_57 = arith.constant 1 : index
    %get3A_58 = arith.constant 0 : index
    %get3A_59 = arith.constant 0 : index
    %get3A_60 = vector.load %arg11[%get3A_57, %get3A_58, %get3A_59] : memref<7x128x1600xf32, #tpu.memory_space<vmem>>, vector<1x128x1600xf32>
    %get3A_61 = vector.shape_cast %get3A_60 : vector<1x128x1600xf32> to vector<128x1600xf32>
    %dot_general3A_62 = arith.constant dense<0.000000e+00> : vector<392x1600xf32>
    %dot_general3A_63 = tpu.matmul %mul3A_56, %get3A_61, %dot_general3A_62 {dimension_numbers = #tpu.dot_dimension_numbers<[1], [0], [0], [1], [0, 0, 1, 1], [], []>, transpose_lhs_hint = false} : vector<392x128xf32>, vector<128x1600xf32>, vector<392x1600xf32> -> vector<392x1600xf32>
    %add3A_64 = arith.addf %add3A_38, %dot_general3A_63 : vector<392x1600xf32>
    %get3A_65 = arith.constant 0 : index
    %get3A_66 = arith.constant 0 : index
    %get3A_67 = vector.load %arg3[%get3A_65, %get3A_66] : memref<392x128xf32, #tpu.memory_space<vmem>>, vector<392x128xf32>
    %get3A_68 = arith.constant 0 : index
    %get3A_69 = arith.constant 2 : index
    %get3A_70 = arith.constant 0 : index
    %get3A_71 = arith.constant 0 : index
    %get3A_72 = vector.load %arg8[%get3A_68, %get3A_69, %get3A_70, %get3A_71] : memref<2x7x392x128xf32, #tpu.memory_space<vmem>>, vector<1x1x392x128xf32>
    %get3A_73 = vector.shape_cast %get3A_72 : vector<1x1x392x128xf32> to vector<392x128xf32>
    %add3A_74 = arith.addf %get3A_67, %get3A_73 : vector<392x128xf32>
    %get3A_75 = arith.constant 1 : index
    %get3A_76 = arith.constant 2 : index
    %get3A_77 = arith.constant 0 : index
    %get3A_78 = arith.constant 0 : index
    %get3A_79 = vector.load %arg8[%get3A_75, %get3A_76, %get3A_77, %get3A_78] : memref<2x7x392x128xf32, #tpu.memory_space<vmem>>, vector<1x1x392x128xf32>
    %get3A_80 = vector.shape_cast %get3A_79 : vector<1x1x392x128xf32> to vector<392x128xf32>
    %add3A_81 = arith.addf %add3A_74, %get3A_80 : vector<392x128xf32>
    %mul3A_82 = arith.mulf %add3A_81, %rsqrt3A : vector<392x128xf32>
    %get3A_83 = arith.constant 2 : index
    %get3A_84 = arith.constant 0 : index
    %get3A_85 = arith.constant 0 : index
    %get3A_86 = vector.load %arg11[%get3A_83, %get3A_84, %get3A_85] : memref<7x128x1600xf32, #tpu.memory_space<vmem>>, vector<1x128x1600xf32>
    %get3A_87 = vector.shape_cast %get3A_86 : vector<1x128x1600xf32> to vector<128x1600xf32>
    %dot_general3A_88 = arith.constant dense<0.000000e+00> : vector<392x1600xf32>
    %dot_general3A_89 = tpu.matmul %mul3A_82, %get3A_87, %dot_general3A_88 {dimension_numbers = #tpu.dot_dimension_numbers<[1], [0], [0], [1], [0, 0, 1, 1], [], []>, transpose_lhs_hint = false} : vector<392x128xf32>, vector<128x1600xf32>, vector<392x1600xf32> -> vector<392x1600xf32>
    %add3A_90 = arith.addf %add3A_64, %dot_general3A_89 : vector<392x1600xf32>
    %get3A_91 = arith.constant 0 : index
    %get3A_92 = arith.constant 0 : index
    %get3A_93 = vector.load %arg4[%get3A_91, %get3A_92] : memref<392x128xf32, #tpu.memory_space<vmem>>, vector<392x128xf32>
    %get3A_94 = arith.constant 0 : index
    %get3A_95 = arith.constant 3 : index
    %get3A_96 = arith.constant 0 : index
    %get3A_97 = arith.constant 0 : index
    %get3A_98 = vector.load %arg8[%get3A_94, %get3A_95, %get3A_96, %get3A_97] : memref<2x7x392x128xf32, #tpu.memory_space<vmem>>, vector<1x1x392x128xf32>
    %get3A_99 = vector.shape_cast %get3A_98 : vector<1x1x392x128xf32> to vector<392x128xf32>
    %add3A_100 = arith.addf %get3A_93, %get3A_99 : vector<392x128xf32>
    %get3A_101 = arith.constant 1 : index
    %get3A_102 = arith.constant 3 : index
    %get3A_103 = arith.constant 0 : index
    %get3A_104 = arith.constant 0 : index
    %get3A_105 = vector.load %arg8[%get3A_101, %get3A_102, %get3A_103, %get3A_104] : memref<2x7x392x128xf32, #tpu.memory_space<vmem>>, vector<1x1x392x128xf32>
    %get3A_106 = vector.shape_cast %get3A_105 : vector<1x1x392x128xf32> to vector<392x128xf32>
    %add3A_107 = arith.addf %add3A_100, %get3A_106 : vector<392x128xf32>
    %mul3A_108 = arith.mulf %add3A_107, %rsqrt3A : vector<392x128xf32>
    %get3A_109 = arith.constant 3 : index
    %get3A_110 = arith.constant 0 : index
    %get3A_111 = arith.constant 0 : index
    %get3A_112 = vector.load %arg11[%get3A_109, %get3A_110, %get3A_111] : memref<7x128x1600xf32, #tpu.memory_space<vmem>>, vector<1x128x1600xf32>
    %get3A_113 = vector.shape_cast %get3A_112 : vector<1x128x1600xf32> to vector<128x1600xf32>
    %dot_general3A_114 = arith.constant dense<0.000000e+00> : vector<392x1600xf32>
    %dot_general3A_115 = tpu.matmul %mul3A_108, %get3A_113, %dot_general3A_114 {dimension_numbers = #tpu.dot_dimension_numbers<[1], [0], [0], [1], [0, 0, 1, 1], [], []>, transpose_lhs_hint = false} : vector<392x128xf32>, vector<128x1600xf32>, vector<392x1600xf32> -> vector<392x1600xf32>
    %add3A_116 = arith.addf %add3A_90, %dot_general3A_115 : vector<392x1600xf32>
    %get3A_117 = arith.constant 0 : index
    %get3A_118 = arith.constant 0 : index
    %get3A_119 = vector.load %arg5[%get3A_117, %get3A_118] : memref<392x128xf32, #tpu.memory_space<vmem>>, vector<392x128xf32>
    %get3A_120 = arith.constant 0 : index
    %get3A_121 = arith.constant 4 : index
    %get3A_122 = arith.constant 0 : index
    %get3A_123 = arith.constant 0 : index
    %get3A_124 = vector.load %arg8[%get3A_120, %get3A_121, %get3A_122, %get3A_123] : memref<2x7x392x128xf32, #tpu.memory_space<vmem>>, vector<1x1x392x128xf32>
    %get3A_125 = vector.shape_cast %get3A_124 : vector<1x1x392x128xf32> to vector<392x128xf32>
    %add3A_126 = arith.addf %get3A_119, %get3A_125 : vector<392x128xf32>
    %get3A_127 = arith.constant 1 : index
    %get3A_128 = arith.constant 4 : index
    %get3A_129 = arith.constant 0 : index
    %get3A_130 = arith.constant 0 : index
    %get3A_131 = vector.load %arg8[%get3A_127, %get3A_128, %get3A_129, %get3A_130] : memref<2x7x392x128xf32, #tpu.memory_space<vmem>>, vector<1x1x392x128xf32>
    %get3A_132 = vector.shape_cast %get3A_131 : vector<1x1x392x128xf32> to vector<392x128xf32>
    %add3A_133 = arith.addf %add3A_126, %get3A_132 : vector<392x128xf32>
    %mul3A_134 = arith.mulf %add3A_133, %rsqrt3A : vector<392x128xf32>
    %get3A_135 = arith.constant 4 : index
    %get3A_136 = arith.constant 0 : index
    %get3A_137 = arith.constant 0 : index
    %get3A_138 = vector.load %arg11[%get3A_135, %get3A_136, %get3A_137] : memref<7x128x1600xf32, #tpu.memory_space<vmem>>, vector<1x128x1600xf32>
    %get3A_139 = vector.shape_cast %get3A_138 : vector<1x128x1600xf32> to vector<128x1600xf32>
    %dot_general3A_140 = arith.constant dense<0.000000e+00> : vector<392x1600xf32>
    %dot_general3A_141 = tpu.matmul %mul3A_134, %get3A_139, %dot_general3A_140 {dimension_numbers = #tpu.dot_dimension_numbers<[1], [0], [0], [1], [0, 0, 1, 1], [], []>, transpose_lhs_hint = false} : vector<392x128xf32>, vector<128x1600xf32>, vector<392x1600xf32> -> vector<392x1600xf32>
    %add3A_142 = arith.addf %add3A_116, %dot_general3A_141 : vector<392x1600xf32>
    %get3A_143 = arith.constant 0 : index
    %get3A_144 = arith.constant 0 : index
    %get3A_145 = vector.load %arg6[%get3A_143, %get3A_144] : memref<392x128xf32, #tpu.memory_space<vmem>>, vector<392x128xf32>
    %get3A_146 = arith.constant 0 : index
    %get3A_147 = arith.constant 5 : index
    %get3A_148 = arith.constant 0 : index
    %get3A_149 = arith.constant 0 : index
    %get3A_150 = vector.load %arg8[%get3A_146, %get3A_147, %get3A_148, %get3A_149] : memref<2x7x392x128xf32, #tpu.memory_space<vmem>>, vector<1x1x392x128xf32>
    %get3A_151 = vector.shape_cast %get3A_150 : vector<1x1x392x128xf32> to vector<392x128xf32>
    %add3A_152 = arith.addf %get3A_145, %get3A_151 : vector<392x128xf32>
    %get3A_153 = arith.constant 1 : index
    %get3A_154 = arith.constant 5 : index
    %get3A_155 = arith.constant 0 : index
    %get3A_156 = arith.constant 0 : index
    %get3A_157 = vector.load %arg8[%get3A_153, %get3A_154, %get3A_155, %get3A_156] : memref<2x7x392x128xf32, #tpu.memory_space<vmem>>, vector<1x1x392x128xf32>
    %get3A_158 = vector.shape_cast %get3A_157 : vector<1x1x392x128xf32> to vector<392x128xf32>
    %add3A_159 = arith.addf %add3A_152, %get3A_158 : vector<392x128xf32>
    %mul3A_160 = arith.mulf %add3A_159, %rsqrt3A : vector<392x128xf32>
    %get3A_161 = arith.constant 5 : index
    %get3A_162 = arith.constant 0 : index
    %get3A_163 = arith.constant 0 : index
    %get3A_164 = vector.load %arg11[%get3A_161, %get3A_162, %get3A_163] : memref<7x128x1600xf32, #tpu.memory_space<vmem>>, vector<1x128x1600xf32>
    %get3A_165 = vector.shape_cast %get3A_164 : vector<1x128x1600xf32> to vector<128x1600xf32>
    %dot_general3A_166 = arith.constant dense<0.000000e+00> : vector<392x1600xf32>
    %dot_general3A_167 = tpu.matmul %mul3A_160, %get3A_165, %dot_general3A_166 {dimension_numbers = #tpu.dot_dimension_numbers<[1], [0], [0], [1], [0, 0, 1, 1], [], []>, transpose_lhs_hint = false} : vector<392x128xf32>, vector<128x1600xf32>, vector<392x1600xf32> -> vector<392x1600xf32>
    %add3A_168 = arith.addf %add3A_142, %dot_general3A_167 : vector<392x1600xf32>
    %get3A_169 = arith.constant 0 : index
    %get3A_170 = arith.constant 0 : index
    %get3A_171 = vector.load %arg7[%get3A_169, %get3A_170] : memref<392x128xf32, #tpu.memory_space<vmem>>, vector<392x128xf32>
    %get3A_172 = arith.constant 0 : index
    %get3A_173 = arith.constant 6 : index
    %get3A_174 = arith.constant 0 : index
    %get3A_175 = arith.constant 0 : index
    %get3A_176 = vector.load %arg8[%get3A_172, %get3A_173, %get3A_174, %get3A_175] : memref<2x7x392x128xf32, #tpu.memory_space<vmem>>, vector<1x1x392x128xf32>
    %get3A_177 = vector.shape_cast %get3A_176 : vector<1x1x392x128xf32> to vector<392x128xf32>
    %add3A_178 = arith.addf %get3A_171, %get3A_177 : vector<392x128xf32>
    %get3A_179 = arith.constant 1 : index
    %get3A_180 = arith.constant 6 : index
    %get3A_181 = arith.constant 0 : index
    %get3A_182 = arith.constant 0 : index
    %get3A_183 = vector.load %arg8[%get3A_179, %get3A_180, %get3A_181, %get3A_182] : memref<2x7x392x128xf32, #tpu.memory_space<vmem>>, vector<1x1x392x128xf32>
    %get3A_184 = vector.shape_cast %get3A_183 : vector<1x1x392x128xf32> to vector<392x128xf32>
    %add3A_185 = arith.addf %add3A_178, %get3A_184 : vector<392x128xf32>
    %mul3A_186 = arith.mulf %add3A_185, %rsqrt3A : vector<392x128xf32>
    %get3A_187 = arith.constant 6 : index
    %get3A_188 = arith.constant 0 : index
    %get3A_189 = arith.constant 0 : index
    %get3A_190 = vector.load %arg11[%get3A_187, %get3A_188, %get3A_189] : memref<7x128x1600xf32, #tpu.memory_space<vmem>>, vector<1x128x1600xf32>
    %get3A_191 = vector.shape_cast %get3A_190 : vector<1x128x1600xf32> to vector<128x1600xf32>
    %dot_general3A_192 = arith.constant dense<0.000000e+00> : vector<392x1600xf32>
    %dot_general3A_193 = tpu.matmul %mul3A_186, %get3A_191, %dot_general3A_192 {dimension_numbers = #tpu.dot_dimension_numbers<[1], [0], [0], [1], [0, 0, 1, 1], [], []>, transpose_lhs_hint = false} : vector<392x128xf32>, vector<128x1600xf32>, vector<392x1600xf32> -> vector<392x1600xf32>
    %add3A_194 = arith.addf %add3A_168, %dot_general3A_193 : vector<392x1600xf32>
    %logistic3A = arith.negf %add3A_194 : vector<392x1600xf32>
    %logistic3A_195 = math.exp %logistic3A : vector<392x1600xf32>
    %logistic3A_196 = arith.constant 1.000000e+00 : f32
    %logistic3A_197 = vector.broadcast %logistic3A_196 : f32 to vector<392x1600xf32>
    %logistic3A_198 = arith.addf %logistic3A_197, %logistic3A_195 : vector<392x1600xf32>
    %logistic3A_199 = arith.divf %logistic3A_197, %logistic3A_198 : vector<392x1600xf32>
    %mul3A_200 = arith.mulf %add3A_194, %logistic3A_199 : vector<392x1600xf32>
    %iota3A = tpu.iota {dimensions = array<i32: 0>} : vector<32x392xi32>
    %get3A_201 = arith.constant 0 : index
    %get3A_202 = arith.constant 0 : index
    %get3A_203 = arith.constant 0 : index
    %get3A_204 = vector.load %arg10[%get3A_201, %get3A_202, %get3A_203] : memref<1x8x392xi32, #tpu.memory_space<vmem>>, vector<1x1x392xi32>
    %get3A_205 = vector.shape_cast %get3A_204 : vector<1x1x392xi32> to vector<392xi32>
    %broadcast_in_dim3A = vector.shape_cast %get3A_205 : vector<392xi32> to vector<1x392xi32>
    %eq3A_206 = vector.broadcast %broadcast_in_dim3A : vector<1x392xi32> to vector<32x392xi32>
    %eq3A_207 = arith.cmpi eq, %iota3A, %eq3A_206 : vector<32x392xi32>
    %convert_element_type3A_208 = arith.extui %eq3A_207 : vector<32x392xi1> to vector<32x392xi32>
    %convert_element_type3A_209 = arith.sitofp %convert_element_type3A_208 : vector<32x392xi32> to vector<32x392xf32>
    %get3A_210 = arith.constant 0 : index
    %get3A_211 = arith.constant 0 : index
    %get3A_212 = vector.load %arg18[%get3A_210, %get3A_211] : memref<32x200xf32, #tpu.memory_space<vmem>>, vector<32x200xf32>
    %slice3A_213 = vector.extract_strided_slice %mul3A_200 {offsets = [0, 0], sizes = [392, 200], strides = [1, 1]} : vector<392x1600xf32> to vector<392x200xf32>
    %dot_general3A_214 = arith.constant dense<0.000000e+00> : vector<32x200xf32>
    %dot_general3A_215 = tpu.matmul %convert_element_type3A_209, %slice3A_213, %dot_general3A_214 {dimension_numbers = #tpu.dot_dimension_numbers<[1], [0], [0], [1], [0, 0, 1, 1], [], []>, transpose_lhs_hint = false} : vector<32x392xf32>, vector<392x200xf32>, vector<32x200xf32> -> vector<32x200xf32>
    %add3A_216 = arith.addf %get3A_212, %dot_general3A_215 : vector<32x200xf32>
    %swap3A = arith.constant 0 : index
    %swap3A_217 = arith.constant 0 : index
    %swap3A_218 = vector.load %arg18[%swap3A, %swap3A_217] : memref<32x200xf32, #tpu.memory_space<vmem>>, vector<32x200xf32>
    tpu.vector_store %arg18[%swap3A, %swap3A_217], %add3A_216 {strides = array<i32>} : memref<32x200xf32, #tpu.memory_space<vmem>>, vector<32x200xf32>,
    %get3A_219 = arith.constant 0 : index
    %get3A_220 = arith.constant 0 : index
    %get3A_221 = vector.load %arg19[%get3A_219, %get3A_220] : memref<32x128xf32, #tpu.memory_space<vmem>>, vector<32x128xf32>
    %reduce_sum3A = arith.constant dense<0.000000e+00> : vector<32xf32>
    %reduce_sum3A_222 = vector.multi_reduction <add>, %convert_element_type3A_209, %reduce_sum3A [1] : vector<32x392xf32> to vector<32xf32>
    %broadcast_in_dim3A_223 = vector.shape_cast %reduce_sum3A_222 : vector<32xf32> to vector<32x1xf32>
    %broadcast_in_dim3A_224 = vector.shape_cast %broadcast_in_dim3A_223 : vector<32x1xf32> to vector<32x1xf32>
    %broadcast_in_dim3A_225 = vector.broadcast %broadcast_in_dim3A_224 : vector<32x1xf32> to vector<32x128xf32>
    %add3A_226 = arith.addf %get3A_221, %broadcast_in_dim3A_225 : vector<32x128xf32>
    %swap3A_227 = arith.constant 0 : index
    %swap3A_228 = arith.constant 0 : index
    %swap3A_229 = vector.load %arg19[%swap3A_227, %swap3A_228] : memref<32x128xf32, #tpu.memory_space<vmem>>, vector<32x128xf32>
    tpu.vector_store %arg19[%swap3A_227, %swap3A_228], %add3A_226 {strides = array<i32>} : memref<32x128xf32, #tpu.memory_space<vmem>>, vector<32x128xf32>,
    %get3A_230 = arith.constant 0 : index
    %get3A_231 = arith.constant 1 : index
    %get3A_232 = arith.constant 0 : index
    %get3A_233 = vector.load %arg10[%get3A_230, %get3A_231, %get3A_232] : memref<1x8x392xi32, #tpu.memory_space<vmem>>, vector<1x1x392xi32>
    %get3A_234 = vector.shape_cast %get3A_233 : vector<1x1x392xi32> to vector<392xi32>
    %broadcast_in_dim3A_235 = vector.shape_cast %get3A_234 : vector<392xi32> to vector<1x392xi32>
    %eq3A_236 = vector.broadcast %broadcast_in_dim3A_235 : vector<1x392xi32> to vector<32x392xi32>
    %eq3A_237 = arith.cmpi eq, %iota3A, %eq3A_236 : vector<32x392xi32>
    %convert_element_type3A_238 = arith.extui %eq3A_237 : vector<32x392xi1> to vector<32x392xi32>
    %convert_element_type3A_239 = arith.sitofp %convert_element_type3A_238 : vector<32x392xi32> to vector<32x392xf32>
    %get3A_240 = arith.constant 0 : index
    %get3A_241 = arith.constant 0 : index
    %get3A_242 = vector.load %arg18[%get3A_240, %get3A_241] : memref<32x200xf32, #tpu.memory_space<vmem>>, vector<32x200xf32>
    %slice3A_243 = vector.extract_strided_slice %mul3A_200 {offsets = [0, 200], sizes = [392, 200], strides = [1, 1]} : vector<392x1600xf32> to vector<392x200xf32>
    %dot_general3A_244 = arith.constant dense<0.000000e+00> : vector<32x200xf32>
    %dot_general3A_245 = tpu.matmul %convert_element_type3A_239, %slice3A_243, %dot_general3A_244 {dimension_numbers = #tpu.dot_dimension_numbers<[1], [0], [0], [1], [0, 0, 1, 1], [], []>, transpose_lhs_hint = false} : vector<32x392xf32>, vector<392x200xf32>, vector<32x200xf32> -> vector<32x200xf32>
    %add3A_246 = arith.addf %get3A_242, %dot_general3A_245 : vector<32x200xf32>
    %swap3A_247 = arith.constant 0 : index
    %swap3A_248 = arith.constant 0 : index
    %swap3A_249 = vector.load %arg18[%swap3A_247, %swap3A_248] : memref<32x200xf32, #tpu.memory_space<vmem>>, vector<32x200xf32>
    tpu.vector_store %arg18[%swap3A_247, %swap3A_248], %add3A_246 {strides = array<i32>} : memref<32x200xf32, #tpu.memory_space<vmem>>, vector<32x200xf32>,
    %get3A_250 = arith.constant 0 : index
    %get3A_251 = arith.constant 0 : index
    %get3A_252 = vector.load %arg19[%get3A_250, %get3A_251] : memref<32x128xf32, #tpu.memory_space<vmem>>, vector<32x128xf32>
    %reduce_sum3A_253 = arith.constant dense<0.000000e+00> : vector<32xf32>
    %reduce_sum3A_254 = vector.multi_reduction <add>, %convert_element_type3A_239, %reduce_sum3A_253 [1] : vector<32x392xf32> to vector<32xf32>
    %broadcast_in_dim3A_255 = vector.shape_cast %reduce_sum3A_254 : vector<32xf32> to vector<32x1xf32>
    %broadcast_in_dim3A_256 = vector.shape_cast %broadcast_in_dim3A_255 : vector<32x1xf32> to vector<32x1xf32>
    %broadcast_in_dim3A_257 = vector.broadcast %broadcast_in_dim3A_256 : vector<32x1xf32> to vector<32x128xf32>
    %add3A_258 = arith.addf %get3A_252, %broadcast_in_dim3A_257 : vector<32x128xf32>
    %swap3A_259 = arith.constant 0 : index
    %swap3A_260 = arith.constant 0 : index
    %swap3A_261 = vector.load %arg19[%swap3A_259, %swap3A_260] : memref<32x128xf32, #tpu.memory_space<vmem>>, vector<32x128xf32>
    tpu.vector_store %arg19[%swap3A_259, %swap3A_260], %add3A_258 {strides = array<i32>} : memref<32x128xf32, #tpu.memory_space<vmem>>, vector<32x128xf32>,
    %get3A_262 = arith.constant 0 : index
    %get3A_263 = arith.constant 2 : index
    %get3A_264 = arith.constant 0 : index
    %get3A_265 = vector.load %arg10[%get3A_262, %get3A_263, %get3A_264] : memref<1x8x392xi32, #tpu.memory_space<vmem>>, vector<1x1x392xi32>
    %get3A_266 = vector.shape_cast %get3A_265 : vector<1x1x392xi32> to vector<392xi32>
    %broadcast_in_dim3A_267 = vector.shape_cast %get3A_266 : vector<392xi32> to vector<1x392xi32>
    %eq3A_268 = vector.broadcast %broadcast_in_dim3A_267 : vector<1x392xi32> to vector<32x392xi32>
    %eq3A_269 = arith.cmpi eq, %iota3A, %eq3A_268 : vector<32x392xi32>
    %convert_element_type3A_270 = arith.extui %eq3A_269 : vector<32x392xi1> to vector<32x392xi32>
    %convert_element_type3A_271 = arith.sitofp %convert_element_type3A_270 : vector<32x392xi32> to vector<32x392xf32>
    %get3A_272 = arith.constant 0 : index
    %get3A_273 = arith.constant 0 : index
    %get3A_274 = vector.load %arg18[%get3A_272, %get3A_273] : memref<32x200xf32, #tpu.memory_space<vmem>>, vector<32x200xf32>
    %slice3A_275 = vector.extract_strided_slice %mul3A_200 {offsets = [0, 400], sizes = [392, 200], strides = [1, 1]} : vector<392x1600xf32> to vector<392x200xf32>
    %dot_general3A_276 = arith.constant dense<0.000000e+00> : vector<32x200xf32>
    %dot_general3A_277 = tpu.matmul %convert_element_type3A_271, %slice3A_275, %dot_general3A_276 {dimension_numbers = #tpu.dot_dimension_numbers<[1], [0], [0], [1], [0, 0, 1, 1], [], []>, transpose_lhs_hint = false} : vector<32x392xf32>, vector<392x200xf32>, vector<32x200xf32> -> vector<32x200xf32>
    %add3A_278 = arith.addf %get3A_274, %dot_general3A_277 : vector<32x200xf32>
    %swap3A_279 = arith.constant 0 : index
    %swap3A_280 = arith.constant 0 : index
    %swap3A_281 = vector.load %arg18[%swap3A_279, %swap3A_280] : memref<32x200xf32, #tpu.memory_space<vmem>>, vector<32x200xf32>
    tpu.vector_store %arg18[%swap3A_279, %swap3A_280], %add3A_278 {strides = array<i32>} : memref<32x200xf32, #tpu.memory_space<vmem>>, vector<32x200xf32>,
    %get3A_282 = arith.constant 0 : index
    %get3A_283 = arith.constant 0 : index
    %get3A_284 = vector.load %arg19[%get3A_282, %get3A_283] : memref<32x128xf32, #tpu.memory_space<vmem>>, vector<32x128xf32>
    %reduce_sum3A_285 = arith.constant dense<0.000000e+00> : vector<32xf32>
    %reduce_sum3A_286 = vector.multi_reduction <add>, %convert_element_type3A_271, %reduce_sum3A_285 [1] : vector<32x392xf32> to vector<32xf32>
    %broadcast_in_dim3A_287 = vector.shape_cast %reduce_sum3A_286 : vector<32xf32> to vector<32x1xf32>
    %broadcast_in_dim3A_288 = vector.shape_cast %broadcast_in_dim3A_287 : vector<32x1xf32> to vector<32x1xf32>
    %broadcast_in_dim3A_289 = vector.broadcast %broadcast_in_dim3A_288 : vector<32x1xf32> to vector<32x128xf32>
    %add3A_290 = arith.addf %get3A_284, %broadcast_in_dim3A_289 : vector<32x128xf32>
    %swap3A_291 = arith.constant 0 : index
    %swap3A_292 = arith.constant 0 : index
    %swap3A_293 = vector.load %arg19[%swap3A_291, %swap3A_292] : memref<32x128xf32, #tpu.memory_space<vmem>>, vector<32x128xf32>
    tpu.vector_store %arg19[%swap3A_291, %swap3A_292], %add3A_290 {strides = array<i32>} : memref<32x128xf32, #tpu.memory_space<vmem>>, vector<32x128xf32>,
    %get3A_294 = arith.constant 0 : index
    %get3A_295 = arith.constant 3 : index
    %get3A_296 = arith.constant 0 : index
    %get3A_297 = vector.load %arg10[%get3A_294, %get3A_295, %get3A_296] : memref<1x8x392xi32, #tpu.memory_space<vmem>>, vector<1x1x392xi32>
    %get3A_298 = vector.shape_cast %get3A_297 : vector<1x1x392xi32> to vector<392xi32>
    %broadcast_in_dim3A_299 = vector.shape_cast %get3A_298 : vector<392xi32> to vector<1x392xi32>
    %eq3A_300 = vector.broadcast %broadcast_in_dim3A_299 : vector<1x392xi32> to vector<32x392xi32>
    %eq3A_301 = arith.cmpi eq, %iota3A, %eq3A_300 : vector<32x392xi32>
    %convert_element_type3A_302 = arith.extui %eq3A_301 : vector<32x392xi1> to vector<32x392xi32>
    %convert_element_type3A_303 = arith.sitofp %convert_element_type3A_302 : vector<32x392xi32> to vector<32x392xf32>
    %get3A_304 = arith.constant 0 : index
    %get3A_305 = arith.constant 0 : index
    %get3A_306 = vector.load %arg18[%get3A_304, %get3A_305] : memref<32x200xf32, #tpu.memory_space<vmem>>, vector<32x200xf32>
    %slice3A_307 = vector.extract_strided_slice %mul3A_200 {offsets = [0, 600], sizes = [392, 200], strides = [1, 1]} : vector<392x1600xf32> to vector<392x200xf32>
    %dot_general3A_308 = arith.constant dense<0.000000e+00> : vector<32x200xf32>
    %dot_general3A_309 = tpu.matmul %convert_element_type3A_303, %slice3A_307, %dot_general3A_308 {dimension_numbers = #tpu.dot_dimension_numbers<[1], [0], [0], [1], [0, 0, 1, 1], [], []>, transpose_lhs_hint = false} : vector<32x392xf32>, vector<392x200xf32>, vector<32x200xf32> -> vector<32x200xf32>
    %add3A_310 = arith.addf %get3A_306, %dot_general3A_309 : vector<32x200xf32>
    %swap3A_311 = arith.constant 0 : index
    %swap3A_312 = arith.constant 0 : index
    %swap3A_313 = vector.load %arg18[%swap3A_311, %swap3A_312] : memref<32x200xf32, #tpu.memory_space<vmem>>, vector<32x200xf32>
    tpu.vector_store %arg18[%swap3A_311, %swap3A_312], %add3A_310 {strides = array<i32>} : memref<32x200xf32, #tpu.memory_space<vmem>>, vector<32x200xf32>,
    %get3A_314 = arith.constant 0 : index
    %get3A_315 = arith.constant 0 : index
    %get3A_316 = vector.load %arg19[%get3A_314, %get3A_315] : memref<32x128xf32, #tpu.memory_space<vmem>>, vector<32x128xf32>
    %reduce_sum3A_317 = arith.constant dense<0.000000e+00> : vector<32xf32>
    %reduce_sum3A_318 = vector.multi_reduction <add>, %convert_element_type3A_303, %reduce_sum3A_317 [1] : vector<32x392xf32> to vector<32xf32>
    %broadcast_in_dim3A_319 = vector.shape_cast %reduce_sum3A_318 : vector<32xf32> to vector<32x1xf32>
    %broadcast_in_dim3A_320 = vector.shape_cast %broadcast_in_dim3A_319 : vector<32x1xf32> to vector<32x1xf32>
    %broadcast_in_dim3A_321 = vector.broadcast %broadcast_in_dim3A_320 : vector<32x1xf32> to vector<32x128xf32>
    %add3A_322 = arith.addf %get3A_316, %broadcast_in_dim3A_321 : vector<32x128xf32>
    %swap3A_323 = arith.constant 0 : index
    %swap3A_324 = arith.constant 0 : index
    %swap3A_325 = vector.load %arg19[%swap3A_323, %swap3A_324] : memref<32x128xf32, #tpu.memory_space<vmem>>, vector<32x128xf32>
    tpu.vector_store %arg19[%swap3A_323, %swap3A_324], %add3A_322 {strides = array<i32>} : memref<32x128xf32, #tpu.memory_space<vmem>>, vector<32x128xf32>,
    %get3A_326 = arith.constant 0 : index
    %get3A_327 = arith.constant 4 : index
    %get3A_328 = arith.constant 0 : index
    %get3A_329 = vector.load %arg10[%get3A_326, %get3A_327, %get3A_328] : memref<1x8x392xi32, #tpu.memory_space<vmem>>, vector<1x1x392xi32>
    %get3A_330 = vector.shape_cast %get3A_329 : vector<1x1x392xi32> to vector<392xi32>
    %broadcast_in_dim3A_331 = vector.shape_cast %get3A_330 : vector<392xi32> to vector<1x392xi32>
    %eq3A_332 = vector.broadcast %broadcast_in_dim3A_331 : vector<1x392xi32> to vector<32x392xi32>
    %eq3A_333 = arith.cmpi eq, %iota3A, %eq3A_332 : vector<32x392xi32>
    %convert_element_type3A_334 = arith.extui %eq3A_333 : vector<32x392xi1> to vector<32x392xi32>
    %convert_element_type3A_335 = arith.sitofp %convert_element_type3A_334 : vector<32x392xi32> to vector<32x392xf32>
    %get3A_336 = arith.constant 0 : index
    %get3A_337 = arith.constant 0 : index
    %get3A_338 = vector.load %arg18[%get3A_336, %get3A_337] : memref<32x200xf32, #tpu.memory_space<vmem>>, vector<32x200xf32>
    %slice3A_339 = vector.extract_strided_slice %mul3A_200 {offsets = [0, 800], sizes = [392, 200], strides = [1, 1]} : vector<392x1600xf32> to vector<392x200xf32>
    %dot_general3A_340 = arith.constant dense<0.000000e+00> : vector<32x200xf32>
    %dot_general3A_341 = tpu.matmul %convert_element_type3A_335, %slice3A_339, %dot_general3A_340 {dimension_numbers = #tpu.dot_dimension_numbers<[1], [0], [0], [1], [0, 0, 1, 1], [], []>, transpose_lhs_hint = false} : vector<32x392xf32>, vector<392x200xf32>, vector<32x200xf32> -> vector<32x200xf32>
    %add3A_342 = arith.addf %get3A_338, %dot_general3A_341 : vector<32x200xf32>
    %swap3A_343 = arith.constant 0 : index
    %swap3A_344 = arith.constant 0 : index
    %swap3A_345 = vector.load %arg18[%swap3A_343, %swap3A_344] : memref<32x200xf32, #tpu.memory_space<vmem>>, vector<32x200xf32>
    tpu.vector_store %arg18[%swap3A_343, %swap3A_344], %add3A_342 {strides = array<i32>} : memref<32x200xf32, #tpu.memory_space<vmem>>, vector<32x200xf32>,
    %get3A_346 = arith.constant 0 : index
    %get3A_347 = arith.constant 0 : index
    %get3A_348 = vector.load %arg19[%get3A_346, %get3A_347] : memref<32x128xf32, #tpu.memory_space<vmem>>, vector<32x128xf32>
    %reduce_sum3A_349 = arith.constant dense<0.000000e+00> : vector<32xf32>
    %reduce_sum3A_350 = vector.multi_reduction <add>, %convert_element_type3A_335, %reduce_sum3A_349 [1] : vector<32x392xf32> to vector<32xf32>
    %broadcast_in_dim3A_351 = vector.shape_cast %reduce_sum3A_350 : vector<32xf32> to vector<32x1xf32>
    %broadcast_in_dim3A_352 = vector.shape_cast %broadcast_in_dim3A_351 : vector<32x1xf32> to vector<32x1xf32>
    %broadcast_in_dim3A_353 = vector.broadcast %broadcast_in_dim3A_352 : vector<32x1xf32> to vector<32x128xf32>
    %add3A_354 = arith.addf %get3A_348, %broadcast_in_dim3A_353 : vector<32x128xf32>
    %swap3A_355 = arith.constant 0 : index
    %swap3A_356 = arith.constant 0 : index
    %swap3A_357 = vector.load %arg19[%swap3A_355, %swap3A_356] : memref<32x128xf32, #tpu.memory_space<vmem>>, vector<32x128xf32>
    tpu.vector_store %arg19[%swap3A_355, %swap3A_356], %add3A_354 {strides = array<i32>} : memref<32x128xf32, #tpu.memory_space<vmem>>, vector<32x128xf32>,
    %get3A_358 = arith.constant 0 : index
    %get3A_359 = arith.constant 5 : index
    %get3A_360 = arith.constant 0 : index
    %get3A_361 = vector.load %arg10[%get3A_358, %get3A_359, %get3A_360] : memref<1x8x392xi32, #tpu.memory_space<vmem>>, vector<1x1x392xi32>
    %get3A_362 = vector.shape_cast %get3A_361 : vector<1x1x392xi32> to vector<392xi32>
    %broadcast_in_dim3A_363 = vector.shape_cast %get3A_362 : vector<392xi32> to vector<1x392xi32>
    %eq3A_364 = vector.broadcast %broadcast_in_dim3A_363 : vector<1x392xi32> to vector<32x392xi32>
    %eq3A_365 = arith.cmpi eq, %iota3A, %eq3A_364 : vector<32x392xi32>
    %convert_element_type3A_366 = arith.extui %eq3A_365 : vector<32x392xi1> to vector<32x392xi32>
    %convert_element_type3A_367 = arith.sitofp %convert_element_type3A_366 : vector<32x392xi32> to vector<32x392xf32>
    %get3A_368 = arith.constant 0 : index
    %get3A_369 = arith.constant 0 : index
    %get3A_370 = vector.load %arg18[%get3A_368, %get3A_369] : memref<32x200xf32, #tpu.memory_space<vmem>>, vector<32x200xf32>
    %slice3A_371 = vector.extract_strided_slice %mul3A_200 {offsets = [0, 1000], sizes = [392, 200], strides = [1, 1]} : vector<392x1600xf32> to vector<392x200xf32>
    %dot_general3A_372 = arith.constant dense<0.000000e+00> : vector<32x200xf32>
    %dot_general3A_373 = tpu.matmul %convert_element_type3A_367, %slice3A_371, %dot_general3A_372 {dimension_numbers = #tpu.dot_dimension_numbers<[1], [0], [0], [1], [0, 0, 1, 1], [], []>, transpose_lhs_hint = false} : vector<32x392xf32>, vector<392x200xf32>, vector<32x200xf32> -> vector<32x200xf32>
    %add3A_374 = arith.addf %get3A_370, %dot_general3A_373 : vector<32x200xf32>
    %swap3A_375 = arith.constant 0 : index
    %swap3A_376 = arith.constant 0 : index
    %swap3A_377 = vector.load %arg18[%swap3A_375, %swap3A_376] : memref<32x200xf32, #tpu.memory_space<vmem>>, vector<32x200xf32>
    tpu.vector_store %arg18[%swap3A_375, %swap3A_376], %add3A_374 {strides = array<i32>} : memref<32x200xf32, #tpu.memory_space<vmem>>, vector<32x200xf32>,
    %get3A_378 = arith.constant 0 : index
    %get3A_379 = arith.constant 0 : index
    %get3A_380 = vector.load %arg19[%get3A_378, %get3A_379] : memref<32x128xf32, #tpu.memory_space<vmem>>, vector<32x128xf32>
    %reduce_sum3A_381 = arith.constant dense<0.000000e+00> : vector<32xf32>
    %reduce_sum3A_382 = vector.multi_reduction <add>, %convert_element_type3A_367, %reduce_sum3A_381 [1] : vector<32x392xf32> to vector<32xf32>
    %broadcast_in_dim3A_383 = vector.shape_cast %reduce_sum3A_382 : vector<32xf32> to vector<32x1xf32>
    %broadcast_in_dim3A_384 = vector.shape_cast %broadcast_in_dim3A_383 : vector<32x1xf32> to vector<32x1xf32>
    %broadcast_in_dim3A_385 = vector.broadcast %broadcast_in_dim3A_384 : vector<32x1xf32> to vector<32x128xf32>
    %add3A_386 = arith.addf %get3A_380, %broadcast_in_dim3A_385 : vector<32x128xf32>
    %swap3A_387 = arith.constant 0 : index
    %swap3A_388 = arith.constant 0 : index
    %swap3A_389 = vector.load %arg19[%swap3A_387, %swap3A_388] : memref<32x128xf32, #tpu.memory_space<vmem>>, vector<32x128xf32>
    tpu.vector_store %arg19[%swap3A_387, %swap3A_388], %add3A_386 {strides = array<i32>} : memref<32x128xf32, #tpu.memory_space<vmem>>, vector<32x128xf32>,
    %get3A_390 = arith.constant 0 : index
    %get3A_391 = arith.constant 6 : index
    %get3A_392 = arith.constant 0 : index
    %get3A_393 = vector.load %arg10[%get3A_390, %get3A_391, %get3A_392] : memref<1x8x392xi32, #tpu.memory_space<vmem>>, vector<1x1x392xi32>
    %get3A_394 = vector.shape_cast %get3A_393 : vector<1x1x392xi32> to vector<392xi32>
    %broadcast_in_dim3A_395 = vector.shape_cast %get3A_394 : vector<392xi32> to vector<1x392xi32>
    %eq3A_396 = vector.broadcast %broadcast_in_dim3A_395 : vector<1x392xi32> to vector<32x392xi32>
    %eq3A_397 = arith.cmpi eq, %iota3A, %eq3A_396 : vector<32x392xi32>
    %convert_element_type3A_398 = arith.extui %eq3A_397 : vector<32x392xi1> to vector<32x392xi32>
    %convert_element_type3A_399 = arith.sitofp %convert_element_type3A_398 : vector<32x392xi32> to vector<32x392xf32>
    %get3A_400 = arith.constant 0 : index
    %get3A_401 = arith.constant 0 : index
    %get3A_402 = vector.load %arg18[%get3A_400, %get3A_401] : memref<32x200xf32, #tpu.memory_space<vmem>>, vector<32x200xf32>
    %slice3A_403 = vector.extract_strided_slice %mul3A_200 {offsets = [0, 1200], sizes = [392, 200], strides = [1, 1]} : vector<392x1600xf32> to vector<392x200xf32>
    %dot_general3A_404 = arith.constant dense<0.000000e+00> : vector<32x200xf32>
    %dot_general3A_405 = tpu.matmul %convert_element_type3A_399, %slice3A_403, %dot_general3A_404 {dimension_numbers = #tpu.dot_dimension_numbers<[1], [0], [0], [1], [0, 0, 1, 1], [], []>, transpose_lhs_hint = false} : vector<32x392xf32>, vector<392x200xf32>, vector<32x200xf32> -> vector<32x200xf32>
    %add3A_406 = arith.addf %get3A_402, %dot_general3A_405 : vector<32x200xf32>
    %swap3A_407 = arith.constant 0 : index
    %swap3A_408 = arith.constant 0 : index
    %swap3A_409 = vector.load %arg18[%swap3A_407, %swap3A_408] : memref<32x200xf32, #tpu.memory_space<vmem>>, vector<32x200xf32>
    tpu.vector_store %arg18[%swap3A_407, %swap3A_408], %add3A_406 {strides = array<i32>} : memref<32x200xf32, #tpu.memory_space<vmem>>, vector<32x200xf32>,
    %get3A_410 = arith.constant 0 : index
    %get3A_411 = arith.constant 0 : index
    %get3A_412 = vector.load %arg19[%get3A_410, %get3A_411] : memref<32x128xf32, #tpu.memory_space<vmem>>, vector<32x128xf32>
    %reduce_sum3A_413 = arith.constant dense<0.000000e+00> : vector<32xf32>
    %reduce_sum3A_414 = vector.multi_reduction <add>, %convert_element_type3A_399, %reduce_sum3A_413 [1] : vector<32x392xf32> to vector<32xf32>
    %broadcast_in_dim3A_415 = vector.shape_cast %reduce_sum3A_414 : vector<32xf32> to vector<32x1xf32>
    %broadcast_in_dim3A_416 = vector.shape_cast %broadcast_in_dim3A_415 : vector<32x1xf32> to vector<32x1xf32>
    %broadcast_in_dim3A_417 = vector.broadcast %broadcast_in_dim3A_416 : vector<32x1xf32> to vector<32x128xf32>
    %add3A_418 = arith.addf %get3A_412, %broadcast_in_dim3A_417 : vector<32x128xf32>
    %swap3A_419 = arith.constant 0 : index
    %swap3A_420 = arith.constant 0 : index
    %swap3A_421 = vector.load %arg19[%swap3A_419, %swap3A_420] : memref<32x128xf32, #tpu.memory_space<vmem>>, vector<32x128xf32>
    tpu.vector_store %arg19[%swap3A_419, %swap3A_420], %add3A_418 {strides = array<i32>} : memref<32x128xf32, #tpu.memory_space<vmem>>, vector<32x128xf32>,
    %get3A_422 = arith.constant 0 : index
    %get3A_423 = arith.constant 7 : index
    %get3A_424 = arith.constant 0 : index
    %get3A_425 = vector.load %arg10[%get3A_422, %get3A_423, %get3A_424] : memref<1x8x392xi32, #tpu.memory_space<vmem>>, vector<1x1x392xi32>
    %get3A_426 = vector.shape_cast %get3A_425 : vector<1x1x392xi32> to vector<392xi32>
    %broadcast_in_dim3A_427 = vector.shape_cast %get3A_426 : vector<392xi32> to vector<1x392xi32>
    %eq3A_428 = vector.broadcast %broadcast_in_dim3A_427 : vector<1x392xi32> to vector<32x392xi32>
    %eq3A_429 = arith.cmpi eq, %iota3A, %eq3A_428 : vector<32x392xi32>
    %convert_element_type3A_430 = arith.extui %eq3A_429 : vector<32x392xi1> to vector<32x392xi32>
    %convert_element_type3A_431 = arith.sitofp %convert_element_type3A_430 : vector<32x392xi32> to vector<32x392xf32>
    %get3A_432 = arith.constant 0 : index
    %get3A_433 = arith.constant 0 : index
    %get3A_434 = vector.load %arg18[%get3A_432, %get3A_433] : memref<32x200xf32, #tpu.memory_space<vmem>>, vector<32x200xf32>
    %slice3A_435 = vector.extract_strided_slice %mul3A_200 {offsets = [0, 1400], sizes = [392, 200], strides = [1, 1]} : vector<392x1600xf32> to vector<392x200xf32>
    %dot_general3A_436 = arith.constant dense<0.000000e+00> : vector<32x200xf32>
    %dot_general3A_437 = tpu.matmul %convert_element_type3A_431, %slice3A_435, %dot_general3A_436 {dimension_numbers = #tpu.dot_dimension_numbers<[1], [0], [0], [1], [0, 0, 1, 1], [], []>, transpose_lhs_hint = false} : vector<32x392xf32>, vector<392x200xf32>, vector<32x200xf32> -> vector<32x200xf32>
    %add3A_438 = arith.addf %get3A_434, %dot_general3A_437 : vector<32x200xf32>
    %swap3A_439 = arith.constant 0 : index
    %swap3A_440 = arith.constant 0 : index
    %swap3A_441 = vector.load %arg18[%swap3A_439, %swap3A_440] : memref<32x200xf32, #tpu.memory_space<vmem>>, vector<32x200xf32>
    tpu.vector_store %arg18[%swap3A_439, %swap3A_440], %add3A_438 {strides = array<i32>} : memref<32x200xf32, #tpu.memory_space<vmem>>, vector<32x200xf32>,
    %get3A_442 = arith.constant 0 : index
    %get3A_443 = arith.constant 0 : index
    %get3A_444 = vector.load %arg19[%get3A_442, %get3A_443] : memref<32x128xf32, #tpu.memory_space<vmem>>, vector<32x128xf32>
    %reduce_sum3A_445 = arith.constant dense<0.000000e+00> : vector<32xf32>
    %reduce_sum3A_446 = vector.multi_reduction <add>, %convert_element_type3A_431, %reduce_sum3A_445 [1] : vector<32x392xf32> to vector<32xf32>
    %broadcast_in_dim3A_447 = vector.shape_cast %reduce_sum3A_446 : vector<32xf32> to vector<32x1xf32>
    %broadcast_in_dim3A_448 = vector.shape_cast %broadcast_in_dim3A_447 : vector<32x1xf32> to vector<32x1xf32>
    %broadcast_in_dim3A_449 = vector.broadcast %broadcast_in_dim3A_448 : vector<32x1xf32> to vector<32x128xf32>
    %add3A_450 = arith.addf %get3A_444, %broadcast_in_dim3A_449 : vector<32x128xf32>
    %swap3A_451 = arith.constant 0 : index
    %swap3A_452 = arith.constant 0 : index
    %swap3A_453 = vector.load %arg19[%swap3A_451, %swap3A_452] : memref<32x128xf32, #tpu.memory_space<vmem>>, vector<32x128xf32>
    tpu.vector_store %arg19[%swap3A_451, %swap3A_452], %add3A_450 {strides = array<i32>} : memref<32x128xf32, #tpu.memory_space<vmem>>, vector<32x128xf32>,
    %eq3A_454 = arith.constant 15 : i32
    %eq3A_455 = arith.cmpi eq, %arg0, %eq3A_454 : i32
    %convert_element_type3A_456 = arith.extui %eq3A_455 : i1 to i32
    %cond3A_457 = arith.constant 0 : i32
    %cond3A_458 = arith.cmpi ne, %convert_element_type3A_456, %cond3A_457 : i32
    scf.if %cond3A_458 {
      %get3A_459 = arith.constant 0 : index
      %get3A_460 = arith.constant 0 : index
      %get3A_461 = vector.load %arg18[%get3A_459, %get3A_460] : memref<32x200xf32, #tpu.memory_space<vmem>>, vector<32x200xf32>
      %get3A_462 = arith.constant 0 : index
      %get3A_463 = arith.constant 0 : index
      %get3A_464 = vector.load %arg19[%get3A_462, %get3A_463] : memref<32x128xf32, #tpu.memory_space<vmem>>, vector<32x1xf32>
      %max3A = arith.constant 1.000000e+00 : f32
      %max3A_465 = vector.broadcast %max3A : f32 to vector<32x1xf32>
      %max3A_466 = arith.maximumf %get3A_464, %max3A_465 : vector<32x1xf32>
      %div3A = vector.broadcast %max3A_466 : vector<32x1xf32> to vector<32x200xf32>
      %div3A_467 = arith.divf %get3A_461, %div3A : vector<32x200xf32>
      %get3A_468 = arith.constant 0 : index
      %get3A_469 = arith.constant 0 : index
      %get3A_470 = vector.load %arg13[%get3A_468, %get3A_469] : memref<200x100xf32, #tpu.memory_space<vmem>>, vector<200x100xf32>
      %dot_general3A_471 = arith.constant dense<0.000000e+00> : vector<32x100xf32>
      %dot_general3A_472 = tpu.matmul %div3A_467, %get3A_470, %dot_general3A_471 {dimension_numbers = #tpu.dot_dimension_numbers<[1], [0], [0], [1], [0, 0, 1, 1], [], []>, transpose_lhs_hint = false} : vector<32x200xf32>, vector<200x100xf32>, vector<32x100xf32> -> vector<32x100xf32>
      %get3A_473 = arith.constant 0 : index
      %get3A_474 = arith.constant 0 : index
      %get3A_475 = vector.load %arg14[%get3A_473, %get3A_474] : memref<1x100xf32, #tpu.memory_space<vmem>>, vector<1x100xf32>
      %add3A_476 = vector.broadcast %get3A_475 : vector<1x100xf32> to vector<32x100xf32>
      %add3A_477 = arith.addf %dot_general3A_472, %add3A_476 : vector<32x100xf32>
      %logistic3A_478 = arith.negf %add3A_477 : vector<32x100xf32>
      %logistic3A_479 = math.exp %logistic3A_478 : vector<32x100xf32>
      %logistic3A_480 = arith.constant 1.000000e+00 : f32
      %logistic3A_481 = vector.broadcast %logistic3A_480 : f32 to vector<32x100xf32>
      %logistic3A_482 = arith.addf %logistic3A_481, %logistic3A_479 : vector<32x100xf32>
      %logistic3A_483 = arith.divf %logistic3A_481, %logistic3A_482 : vector<32x100xf32>
      %mul3A_484 = arith.mulf %add3A_477, %logistic3A_483 : vector<32x100xf32>
      %get3A_485 = arith.constant 0 : index
      %get3A_486 = arith.constant 0 : index
      %get3A_487 = vector.load %arg15[%get3A_485, %get3A_486] : memref<100x128xf32, #tpu.memory_space<vmem>>, vector<100x128xf32>
      %dot_general3A_488 = arith.constant dense<0.000000e+00> : vector<32x128xf32>
      %dot_general3A_489 = tpu.matmul %mul3A_484, %get3A_487, %dot_general3A_488 {dimension_numbers = #tpu.dot_dimension_numbers<[1], [0], [0], [1], [0, 0, 1, 1], [], []>, transpose_lhs_hint = false} : vector<32x100xf32>, vector<100x128xf32>, vector<32x128xf32> -> vector<32x128xf32>
      %get3A_490 = arith.constant 0 : index
      %get3A_491 = arith.constant 0 : index
      %get3A_492 = vector.load %arg16[%get3A_490, %get3A_491] : memref<1x128xf32, #tpu.memory_space<vmem>>, vector<1x128xf32>
      %add3A_493 = vector.broadcast %get3A_492 : vector<1x128xf32> to vector<32x128xf32>
      %add3A_494 = arith.addf %dot_general3A_489, %add3A_493 : vector<32x128xf32>
      %swap3A_495 = arith.constant 0 : index
      %swap3A_496 = arith.constant 0 : index
      %swap3A_497 = vector.load %arg17[%swap3A_495, %swap3A_496] : memref<32x128xf32, #tpu.memory_space<vmem>>, vector<32x128xf32>
      tpu.vector_store %arg17[%swap3A_495, %swap3A_496], %add3A_494 {strides = array<i32>} : memref<32x128xf32, #tpu.memory_space<vmem>>, vector<32x128xf32>,
    } else {
    }
    return
  }
  func.func @transform_0(%arg0: i32) -> (i32, i32) {
    %c0_i32 = arith.constant 0 : i32
    %c0_i32_0 = arith.constant 0 : i32
    return %arg0, %c0_i32 : i32, i32
  }
  func.func @transform_1(%arg0: i32) -> (i32, i32) {
    %c0_i32 = arith.constant 0 : i32
    %c0_i32_0 = arith.constant 0 : i32
    return %arg0, %c0_i32 : i32, i32
  }
  func.func @transform_2(%arg0: i32) -> (i32, i32) {
    %c0_i32 = arith.constant 0 : i32
    %c0_i32_0 = arith.constant 0 : i32
    return %arg0, %c0_i32 : i32, i32
  }
  func.func @transform_3(%arg0: i32) -> (i32, i32) {
    %c0_i32 = arith.constant 0 : i32
    %c0_i32_0 = arith.constant 0 : i32
    return %arg0, %c0_i32 : i32, i32
  }
  func.func @transform_4(%arg0: i32) -> (i32, i32) {
    %c0_i32 = arith.constant 0 : i32
    %c0_i32_0 = arith.constant 0 : i32
    return %arg0, %c0_i32 : i32, i32
  }
  func.func @transform_5(%arg0: i32) -> (i32, i32) {
    %c0_i32 = arith.constant 0 : i32
    %c0_i32_0 = arith.constant 0 : i32
    return %arg0, %c0_i32 : i32, i32
  }
  func.func @transform_6(%arg0: i32) -> (i32, i32) {
    %c0_i32 = arith.constant 0 : i32
    %c0_i32_0 = arith.constant 0 : i32
    return %arg0, %c0_i32 : i32, i32
  }
  func.func @transform_7(%arg0: i32) -> (i32, i32, i32, i32) {
    %c0_i32 = arith.constant 0 : i32
    %c0_i32_0 = arith.constant 0 : i32
    %c0_i32_1 = arith.constant 0 : i32
    %c0_i32_2 = arith.constant 0 : i32
    return %c0_i32, %c0_i32_0, %arg0, %c0_i32_1 : i32, i32, i32, i32
  }
  func.func @transform_8(%arg0: i32) -> (i32, i32, i32, i32) {
    %c0_i32 = arith.constant 0 : i32
    %c0_i32_0 = arith.constant 0 : i32
    %c0_i32_1 = arith.constant 0 : i32
    %c0_i32_2 = arith.constant 0 : i32
    return %c0_i32, %c0_i32_0, %arg0, %c0_i32_1 : i32, i32, i32, i32
  }
  func.func @transform_9(%arg0: i32) -> (i32, i32, i32) {
    %c0_i32 = arith.constant 0 : i32
    %c0_i32_0 = arith.constant 0 : i32
    %c0_i32_1 = arith.constant 0 : i32
    return %arg0, %c0_i32, %c0_i32_0 : i32, i32, i32
  }
  func.func @transform_10(%arg0: i32) -> (i32, i32, i32) {
    %c0_i32 = arith.constant 0 : i32
    %c0_i32_0 = arith.constant 0 : i32
    %c0_i32_1 = arith.constant 0 : i32
    %c0_i32_2 = arith.constant 0 : i32
    return %c0_i32, %c0_i32_0, %c0_i32_1 : i32, i32, i32
  }
  func.func @transform_11(%arg0: i32) -> (i32, i32) {
    %c0_i32 = arith.constant 0 : i32
    %c0_i32_0 = arith.constant 0 : i32
    %c0_i32_1 = arith.constant 0 : i32
    return %c0_i32, %c0_i32_0 : i32, i32
  }
  func.func @transform_12(%arg0: i32) -> (i32, i32) {
    %c0_i32 = arith.constant 0 : i32
    %c0_i32_0 = arith.constant 0 : i32
    %c0_i32_1 = arith.constant 0 : i32
    return %c0_i32, %c0_i32_0 : i32, i32
  }
  func.func @transform_13(%arg0: i32) -> (i32, i32) {
    %c0_i32 = arith.constant 0 : i32
    %c0_i32_0 = arith.constant 0 : i32
    %c0_i32_1 = arith.constant 0 : i32
    return %c0_i32, %c0_i32_0 : i32, i32
  }
  func.func @transform_14(%arg0: i32) -> (i32, i32) {
    %c0_i32 = arith.constant 0 : i32
    %c0_i32_0 = arith.constant 0 : i32
    %c0_i32_1 = arith.constant 0 : i32
    return %c0_i32, %c0_i32_0 : i32, i32
  }
  func.func @transform_15(%arg0: i32) -> (i32, i32) {
    %c0_i32 = arith.constant 0 : i32
    %c0_i32_0 = arith.constant 0 : i32
    %c0_i32_1 = arith.constant 0 : i32
    return %c0_i32, %c0_i32_0 : i32, i32
  }
  func.func @transform_16(%arg0: i32) -> (i32, i32) {
    %c0_i32 = arith.constant 0 : i32
    %c0_i32_0 = arith.constant 0 : i32
    %c0_i32_1 = arith.constant 0 : i32
    return %c0_i32, %c0_i32_0 : i32, i32
  }
}

</mosaic_0001>

<sc_bundles>
// kernel: kernel.11.cloned.1.call-start
scs
__scs_entry_jumppad:
0x0: {  	(pc) =	sbr.rel $0x88, $3  }
0x1: {  	(tag) =	ssettag $0x0;
	lr =	simm.s32 $0x1  }
0x2: {  	[smem:$0x3F96] =	sst lr;
	_ =	strace $0xD0000000  }
0x3: {  	_ = 	snop  }
0x4: {  	_ = 	snop  }
0x5: {  	_ = 	snop  }
0x6: {  	_ = 	snop  }
0x7: {  	_ = 	snop  }
__scs_overlays_trampoline_lowered:
0x8: {  	[smem:$0x3FA5] =	sst s0  }
0x9: {  	[smem:$0x3FA6] =	sst s1  }
0xa: {  	[smem:$0x3FA7] =	sst s2  }
0xb: {  	[smem:$0x3FA8] =	sst s3  }
0xc: {  	[smem:$0x3FA9] =	sst s4  }
0xd: {  	[smem:$0x3FAA] =	sst s5  }
0xe: {  	[smem:$0x3FAB] =	sst s6  }
0xf: {  	[smem:$0x3FAC] =	sst s7  }
0x10: {  	[smem:$0x3FAD] =	sst s8  }
0x11: {  	[smem:$0x3FAE] =	sst s9;
	s0 =	simm.s32 @!p0 $0x0  }
0x12: {  	s1 =	sld [smem:$0x3F94];
	s0 =	simm.s32 @p0 $0x1  }
0x13: {  	[smem:$0x3FAF] =	sst s0;
	s0 =	simm.s32 @!p1 $0x0  }
0x14: {  	s2 =	sld [smem:$0x3F93];
	s0 =	simm.s32 @p1 $0x1  }
0x15: {  	[smem:$0x3FB0] =	sst s0;
	s0 =	simm.s32 @!p2 $0x0  }
0x16: {  	s3 =	sld [smem:$0x3FDB];
	s0 =	simm.s32 @p2 $0x1  }
0x17: {  	s4 =	simm.s32 $0x1BF5;
	[smem:$0x3FB2] =	sst s0  }
0x18: {  	s0 =	sld [smem:$0x3F95];
	_ =	swait.ge [sflag:s4], $0x0  }
0x19: {  	s7 =	sld [smem:$0x3F96]  }
0x1a: {  	s8 =	sadd.s32 $0xFFFFE003, lr  }
0x1b: {  	s9 =	sadd.s32 $0xFFFFFEF7, lr;
	s5 =	simm.s32 $0xFFFFFFFF;
	p2 =	slt.u32 s8, $0xFFFFF086  }
0x1c: {  	p1 =	slt.u32 s9, $0xF7A;
	s5 =	simm.s32 @!p2 $0x0  }
0x1d: {  	s5 =	simm.s32 @p1 $0x1;
	p0 =	seq.s32 s7, s2  }
0x1e: {  	s7 =	smul.u32 @!p0 $0xF7A, s2;
	p2 =	seq.s32 @!p0 s5, $0x0  }
0x1f: {  	s9 =	smul.u32 $0xF7A, s1;
	s8 =	simm.s32 @!p0 $0x1BF5;
	p2 =	por !p2, p0  }
0x20: {  	[sflag:s8] =	ssyncset.s32 @!p0 $0xFFFFF086;
	s6 =	sadd.s32 @!p0 s3, s7;
	s7 =	simm.s32 @!p0 $0x108  }
0x21: {  	s3 =	sadd.s32 s3, s9;
	s6 =	sadd.s32 @!p0 $0x88, s6;
	s7 =	simm.s32 @p2 $0x1082  }
0x22: {  	[simem:s7], [sflag:s8] =	dma.local @!p0 [hbm:s6], $0xF7A  }
0x23: {  	s9 =	sor.u32 $0xD0000000, s2;
	s6 =	simm.s32 $0x108;
	_ =	swait.ge @!p0 [sflag:s8], $0x0  }
0x24: {  	s3 =	sadd.s32 $0x88, s3;
	s6 =	simm.s32 @!p1 $0x1082;
	[sflag:s4] =	ssyncset.s32 $0xFFFFF086  }
0x25: {  	[simem:s6], [sflag:s4] =	dma.local [hbm:s3], $0xF7A  }
0x26: {  	[smem:$0x3F96] =	sst s1;
	(tag) =	ssettag s2;
	_ =	strace s9  }
0x27: {  	s1 =	sld [smem:$0x3FA6]  }
0x28: {  	s2 =	sld [smem:$0x3FA7]  }
0x29: {  	s4 =	sld [smem:$0x3FA9]  }
0x2a: {  	p0 =	seq.s32 s5, $0x0;
	s5 =	sld [smem:$0x3FAA]  }
0x2b: {  	s6 =	sld [smem:$0x3FAB]  }
0x2c: {  	s7 =	sld [smem:$0x3FAC]  }
0x2d: {  	s3 =	simm.s32 $0x108;
	s8 =	sld [smem:$0x3FAD]  }
0x2e: {  	s3 =	simm.s32 @!p0 $0x1082;
	s9 =	sld [smem:$0x3FAE]  }
0x2f: {  	lr =	sadd.s32 s0, s3;
	s0 =	sld [smem:$0x3FA5]  }
0x30: {  	s3 =	sld [smem:$0x3FA8]  }
0x31: {  	[smem:$0x3FB1] =	sst s10  }
0x32: {  	s10 =	sld [smem:$0x3FAF];
	_ =	sdelay $0x3  }
0x33: {  	p0 =	seq.s32 s10, $0x1;
	s10 =	sld [smem:$0x3FB1];
	_ =	sdelay $0x3  }
0x34: {  	[smem:$0x3FB1] =	sst s10  }
0x35: {  	s10 =	sld [smem:$0x3FB0];
	_ =	sdelay $0x3  }
0x36: {  	p1 =	seq.s32 s10, $0x1;
	s10 =	sld [smem:$0x3FB1];
	_ =	sdelay $0x3  }
0x37: {  	[smem:$0x3FB1] =	sst s10  }
0x38: {  	s10 =	sld [smem:$0x3FB2]  }
0x39: {  	_ = 	snop;
	(pc) =	sbr.ind lr, $3  }
0x3a: {  	_ = 	snop  }
0x3b: {  	_ = 	snop  }
0x3c: {  	p2 =	seq.s32 s10, $0x1;
	s10 =	sld [smem:$0x3FB1]  }
0x3d: {  	_ =	shalt  }
0x3e: {  	_ =	shalt  }
0x3f: {  	_ =	shalt  }
0x40: {  	_ =	shalt  }
0x41: {  	_ =	shalt  }
0x42: {  	_ =	shalt  }
0x43: {  	_ =	shalt  }
0x44: {  	_ =	shalt  }
0x45: {  	_ =	shalt  }
0x46: {  	_ =	shalt  }
0x47: {  	_ =	shalt  }
0x48: {  	_ =	shalt  }
0x49: {  	_ =	shalt  }
0x4a: {  	_ =	shalt  }
0x4b: {  	_ =	shalt  }
0x4c: {  	_ =	shalt  }
0x4d: {  	_ =	shalt  }
0x4e: {  	_ =	shalt  }
0x4f: {  	_ =	shalt  }
0x50: {  	_ =	shalt  }
0x51: {  	_ =	shalt  }
0x52: {  	_ =	shalt  }
0x53: {  	_ =	shalt  }
0x54: {  	_ =	shalt  }
0x55: {  	_ =	shalt  }
0x56: {  	_ =	shalt  }
0x57: {  	_ =	shalt  }
0x58: {  	_ =	shalt  }
0x59: {  	_ =	shalt  }
0x5a: {  	_ =	shalt  }
0x5b: {  	_ =	shalt  }
0x5c: {  	_ =	shalt  }
0x5d: {  	_ =	shalt  }
0x5e: {  	_ =	shalt  }
0x5f: {  	_ =	shalt  }
0x60: {  	_ =	shalt  }
0x61: {  	_ =	shalt  }
0x62: {  	_ =	shalt  }
0x63: {  	_ =	shalt  }
0x64: {  	_ =	shalt  }
0x65: {  	_ =	shalt  }
0x66: {  	_ =	shalt  }
0x67: {  	_ =	shalt  }
0x68: {  	_ =	shalt  }
0x69: {  	_ =	shalt  }
0x6a: {  	_ =	shalt  }
0x6b: {  	_ =	shalt  }
0x6c: {  	_ =	shalt  }
0x6d: {  	_ =	shalt  }
0x6e: {  	_ =	shalt  }
0x6f: {  	_ =	shalt  }
0x70: {  	_ =	shalt  }
0x71: {  	_ =	shalt  }
0x72: {  	_ =	shalt  }
0x73: {  	_ =	shalt  }
0x74: {  	_ =	shalt  }
0x75: {  	_ =	shalt  }
0x76: {  	_ =	shalt  }
0x77: {  	_ =	shalt  }
0x78: {  	_ =	shalt  }
0x79: {  	_ =	shalt  }
0x7a: {  	_ =	shalt  }
0x7b: {  	_ =	shalt  }
0x7c: {  	_ =	shalt  }
0x7d: {  	_ =	shalt  }
0x7e: {  	_ =	shalt  }
0x7f: {  	_ =	shalt  }
0x80: {  	_ =	shalt  }
0x81: {  	_ =	shalt  }
0x82: {  	_ =	shalt  }
0x83: {  	_ =	shalt  }
0x84: {  	_ =	shalt  }
0x85: {  	_ =	shalt  }
0x86: {  	_ =	shalt  }
0x87: {  	_ =	shalt  }
.Lfunc_end0:
.L_simem_size_0:
called_computation.1_lowered:
.L_overlay_start_0:
0x88: {  	s2 =	sld [smem:$0x3FD9]  }
0x89: {  	s3 =	sld [smem:$0x3FFE];
	_ =	sdelay $0x1  }
0x8a: {  	s1 =	srdreg.scid  }
0x8b: {  	s0 =	sand.u32 $0x1, s1  }
0x8c: {  	s16 =	sshll.u32 s0, $0xA;
	s2 =	sadd.s32 s3, s2  }
0x8d: {  	s2 =	sadd.s32 s2, s16  }
0x8e: {  	[smem:$0x3FBD] =	sst s2  }
0x8f: {  	_ = 	snop  }
0x90: {  	(tm) =	ssettm $0x1  }
0x91: {  	s17 =	sld [smem:$0x3FFB];
	_ =	sdelay $0x3  }
0x92: {  	_ =	strace s17  }
0x93: {  	s2 =	sld [smem:$0x3FFC];
	_ =	sdelay $0x3  }
0x94: {  	_ =	strace s2  }
0x95: {  	s2 =	sld [smem:$0x3FFD];
	_ =	sdelay $0x3  }
0x96: {  	_ =	strace s2  }
0x97: {  	_ =	strace $0x8FFFFFFF  }
0x98: {  	s18 =	sld [smem:$0x3FDB];
	_ =	sdelay $0x1  }
0x99: {  	s19 =	simm.s32 $_scs_section_size  }
0x9a: {  	s4 =	simm.s32 $_size__tile_overlayer_lowered;
	s5 =	simm.s32 $_tile_overlayer_lowered  }
0x9b: {  	s22 =	simm.s32 $0x1BFF;
	s21 =	sshll.u32 s5, $0x1;
	s2 =	sadd.s32 s19, s18  }
0x9c: {  	s6 =	simm.s32 $0x0;
	s20 =	sshll.u32 s4, $0x1;
	s4 =	sadd.s32 s21, s2  }
0x9d: {  	[timem:s6], [sflag:s22] =	dma.local [hbm:s4], s20  }
0x9e: {  	_ =	swait.ge [sflag:s22], s20  }
0x9f: {  	s3 =	ssub.s32 $0x0, s20;
	[sflag:s22] =	ssyncset.done $0x0  }
0xa0: {  	[sflag:s22] =	ssyncadd.s32 s3;
	_ =	sdelay $0x1  }
0xa1: {  	s23 =	simm.s32 $0x1B8B  }
0xa2: {  	_ =	swait.ge [sflag:s23], $0x1  }
0xa3: {  	[sflag:s23] =	ssyncset.done $0x0  }
0xa4: {  	s25 =	simm.s32 $0x1B8E;
	s24 =	sld [smem:$0x3FFE];
	[sflag:s23] =	ssyncadd.s32 $0xFFFFFFFF  }
0xa5: {  	s26 =	simm.s32 $execute0_lowered;
	[smem:$0x3FD2] =	sst s25  }
0xa6: {  	s4 =	sshll.u32 s26, $0x1;
	_ =	strace $0x80000049;
	[dreg:$0x1] =	wrdreg $0xFFFFFFFF  }
0xa7: {  	s28 =	simm.s32 $_size_execute0_lowered;
	s2 =	sadd.s32 s2, s4;
	[dreg:$0x0] =	wrdreg $0x0  }
0xa8: {  	s4 =	sshll.u32 s28, $0x1;
	[dreg:$0x2] =	wrdreg s2  }
0xa9: {  	[dreg:$0x3] =	wrdreg s4  }
0xaa: {  	[dreg:$0x4] =	wrdreg $0xC0  }
0xab: {  	_ =	task [dreg:s6], $0x5FFFF  }
0xac: {  	[dreg:$0x1] =	wrdreg $0xFFFFFFFF  }
0xad: {  	[dreg:$0x0] =	wrdreg $0x60  }
0xae: {  	[dreg:$0x2] =	wrdreg s24  }
0xaf: {  	[dreg:$0x3] =	wrdreg $0xD1600  }
0xb0: {  	[dreg:$0x4] =	wrdreg $0x9  }
0xb1: {  	_ =	task.clear_ibuf [dreg:s6], $0x5FFFF;
	_ =	strace $0x90000049  }
0xb2: {  	s29 =	simm.s32 $0x9;
	_ =	strace $0x8000004B  }
0xb3: {  	_ =	swait.ge [sflag:s29], $0x1  }
0xb4: {  	[sflag:s29] =	ssyncadd.s32 $0xFFFFFFFF  }
0xb5: {  	_ =	strace $0x9000004B  }
0xb6: {  	_ =	sfence  }
0xb7: {  	s30 =	sld [smem:$0x0];
	_ =	sdelay $0x2  }
0xb8: {  	s31 =	sshll.u32 s1, $0xD;
	s1 =	sshrl.u32 s1, $0x2  }
0xb9: {  	s3 =	sand.u32 $0x4000, s31;
	s1 =	sadd.s32 s1, s30  }
0xba: {  	s0 =	sor.u32 s3, s0;
	s1 =	sshll.u32 s1, $0x11  }
0xbb: {  	s0 =	sor.u32 s1, s0  }
0xbc: {  	s0 =	sadd.s32 $0x8F2B, s0  }
0xbd: {  	[sflag:s0] =	ssyncadd.remote.s32 $0x1  }
0xbe: {  	_ =	sfence.sel $0xFFFF  }
0xbf: {  	[dreg:$0x0] =	wrdreg $0xFFFFFFFF;
	(pc) =	sbr.abs _section_cstart, $3  }
0xc0: {  	[dreg:$0x1] =	wrdreg $0xFFFFFFFF  }
0xc1: {  	_ =	task.clear_ibuf [dreg:s6], $0x2FFFF;
	_ =	strace $0x9FFFFFFF  }
0xc2: {  	(tm) =	ssettm $0x7FFFFFFF  }
0xc3: {  	_ =	shalt  }
tec
execute0_lowered:
.L_overlay_start_1:
0x0: {  	(tag) =	ssettag $0x1  }
0x1: {  	s0 =	stileid.u32;
	s6 =	rddreg [dreg:$0x0]  }
0x2: {  	s1 =	srdreg.scid;
	s2 =	rddreg [dreg:$0x1];
	s14 =	simm.s32 $0x5  }
0x3: {  	s17 =	simm.s32 $0x190;
	s18 =	simm.s32 $0x9F60;
	s19 =	simm.s32 $0x4B0  }
0x4: {  	s20 =	simm.s32 $0xB860;
	s21 =	simm.s32 $0x1;
	s3 =	smul.u32 $0x2BC0, s0  }
0x5: {  	s22 =	simm.s32 $0x2;
	s23 =	simm.s32 $0x3;
	s4 =	smul.u32 $0x9C40, s0  }
0x6: {  	s26 =	simm.s32 $0x0;
	s5 =	sand.u32 $0x1, s1;
	s8 =	smul.u32 $0xC400, s0  }
0x7: {  	s15 =	sshll.u32 s0, $0x6;
	p0 =	seq.s32 s5, $0x0;
	s31 =	smul.u32 $0x18800, s5  }
0x8: {  	s9 =	ssub.s32 $0x2, s5;
	s5 =	simm.s32 $0x31;
	s15 =	sor.u32 $0x1C05, s15  }
0x9: {  	s7 =	sadd.s32 $0x9C400, s3;
	s3 =	simm.s32 $0x0;
	s24 =	sshrl.u32 s8, $0x3  }
0xa: {  	s11 =	sshrl.u32 s9, $0x1;
	s5 =	simm.s32 @!p0 $0xD;
	s16 =	sadd.s32 s8, s2  }
0xb: {  	s7 =	smov.u32 @p0 s4;
	[smem:$0x7FF] =	sst s3;
	s4 =	sadd.s32 $0x81400, s6  }
0xc: {  	s10 =	sadd.s32 s24, s6;
	s13 =	sadd.s32 s31, s6;
	s9 =	ssub.s32 s9, s11  }
0xd: {  	s16 =	sshrl.u32 s16, $0x3;
	s7 =	sshrl.u32 s7, $0x3;
	_ =	strace $0x8000004A  }
0xe: {  	s25 =	sadd.s32 $0x99C00, s13;
	s8 =	smax.u32 s9, $0x1;
	s13 =	simm.s32 $0x320  }
0xf: {  	s12 =	sadd.s32 s7, s6;
	s7 =	sadd.s32 $0x1D800, s10;
	s24 =	sadd.s32 s24, s25  }
0x10: {  	s25 =	simm.s32 $0x4;
	s6 =	sadd.s32 $0x67400, s12;
	s9 =	sadd.s32 $0x3800, s12  }
0x11: {  	s10 =	sadd.s32 $0x3832, s12;
	s11 =	sadd.s32 $0x3864, s12;
	s12 =	sadd.s32 $0x3896, s12  }
.LBB2_1:
0x12: {  	[tilespmem:s13], [sflag:$0x5] =	stream.linear.gather [hbm4b:s6+s3], $0x9C40, $0x38;
	[tilespmem:$0x19560] =	vst v63  }
0x13: {  	_ =	swait.ge [sflag:s14], $0x9C40  }
0x14: {  	[sflag:s14] =	ssyncset.done $0x0  }
0x15: {  	[sflag:s14] =	ssyncadd.s32 $0xFFFF63C0  }
0x16: {  	[spmem:s16], [sflag:s15] =	dma.local [hbm:s7], $0x1880  }
0x17: {  	_ =	swait.ge [sflag:s14], $0x1880  }
0x18: {  	[sflag:s14] =	ssyncset.done $0x0  }
0x19: {  	[sflag:s14] =	ssyncadd.s32 $0xFFFFE780  }
0x1a: {  	[bflag:$0x0] =	sbarrier.arrive $0xFFFF  }
0x1b: {  	[tilespmem:s18], [sflag:$0x1] =	stream.indirect.gather [hbm4b:s4+s17], $0x10, s13, s17, $0xb8;
	[tilespmem:$0x19560] =	vst v63  }
0x1c: {  	_ = 	snop  }
0x1d: {  	[tilespmem:s20], [sflag:$0x2] =	stream.indirect.gather [hbm4b:s4+s17], $0x10, s19, s17, $0xb8;
	[tilespmem:$0x19560] =	vst v63  }
0x1e: {  	_ = 	snop  }
0x1f: {  	[tilespmem:s3], [sflag:$0x5] =	stream.linear.gather [hbm4b:s9+s3], $0x190, $0x38;
	[tilespmem:$0x19560] =	vst v63  }
0x20: {  	_ =	swait.ge [sflag:s14], $0x190  }
0x21: {  	[sflag:s14] =	ssyncset.done $0x0  }
0x22: {  	[sflag:s14] =	ssyncadd.s32 $0xFFFFFE70  }
0x23: {  	[tilespmem:s17], [sflag:$0x5] =	stream.linear.gather [hbm4b:s10+s3], $0x190, $0x38;
	[tilespmem:$0x19560] =	vst v63  }
0x24: {  	_ =	swait.ge [sflag:s14], $0x190  }
0x25: {  	[sflag:s14] =	ssyncset.done $0x0  }
0x26: {  	[sflag:s14] =	ssyncadd.s32 $0xFFFFFE70  }
0x27: {  	_ =	swait.ge [sflag:s21], $0x1900  }
0x28: {  	[sflag:s21] =	ssyncset.done $0x0  }
0x29: {  	[sflag:s21] =	ssyncadd.s32 $0xFFFFE700  }
0x2a: {  	[spmem:s2] =	stream.indirect.scatter.add.f32 [tilespmem:s18], [sflag:$0x3], $0x10, s3, s17, $0xb8;
	[tilespmem:$0x19560] =	vst v63  }
0x2b: {  	_ =	swait.ge [sflag:s22], $0x1900  }
0x2c: {  	[sflag:s22] =	ssyncset.done $0x0  }
0x2d: {  	[sflag:s22] =	ssyncadd.s32 $0xFFFFE700  }
0x2e: {  	[spmem:s2] =	stream.indirect.scatter.add.f32 [tilespmem:s20], [sflag:$0x4], $0x10, s17, s17, $0xb8;
	[tilespmem:$0x19560] =	vst v63  }
0x2f: {  	_ =	swait.ge [sflag:s23], $0x1900  }
0x30: {  	[sflag:s23] =	ssyncset.done $0x0  }
0x31: {  	s28 =	simm.s32 $0x640;
	[sflag:s23] =	ssyncadd.s32 $0xFFFFE700  }
0x32: {  	[tilespmem:s18], [sflag:$0x1] =	stream.indirect.gather [hbm4b:s4+s17], $0x10, s28, s17, $0xb8;
	[tilespmem:$0x19560] =	vst v63  }
0x33: {  	_ =	swait.ge [sflag:s25], $0x1900  }
0x34: {  	[sflag:s25] =	ssyncset.done $0x0  }
0x35: {  	s28 =	simm.s32 $0x7D0;
	[sflag:s25] =	ssyncadd.s32 $0xFFFFE700  }
0x36: {  	[tilespmem:s20], [sflag:$0x2] =	stream.indirect.gather [hbm4b:s4+s17], $0x10, s28, s17, $0xb8;
	[tilespmem:$0x19560] =	vst v63  }
0x37: {  	_ = 	snop  }
0x38: {  	[tilespmem:s3], [sflag:$0x5] =	stream.linear.gather [hbm4b:s11+s3], $0x190, $0x38;
	[tilespmem:$0x19560] =	vst v63  }
0x39: {  	_ =	swait.ge [sflag:s14], $0x190  }
0x3a: {  	[sflag:s14] =	ssyncset.done $0x0  }
0x3b: {  	[sflag:s14] =	ssyncadd.s32 $0xFFFFFE70  }
0x3c: {  	[tilespmem:s17], [sflag:$0x5] =	stream.linear.gather [hbm4b:s12+s3], $0x190, $0x38;
	[tilespmem:$0x19560] =	vst v63  }
0x3d: {  	_ =	swait.ge [sflag:s14], $0x190  }
0x3e: {  	[sflag:s14] =	ssyncset.done $0x0  }
0x3f: {  	[sflag:s14] =	ssyncadd.s32 $0xFFFFFE70  }
0x40: {  	_ =	swait.ge [sflag:s21], $0x1900  }
0x41: {  	p0 =	sne.s32 s5, $0x1;
	[sflag:s21] =	ssyncset.done $0x0  }
.Ltmp0:
0x42: {  	[sflag:s21] =	ssyncadd.s32 $0xFFFFE700;
	(pc) =	sbr.rel @!p0 .LBB2_3-.Ltmp0, $4  }
0x43: {  	[spmem:s2] =	stream.indirect.scatter.add.f32 [tilespmem:s18], [sflag:$0x3], $0x10, s3, s17, $0xb8;
	[tilespmem:$0x19560] =	vst v63  }
0x44: {  	_ =	swait.ge [sflag:s22], $0x1900  }
0x45: {  	s29 =	sadd.s32 $0x64, s12;
	s30 =	sadd.s32 $0x64, s11;
	[sflag:s22] =	ssyncset.done $0x0  }
0x46: {  	s31 =	simm.s32 $0xAF0;
	s28 =	sadd.s32 $0xFFFFFFFF, s5;
	[sflag:s22] =	ssyncadd.s32 $0xFFFFE700  }
.LBB2_2:
0x47: {  	[spmem:s2] =	stream.indirect.scatter.add.f32 [tilespmem:s20], [sflag:$0x4], $0x10, s17, s17, $0xb8;
	[tilespmem:$0x19560] =	vst v63  }
0x48: {  	p0 =	sne.s32 s28, $0x1;
	s28 =	sadd.s32 $0xFFFFFFFF, s28;
	_ =	swait.ge [sflag:s23], $0x1900  }
0x49: {  	[sflag:s23] =	ssyncset.done $0x0  }
0x4a: {  	s1 =	sadd.s32 $0xFFFFFE70, s31;
	[sflag:s23] =	ssyncadd.s32 $0xFFFFE700  }
0x4b: {  	[tilespmem:s18], [sflag:$0x1] =	stream.indirect.gather [hbm4b:s4+s17], $0x10, s1, s17, $0xb8;
	[tilespmem:$0x19560] =	vst v63  }
0x4c: {  	_ =	swait.ge [sflag:s25], $0x1900  }
0x4d: {  	[sflag:s25] =	ssyncset.done $0x0  }
0x4e: {  	[sflag:s25] =	ssyncadd.s32 $0xFFFFE700  }
0x4f: {  	[tilespmem:s20], [sflag:$0x2] =	stream.indirect.gather [hbm4b:s4+s17], $0x10, s31, s17, $0xb8;
	[tilespmem:$0x19560] =	vst v63  }
0x50: {  	_ = 	snop  }
0x51: {  	[tilespmem:s3], [sflag:$0x5] =	stream.linear.gather [hbm4b:s30+s3], $0x190, $0x38;
	[tilespmem:$0x19560] =	vst v63  }
0x52: {  	_ =	swait.ge [sflag:s14], $0x190  }
0x53: {  	[sflag:s14] =	ssyncset.done $0x0  }
0x54: {  	[sflag:s14] =	ssyncadd.s32 $0xFFFFFE70  }
0x55: {  	[tilespmem:s17], [sflag:$0x5] =	stream.linear.gather [hbm4b:s29+s3], $0x190, $0x38;
	[tilespmem:$0x19560] =	vst v63  }
0x56: {  	_ =	swait.ge [sflag:s14], $0x190  }
0x57: {  	[sflag:s14] =	ssyncset.done $0x0  }
0x58: {  	[sflag:s14] =	ssyncadd.s32 $0xFFFFFE70  }
0x59: {  	_ =	swait.ge [sflag:s21], $0x1900  }
0x5a: {  	[sflag:s21] =	ssyncset.done $0x0  }
.Ltmp1:
0x5b: {  	[sflag:s21] =	ssyncadd.s32 $0xFFFFE700;
	(pc) =	sbr.rel @p0 .LBB2_2-.Ltmp1, $4  }
0x5c: {  	[spmem:s2] =	stream.indirect.scatter.add.f32 [tilespmem:s18], [sflag:$0x3], $0x10, s3, s17, $0xb8;
	[tilespmem:$0x19560] =	vst v63  }
0x5d: {  	_ =	swait.ge [sflag:s22], $0x1900  }
0x5e: {  	s29 =	sadd.s32 $0x64, s29;
	[sflag:s22] =	ssyncset.done $0x0  }
0x5f: {  	s31 =	sadd.s32 $0x320, s31;
	s30 =	sadd.s32 $0x64, s30;
	[sflag:s22] =	ssyncadd.s32 $0xFFFFE700  }
.LBB2_3:
0x60: {  	[spmem:s2] =	stream.indirect.scatter.add.f32 [tilespmem:s20], [sflag:$0x4], $0x10, s17, s17, $0xb8;
	[tilespmem:$0x19560] =	vst v63  }
0x61: {  	_ =	swait.ge [sflag:s23], $0x1900  }
0x62: {  	[sflag:s23] =	ssyncset.done $0x0  }
0x63: {  	[sflag:s23] =	ssyncadd.s32 $0xFFFFE700  }
0x64: {  	_ =	swait.ge [sflag:s25], $0x1900  }
0x65: {  	[sflag:s25] =	ssyncset.done $0x0  }
0x66: {  	s26 =	sadd.s32 $0x1, s26;
	[sflag:s25] =	ssyncadd.s32 $0xFFFFE700  }
0x67: {  	p0 =	sne.s32 s26, s8;
	[bflag:$0x0] =	sbarrier.arrive $0xFFFF  }
0x68: {  	[hbm:s24], [sflag:s15] =	dma.local [spmem:s16], $0x1880  }
.Ltmp2:
0x69: {  	_ =	swait.ge [sflag:s14], $0x1880;
	(pc) =	sbr.rel @p0 .LBB2_1-.Ltmp2, $3  }
0x6a: {  	[sflag:s14] =	ssyncset.done $0x0  }
0x6b: {  	[sflag:s14] =	ssyncadd.s32 $0xFFFFE780  }
0x6c: {  	[bflag:$0x0] =	sbarrier.arrive $0xFFFF;
	_ =	sdelay $0x1  }
0x6d: {  	_ =	sfence.sel $0x180000  }
0x6e: {  	[bflag:$0x0] =	sbarrier.arrive $0xFFFF  }
0x6f: {  	_ =	strace $0x9000004A  }
0x70: {  	[bflag:$0x2] =	sbarrier.arrive $0xFFFF  }
0x71: {  	p0 =	sne.s32 s0, $0x0;
	s0 =	rddreg [dreg:$0x2]  }
0x72: {  	s0 =	sadd.s32 @!p0 $0x100000, s0  }
0x73: {  	[sflag:s0] =	ssyncadd.tile.s32 @!p0 $0x1;
	_ =	shalt  }
.Lfunc_end2:
_tile_overlayer_lowered:
.L_overlay_start_2:
0x74: {  	(tag) =	ssettag $0x2  }
0x75: {  	s0 =	rddreg [dreg:$0x0];
	s2 =	stileid.u32  }
0x76: {  	s1 =	rddreg [dreg:$0x1];
	p0 =	sne.s32 s2, $0x0  }
0x77: {  	s3 =	rddreg [dreg:$0x2];
	[bflag:$0x3] =	sbarrier.arrive $0xFFFF;
	s2 =	simm.s32 @!p0 $0x1C05  }
0x78: {  	[timem:s3], [sflag:s2] =	dma.local @!p0 [hbm:s0], s1  }
0x79: {  	s0 =	simm.s32 @!p0 $0x5  }
0x7a: {  	_ =	swait.ge @!p0 [sflag:s0], s1  }
0x7b: {  	s1 =	ssub.s32 @!p0 $0x0, s1;
	[sflag:s0] =	ssyncset.done @!p0 $0x0  }
0x7c: {  	[sflag:s0] =	ssyncadd.s32 @!p0 s1  }
0x7d: {  	[bflag:$0x3] =	sbarrier.arrive $0xFFFF  }
0x7e: {  	_ =	shalt  }

// kernel: kernel.14.cloned.1.call-start
scs
__scs_entry_jumppad:
0x0: {  	(pc) =	sbr.rel $0x88, $3  }
0x1: {  	(tag) =	ssettag $0x0;
	lr =	simm.s32 $0x1  }
0x2: {  	[smem:$0x3F96] =	sst lr;
	_ =	strace $0xD0000000  }
0x3: {  	_ = 	snop  }
0x4: {  	_ = 	snop  }
0x5: {  	_ = 	snop  }
0x6: {  	_ = 	snop  }
0x7: {  	_ = 	snop  }
__scs_overlays_trampoline_lowered:
0x8: {  	[smem:$0x3FA5] =	sst s0  }
0x9: {  	[smem:$0x3FA6] =	sst s1  }
0xa: {  	[smem:$0x3FA7] =	sst s2  }
0xb: {  	[smem:$0x3FA8] =	sst s3  }
0xc: {  	[smem:$0x3FA9] =	sst s4  }
0xd: {  	[smem:$0x3FAA] =	sst s5  }
0xe: {  	[smem:$0x3FAB] =	sst s6  }
0xf: {  	[smem:$0x3FAC] =	sst s7  }
0x10: {  	[smem:$0x3FAD] =	sst s8  }
0x11: {  	[smem:$0x3FAE] =	sst s9;
	s0 =	simm.s32 @!p0 $0x0  }
0x12: {  	s1 =	sld [smem:$0x3F94];
	s0 =	simm.s32 @p0 $0x1  }
0x13: {  	[smem:$0x3FAF] =	sst s0;
	s0 =	simm.s32 @!p1 $0x0  }
0x14: {  	s2 =	sld [smem:$0x3F93];
	s0 =	simm.s32 @p1 $0x1  }
0x15: {  	[smem:$0x3FB0] =	sst s0;
	s0 =	simm.s32 @!p2 $0x0  }
0x16: {  	s3 =	sld [smem:$0x3FDB];
	s0 =	simm.s32 @p2 $0x1  }
0x17: {  	s4 =	simm.s32 $0x1BF5;
	[smem:$0x3FB2] =	sst s0  }
0x18: {  	s0 =	sld [smem:$0x3F95];
	_ =	swait.ge [sflag:s4], $0x0  }
0x19: {  	s7 =	sld [smem:$0x3F96]  }
0x1a: {  	s8 =	sadd.s32 $0xFFFFE003, lr  }
0x1b: {  	s9 =	sadd.s32 $0xFFFFFEF7, lr;
	s5 =	simm.s32 $0xFFFFFFFF;
	p2 =	slt.u32 s8, $0xFFFFF086  }
0x1c: {  	p1 =	slt.u32 s9, $0xF7A;
	s5 =	simm.s32 @!p2 $0x0  }
0x1d: {  	s5 =	simm.s32 @p1 $0x1;
	p0 =	seq.s32 s7, s2  }
0x1e: {  	s7 =	smul.u32 @!p0 $0xF7A, s2;
	p2 =	seq.s32 @!p0 s5, $0x0  }
0x1f: {  	s9 =	smul.u32 $0xF7A, s1;
	s8 =	simm.s32 @!p0 $0x1BF5;
	p2 =	por !p2, p0  }
0x20: {  	[sflag:s8] =	ssyncset.s32 @!p0 $0xFFFFF086;
	s6 =	sadd.s32 @!p0 s3, s7;
	s7 =	simm.s32 @!p0 $0x108  }
0x21: {  	s3 =	sadd.s32 s3, s9;
	s6 =	sadd.s32 @!p0 $0x88, s6;
	s7 =	simm.s32 @p2 $0x1082  }
0x22: {  	[simem:s7], [sflag:s8] =	dma.local @!p0 [hbm:s6], $0xF7A  }
0x23: {  	s9 =	sor.u32 $0xD0000000, s2;
	s6 =	simm.s32 $0x108;
	_ =	swait.ge @!p0 [sflag:s8], $0x0  }
0x24: {  	s3 =	sadd.s32 $0x88, s3;
	s6 =	simm.s32 @!p1 $0x1082;
	[sflag:s4] =	ssyncset.s32 $0xFFFFF086  }
0x25: {  	[simem:s6], [sflag:s4] =	dma.local [hbm:s3], $0xF7A  }
0x26: {  	[smem:$0x3F96] =	sst s1;
	(tag) =	ssettag s2;
	_ =	strace s9  }
0x27: {  	s1 =	sld [smem:$0x3FA6]  }
0x28: {  	s2 =	sld [smem:$0x3FA7]  }
0x29: {  	s4 =	sld [smem:$0x3FA9]  }
0x2a: {  	p0 =	seq.s32 s5, $0x0;
	s5 =	sld [smem:$0x3FAA]  }
0x2b: {  	s6 =	sld [smem:$0x3FAB]  }
0x2c: {  	s7 =	sld [smem:$0x3FAC]  }
0x2d: {  	s3 =	simm.s32 $0x108;
	s8 =	sld [smem:$0x3FAD]  }
0x2e: {  	s3 =	simm.s32 @!p0 $0x1082;
	s9 =	sld [smem:$0x3FAE]  }
0x2f: {  	lr =	sadd.s32 s0, s3;
	s0 =	sld [smem:$0x3FA5]  }
0x30: {  	s3 =	sld [smem:$0x3FA8]  }
0x31: {  	[smem:$0x3FB1] =	sst s10  }
0x32: {  	s10 =	sld [smem:$0x3FAF];
	_ =	sdelay $0x3  }
0x33: {  	p0 =	seq.s32 s10, $0x1;
	s10 =	sld [smem:$0x3FB1];
	_ =	sdelay $0x3  }
0x34: {  	[smem:$0x3FB1] =	sst s10  }
0x35: {  	s10 =	sld [smem:$0x3FB0];
	_ =	sdelay $0x3  }
0x36: {  	p1 =	seq.s32 s10, $0x1;
	s10 =	sld [smem:$0x3FB1];
	_ =	sdelay $0x3  }
0x37: {  	[smem:$0x3FB1] =	sst s10  }
0x38: {  	s10 =	sld [smem:$0x3FB2]  }
0x39: {  	_ = 	snop;
	(pc) =	sbr.ind lr, $3  }
0x3a: {  	_ = 	snop  }
0x3b: {  	_ = 	snop  }
0x3c: {  	p2 =	seq.s32 s10, $0x1;
	s10 =	sld [smem:$0x3FB1]  }
0x3d: {  	_ =	shalt  }
0x3e: {  	_ =	shalt  }
0x3f: {  	_ =	shalt  }
0x40: {  	_ =	shalt  }
0x41: {  	_ =	shalt  }
0x42: {  	_ =	shalt  }
0x43: {  	_ =	shalt  }
0x44: {  	_ =	shalt  }
0x45: {  	_ =	shalt  }
0x46: {  	_ =	shalt  }
0x47: {  	_ =	shalt  }
0x48: {  	_ =	shalt  }
0x49: {  	_ =	shalt  }
0x4a: {  	_ =	shalt  }
0x4b: {  	_ =	shalt  }
0x4c: {  	_ =	shalt  }
0x4d: {  	_ =	shalt  }
0x4e: {  	_ =	shalt  }
0x4f: {  	_ =	shalt  }
0x50: {  	_ =	shalt  }
0x51: {  	_ =	shalt  }
0x52: {  	_ =	shalt  }
0x53: {  	_ =	shalt  }
0x54: {  	_ =	shalt  }
0x55: {  	_ =	shalt  }
0x56: {  	_ =	shalt  }
0x57: {  	_ =	shalt  }
0x58: {  	_ =	shalt  }
0x59: {  	_ =	shalt  }
0x5a: {  	_ =	shalt  }
0x5b: {  	_ =	shalt  }
0x5c: {  	_ =	shalt  }
0x5d: {  	_ =	shalt  }
0x5e: {  	_ =	shalt  }
0x5f: {  	_ =	shalt  }
0x60: {  	_ =	shalt  }
0x61: {  	_ =	shalt  }
0x62: {  	_ =	shalt  }
0x63: {  	_ =	shalt  }
0x64: {  	_ =	shalt  }
0x65: {  	_ =	shalt  }
0x66: {  	_ =	shalt  }
0x67: {  	_ =	shalt  }
0x68: {  	_ =	shalt  }
0x69: {  	_ =	shalt  }
0x6a: {  	_ =	shalt  }
0x6b: {  	_ =	shalt  }
0x6c: {  	_ =	shalt  }
0x6d: {  	_ =	shalt  }
0x6e: {  	_ =	shalt  }
0x6f: {  	_ =	shalt  }
0x70: {  	_ =	shalt  }
0x71: {  	_ =	shalt  }
0x72: {  	_ =	shalt  }
0x73: {  	_ =	shalt  }
0x74: {  	_ =	shalt  }
0x75: {  	_ =	shalt  }
0x76: {  	_ =	shalt  }
0x77: {  	_ =	shalt  }
0x78: {  	_ =	shalt  }
0x79: {  	_ =	shalt  }
0x7a: {  	_ =	shalt  }
0x7b: {  	_ =	shalt  }
0x7c: {  	_ =	shalt  }
0x7d: {  	_ =	shalt  }
0x7e: {  	_ =	shalt  }
0x7f: {  	_ =	shalt  }
0x80: {  	_ =	shalt  }
0x81: {  	_ =	shalt  }
0x82: {  	_ =	shalt  }
0x83: {  	_ =	shalt  }
0x84: {  	_ =	shalt  }
0x85: {  	_ =	shalt  }
0x86: {  	_ =	shalt  }
0x87: {  	_ =	shalt  }
.Lfunc_end0:
.L_simem_size_0:
called_computation.2_lowered:
.L_overlay_start_0:
0x88: {  	s2 =	sld [smem:$0x3FD9]  }
0x89: {  	s3 =	sld [smem:$0x3FFE];
	_ =	sdelay $0x1  }
0x8a: {  	s1 =	srdreg.scid  }
0x8b: {  	s0 =	sand.u32 $0x1, s1  }
0x8c: {  	s16 =	sshll.u32 s0, $0xA;
	s2 =	sadd.s32 s3, s2  }
0x8d: {  	s2 =	sadd.s32 s2, s16  }
0x8e: {  	[smem:$0x3FBD] =	sst s2  }
0x8f: {  	_ = 	snop  }
0x90: {  	(tm) =	ssettm $0x1  }
0x91: {  	s17 =	sld [smem:$0x3FFB];
	_ =	sdelay $0x3  }
0x92: {  	_ =	strace s17  }
0x93: {  	s2 =	sld [smem:$0x3FFC];
	_ =	sdelay $0x3  }
0x94: {  	_ =	strace s2  }
0x95: {  	s2 =	sld [smem:$0x3FFD];
	_ =	sdelay $0x3  }
0x96: {  	_ =	strace s2  }
0x97: {  	_ =	strace $0x8FFFFFFF  }
0x98: {  	s18 =	sld [smem:$0x3FDB];
	_ =	sdelay $0x1  }
0x99: {  	s19 =	simm.s32 $_scs_section_size  }
0x9a: {  	s4 =	simm.s32 $_size__tile_overlayer_lowered;
	s5 =	simm.s32 $_tile_overlayer_lowered  }
0x9b: {  	s22 =	simm.s32 $0x1BFF;
	s21 =	sshll.u32 s5, $0x1;
	s2 =	sadd.s32 s19, s18  }
0x9c: {  	s6 =	simm.s32 $0x0;
	s20 =	sshll.u32 s4, $0x1;
	s4 =	sadd.s32 s21, s2  }
0x9d: {  	[timem:s6], [sflag:s22] =	dma.local [hbm:s4], s20  }
0x9e: {  	_ =	swait.ge [sflag:s22], s20  }
0x9f: {  	s3 =	ssub.s32 $0x0, s20;
	[sflag:s22] =	ssyncset.done $0x0  }
0xa0: {  	[sflag:s22] =	ssyncadd.s32 s3;
	_ =	sdelay $0x1  }
0xa1: {  	s23 =	simm.s32 $0x1B8B  }
0xa2: {  	_ =	swait.ge [sflag:s23], $0x1  }
0xa3: {  	[sflag:s23] =	ssyncset.done $0x0  }
0xa4: {  	s25 =	simm.s32 $0x1B8E;
	s24 =	sld [smem:$0x3FFE];
	[sflag:s23] =	ssyncadd.s32 $0xFFFFFFFF  }
0xa5: {  	s26 =	simm.s32 $execute0_lowered;
	[smem:$0x3FD2] =	sst s25  }
0xa6: {  	s4 =	sshll.u32 s26, $0x1;
	_ =	strace $0x8000004C;
	[dreg:$0x1] =	wrdreg $0xFFFFFFFF  }
0xa7: {  	s28 =	simm.s32 $_size_execute0_lowered;
	s2 =	sadd.s32 s2, s4;
	[dreg:$0x0] =	wrdreg $0x0  }
0xa8: {  	s4 =	sshll.u32 s28, $0x1;
	[dreg:$0x2] =	wrdreg s2  }
0xa9: {  	[dreg:$0x3] =	wrdreg s4  }
0xaa: {  	[dreg:$0x4] =	wrdreg $0xC0  }
0xab: {  	_ =	task [dreg:s6], $0x5FFFF  }
0xac: {  	[dreg:$0x1] =	wrdreg $0xFFFFFFFF  }
0xad: {  	[dreg:$0x0] =	wrdreg $0x60  }
0xae: {  	[dreg:$0x2] =	wrdreg s24  }
0xaf: {  	[dreg:$0x3] =	wrdreg $0xD1600  }
0xb0: {  	[dreg:$0x4] =	wrdreg $0x9  }
0xb1: {  	_ =	task.clear_ibuf [dreg:s6], $0x5FFFF;
	_ =	strace $0x9000004C  }
0xb2: {  	s29 =	simm.s32 $0x9;
	_ =	strace $0x8000004E  }
0xb3: {  	_ =	swait.ge [sflag:s29], $0x1  }
0xb4: {  	[sflag:s29] =	ssyncadd.s32 $0xFFFFFFFF  }
0xb5: {  	_ =	strace $0x9000004E  }
0xb6: {  	_ =	sfence  }
0xb7: {  	s30 =	sld [smem:$0x0];
	_ =	sdelay $0x2  }
0xb8: {  	s31 =	sshll.u32 s1, $0xD;
	s1 =	sshrl.u32 s1, $0x2  }
0xb9: {  	s3 =	sand.u32 $0x4000, s31;
	s1 =	sadd.s32 s1, s30  }
0xba: {  	s0 =	sor.u32 s3, s0;
	s1 =	sshll.u32 s1, $0x11  }
0xbb: {  	s0 =	sor.u32 s1, s0  }
0xbc: {  	s0 =	sadd.s32 $0x8F2B, s0  }
0xbd: {  	[sflag:s0] =	ssyncadd.remote.s32 $0x1  }
0xbe: {  	_ =	sfence.sel $0xFFFF  }
0xbf: {  	[dreg:$0x0] =	wrdreg $0xFFFFFFFF;
	(pc) =	sbr.abs _section_cstart, $3  }
0xc0: {  	[dreg:$0x1] =	wrdreg $0xFFFFFFFF  }
0xc1: {  	_ =	task.clear_ibuf [dreg:s6], $0x2FFFF;
	_ =	strace $0x9FFFFFFF  }
0xc2: {  	(tm) =	ssettm $0x7FFFFFFF  }
0xc3: {  	_ =	shalt  }
tec
execute0_lowered:
.L_overlay_start_1:
0x0: {  	(tag) =	ssettag $0x1  }
0x1: {  	s0 =	rddreg [dreg:$0x0]  }
0x2: {  	s1 =	rddreg [dreg:$0x1];
	s3 =	simm.s32 $0x0  }
0x3: {  	s16 =	stileid.u32;
	s2 =	srdreg.scid;
	s22 =	simm.s32 $0x5  }
0x4: {  	s29 =	simm.s32 $0xB860;
	s30 =	simm.s32 $0x1;
	s31 =	simm.s32 $0x2  }
0x5: {  	[smem:$0x7FF] =	sst s3;
	s4 =	sadd.s32 $0x81400, s0;
	s8 =	smul.u32 $0x2BC0, s16  }
0x6: {  	s5 =	sadd.s32 $0x99C00, s0;
	s6 =	sadd.s32 $0xB2400, s0;
	s9 =	smul.u32 $0x9C40, s16  }
0x7: {  	s2 =	sand.u32 $0x1, s2;
	s7 =	sadd.s32 $0xCAC00, s0;
	s13 =	smul.u32 $0xC400, s16  }
0x8: {  	s10 =	sadd.s32 $0x114400, s0;
	s26 =	sshll.u32 s16, $0x6;
	_ =	strace $0x8000004D  }
0x9: {  	p0 =	seq.s32 s2, $0x0;
	s12 =	smul.u32 $0xAB800, s2;
	s2 =	ssub.s32 $0x2, s2  }
0xa: {  	s11 =	sadd.s32 $0x9C400, s8;
	s8 =	sadd.s32 $0xE3400, s0;
	s14 =	sshrl.u32 s13, $0x3  }
0xb: {  	s15 =	sshrl.u32 s2, $0x1;
	s13 =	sadd.s32 s13, s1;
	s11 =	smov.u32 @p0 s9  }
0xc: {  	s9 =	sadd.s32 $0xFBC00, s0;
	[dreg:$0x3] =	wrdreg s14;
	s14 =	sadd.s32 s14, s0  }
0xd: {  	s2 =	ssub.s32 s2, s15;
	s11 =	sshrl.u32 s11, $0x3;
	s21 =	sadd.s32 $0x1D800, s14  }
0xe: {  	s24 =	smax.u32 s2, $0x1;
	s2 =	simm.s32 $0x4;
	s11 =	sadd.s32 s11, s0  }
0xf: {  	s0 =	sadd.s32 s12, s0;
	s12 =	simm.s32 $0x31;
	[dreg:$0x7] =	wrdreg s24  }
0x10: {  	s24 =	sshrl.u32 s13, $0x3;
	s13 =	simm.s32 $0x0;
	[dreg:$0x5] =	wrdreg s21  }
0x11: {  	s12 =	simm.s32 @!p0 $0xD;
	s23 =	sadd.s32 $0x67400, s11;
	s0 =	sadd.s32 $0x12CC00, s0  }
0x12: {  	s28 =	sadd.s32 $0x3800, s11;
	s25 =	sadd.s32 $0x3832, s11;
	[dreg:$0x4] =	wrdreg s23  }
0x13: {  	s19 =	sadd.s32 $0x3864, s11;
	s20 =	sadd.s32 $0x3896, s11;
	[dreg:$0x6] =	wrdreg s0  }
0x14: {  	[dreg:$0x9] =	wrdreg s25;
	s23 =	sor.u32 $0x1C05, s26;
	s25 =	simm.s32 $0x190  }
0x15: {  	s26 =	simm.s32 $0x9F60;
	s0 =	simm.s32 $0x3;
	[dreg:$0x8] =	wrdreg s28  }
.LBB2_1:
0x16: {  	s11 =	rddreg [dreg:$0x4];
	s14 =	simm.s32 $0x320  }
0x17: {  	[tilespmem:s14], [sflag:$0x5] =	stream.linear.gather [hbm4b:s11+s3], $0x9C40, $0x38;
	[tilespmem:$0x19560] =	vst v63  }
0x18: {  	_ =	swait.ge [sflag:s22], $0x9C40  }
0x19: {  	[sflag:s22] =	ssyncset.done $0x0  }
0x1a: {  	[sflag:s22] =	ssyncadd.s32 $0xFFFF63C0  }
0x1b: {  	[spmem:s24], [sflag:s23] =	dma.local [hbm:s21], $0x1880  }
0x1c: {  	_ =	swait.ge [sflag:s22], $0x1880  }
0x1d: {  	[sflag:s22] =	ssyncset.done $0x0  }
0x1e: {  	[sflag:s22] =	ssyncadd.s32 $0xFFFFE780  }
0x1f: {  	[bflag:$0x0] =	sbarrier.arrive $0xFFFF  }
0x20: {  	[tilespmem:s26], [sflag:$0x1] =	stream.indirect.gather [hbm4b:s4+s25], $0x10, s14, s25, $0xb8;
	[tilespmem:$0x19560] =	vst v63  }
0x21: {  	s18 =	simm.s32 $0x4B0  }
0x22: {  	[tilespmem:s29], [sflag:$0x2] =	stream.indirect.gather [hbm4b:s4+s25], $0x10, s18, s25, $0xb8;
	[tilespmem:$0x19560] =	vst v63  }
0x23: {  	_ = 	snop  }
0x24: {  	[tilespmem:s3], [sflag:$0x5] =	stream.linear.gather [hbm4b:s28+s3], $0x190, $0x38;
	[tilespmem:$0x19560] =	vst v63  }
0x25: {  	_ =	swait.ge [sflag:s22], $0x190  }
0x26: {  	[sflag:s22] =	ssyncset.done $0x0  }
0x27: {  	s21 =	rddreg [dreg:$0x9];
	[sflag:s22] =	ssyncadd.s32 $0xFFFFFE70  }
0x28: {  	[tilespmem:s25], [sflag:$0x5] =	stream.linear.gather [hbm4b:s21+s3], $0x190, $0x38;
	[tilespmem:$0x19560] =	vst v63  }
0x29: {  	_ =	swait.ge [sflag:s22], $0x190  }
0x2a: {  	[sflag:s22] =	ssyncset.done $0x0  }
0x2b: {  	[sflag:s22] =	ssyncadd.s32 $0xFFFFFE70  }
0x2c: {  	_ =	swait.ge [sflag:s30], $0x1900  }
0x2d: {  	[sflag:s30] =	ssyncset.done $0x0  }
0x2e: {  	[sflag:s30] =	ssyncadd.s32 $0xFFFFE700  }
0x2f: {  	[spmem:s1] =	stream.indirect.scatter.add.f32 [tilespmem:s26], [sflag:$0x3], $0x10, s3, s25, $0xb8;
	[tilespmem:$0x19560] =	vst v63  }
0x30: {  	_ =	swait.ge [sflag:s31], $0x1900  }
0x31: {  	[sflag:s31] =	ssyncset.done $0x0  }
0x32: {  	[sflag:s31] =	ssyncadd.s32 $0xFFFFE700  }
0x33: {  	[spmem:s1] =	stream.indirect.scatter.add.f32 [tilespmem:s29], [sflag:$0x4], $0x10, s25, s25, $0xb8;
	[tilespmem:$0x19560] =	vst v63  }
0x34: {  	_ =	swait.ge [sflag:s0], $0x1900  }
0x35: {  	[sflag:s0] =	ssyncset.done $0x0  }
0x36: {  	s11 =	simm.s32 $0x640;
	[sflag:s0] =	ssyncadd.s32 $0xFFFFE700  }
0x37: {  	[tilespmem:s26], [sflag:$0x1] =	stream.indirect.gather [hbm4b:s4+s25], $0x10, s11, s25, $0xb8;
	[tilespmem:$0x19560] =	vst v63  }
0x38: {  	_ =	swait.ge [sflag:s2], $0x1900  }
0x39: {  	[sflag:s2] =	ssyncset.done $0x0  }
0x3a: {  	s16 =	simm.s32 $0x7D0;
	[sflag:s2] =	ssyncadd.s32 $0xFFFFE700  }
0x3b: {  	[tilespmem:s29], [sflag:$0x2] =	stream.indirect.gather [hbm4b:s4+s25], $0x10, s16, s25, $0xb8;
	[tilespmem:$0x19560] =	vst v63  }
0x3c: {  	_ = 	snop  }
0x3d: {  	[tilespmem:s3], [sflag:$0x5] =	stream.linear.gather [hbm4b:s19+s3], $0x190, $0x38;
	[tilespmem:$0x19560] =	vst v63  }
0x3e: {  	_ =	swait.ge [sflag:s22], $0x190  }
0x3f: {  	[sflag:s22] =	ssyncset.done $0x0  }
0x40: {  	[sflag:s22] =	ssyncadd.s32 $0xFFFFFE70  }
0x41: {  	[tilespmem:s25], [sflag:$0x5] =	stream.linear.gather [hbm4b:s20+s3], $0x190, $0x38;
	[tilespmem:$0x19560] =	vst v63  }
0x42: {  	_ =	swait.ge [sflag:s22], $0x190  }
0x43: {  	[sflag:s22] =	ssyncset.done $0x0  }
0x44: {  	[sflag:s22] =	ssyncadd.s32 $0xFFFFFE70  }
0x45: {  	_ =	swait.ge [sflag:s30], $0x1900  }
0x46: {  	p0 =	sne.s32 s12, $0x1;
	[sflag:s30] =	ssyncset.done $0x0  }
.Ltmp0:
0x47: {  	[sflag:s30] =	ssyncadd.s32 $0xFFFFE700;
	(pc) =	sbr.rel @!p0 .LBB2_3-.Ltmp0, $4  }
0x48: {  	[spmem:s1] =	stream.indirect.scatter.add.f32 [tilespmem:s26], [sflag:$0x3], $0x10, s3, s25, $0xb8;
	[tilespmem:$0x19560] =	vst v63  }
0x49: {  	_ =	swait.ge [sflag:s31], $0x1900  }
0x4a: {  	s15 =	sadd.s32 $0xFFFFFFFF, s12;
	s14 =	simm.s32 $0xAF0;
	[sflag:s31] =	ssyncset.done $0x0  }
0x4b: {  	s28 =	sadd.s32 $0x64, s20;
	s21 =	sadd.s32 $0x64, s19;
	[sflag:s31] =	ssyncadd.s32 $0xFFFFE700  }
.LBB2_2:
0x4c: {  	[spmem:s1] =	stream.indirect.scatter.add.f32 [tilespmem:s29], [sflag:$0x4], $0x10, s25, s25, $0xb8;
	[tilespmem:$0x19560] =	vst v63  }
0x4d: {  	p1 =	sne.s32 s15, $0x1;
	s15 =	sadd.s32 $0xFFFFFFFF, s15;
	_ =	swait.ge [sflag:s0], $0x1900  }
0x4e: {  	[sflag:s0] =	ssyncset.done $0x0  }
0x4f: {  	s17 =	sadd.s32 $0xFFFFFE70, s14;
	[sflag:s0] =	ssyncadd.s32 $0xFFFFE700  }
0x50: {  	[tilespmem:s26], [sflag:$0x1] =	stream.indirect.gather [hbm4b:s4+s25], $0x10, s17, s25, $0xb8;
	[tilespmem:$0x19560] =	vst v63  }
0x51: {  	_ =	swait.ge [sflag:s2], $0x1900  }
0x52: {  	[sflag:s2] =	ssyncset.done $0x0  }
0x53: {  	[sflag:s2] =	ssyncadd.s32 $0xFFFFE700  }
0x54: {  	[tilespmem:s29], [sflag:$0x2] =	stream.indirect.gather [hbm4b:s4+s25], $0x10, s14, s25, $0xb8;
	[tilespmem:$0x19560] =	vst v63  }
0x55: {  	_ = 	snop  }
0x56: {  	[tilespmem:s3], [sflag:$0x5] =	stream.linear.gather [hbm4b:s21+s3], $0x190, $0x38;
	[tilespmem:$0x19560] =	vst v63  }
0x57: {  	_ =	swait.ge [sflag:s22], $0x190  }
0x58: {  	[sflag:s22] =	ssyncset.done $0x0  }
0x59: {  	[sflag:s22] =	ssyncadd.s32 $0xFFFFFE70  }
0x5a: {  	[tilespmem:s25], [sflag:$0x5] =	stream.linear.gather [hbm4b:s28+s3], $0x190, $0x38;
	[tilespmem:$0x19560] =	vst v63  }
0x5b: {  	_ =	swait.ge [sflag:s22], $0x190  }
0x5c: {  	[sflag:s22] =	ssyncset.done $0x0  }
0x5d: {  	[sflag:s22] =	ssyncadd.s32 $0xFFFFFE70  }
0x5e: {  	_ =	swait.ge [sflag:s30], $0x1900  }
0x5f: {  	[sflag:s30] =	ssyncset.done $0x0  }
.Ltmp1:
0x60: {  	[sflag:s30] =	ssyncadd.s32 $0xFFFFE700;
	(pc) =	sbr.rel @p1 .LBB2_2-.Ltmp1, $4  }
0x61: {  	[spmem:s1] =	stream.indirect.scatter.add.f32 [tilespmem:s26], [sflag:$0x3], $0x10, s3, s25, $0xb8;
	[tilespmem:$0x19560] =	vst v63  }
0x62: {  	_ =	swait.ge [sflag:s31], $0x1900  }
0x63: {  	s28 =	sadd.s32 $0x64, s28;
	[sflag:s31] =	ssyncset.done $0x0  }
0x64: {  	s14 =	sadd.s32 $0x320, s14;
	s21 =	sadd.s32 $0x64, s21;
	[sflag:s31] =	ssyncadd.s32 $0xFFFFE700  }
.LBB2_3:
0x65: {  	[spmem:s1] =	stream.indirect.scatter.add.f32 [tilespmem:s29], [sflag:$0x4], $0x10, s25, s25, $0xb8;
	[tilespmem:$0x19560] =	vst v63  }
0x66: {  	_ =	swait.ge [sflag:s0], $0x1900  }
0x67: {  	[sflag:s0] =	ssyncset.done $0x0  }
0x68: {  	[sflag:s0] =	ssyncadd.s32 $0xFFFFE700  }
0x69: {  	_ =	swait.ge [sflag:s2], $0x1900  }
0x6a: {  	[sflag:s2] =	ssyncset.done $0x0  }
0x6b: {  	[sflag:s2] =	ssyncadd.s32 $0xFFFFE700  }
0x6c: {  	[bflag:$0x0] =	sbarrier.arrive $0xFFFF  }
0x6d: {  	s14 =	rddreg [dreg:$0x3]  }
0x6e: {  	s15 =	rddreg [dreg:$0x6]  }
0x6f: {  	s15 =	sadd.s32 s14, s15  }
0x70: {  	[hbm:s15], [sflag:s23] =	dma.local [spmem:s24], $0x1880  }
0x71: {  	_ =	swait.ge [sflag:s22], $0x1880  }
0x72: {  	[sflag:s22] =	ssyncset.done $0x0  }
0x73: {  	[sflag:s22] =	ssyncadd.s32 $0xFFFFE780  }
0x74: {  	[bflag:$0x0] =	sbarrier.arrive $0xFFFF  }
0x75: {  	s18 =	rddreg [dreg:$0x5]  }
0x76: {  	[spmem:s24], [sflag:s23] =	dma.local [hbm:s18], $0x1880  }
0x77: {  	_ =	swait.ge [sflag:s22], $0x1880  }
0x78: {  	[sflag:s22] =	ssyncset.done $0x0  }
0x79: {  	[sflag:s22] =	ssyncadd.s32 $0xFFFFE780  }
0x7a: {  	s21 =	simm.s32 $0x320;
	[bflag:$0x0] =	sbarrier.arrive $0xFFFF  }
0x7b: {  	[tilespmem:s26], [sflag:$0x1] =	stream.indirect.gather [hbm4b:s5+s25], $0x10, s21, s25, $0xb8;
	[tilespmem:$0x19560] =	vst v63  }
0x7c: {  	s17 =	simm.s32 $0x4B0  }
0x7d: {  	[tilespmem:s29], [sflag:$0x2] =	stream.indirect.gather [hbm4b:s5+s25], $0x10, s17, s25, $0xb8;
	[tilespmem:$0x19560] =	vst v63  }
0x7e: {  	s28 =	rddreg [dreg:$0x8]  }
0x7f: {  	[tilespmem:s3], [sflag:$0x5] =	stream.linear.gather [hbm4b:s28+s3], $0x190, $0x38;
	[tilespmem:$0x19560] =	vst v63  }
0x80: {  	_ =	swait.ge [sflag:s22], $0x190  }
0x81: {  	[sflag:s22] =	ssyncset.done $0x0  }
0x82: {  	s21 =	rddreg [dreg:$0x9];
	[sflag:s22] =	ssyncadd.s32 $0xFFFFFE70  }
0x83: {  	[tilespmem:s25], [sflag:$0x5] =	stream.linear.gather [hbm4b:s21+s3], $0x190, $0x38;
	[tilespmem:$0x19560] =	vst v63  }
0x84: {  	_ =	swait.ge [sflag:s22], $0x190  }
0x85: {  	[sflag:s22] =	ssyncset.done $0x0  }
0x86: {  	[sflag:s22] =	ssyncadd.s32 $0xFFFFFE70  }
0x87: {  	_ =	swait.ge [sflag:s30], $0x1900  }
0x88: {  	[sflag:s30] =	ssyncset.done $0x0  }
0x89: {  	[sflag:s30] =	ssyncadd.s32 $0xFFFFE700  }
0x8a: {  	[spmem:s1] =	stream.indirect.scatter.add.f32 [tilespmem:s26], [sflag:$0x3], $0x10, s3, s25, $0xb8;
	[tilespmem:$0x19560] =	vst v63  }
0x8b: {  	_ =	swait.ge [sflag:s31], $0x1900  }
0x8c: {  	[sflag:s31] =	ssyncset.done $0x0  }
0x8d: {  	[sflag:s31] =	ssyncadd.s32 $0xFFFFE700  }
0x8e: {  	[spmem:s1] =	stream.indirect.scatter.add.f32 [tilespmem:s29], [sflag:$0x4], $0x10, s25, s25, $0xb8;
	[tilespmem:$0x19560] =	vst v63  }
0x8f: {  	_ =	swait.ge [sflag:s0], $0x1900  }
0x90: {  	[sflag:s0] =	ssyncset.done $0x0  }
0x91: {  	[sflag:s0] =	ssyncadd.s32 $0xFFFFE700  }
0x92: {  	[tilespmem:s26], [sflag:$0x1] =	stream.indirect.gather [hbm4b:s5+s25], $0x10, s11, s25, $0xb8;
	[tilespmem:$0x19560] =	vst v63  }
0x93: {  	_ =	swait.ge [sflag:s2], $0x1900  }
0x94: {  	[sflag:s2] =	ssyncset.done $0x0  }
0x95: {  	[sflag:s2] =	ssyncadd.s32 $0xFFFFE700  }
0x96: {  	[tilespmem:s29], [sflag:$0x2] =	stream.indirect.gather [hbm4b:s5+s25], $0x10, s16, s25, $0xb8;
	[tilespmem:$0x19560] =	vst v63  }
0x97: {  	_ = 	snop  }
0x98: {  	[tilespmem:s3], [sflag:$0x5] =	stream.linear.gather [hbm4b:s19+s3], $0x190, $0x38;
	[tilespmem:$0x19560] =	vst v63  }
0x99: {  	_ =	swait.ge [sflag:s22], $0x190  }
0x9a: {  	[sflag:s22] =	ssyncset.done $0x0  }
0x9b: {  	[sflag:s22] =	ssyncadd.s32 $0xFFFFFE70  }
0x9c: {  	[tilespmem:s25], [sflag:$0x5] =	stream.linear.gather [hbm4b:s20+s3], $0x190, $0x38;
	[tilespmem:$0x19560] =	vst v63  }
0x9d: {  	_ =	swait.ge [sflag:s22], $0x190  }
0x9e: {  	[sflag:s22] =	ssyncset.done $0x0  }
0x9f: {  	[sflag:s22] =	ssyncadd.s32 $0xFFFFFE70  }
0xa0: {  	_ =	swait.ge [sflag:s30], $0x1900  }
0xa1: {  	[sflag:s30] =	ssyncset.done $0x0  }
.Ltmp2:
0xa2: {  	[sflag:s30] =	ssyncadd.s32 $0xFFFFE700;
	(pc) =	sbr.rel @!p0 .LBB2_5-.Ltmp2, $4  }
0xa3: {  	[spmem:s1] =	stream.indirect.scatter.add.f32 [tilespmem:s26], [sflag:$0x3], $0x10, s3, s25, $0xb8;
	[tilespmem:$0x19560] =	vst v63  }
0xa4: {  	_ =	swait.ge [sflag:s31], $0x1900  }
0xa5: {  	s14 =	simm.s32 $0xAF0;
	s21 =	sadd.s32 $0x64, s19;
	[sflag:s31] =	ssyncset.done $0x0  }
0xa6: {  	s11 =	sadd.s32 $0xFFFFFFFF, s12;
	s16 =	sadd.s32 $0x64, s20;
	[sflag:s31] =	ssyncadd.s32 $0xFFFFE700  }
.LBB2_4:
0xa7: {  	[spmem:s1] =	stream.indirect.scatter.add.f32 [tilespmem:s29], [sflag:$0x4], $0x10, s25, s25, $0xb8;
	[tilespmem:$0x19560] =	vst v63  }
0xa8: {  	p1 =	sne.s32 s11, $0x1;
	s11 =	sadd.s32 $0xFFFFFFFF, s11;
	_ =	swait.ge [sflag:s0], $0x1900  }
0xa9: {  	[sflag:s0] =	ssyncset.done $0x0  }
0xaa: {  	s17 =	sadd.s32 $0xFFFFFE70, s14;
	[sflag:s0] =	ssyncadd.s32 $0xFFFFE700  }
0xab: {  	[tilespmem:s26], [sflag:$0x1] =	stream.indirect.gather [hbm4b:s5+s25], $0x10, s17, s25, $0xb8;
	[tilespmem:$0x19560] =	vst v63  }
0xac: {  	_ =	swait.ge [sflag:s2], $0x1900  }
0xad: {  	[sflag:s2] =	ssyncset.done $0x0  }
0xae: {  	[sflag:s2] =	ssyncadd.s32 $0xFFFFE700  }
0xaf: {  	[tilespmem:s29], [sflag:$0x2] =	stream.indirect.gather [hbm4b:s5+s25], $0x10, s14, s25, $0xb8;
	[tilespmem:$0x19560] =	vst v63  }
0xb0: {  	_ = 	snop  }
0xb1: {  	[tilespmem:s3], [sflag:$0x5] =	stream.linear.gather [hbm4b:s21+s3], $0x190, $0x38;
	[tilespmem:$0x19560] =	vst v63  }
0xb2: {  	_ =	swait.ge [sflag:s22], $0x190  }
0xb3: {  	[sflag:s22] =	ssyncset.done $0x0  }
0xb4: {  	[sflag:s22] =	ssyncadd.s32 $0xFFFFFE70  }
0xb5: {  	[tilespmem:s25], [sflag:$0x5] =	stream.linear.gather [hbm4b:s16+s3], $0x190, $0x38;
	[tilespmem:$0x19560] =	vst v63  }
0xb6: {  	_ =	swait.ge [sflag:s22], $0x190  }
0xb7: {  	[sflag:s22] =	ssyncset.done $0x0  }
0xb8: {  	[sflag:s22] =	ssyncadd.s32 $0xFFFFFE70  }
0xb9: {  	_ =	swait.ge [sflag:s30], $0x1900  }
0xba: {  	[sflag:s30] =	ssyncset.done $0x0  }
.Ltmp3:
0xbb: {  	[sflag:s30] =	ssyncadd.s32 $0xFFFFE700;
	(pc) =	sbr.rel @p1 .LBB2_4-.Ltmp3, $4  }
0xbc: {  	[spmem:s1] =	stream.indirect.scatter.add.f32 [tilespmem:s26], [sflag:$0x3], $0x10, s3, s25, $0xb8;
	[tilespmem:$0x19560] =	vst v63  }
0xbd: {  	_ =	swait.ge [sflag:s31], $0x1900  }
0xbe: {  	s16 =	sadd.s32 $0x64, s16;
	[sflag:s31] =	ssyncset.done $0x0  }
0xbf: {  	s14 =	sadd.s32 $0x320, s14;
	s21 =	sadd.s32 $0x64, s21;
	[sflag:s31] =	ssyncadd.s32 $0xFFFFE700  }
.LBB2_5:
0xc0: {  	[spmem:s1] =	stream.indirect.scatter.add.f32 [tilespmem:s29], [sflag:$0x4], $0x10, s25, s25, $0xb8;
	[tilespmem:$0x19560] =	vst v63  }
0xc1: {  	_ =	swait.ge [sflag:s0], $0x1900  }
0xc2: {  	[sflag:s0] =	ssyncset.done $0x0  }
0xc3: {  	[sflag:s0] =	ssyncadd.s32 $0xFFFFE700  }
0xc4: {  	_ =	swait.ge [sflag:s2], $0x1900  }
0xc5: {  	[sflag:s2] =	ssyncset.done $0x0  }
0xc6: {  	[sflag:s2] =	ssyncadd.s32 $0xFFFFE700  }
0xc7: {  	s11 =	sadd.s32 $0x18800, s15;
	[bflag:$0x0] =	sbarrier.arrive $0xFFFF  }
0xc8: {  	[hbm:s11], [sflag:s23] =	dma.local [spmem:s24], $0x1880  }
0xc9: {  	_ =	swait.ge [sflag:s22], $0x1880  }
0xca: {  	[sflag:s22] =	ssyncset.done $0x0  }
0xcb: {  	[sflag:s22] =	ssyncadd.s32 $0xFFFFE780  }
0xcc: {  	[bflag:$0x0] =	sbarrier.arrive $0xFFFF  }
0xcd: {  	[spmem:s24], [sflag:s23] =	dma.local [hbm:s18], $0x1880  }
0xce: {  	_ =	swait.ge [sflag:s22], $0x1880  }
0xcf: {  	[sflag:s22] =	ssyncset.done $0x0  }
0xd0: {  	[sflag:s22] =	ssyncadd.s32 $0xFFFFE780  }
0xd1: {  	s17 =	simm.s32 $0x320;
	[bflag:$0x0] =	sbarrier.arrive $0xFFFF  }
0xd2: {  	[tilespmem:s26], [sflag:$0x1] =	stream.indirect.gather [hbm4b:s6+s25], $0x10, s17, s25, $0xb8;
	[tilespmem:$0x19560] =	vst v63  }
0xd3: {  	s18 =	simm.s32 $0x4B0  }
0xd4: {  	[tilespmem:s29], [sflag:$0x2] =	stream.indirect.gather [hbm4b:s6+s25], $0x10, s18, s25, $0xb8;
	[tilespmem:$0x19560] =	vst v63  }
0xd5: {  	_ = 	snop  }
0xd6: {  	[tilespmem:s3], [sflag:$0x5] =	stream.linear.gather [hbm4b:s28+s3], $0x190, $0x38;
	[tilespmem:$0x19560] =	vst v63  }
0xd7: {  	_ =	swait.ge [sflag:s22], $0x190  }
0xd8: {  	[sflag:s22] =	ssyncset.done $0x0  }
0xd9: {  	s21 =	rddreg [dreg:$0x9];
	[sflag:s22] =	ssyncadd.s32 $0xFFFFFE70  }
0xda: {  	[tilespmem:s25], [sflag:$0x5] =	stream.linear.gather [hbm4b:s21+s3], $0x190, $0x38;
	[tilespmem:$0x19560] =	vst v63  }
0xdb: {  	_ =	swait.ge [sflag:s22], $0x190  }
0xdc: {  	[sflag:s22] =	ssyncset.done $0x0  }
0xdd: {  	[sflag:s22] =	ssyncadd.s32 $0xFFFFFE70  }
0xde: {  	_ =	swait.ge [sflag:s30], $0x1900  }
0xdf: {  	[sflag:s30] =	ssyncset.done $0x0  }
0xe0: {  	[sflag:s30] =	ssyncadd.s32 $0xFFFFE700  }
0xe1: {  	[spmem:s1] =	stream.indirect.scatter.add.f32 [tilespmem:s26], [sflag:$0x3], $0x10, s3, s25, $0xb8;
	[tilespmem:$0x19560] =	vst v63  }
0xe2: {  	_ =	swait.ge [sflag:s31], $0x1900  }
0xe3: {  	[sflag:s31] =	ssyncset.done $0x0  }
0xe4: {  	[sflag:s31] =	ssyncadd.s32 $0xFFFFE700  }
0xe5: {  	[spmem:s1] =	stream.indirect.scatter.add.f32 [tilespmem:s29], [sflag:$0x4], $0x10, s25, s25, $0xb8;
	[tilespmem:$0x19560] =	vst v63  }
0xe6: {  	_ =	swait.ge [sflag:s0], $0x1900  }
0xe7: {  	[sflag:s0] =	ssyncset.done $0x0  }
0xe8: {  	s16 =	simm.s32 $0x640;
	[sflag:s0] =	ssyncadd.s32 $0xFFFFE700  }
0xe9: {  	[tilespmem:s26], [sflag:$0x1] =	stream.indirect.gather [hbm4b:s6+s25], $0x10, s16, s25, $0xb8;
	[tilespmem:$0x19560] =	vst v63  }
0xea: {  	_ =	swait.ge [sflag:s2], $0x1900  }
0xeb: {  	[sflag:s2] =	ssyncset.done $0x0  }
0xec: {  	s11 =	simm.s32 $0x7D0;
	[sflag:s2] =	ssyncadd.s32 $0xFFFFE700  }
0xed: {  	[tilespmem:s29], [sflag:$0x2] =	stream.indirect.gather [hbm4b:s6+s25], $0x10, s11, s25, $0xb8;
	[tilespmem:$0x19560] =	vst v63  }
0xee: {  	_ = 	snop  }
0xef: {  	[tilespmem:s3], [sflag:$0x5] =	stream.linear.gather [hbm4b:s19+s3], $0x190, $0x38;
	[tilespmem:$0x19560] =	vst v63  }
0xf0: {  	_ =	swait.ge [sflag:s22], $0x190  }
0xf1: {  	[sflag:s22] =	ssyncset.done $0x0  }
0xf2: {  	[sflag:s22] =	ssyncadd.s32 $0xFFFFFE70  }
0xf3: {  	[tilespmem:s25], [sflag:$0x5] =	stream.linear.gather [hbm4b:s20+s3], $0x190, $0x38;
	[tilespmem:$0x19560] =	vst v63  }
0xf4: {  	_ =	swait.ge [sflag:s22], $0x190  }
0xf5: {  	[sflag:s22] =	ssyncset.done $0x0  }
0xf6: {  	[sflag:s22] =	ssyncadd.s32 $0xFFFFFE70  }
0xf7: {  	_ =	swait.ge [sflag:s30], $0x1900  }
0xf8: {  	[sflag:s30] =	ssyncset.done $0x0  }
.Ltmp4:
0xf9: {  	[sflag:s30] =	ssyncadd.s32 $0xFFFFE700;
	(pc) =	sbr.rel @!p0 .LBB2_7-.Ltmp4, $4  }
0xfa: {  	[spmem:s1] =	stream.indirect.scatter.add.f32 [tilespmem:s26], [sflag:$0x3], $0x10, s3, s25, $0xb8;
	[tilespmem:$0x19560] =	vst v63  }
0xfb: {  	_ =	swait.ge [sflag:s31], $0x1900  }
0xfc: {  	s14 =	sadd.s32 $0x64, s19;
	s17 =	simm.s32 $0xAF0;
	[sflag:s31] =	ssyncset.done $0x0  }
0xfd: {  	s28 =	sadd.s32 $0xFFFFFFFF, s12;
	s21 =	sadd.s32 $0x64, s20;
	[sflag:s31] =	ssyncadd.s32 $0xFFFFE700  }
.LBB2_6:
0xfe: {  	[spmem:s1] =	stream.indirect.scatter.add.f32 [tilespmem:s29], [sflag:$0x4], $0x10, s25, s25, $0xb8;
	[tilespmem:$0x19560] =	vst v63  }
0xff: {  	p1 =	sne.s32 s28, $0x1;
	s28 =	sadd.s32 $0xFFFFFFFF, s28;
	_ =	swait.ge [sflag:s0], $0x1900  }
0x100: {  	[sflag:s0] =	ssyncset.done $0x0  }
0x101: {  	s18 =	sadd.s32 $0xFFFFFE70, s17;
	[sflag:s0] =	ssyncadd.s32 $0xFFFFE700  }
0x102: {  	[tilespmem:s26], [sflag:$0x1] =	stream.indirect.gather [hbm4b:s6+s25], $0x10, s18, s25, $0xb8;
	[tilespmem:$0x19560] =	vst v63  }
0x103: {  	_ =	swait.ge [sflag:s2], $0x1900  }
0x104: {  	[sflag:s2] =	ssyncset.done $0x0  }
0x105: {  	[sflag:s2] =	ssyncadd.s32 $0xFFFFE700  }
0x106: {  	[tilespmem:s29], [sflag:$0x2] =	stream.indirect.gather [hbm4b:s6+s25], $0x10, s17, s25, $0xb8;
	[tilespmem:$0x19560] =	vst v63  }
0x107: {  	_ = 	snop  }
0x108: {  	[tilespmem:s3], [sflag:$0x5] =	stream.linear.gather [hbm4b:s14+s3], $0x190, $0x38;
	[tilespmem:$0x19560] =	vst v63  }
0x109: {  	_ =	swait.ge [sflag:s22], $0x190  }
0x10a: {  	[sflag:s22] =	ssyncset.done $0x0  }
0x10b: {  	[sflag:s22] =	ssyncadd.s32 $0xFFFFFE70  }
0x10c: {  	[tilespmem:s25], [sflag:$0x5] =	stream.linear.gather [hbm4b:s21+s3], $0x190, $0x38;
	[tilespmem:$0x19560] =	vst v63  }
0x10d: {  	_ =	swait.ge [sflag:s22], $0x190  }
0x10e: {  	[sflag:s22] =	ssyncset.done $0x0  }
0x10f: {  	[sflag:s22] =	ssyncadd.s32 $0xFFFFFE70  }
0x110: {  	_ =	swait.ge [sflag:s30], $0x1900  }
0x111: {  	[sflag:s30] =	ssyncset.done $0x0  }
.Ltmp5:
0x112: {  	[sflag:s30] =	ssyncadd.s32 $0xFFFFE700;
	(pc) =	sbr.rel @p1 .LBB2_6-.Ltmp5, $4  }
0x113: {  	[spmem:s1] =	stream.indirect.scatter.add.f32 [tilespmem:s26], [sflag:$0x3], $0x10, s3, s25, $0xb8;
	[tilespmem:$0x19560] =	vst v63  }
0x114: {  	_ =	swait.ge [sflag:s31], $0x1900  }
0x115: {  	s21 =	sadd.s32 $0x64, s21;
	[sflag:s31] =	ssyncset.done $0x0  }
0x116: {  	s17 =	sadd.s32 $0x320, s17;
	s14 =	sadd.s32 $0x64, s14;
	[sflag:s31] =	ssyncadd.s32 $0xFFFFE700  }
.LBB2_7:
0x117: {  	[spmem:s1] =	stream.indirect.scatter.add.f32 [tilespmem:s29], [sflag:$0x4], $0x10, s25, s25, $0xb8;
	[tilespmem:$0x19560] =	vst v63  }
0x118: {  	_ =	swait.ge [sflag:s0], $0x1900  }
0x119: {  	[sflag:s0] =	ssyncset.done $0x0  }
0x11a: {  	[sflag:s0] =	ssyncadd.s32 $0xFFFFE700  }
0x11b: {  	_ =	swait.ge [sflag:s2], $0x1900  }
0x11c: {  	[sflag:s2] =	ssyncset.done $0x0  }
0x11d: {  	[sflag:s2] =	ssyncadd.s32 $0xFFFFE700  }
0x11e: {  	s14 =	sadd.s32 $0x31000, s15;
	[bflag:$0x0] =	sbarrier.arrive $0xFFFF  }
0x11f: {  	[hbm:s14], [sflag:s23] =	dma.local [spmem:s24], $0x1880  }
0x120: {  	_ =	swait.ge [sflag:s22], $0x1880  }
0x121: {  	[sflag:s22] =	ssyncset.done $0x0  }
0x122: {  	[sflag:s22] =	ssyncadd.s32 $0xFFFFE780  }
0x123: {  	[bflag:$0x0] =	sbarrier.arrive $0xFFFF  }
0x124: {  	s21 =	rddreg [dreg:$0x5]  }
0x125: {  	[spmem:s24], [sflag:s23] =	dma.local [hbm:s21], $0x1880  }
0x126: {  	_ =	swait.ge [sflag:s22], $0x1880  }
0x127: {  	[sflag:s22] =	ssyncset.done $0x0  }
0x128: {  	[sflag:s22] =	ssyncadd.s32 $0xFFFFE780  }
0x129: {  	s18 =	simm.s32 $0x320;
	[bflag:$0x0] =	sbarrier.arrive $0xFFFF  }
0x12a: {  	[tilespmem:s26], [sflag:$0x1] =	stream.indirect.gather [hbm4b:s7+s25], $0x10, s18, s25, $0xb8;
	[tilespmem:$0x19560] =	vst v63  }
0x12b: {  	s17 =	simm.s32 $0x4B0  }
0x12c: {  	[tilespmem:s29], [sflag:$0x2] =	stream.indirect.gather [hbm4b:s7+s25], $0x10, s17, s25, $0xb8;
	[tilespmem:$0x19560] =	vst v63  }
0x12d: {  	s28 =	rddreg [dreg:$0x8]  }
0x12e: {  	[tilespmem:s3], [sflag:$0x5] =	stream.linear.gather [hbm4b:s28+s3], $0x190, $0x38;
	[tilespmem:$0x19560] =	vst v63  }
0x12f: {  	_ =	swait.ge [sflag:s22], $0x190  }
0x130: {  	[sflag:s22] =	ssyncset.done $0x0  }
0x131: {  	s18 =	rddreg [dreg:$0x9];
	[sflag:s22] =	ssyncadd.s32 $0xFFFFFE70  }
0x132: {  	[tilespmem:s25], [sflag:$0x5] =	stream.linear.gather [hbm4b:s18+s3], $0x190, $0x38;
	[tilespmem:$0x19560] =	vst v63  }
0x133: {  	_ =	swait.ge [sflag:s22], $0x190  }
0x134: {  	[sflag:s22] =	ssyncset.done $0x0  }
0x135: {  	[sflag:s22] =	ssyncadd.s32 $0xFFFFFE70  }
0x136: {  	_ =	swait.ge [sflag:s30], $0x1900  }
0x137: {  	[sflag:s30] =	ssyncset.done $0x0  }
0x138: {  	[sflag:s30] =	ssyncadd.s32 $0xFFFFE700  }
0x139: {  	[spmem:s1] =	stream.indirect.scatter.add.f32 [tilespmem:s26], [sflag:$0x3], $0x10, s3, s25, $0xb8;
	[tilespmem:$0x19560] =	vst v63  }
0x13a: {  	_ =	swait.ge [sflag:s31], $0x1900  }
0x13b: {  	[sflag:s31] =	ssyncset.done $0x0  }
0x13c: {  	[sflag:s31] =	ssyncadd.s32 $0xFFFFE700  }
0x13d: {  	[spmem:s1] =	stream.indirect.scatter.add.f32 [tilespmem:s29], [sflag:$0x4], $0x10, s25, s25, $0xb8;
	[tilespmem:$0x19560] =	vst v63  }
0x13e: {  	_ =	swait.ge [sflag:s0], $0x1900  }
0x13f: {  	[sflag:s0] =	ssyncset.done $0x0  }
0x140: {  	[sflag:s0] =	ssyncadd.s32 $0xFFFFE700  }
0x141: {  	[tilespmem:s26], [sflag:$0x1] =	stream.indirect.gather [hbm4b:s7+s25], $0x10, s16, s25, $0xb8;
	[tilespmem:$0x19560] =	vst v63  }
0x142: {  	_ =	swait.ge [sflag:s2], $0x1900  }
0x143: {  	[sflag:s2] =	ssyncset.done $0x0  }
0x144: {  	[sflag:s2] =	ssyncadd.s32 $0xFFFFE700  }
0x145: {  	[tilespmem:s29], [sflag:$0x2] =	stream.indirect.gather [hbm4b:s7+s25], $0x10, s11, s25, $0xb8;
	[tilespmem:$0x19560] =	vst v63  }
0x146: {  	_ = 	snop  }
0x147: {  	[tilespmem:s3], [sflag:$0x5] =	stream.linear.gather [hbm4b:s19+s3], $0x190, $0x38;
	[tilespmem:$0x19560] =	vst v63  }
0x148: {  	_ =	swait.ge [sflag:s22], $0x190  }
0x149: {  	[sflag:s22] =	ssyncset.done $0x0  }
0x14a: {  	[sflag:s22] =	ssyncadd.s32 $0xFFFFFE70  }
0x14b: {  	[tilespmem:s25], [sflag:$0x5] =	stream.linear.gather [hbm4b:s20+s3], $0x190, $0x38;
	[tilespmem:$0x19560] =	vst v63  }
0x14c: {  	_ =	swait.ge [sflag:s22], $0x190  }
0x14d: {  	[sflag:s22] =	ssyncset.done $0x0  }
0x14e: {  	[sflag:s22] =	ssyncadd.s32 $0xFFFFFE70  }
0x14f: {  	_ =	swait.ge [sflag:s30], $0x1900  }
0x150: {  	[sflag:s30] =	ssyncset.done $0x0  }
.Ltmp6:
0x151: {  	[sflag:s30] =	ssyncadd.s32 $0xFFFFE700;
	(pc) =	sbr.rel @!p0 .LBB2_9-.Ltmp6, $4  }
0x152: {  	[spmem:s1] =	stream.indirect.scatter.add.f32 [tilespmem:s26], [sflag:$0x3], $0x10, s3, s25, $0xb8;
	[tilespmem:$0x19560] =	vst v63  }
0x153: {  	_ =	swait.ge [sflag:s31], $0x1900  }
0x154: {  	s14 =	sadd.s32 $0x64, s19;
	s17 =	simm.s32 $0xAF0;
	[sflag:s31] =	ssyncset.done $0x0  }
0x155: {  	s16 =	sadd.s32 $0x64, s20;
	s11 =	sadd.s32 $0xFFFFFFFF, s12;
	[sflag:s31] =	ssyncadd.s32 $0xFFFFE700  }
.LBB2_8:
0x156: {  	[spmem:s1] =	stream.indirect.scatter.add.f32 [tilespmem:s29], [sflag:$0x4], $0x10, s25, s25, $0xb8;
	[tilespmem:$0x19560] =	vst v63  }
0x157: {  	p1 =	sne.s32 s11, $0x1;
	s11 =	sadd.s32 $0xFFFFFFFF, s11;
	_ =	swait.ge [sflag:s0], $0x1900  }
0x158: {  	[sflag:s0] =	ssyncset.done $0x0  }
0x159: {  	s18 =	sadd.s32 $0xFFFFFE70, s17;
	[sflag:s0] =	ssyncadd.s32 $0xFFFFE700  }
0x15a: {  	[tilespmem:s26], [sflag:$0x1] =	stream.indirect.gather [hbm4b:s7+s25], $0x10, s18, s25, $0xb8;
	[tilespmem:$0x19560] =	vst v63  }
0x15b: {  	_ =	swait.ge [sflag:s2], $0x1900  }
0x15c: {  	[sflag:s2] =	ssyncset.done $0x0  }
0x15d: {  	[sflag:s2] =	ssyncadd.s32 $0xFFFFE700  }
0x15e: {  	[tilespmem:s29], [sflag:$0x2] =	stream.indirect.gather [hbm4b:s7+s25], $0x10, s17, s25, $0xb8;
	[tilespmem:$0x19560] =	vst v63  }
0x15f: {  	_ = 	snop  }
0x160: {  	[tilespmem:s3], [sflag:$0x5] =	stream.linear.gather [hbm4b:s14+s3], $0x190, $0x38;
	[tilespmem:$0x19560] =	vst v63  }
0x161: {  	_ =	swait.ge [sflag:s22], $0x190  }
0x162: {  	[sflag:s22] =	ssyncset.done $0x0  }
0x163: {  	[sflag:s22] =	ssyncadd.s32 $0xFFFFFE70  }
0x164: {  	[tilespmem:s25], [sflag:$0x5] =	stream.linear.gather [hbm4b:s16+s3], $0x190, $0x38;
	[tilespmem:$0x19560] =	vst v63  }
0x165: {  	_ =	swait.ge [sflag:s22], $0x190  }
0x166: {  	[sflag:s22] =	ssyncset.done $0x0  }
0x167: {  	[sflag:s22] =	ssyncadd.s32 $0xFFFFFE70  }
0x168: {  	_ =	swait.ge [sflag:s30], $0x1900  }
0x169: {  	[sflag:s30] =	ssyncset.done $0x0  }
.Ltmp7:
0x16a: {  	[sflag:s30] =	ssyncadd.s32 $0xFFFFE700;
	(pc) =	sbr.rel @p1 .LBB2_8-.Ltmp7, $4  }
0x16b: {  	[spmem:s1] =	stream.indirect.scatter.add.f32 [tilespmem:s26], [sflag:$0x3], $0x10, s3, s25, $0xb8;
	[tilespmem:$0x19560] =	vst v63  }
0x16c: {  	_ =	swait.ge [sflag:s31], $0x1900  }
0x16d: {  	s16 =	sadd.s32 $0x64, s16;
	[sflag:s31] =	ssyncset.done $0x0  }
0x16e: {  	s17 =	sadd.s32 $0x320, s17;
	s14 =	sadd.s32 $0x64, s14;
	[sflag:s31] =	ssyncadd.s32 $0xFFFFE700  }
.LBB2_9:
0x16f: {  	[spmem:s1] =	stream.indirect.scatter.add.f32 [tilespmem:s29], [sflag:$0x4], $0x10, s25, s25, $0xb8;
	[tilespmem:$0x19560] =	vst v63  }
0x170: {  	_ =	swait.ge [sflag:s0], $0x1900  }
0x171: {  	[sflag:s0] =	ssyncset.done $0x0  }
0x172: {  	[sflag:s0] =	ssyncadd.s32 $0xFFFFE700  }
0x173: {  	_ =	swait.ge [sflag:s2], $0x1900  }
0x174: {  	[sflag:s2] =	ssyncset.done $0x0  }
0x175: {  	[sflag:s2] =	ssyncadd.s32 $0xFFFFE700  }
0x176: {  	s11 =	sadd.s32 $0x49800, s15;
	[bflag:$0x0] =	sbarrier.arrive $0xFFFF  }
0x177: {  	[hbm:s11], [sflag:s23] =	dma.local [spmem:s24], $0x1880  }
0x178: {  	_ =	swait.ge [sflag:s22], $0x1880  }
0x179: {  	[sflag:s22] =	ssyncset.done $0x0  }
0x17a: {  	[sflag:s22] =	ssyncadd.s32 $0xFFFFE780  }
0x17b: {  	[bflag:$0x0] =	sbarrier.arrive $0xFFFF  }
0x17c: {  	[spmem:s24], [sflag:s23] =	dma.local [hbm:s21], $0x1880  }
0x17d: {  	_ =	swait.ge [sflag:s22], $0x1880  }
0x17e: {  	[sflag:s22] =	ssyncset.done $0x0  }
0x17f: {  	[sflag:s22] =	ssyncadd.s32 $0xFFFFE780  }
0x180: {  	s17 =	simm.s32 $0x320;
	[bflag:$0x0] =	sbarrier.arrive $0xFFFF  }
0x181: {  	[tilespmem:s26], [sflag:$0x1] =	stream.indirect.gather [hbm4b:s8+s25], $0x10, s17, s25, $0xb8;
	[tilespmem:$0x19560] =	vst v63  }
0x182: {  	s18 =	simm.s32 $0x4B0  }
0x183: {  	[tilespmem:s29], [sflag:$0x2] =	stream.indirect.gather [hbm4b:s8+s25], $0x10, s18, s25, $0xb8;
	[tilespmem:$0x19560] =	vst v63  }
0x184: {  	_ = 	snop  }
0x185: {  	[tilespmem:s3], [sflag:$0x5] =	stream.linear.gather [hbm4b:s28+s3], $0x190, $0x38;
	[tilespmem:$0x19560] =	vst v63  }
0x186: {  	_ =	swait.ge [sflag:s22], $0x190  }
0x187: {  	[sflag:s22] =	ssyncset.done $0x0  }
0x188: {  	s21 =	rddreg [dreg:$0x9];
	[sflag:s22] =	ssyncadd.s32 $0xFFFFFE70  }
0x189: {  	[tilespmem:s25], [sflag:$0x5] =	stream.linear.gather [hbm4b:s21+s3], $0x190, $0x38;
	[tilespmem:$0x19560] =	vst v63  }
0x18a: {  	_ =	swait.ge [sflag:s22], $0x190  }
0x18b: {  	[sflag:s22] =	ssyncset.done $0x0  }
0x18c: {  	[sflag:s22] =	ssyncadd.s32 $0xFFFFFE70  }
0x18d: {  	_ =	swait.ge [sflag:s30], $0x1900  }
0x18e: {  	[sflag:s30] =	ssyncset.done $0x0  }
0x18f: {  	[sflag:s30] =	ssyncadd.s32 $0xFFFFE700  }
0x190: {  	[spmem:s1] =	stream.indirect.scatter.add.f32 [tilespmem:s26], [sflag:$0x3], $0x10, s3, s25, $0xb8;
	[tilespmem:$0x19560] =	vst v63  }
0x191: {  	_ =	swait.ge [sflag:s31], $0x1900  }
0x192: {  	[sflag:s31] =	ssyncset.done $0x0  }
0x193: {  	[sflag:s31] =	ssyncadd.s32 $0xFFFFE700  }
0x194: {  	[spmem:s1] =	stream.indirect.scatter.add.f32 [tilespmem:s29], [sflag:$0x4], $0x10, s25, s25, $0xb8;
	[tilespmem:$0x19560] =	vst v63  }
0x195: {  	_ =	swait.ge [sflag:s0], $0x1900  }
0x196: {  	[sflag:s0] =	ssyncset.done $0x0  }
0x197: {  	s16 =	simm.s32 $0x640;
	[sflag:s0] =	ssyncadd.s32 $0xFFFFE700  }
0x198: {  	[tilespmem:s26], [sflag:$0x1] =	stream.indirect.gather [hbm4b:s8+s25], $0x10, s16, s25, $0xb8;
	[tilespmem:$0x19560] =	vst v63  }
0x199: {  	_ =	swait.ge [sflag:s2], $0x1900  }
0x19a: {  	[sflag:s2] =	ssyncset.done $0x0  }
0x19b: {  	s11 =	simm.s32 $0x7D0;
	[sflag:s2] =	ssyncadd.s32 $0xFFFFE700  }
0x19c: {  	[tilespmem:s29], [sflag:$0x2] =	stream.indirect.gather [hbm4b:s8+s25], $0x10, s11, s25, $0xb8;
	[tilespmem:$0x19560] =	vst v63  }
0x19d: {  	_ = 	snop  }
0x19e: {  	[tilespmem:s3], [sflag:$0x5] =	stream.linear.gather [hbm4b:s19+s3], $0x190, $0x38;
	[tilespmem:$0x19560] =	vst v63  }
0x19f: {  	_ =	swait.ge [sflag:s22], $0x190  }
0x1a0: {  	[sflag:s22] =	ssyncset.done $0x0  }
0x1a1: {  	[sflag:s22] =	ssyncadd.s32 $0xFFFFFE70  }
0x1a2: {  	[tilespmem:s25], [sflag:$0x5] =	stream.linear.gather [hbm4b:s20+s3], $0x190, $0x38;
	[tilespmem:$0x19560] =	vst v63  }
0x1a3: {  	_ =	swait.ge [sflag:s22], $0x190  }
0x1a4: {  	[sflag:s22] =	ssyncset.done $0x0  }
0x1a5: {  	[sflag:s22] =	ssyncadd.s32 $0xFFFFFE70  }
0x1a6: {  	_ =	swait.ge [sflag:s30], $0x1900  }
0x1a7: {  	[sflag:s30] =	ssyncset.done $0x0  }
.Ltmp8:
0x1a8: {  	[sflag:s30] =	ssyncadd.s32 $0xFFFFE700;
	(pc) =	sbr.rel @!p0 .LBB2_11-.Ltmp8, $4  }
0x1a9: {  	[spmem:s1] =	stream.indirect.scatter.add.f32 [tilespmem:s26], [sflag:$0x3], $0x10, s3, s25, $0xb8;
	[tilespmem:$0x19560] =	vst v63  }
0x1aa: {  	_ =	swait.ge [sflag:s31], $0x1900  }
0x1ab: {  	s14 =	sadd.s32 $0x64, s19;
	s17 =	simm.s32 $0xAF0;
	[sflag:s31] =	ssyncset.done $0x0  }
0x1ac: {  	s28 =	sadd.s32 $0xFFFFFFFF, s12;
	s21 =	sadd.s32 $0x64, s20;
	[sflag:s31] =	ssyncadd.s32 $0xFFFFE700  }
.LBB2_10:
0x1ad: {  	[spmem:s1] =	stream.indirect.scatter.add.f32 [tilespmem:s29], [sflag:$0x4], $0x10, s25, s25, $0xb8;
	[tilespmem:$0x19560] =	vst v63  }
0x1ae: {  	p1 =	sne.s32 s28, $0x1;
	s28 =	sadd.s32 $0xFFFFFFFF, s28;
	_ =	swait.ge [sflag:s0], $0x1900  }
0x1af: {  	[sflag:s0] =	ssyncset.done $0x0  }
0x1b0: {  	s18 =	sadd.s32 $0xFFFFFE70, s17;
	[sflag:s0] =	ssyncadd.s32 $0xFFFFE700  }
0x1b1: {  	[tilespmem:s26], [sflag:$0x1] =	stream.indirect.gather [hbm4b:s8+s25], $0x10, s18, s25, $0xb8;
	[tilespmem:$0x19560] =	vst v63  }
0x1b2: {  	_ =	swait.ge [sflag:s2], $0x1900  }
0x1b3: {  	[sflag:s2] =	ssyncset.done $0x0  }
0x1b4: {  	[sflag:s2] =	ssyncadd.s32 $0xFFFFE700  }
0x1b5: {  	[tilespmem:s29], [sflag:$0x2] =	stream.indirect.gather [hbm4b:s8+s25], $0x10, s17, s25, $0xb8;
	[tilespmem:$0x19560] =	vst v63  }
0x1b6: {  	_ = 	snop  }
0x1b7: {  	[tilespmem:s3], [sflag:$0x5] =	stream.linear.gather [hbm4b:s14+s3], $0x190, $0x38;
	[tilespmem:$0x19560] =	vst v63  }
0x1b8: {  	_ =	swait.ge [sflag:s22], $0x190  }
0x1b9: {  	[sflag:s22] =	ssyncset.done $0x0  }
0x1ba: {  	[sflag:s22] =	ssyncadd.s32 $0xFFFFFE70  }
0x1bb: {  	[tilespmem:s25], [sflag:$0x5] =	stream.linear.gather [hbm4b:s21+s3], $0x190, $0x38;
	[tilespmem:$0x19560] =	vst v63  }
0x1bc: {  	_ =	swait.ge [sflag:s22], $0x190  }
0x1bd: {  	[sflag:s22] =	ssyncset.done $0x0  }
0x1be: {  	[sflag:s22] =	ssyncadd.s32 $0xFFFFFE70  }
0x1bf: {  	_ =	swait.ge [sflag:s30], $0x1900  }
0x1c0: {  	[sflag:s30] =	ssyncset.done $0x0  }
.Ltmp9:
0x1c1: {  	[sflag:s30] =	ssyncadd.s32 $0xFFFFE700;
	(pc) =	sbr.rel @p1 .LBB2_10-.Ltmp9, $4  }
0x1c2: {  	[spmem:s1] =	stream.indirect.scatter.add.f32 [tilespmem:s26], [sflag:$0x3], $0x10, s3, s25, $0xb8;
	[tilespmem:$0x19560] =	vst v63  }
0x1c3: {  	_ =	swait.ge [sflag:s31], $0x1900  }
0x1c4: {  	s21 =	sadd.s32 $0x64, s21;
	[sflag:s31] =	ssyncset.done $0x0  }
0x1c5: {  	s17 =	sadd.s32 $0x320, s17;
	s14 =	sadd.s32 $0x64, s14;
	[sflag:s31] =	ssyncadd.s32 $0xFFFFE700  }
.LBB2_11:
0x1c6: {  	[spmem:s1] =	stream.indirect.scatter.add.f32 [tilespmem:s29], [sflag:$0x4], $0x10, s25, s25, $0xb8;
	[tilespmem:$0x19560] =	vst v63  }
0x1c7: {  	_ =	swait.ge [sflag:s0], $0x1900  }
0x1c8: {  	[sflag:s0] =	ssyncset.done $0x0  }
0x1c9: {  	[sflag:s0] =	ssyncadd.s32 $0xFFFFE700  }
0x1ca: {  	_ =	swait.ge [sflag:s2], $0x1900  }
0x1cb: {  	[sflag:s2] =	ssyncset.done $0x0  }
0x1cc: {  	[sflag:s2] =	ssyncadd.s32 $0xFFFFE700  }
0x1cd: {  	s14 =	sadd.s32 $0x62000, s15;
	[bflag:$0x0] =	sbarrier.arrive $0xFFFF  }
0x1ce: {  	[hbm:s14], [sflag:s23] =	dma.local [spmem:s24], $0x1880  }
0x1cf: {  	_ =	swait.ge [sflag:s22], $0x1880  }
0x1d0: {  	[sflag:s22] =	ssyncset.done $0x0  }
0x1d1: {  	[sflag:s22] =	ssyncadd.s32 $0xFFFFE780  }
0x1d2: {  	[bflag:$0x0] =	sbarrier.arrive $0xFFFF  }
0x1d3: {  	s21 =	rddreg [dreg:$0x5]  }
0x1d4: {  	[spmem:s24], [sflag:s23] =	dma.local [hbm:s21], $0x1880  }
0x1d5: {  	_ =	swait.ge [sflag:s22], $0x1880  }
0x1d6: {  	[sflag:s22] =	ssyncset.done $0x0  }
0x1d7: {  	[sflag:s22] =	ssyncadd.s32 $0xFFFFE780  }
0x1d8: {  	s18 =	simm.s32 $0x320;
	[bflag:$0x0] =	sbarrier.arrive $0xFFFF  }
0x1d9: {  	[tilespmem:s26], [sflag:$0x1] =	stream.indirect.gather [hbm4b:s9+s25], $0x10, s18, s25, $0xb8;
	[tilespmem:$0x19560] =	vst v63  }
0x1da: {  	s17 =	simm.s32 $0x4B0  }
0x1db: {  	[tilespmem:s29], [sflag:$0x2] =	stream.indirect.gather [hbm4b:s9+s25], $0x10, s17, s25, $0xb8;
	[tilespmem:$0x19560] =	vst v63  }
0x1dc: {  	s28 =	rddreg [dreg:$0x8]  }
0x1dd: {  	[tilespmem:s3], [sflag:$0x5] =	stream.linear.gather [hbm4b:s28+s3], $0x190, $0x38;
	[tilespmem:$0x19560] =	vst v63  }
0x1de: {  	_ =	swait.ge [sflag:s22], $0x190  }
0x1df: {  	[sflag:s22] =	ssyncset.done $0x0  }
0x1e0: {  	s18 =	rddreg [dreg:$0x9];
	[sflag:s22] =	ssyncadd.s32 $0xFFFFFE70  }
0x1e1: {  	[tilespmem:s25], [sflag:$0x5] =	stream.linear.gather [hbm4b:s18+s3], $0x190, $0x38;
	[tilespmem:$0x19560] =	vst v63  }
0x1e2: {  	_ =	swait.ge [sflag:s22], $0x190  }
0x1e3: {  	[sflag:s22] =	ssyncset.done $0x0  }
0x1e4: {  	[sflag:s22] =	ssyncadd.s32 $0xFFFFFE70  }
0x1e5: {  	_ =	swait.ge [sflag:s30], $0x1900  }
0x1e6: {  	[sflag:s30] =	ssyncset.done $0x0  }
0x1e7: {  	[sflag:s30] =	ssyncadd.s32 $0xFFFFE700  }
0x1e8: {  	[spmem:s1] =	stream.indirect.scatter.add.f32 [tilespmem:s26], [sflag:$0x3], $0x10, s3, s25, $0xb8;
	[tilespmem:$0x19560] =	vst v63  }
0x1e9: {  	_ =	swait.ge [sflag:s31], $0x1900  }
0x1ea: {  	[sflag:s31] =	ssyncset.done $0x0  }
0x1eb: {  	[sflag:s31] =	ssyncadd.s32 $0xFFFFE700  }
0x1ec: {  	[spmem:s1] =	stream.indirect.scatter.add.f32 [tilespmem:s29], [sflag:$0x4], $0x10, s25, s25, $0xb8;
	[tilespmem:$0x19560] =	vst v63  }
0x1ed: {  	_ =	swait.ge [sflag:s0], $0x1900  }
0x1ee: {  	[sflag:s0] =	ssyncset.done $0x0  }
0x1ef: {  	[sflag:s0] =	ssyncadd.s32 $0xFFFFE700  }
0x1f0: {  	[tilespmem:s26], [sflag:$0x1] =	stream.indirect.gather [hbm4b:s9+s25], $0x10, s16, s25, $0xb8;
	[tilespmem:$0x19560] =	vst v63  }
0x1f1: {  	_ =	swait.ge [sflag:s2], $0x1900  }
0x1f2: {  	[sflag:s2] =	ssyncset.done $0x0  }
0x1f3: {  	[sflag:s2] =	ssyncadd.s32 $0xFFFFE700  }
0x1f4: {  	[tilespmem:s29], [sflag:$0x2] =	stream.indirect.gather [hbm4b:s9+s25], $0x10, s11, s25, $0xb8;
	[tilespmem:$0x19560] =	vst v63  }
0x1f5: {  	_ = 	snop  }
0x1f6: {  	[tilespmem:s3], [sflag:$0x5] =	stream.linear.gather [hbm4b:s19+s3], $0x190, $0x38;
	[tilespmem:$0x19560] =	vst v63  }
0x1f7: {  	_ =	swait.ge [sflag:s22], $0x190  }
0x1f8: {  	[sflag:s22] =	ssyncset.done $0x0  }
0x1f9: {  	[sflag:s22] =	ssyncadd.s32 $0xFFFFFE70  }
0x1fa: {  	[tilespmem:s25], [sflag:$0x5] =	stream.linear.gather [hbm4b:s20+s3], $0x190, $0x38;
	[tilespmem:$0x19560] =	vst v63  }
0x1fb: {  	_ =	swait.ge [sflag:s22], $0x190  }
0x1fc: {  	[sflag:s22] =	ssyncset.done $0x0  }
0x1fd: {  	[sflag:s22] =	ssyncadd.s32 $0xFFFFFE70  }
0x1fe: {  	_ =	swait.ge [sflag:s30], $0x1900  }
0x1ff: {  	[sflag:s30] =	ssyncset.done $0x0  }
.Ltmp10:
0x200: {  	[sflag:s30] =	ssyncadd.s32 $0xFFFFE700;
	(pc) =	sbr.rel @!p0 .LBB2_13-.Ltmp10, $4  }
0x201: {  	[spmem:s1] =	stream.indirect.scatter.add.f32 [tilespmem:s26], [sflag:$0x3], $0x10, s3, s25, $0xb8;
	[tilespmem:$0x19560] =	vst v63  }
0x202: {  	_ =	swait.ge [sflag:s31], $0x1900  }
0x203: {  	s14 =	sadd.s32 $0x64, s19;
	s17 =	simm.s32 $0xAF0;
	[sflag:s31] =	ssyncset.done $0x0  }
0x204: {  	s16 =	sadd.s32 $0x64, s20;
	s11 =	sadd.s32 $0xFFFFFFFF, s12;
	[sflag:s31] =	ssyncadd.s32 $0xFFFFE700  }
.LBB2_12:
0x205: {  	[spmem:s1] =	stream.indirect.scatter.add.f32 [tilespmem:s29], [sflag:$0x4], $0x10, s25, s25, $0xb8;
	[tilespmem:$0x19560] =	vst v63  }
0x206: {  	p1 =	sne.s32 s11, $0x1;
	s11 =	sadd.s32 $0xFFFFFFFF, s11;
	_ =	swait.ge [sflag:s0], $0x1900  }
0x207: {  	[sflag:s0] =	ssyncset.done $0x0  }
0x208: {  	s18 =	sadd.s32 $0xFFFFFE70, s17;
	[sflag:s0] =	ssyncadd.s32 $0xFFFFE700  }
0x209: {  	[tilespmem:s26], [sflag:$0x1] =	stream.indirect.gather [hbm4b:s9+s25], $0x10, s18, s25, $0xb8;
	[tilespmem:$0x19560] =	vst v63  }
0x20a: {  	_ =	swait.ge [sflag:s2], $0x1900  }
0x20b: {  	[sflag:s2] =	ssyncset.done $0x0  }
0x20c: {  	[sflag:s2] =	ssyncadd.s32 $0xFFFFE700  }
0x20d: {  	[tilespmem:s29], [sflag:$0x2] =	stream.indirect.gather [hbm4b:s9+s25], $0x10, s17, s25, $0xb8;
	[tilespmem:$0x19560] =	vst v63  }
0x20e: {  	_ = 	snop  }
0x20f: {  	[tilespmem:s3], [sflag:$0x5] =	stream.linear.gather [hbm4b:s14+s3], $0x190, $0x38;
	[tilespmem:$0x19560] =	vst v63  }
0x210: {  	_ =	swait.ge [sflag:s22], $0x190  }
0x211: {  	[sflag:s22] =	ssyncset.done $0x0  }
0x212: {  	[sflag:s22] =	ssyncadd.s32 $0xFFFFFE70  }
0x213: {  	[tilespmem:s25], [sflag:$0x5] =	stream.linear.gather [hbm4b:s16+s3], $0x190, $0x38;
	[tilespmem:$0x19560] =	vst v63  }
0x214: {  	_ =	swait.ge [sflag:s22], $0x190  }
0x215: {  	[sflag:s22] =	ssyncset.done $0x0  }
0x216: {  	[sflag:s22] =	ssyncadd.s32 $0xFFFFFE70  }
0x217: {  	_ =	swait.ge [sflag:s30], $0x1900  }
0x218: {  	[sflag:s30] =	ssyncset.done $0x0  }
.Ltmp11:
0x219: {  	[sflag:s30] =	ssyncadd.s32 $0xFFFFE700;
	(pc) =	sbr.rel @p1 .LBB2_12-.Ltmp11, $4  }
0x21a: {  	[spmem:s1] =	stream.indirect.scatter.add.f32 [tilespmem:s26], [sflag:$0x3], $0x10, s3, s25, $0xb8;
	[tilespmem:$0x19560] =	vst v63  }
0x21b: {  	_ =	swait.ge [sflag:s31], $0x1900  }
0x21c: {  	s16 =	sadd.s32 $0x64, s16;
	[sflag:s31] =	ssyncset.done $0x0  }
0x21d: {  	s17 =	sadd.s32 $0x320, s17;
	s14 =	sadd.s32 $0x64, s14;
	[sflag:s31] =	ssyncadd.s32 $0xFFFFE700  }
.LBB2_13:
0x21e: {  	[spmem:s1] =	stream.indirect.scatter.add.f32 [tilespmem:s29], [sflag:$0x4], $0x10, s25, s25, $0xb8;
	[tilespmem:$0x19560] =	vst v63  }
0x21f: {  	_ =	swait.ge [sflag:s0], $0x1900  }
0x220: {  	[sflag:s0] =	ssyncset.done $0x0  }
0x221: {  	[sflag:s0] =	ssyncadd.s32 $0xFFFFE700  }
0x222: {  	_ =	swait.ge [sflag:s2], $0x1900  }
0x223: {  	[sflag:s2] =	ssyncset.done $0x0  }
0x224: {  	[sflag:s2] =	ssyncadd.s32 $0xFFFFE700  }
0x225: {  	s11 =	sadd.s32 $0x7A800, s15;
	[bflag:$0x0] =	sbarrier.arrive $0xFFFF  }
0x226: {  	[hbm:s11], [sflag:s23] =	dma.local [spmem:s24], $0x1880  }
0x227: {  	_ =	swait.ge [sflag:s22], $0x1880  }
0x228: {  	[sflag:s22] =	ssyncset.done $0x0  }
0x229: {  	[sflag:s22] =	ssyncadd.s32 $0xFFFFE780  }
0x22a: {  	[bflag:$0x0] =	sbarrier.arrive $0xFFFF  }
0x22b: {  	[spmem:s24], [sflag:s23] =	dma.local [hbm:s21], $0x1880  }
0x22c: {  	_ =	swait.ge [sflag:s22], $0x1880  }
0x22d: {  	[sflag:s22] =	ssyncset.done $0x0  }
0x22e: {  	[sflag:s22] =	ssyncadd.s32 $0xFFFFE780  }
0x22f: {  	s18 =	simm.s32 $0x320;
	[bflag:$0x0] =	sbarrier.arrive $0xFFFF  }
0x230: {  	[tilespmem:s26], [sflag:$0x1] =	stream.indirect.gather [hbm4b:s10+s25], $0x10, s18, s25, $0xb8;
	[tilespmem:$0x19560] =	vst v63  }
0x231: {  	s14 =	simm.s32 $0x4B0  }
0x232: {  	[tilespmem:s29], [sflag:$0x2] =	stream.indirect.gather [hbm4b:s10+s25], $0x10, s14, s25, $0xb8;
	[tilespmem:$0x19560] =	vst v63  }
0x233: {  	_ = 	snop  }
0x234: {  	[tilespmem:s3], [sflag:$0x5] =	stream.linear.gather [hbm4b:s28+s3], $0x190, $0x38;
	[tilespmem:$0x19560] =	vst v63  }
0x235: {  	_ =	swait.ge [sflag:s22], $0x190  }
0x236: {  	[sflag:s22] =	ssyncset.done $0x0  }
0x237: {  	s16 =	rddreg [dreg:$0x9];
	[sflag:s22] =	ssyncadd.s32 $0xFFFFFE70  }
0x238: {  	[tilespmem:s25], [sflag:$0x5] =	stream.linear.gather [hbm4b:s16+s3], $0x190, $0x38;
	[tilespmem:$0x19560] =	vst v63  }
0x239: {  	_ =	swait.ge [sflag:s22], $0x190  }
0x23a: {  	[sflag:s22] =	ssyncset.done $0x0  }
0x23b: {  	[sflag:s22] =	ssyncadd.s32 $0xFFFFFE70  }
0x23c: {  	_ =	swait.ge [sflag:s30], $0x1900  }
0x23d: {  	[sflag:s30] =	ssyncset.done $0x0  }
0x23e: {  	[sflag:s30] =	ssyncadd.s32 $0xFFFFE700  }
0x23f: {  	[spmem:s1] =	stream.indirect.scatter.add.f32 [tilespmem:s26], [sflag:$0x3], $0x10, s3, s25, $0xb8;
	[tilespmem:$0x19560] =	vst v63  }
0x240: {  	_ =	swait.ge [sflag:s31], $0x1900  }
0x241: {  	[sflag:s31] =	ssyncset.done $0x0  }
0x242: {  	[sflag:s31] =	ssyncadd.s32 $0xFFFFE700  }
0x243: {  	[spmem:s1] =	stream.indirect.scatter.add.f32 [tilespmem:s29], [sflag:$0x4], $0x10, s25, s25, $0xb8;
	[tilespmem:$0x19560] =	vst v63  }
0x244: {  	_ =	swait.ge [sflag:s0], $0x1900  }
0x245: {  	[sflag:s0] =	ssyncset.done $0x0  }
0x246: {  	s17 =	simm.s32 $0x640;
	[sflag:s0] =	ssyncadd.s32 $0xFFFFE700  }
0x247: {  	[tilespmem:s26], [sflag:$0x1] =	stream.indirect.gather [hbm4b:s10+s25], $0x10, s17, s25, $0xb8;
	[tilespmem:$0x19560] =	vst v63  }
0x248: {  	_ =	swait.ge [sflag:s2], $0x1900  }
0x249: {  	[sflag:s2] =	ssyncset.done $0x0  }
0x24a: {  	s18 =	simm.s32 $0x7D0;
	[sflag:s2] =	ssyncadd.s32 $0xFFFFE700  }
0x24b: {  	[tilespmem:s29], [sflag:$0x2] =	stream.indirect.gather [hbm4b:s10+s25], $0x10, s18, s25, $0xb8;
	[tilespmem:$0x19560] =	vst v63  }
0x24c: {  	_ = 	snop  }
0x24d: {  	[tilespmem:s3], [sflag:$0x5] =	stream.linear.gather [hbm4b:s19+s3], $0x190, $0x38;
	[tilespmem:$0x19560] =	vst v63  }
0x24e: {  	_ =	swait.ge [sflag:s22], $0x190  }
0x24f: {  	[sflag:s22] =	ssyncset.done $0x0  }
0x250: {  	[sflag:s22] =	ssyncadd.s32 $0xFFFFFE70  }
0x251: {  	[tilespmem:s25], [sflag:$0x5] =	stream.linear.gather [hbm4b:s20+s3], $0x190, $0x38;
	[tilespmem:$0x19560] =	vst v63  }
0x252: {  	_ =	swait.ge [sflag:s22], $0x190  }
0x253: {  	[sflag:s22] =	ssyncset.done $0x0  }
0x254: {  	[sflag:s22] =	ssyncadd.s32 $0xFFFFFE70  }
0x255: {  	_ =	swait.ge [sflag:s30], $0x1900  }
0x256: {  	[sflag:s30] =	ssyncset.done $0x0  }
.Ltmp12:
0x257: {  	[sflag:s30] =	ssyncadd.s32 $0xFFFFE700;
	(pc) =	sbr.rel @!p0 .LBB2_15-.Ltmp12, $4  }
0x258: {  	[spmem:s1] =	stream.indirect.scatter.add.f32 [tilespmem:s26], [sflag:$0x3], $0x10, s3, s25, $0xb8;
	[tilespmem:$0x19560] =	vst v63  }
0x259: {  	_ =	swait.ge [sflag:s31], $0x1900  }
0x25a: {  	s11 =	sadd.s32 $0xFFFFFFFF, s12;
	s14 =	sadd.s32 $0x64, s19;
	[sflag:s31] =	ssyncset.done $0x0  }
0x25b: {  	s16 =	sadd.s32 $0x64, s20;
	s17 =	simm.s32 $0xAF0;
	[sflag:s31] =	ssyncadd.s32 $0xFFFFE700  }
.LBB2_14:
0x25c: {  	[spmem:s1] =	stream.indirect.scatter.add.f32 [tilespmem:s29], [sflag:$0x4], $0x10, s25, s25, $0xb8;
	[tilespmem:$0x19560] =	vst v63  }
0x25d: {  	p0 =	sne.s32 s11, $0x1;
	s11 =	sadd.s32 $0xFFFFFFFF, s11;
	_ =	swait.ge [sflag:s0], $0x1900  }
0x25e: {  	[sflag:s0] =	ssyncset.done $0x0  }
0x25f: {  	s18 =	sadd.s32 $0xFFFFFE70, s17;
	[sflag:s0] =	ssyncadd.s32 $0xFFFFE700  }
0x260: {  	[tilespmem:s26], [sflag:$0x1] =	stream.indirect.gather [hbm4b:s10+s25], $0x10, s18, s25, $0xb8;
	[tilespmem:$0x19560] =	vst v63  }
0x261: {  	_ =	swait.ge [sflag:s2], $0x1900  }
0x262: {  	[sflag:s2] =	ssyncset.done $0x0  }
0x263: {  	[sflag:s2] =	ssyncadd.s32 $0xFFFFE700  }
0x264: {  	[tilespmem:s29], [sflag:$0x2] =	stream.indirect.gather [hbm4b:s10+s25], $0x10, s17, s25, $0xb8;
	[tilespmem:$0x19560] =	vst v63  }
0x265: {  	_ = 	snop  }
0x266: {  	[tilespmem:s3], [sflag:$0x5] =	stream.linear.gather [hbm4b:s14+s3], $0x190, $0x38;
	[tilespmem:$0x19560] =	vst v63  }
0x267: {  	_ =	swait.ge [sflag:s22], $0x190  }
0x268: {  	[sflag:s22] =	ssyncset.done $0x0  }
0x269: {  	[sflag:s22] =	ssyncadd.s32 $0xFFFFFE70  }
0x26a: {  	[tilespmem:s25], [sflag:$0x5] =	stream.linear.gather [hbm4b:s16+s3], $0x190, $0x38;
	[tilespmem:$0x19560] =	vst v63  }
0x26b: {  	_ =	swait.ge [sflag:s22], $0x190  }
0x26c: {  	[sflag:s22] =	ssyncset.done $0x0  }
0x26d: {  	[sflag:s22] =	ssyncadd.s32 $0xFFFFFE70  }
0x26e: {  	_ =	swait.ge [sflag:s30], $0x1900  }
0x26f: {  	[sflag:s30] =	ssyncset.done $0x0  }
.Ltmp13:
0x270: {  	[sflag:s30] =	ssyncadd.s32 $0xFFFFE700;
	(pc) =	sbr.rel @p0 .LBB2_14-.Ltmp13, $4  }
0x271: {  	[spmem:s1] =	stream.indirect.scatter.add.f32 [tilespmem:s26], [sflag:$0x3], $0x10, s3, s25, $0xb8;
	[tilespmem:$0x19560] =	vst v63  }
0x272: {  	_ =	swait.ge [sflag:s31], $0x1900  }
0x273: {  	s16 =	sadd.s32 $0x64, s16;
	[sflag:s31] =	ssyncset.done $0x0  }
0x274: {  	s17 =	sadd.s32 $0x320, s17;
	s14 =	sadd.s32 $0x64, s14;
	[sflag:s31] =	ssyncadd.s32 $0xFFFFE700  }
.LBB2_15:
0x275: {  	[spmem:s1] =	stream.indirect.scatter.add.f32 [tilespmem:s29], [sflag:$0x4], $0x10, s25, s25, $0xb8;
	[tilespmem:$0x19560] =	vst v63  }
0x276: {  	_ =	swait.ge [sflag:s0], $0x1900  }
0x277: {  	[sflag:s0] =	ssyncset.done $0x0  }
0x278: {  	[sflag:s0] =	ssyncadd.s32 $0xFFFFE700  }
0x279: {  	_ =	swait.ge [sflag:s2], $0x1900  }
0x27a: {  	[sflag:s2] =	ssyncset.done $0x0  }
0x27b: {  	[sflag:s2] =	ssyncadd.s32 $0xFFFFE700  }
0x27c: {  	s11 =	sadd.s32 $0x93000, s15;
	[bflag:$0x0] =	sbarrier.arrive $0xFFFF  }
0x27d: {  	[hbm:s11], [sflag:s23] =	dma.local [spmem:s24], $0x1880  }
0x27e: {  	_ =	swait.ge [sflag:s22], $0x1880  }
0x27f: {  	s13 =	sadd.s32 $0x1, s13;
	s18 =	rddreg [dreg:$0x7]  }
0x280: {  	p0 =	sne.s32 s13, s18  }
.Ltmp14:
0x281: {  	_ = 	snop;
	(pc) =	sbr.rel @p0 .LBB2_1-.Ltmp14, $3  }
0x282: {  	[sflag:s22] =	ssyncset.done $0x0  }
0x283: {  	[sflag:s22] =	ssyncadd.s32 $0xFFFFE780  }
0x284: {  	[bflag:$0x0] =	sbarrier.arrive $0xFFFF;
	_ =	sdelay $0x1  }
0x285: {  	_ =	sfence.sel $0x180000  }
0x286: {  	[bflag:$0x0] =	sbarrier.arrive $0xFFFF  }
0x287: {  	_ =	strace $0x9000004D  }
0x288: {  	s0 =	stileid.u32;
	[bflag:$0x2] =	sbarrier.arrive $0xFFFF  }
0x289: {  	p0 =	sne.s32 s0, $0x0;
	s0 =	rddreg [dreg:$0x2]  }
0x28a: {  	s0 =	sadd.s32 @!p0 $0x100000, s0  }
0x28b: {  	[sflag:s0] =	ssyncadd.tile.s32 @!p0 $0x1;
	_ =	shalt  }
.Lfunc_end2:
_tile_overlayer_lowered:
.L_overlay_start_2:
0x28c: {  	(tag) =	ssettag $0x2  }
0x28d: {  	s0 =	rddreg [dreg:$0x0];
	s2 =	stileid.u32  }
0x28e: {  	s1 =	rddreg [dreg:$0x1];
	p0 =	sne.s32 s2, $0x0  }
0x28f: {  	s3 =	rddreg [dreg:$0x2];
	[bflag:$0x3] =	sbarrier.arrive $0xFFFF;
	s2 =	simm.s32 @!p0 $0x1C05  }
0x290: {  	[timem:s3], [sflag:s2] =	dma.local @!p0 [hbm:s0], s1  }
0x291: {  	s0 =	simm.s32 @!p0 $0x5  }
0x292: {  	_ =	swait.ge @!p0 [sflag:s0], s1  }
0x293: {  	s1 =	ssub.s32 @!p0 $0x0, s1;
	[sflag:s0] =	ssyncset.done @!p0 $0x0  }
0x294: {  	[sflag:s0] =	ssyncadd.s32 @!p0 s1  }
0x295: {  	[bflag:$0x3] =	sbarrier.arrive $0xFFFF  }
0x296: {  	_ =	shalt  }

// kernel: kernel.8.cloned.1.call-start
scs
__scs_entry_jumppad:
0x0: {  	(pc) =	sbr.rel $0x88, $3  }
0x1: {  	(tag) =	ssettag $0x0;
	lr =	simm.s32 $0x1  }
0x2: {  	[smem:$0x3F96] =	sst lr;
	_ =	strace $0xD0000000  }
0x3: {  	_ = 	snop  }
0x4: {  	_ = 	snop  }
0x5: {  	_ = 	snop  }
0x6: {  	_ = 	snop  }
0x7: {  	_ = 	snop  }
__scs_overlays_trampoline_lowered:
0x8: {  	[smem:$0x3FA5] =	sst s0  }
0x9: {  	[smem:$0x3FA6] =	sst s1  }
0xa: {  	[smem:$0x3FA7] =	sst s2  }
0xb: {  	[smem:$0x3FA8] =	sst s3  }
0xc: {  	[smem:$0x3FA9] =	sst s4  }
0xd: {  	[smem:$0x3FAA] =	sst s5  }
0xe: {  	[smem:$0x3FAB] =	sst s6  }
0xf: {  	[smem:$0x3FAC] =	sst s7  }
0x10: {  	[smem:$0x3FAD] =	sst s8  }
0x11: {  	[smem:$0x3FAE] =	sst s9;
	s0 =	simm.s32 @!p0 $0x0  }
0x12: {  	s1 =	sld [smem:$0x3F94];
	s0 =	simm.s32 @p0 $0x1  }
0x13: {  	[smem:$0x3FAF] =	sst s0;
	s0 =	simm.s32 @!p1 $0x0  }
0x14: {  	s2 =	sld [smem:$0x3F93];
	s0 =	simm.s32 @p1 $0x1  }
0x15: {  	[smem:$0x3FB0] =	sst s0;
	s0 =	simm.s32 @!p2 $0x0  }
0x16: {  	s3 =	sld [smem:$0x3FDB];
	s0 =	simm.s32 @p2 $0x1  }
0x17: {  	s4 =	simm.s32 $0x1BF5;
	[smem:$0x3FB2] =	sst s0  }
0x18: {  	s0 =	sld [smem:$0x3F95];
	_ =	swait.ge [sflag:s4], $0x0  }
0x19: {  	s7 =	sld [smem:$0x3F96]  }
0x1a: {  	s8 =	sadd.s32 $0xFFFFE003, lr  }
0x1b: {  	s9 =	sadd.s32 $0xFFFFFEF7, lr;
	s5 =	simm.s32 $0xFFFFFFFF;
	p2 =	slt.u32 s8, $0xFFFFF086  }
0x1c: {  	p1 =	slt.u32 s9, $0xF7A;
	s5 =	simm.s32 @!p2 $0x0  }
0x1d: {  	s5 =	simm.s32 @p1 $0x1;
	p0 =	seq.s32 s7, s2  }
0x1e: {  	s7 =	smul.u32 @!p0 $0xF7A, s2;
	p2 =	seq.s32 @!p0 s5, $0x0  }
0x1f: {  	s9 =	smul.u32 $0xF7A, s1;
	s8 =	simm.s32 @!p0 $0x1BF5;
	p2 =	por !p2, p0  }
0x20: {  	[sflag:s8] =	ssyncset.s32 @!p0 $0xFFFFF086;
	s6 =	sadd.s32 @!p0 s3, s7;
	s7 =	simm.s32 @!p0 $0x108  }
0x21: {  	s3 =	sadd.s32 s3, s9;
	s6 =	sadd.s32 @!p0 $0x88, s6;
	s7 =	simm.s32 @p2 $0x1082  }
0x22: {  	[simem:s7], [sflag:s8] =	dma.local @!p0 [hbm:s6], $0xF7A  }
0x23: {  	s9 =	sor.u32 $0xD0000000, s2;
	s6 =	simm.s32 $0x108;
	_ =	swait.ge @!p0 [sflag:s8], $0x0  }
0x24: {  	s3 =	sadd.s32 $0x88, s3;
	s6 =	simm.s32 @!p1 $0x1082;
	[sflag:s4] =	ssyncset.s32 $0xFFFFF086  }
0x25: {  	[simem:s6], [sflag:s4] =	dma.local [hbm:s3], $0xF7A  }
0x26: {  	[smem:$0x3F96] =	sst s1;
	(tag) =	ssettag s2;
	_ =	strace s9  }
0x27: {  	s1 =	sld [smem:$0x3FA6]  }
0x28: {  	s2 =	sld [smem:$0x3FA7]  }
0x29: {  	s4 =	sld [smem:$0x3FA9]  }
0x2a: {  	p0 =	seq.s32 s5, $0x0;
	s5 =	sld [smem:$0x3FAA]  }
0x2b: {  	s6 =	sld [smem:$0x3FAB]  }
0x2c: {  	s7 =	sld [smem:$0x3FAC]  }
0x2d: {  	s3 =	simm.s32 $0x108;
	s8 =	sld [smem:$0x3FAD]  }
0x2e: {  	s3 =	simm.s32 @!p0 $0x1082;
	s9 =	sld [smem:$0x3FAE]  }
0x2f: {  	lr =	sadd.s32 s0, s3;
	s0 =	sld [smem:$0x3FA5]  }
0x30: {  	s3 =	sld [smem:$0x3FA8]  }
0x31: {  	[smem:$0x3FB1] =	sst s10  }
0x32: {  	s10 =	sld [smem:$0x3FAF];
	_ =	sdelay $0x3  }
0x33: {  	p0 =	seq.s32 s10, $0x1;
	s10 =	sld [smem:$0x3FB1];
	_ =	sdelay $0x3  }
0x34: {  	[smem:$0x3FB1] =	sst s10  }
0x35: {  	s10 =	sld [smem:$0x3FB0];
	_ =	sdelay $0x3  }
0x36: {  	p1 =	seq.s32 s10, $0x1;
	s10 =	sld [smem:$0x3FB1];
	_ =	sdelay $0x3  }
0x37: {  	[smem:$0x3FB1] =	sst s10  }
0x38: {  	s10 =	sld [smem:$0x3FB2]  }
0x39: {  	_ = 	snop;
	(pc) =	sbr.ind lr, $3  }
0x3a: {  	_ = 	snop  }
0x3b: {  	_ = 	snop  }
0x3c: {  	p2 =	seq.s32 s10, $0x1;
	s10 =	sld [smem:$0x3FB1]  }
0x3d: {  	_ =	shalt  }
0x3e: {  	_ =	shalt  }
0x3f: {  	_ =	shalt  }
0x40: {  	_ =	shalt  }
0x41: {  	_ =	shalt  }
0x42: {  	_ =	shalt  }
0x43: {  	_ =	shalt  }
0x44: {  	_ =	shalt  }
0x45: {  	_ =	shalt  }
0x46: {  	_ =	shalt  }
0x47: {  	_ =	shalt  }
0x48: {  	_ =	shalt  }
0x49: {  	_ =	shalt  }
0x4a: {  	_ =	shalt  }
0x4b: {  	_ =	shalt  }
0x4c: {  	_ =	shalt  }
0x4d: {  	_ =	shalt  }
0x4e: {  	_ =	shalt  }
0x4f: {  	_ =	shalt  }
0x50: {  	_ =	shalt  }
0x51: {  	_ =	shalt  }
0x52: {  	_ =	shalt  }
0x53: {  	_ =	shalt  }
0x54: {  	_ =	shalt  }
0x55: {  	_ =	shalt  }
0x56: {  	_ =	shalt  }
0x57: {  	_ =	shalt  }
0x58: {  	_ =	shalt  }
0x59: {  	_ =	shalt  }
0x5a: {  	_ =	shalt  }
0x5b: {  	_ =	shalt  }
0x5c: {  	_ =	shalt  }
0x5d: {  	_ =	shalt  }
0x5e: {  	_ =	shalt  }
0x5f: {  	_ =	shalt  }
0x60: {  	_ =	shalt  }
0x61: {  	_ =	shalt  }
0x62: {  	_ =	shalt  }
0x63: {  	_ =	shalt  }
0x64: {  	_ =	shalt  }
0x65: {  	_ =	shalt  }
0x66: {  	_ =	shalt  }
0x67: {  	_ =	shalt  }
0x68: {  	_ =	shalt  }
0x69: {  	_ =	shalt  }
0x6a: {  	_ =	shalt  }
0x6b: {  	_ =	shalt  }
0x6c: {  	_ =	shalt  }
0x6d: {  	_ =	shalt  }
0x6e: {  	_ =	shalt  }
0x6f: {  	_ =	shalt  }
0x70: {  	_ =	shalt  }
0x71: {  	_ =	shalt  }
0x72: {  	_ =	shalt  }
0x73: {  	_ =	shalt  }
0x74: {  	_ =	shalt  }
0x75: {  	_ =	shalt  }
0x76: {  	_ =	shalt  }
0x77: {  	_ =	shalt  }
0x78: {  	_ =	shalt  }
0x79: {  	_ =	shalt  }
0x7a: {  	_ =	shalt  }
0x7b: {  	_ =	shalt  }
0x7c: {  	_ =	shalt  }
0x7d: {  	_ =	shalt  }
0x7e: {  	_ =	shalt  }
0x7f: {  	_ =	shalt  }
0x80: {  	_ =	shalt  }
0x81: {  	_ =	shalt  }
0x82: {  	_ =	shalt  }
0x83: {  	_ =	shalt  }
0x84: {  	_ =	shalt  }
0x85: {  	_ =	shalt  }
0x86: {  	_ =	shalt  }
0x87: {  	_ =	shalt  }
.Lfunc_end0:
.L_simem_size_0:
called_computation_lowered:
.L_overlay_start_0:
0x88: {  	s2 =	sld [smem:$0x3FD9]  }
0x89: {  	s3 =	sld [smem:$0x3FFE];
	_ =	sdelay $0x1  }
0x8a: {  	s1 =	srdreg.scid  }
0x8b: {  	s0 =	sand.u32 $0x1, s1  }
0x8c: {  	s16 =	sshll.u32 s0, $0xA;
	s2 =	sadd.s32 s3, s2  }
0x8d: {  	s2 =	sadd.s32 s2, s16  }
0x8e: {  	[smem:$0x3FBD] =	sst s2  }
0x8f: {  	_ = 	snop  }
0x90: {  	(tm) =	ssettm $0x1  }
0x91: {  	s17 =	sld [smem:$0x3FFB];
	_ =	sdelay $0x3  }
0x92: {  	_ =	strace s17  }
0x93: {  	s2 =	sld [smem:$0x3FFC];
	_ =	sdelay $0x3  }
0x94: {  	_ =	strace s2  }
0x95: {  	s2 =	sld [smem:$0x3FFD];
	_ =	sdelay $0x3  }
0x96: {  	_ =	strace s2  }
0x97: {  	_ =	strace $0x8FFFFFFF  }
0x98: {  	s18 =	sld [smem:$0x3FDB];
	_ =	sdelay $0x1  }
0x99: {  	s19 =	simm.s32 $_scs_section_size  }
0x9a: {  	s4 =	simm.s32 $_size__tile_overlayer_lowered;
	s5 =	simm.s32 $_tile_overlayer_lowered  }
0x9b: {  	s22 =	simm.s32 $0x1BFF;
	s21 =	sshll.u32 s5, $0x1;
	s2 =	sadd.s32 s19, s18  }
0x9c: {  	s6 =	simm.s32 $0x0;
	s20 =	sshll.u32 s4, $0x1;
	s4 =	sadd.s32 s21, s2  }
0x9d: {  	[timem:s6], [sflag:s22] =	dma.local [hbm:s4], s20  }
0x9e: {  	_ =	swait.ge [sflag:s22], s20  }
0x9f: {  	s3 =	ssub.s32 $0x0, s20;
	[sflag:s22] =	ssyncset.done $0x0  }
0xa0: {  	[sflag:s22] =	ssyncadd.s32 s3;
	_ =	sdelay $0x1  }
0xa1: {  	s23 =	simm.s32 $0x1B8B  }
0xa2: {  	_ =	swait.ge [sflag:s23], $0x1  }
0xa3: {  	[sflag:s23] =	ssyncset.done $0x0  }
0xa4: {  	s25 =	simm.s32 $0x1B8E;
	s24 =	sld [smem:$0x3FFE];
	[sflag:s23] =	ssyncadd.s32 $0xFFFFFFFF  }
0xa5: {  	s26 =	simm.s32 $execute0_lowered;
	[smem:$0x3FD2] =	sst s25  }
0xa6: {  	s4 =	sshll.u32 s26, $0x1;
	_ =	strace $0x80000046;
	[dreg:$0x1] =	wrdreg $0xFFFFFFFF  }
0xa7: {  	s28 =	simm.s32 $_size_execute0_lowered;
	s2 =	sadd.s32 s2, s4;
	[dreg:$0x0] =	wrdreg $0x0  }
0xa8: {  	s4 =	sshll.u32 s28, $0x1;
	[dreg:$0x2] =	wrdreg s2  }
0xa9: {  	[dreg:$0x3] =	wrdreg s4  }
0xaa: {  	[dreg:$0x4] =	wrdreg $0xC0  }
0xab: {  	_ =	task [dreg:s6], $0x5FFFF  }
0xac: {  	[dreg:$0x1] =	wrdreg $0xFFFFFFFF  }
0xad: {  	[dreg:$0x0] =	wrdreg $0x60  }
0xae: {  	[dreg:$0x2] =	wrdreg s24  }
0xaf: {  	[dreg:$0x3] =	wrdreg $0x35200  }
0xb0: {  	[dreg:$0x4] =	wrdreg $0x9  }
0xb1: {  	_ =	task.clear_ibuf [dreg:s6], $0x5FFFF;
	_ =	strace $0x90000046  }
0xb2: {  	s29 =	simm.s32 $0x9;
	_ =	strace $0x80000048  }
0xb3: {  	_ =	swait.ge [sflag:s29], $0x1  }
0xb4: {  	[sflag:s29] =	ssyncadd.s32 $0xFFFFFFFF  }
0xb5: {  	_ =	strace $0x90000048  }
0xb6: {  	_ =	sfence  }
0xb7: {  	s30 =	sld [smem:$0x0];
	_ =	sdelay $0x2  }
0xb8: {  	s31 =	sshll.u32 s1, $0xD;
	s1 =	sshrl.u32 s1, $0x2  }
0xb9: {  	s3 =	sand.u32 $0x4000, s31;
	s1 =	sadd.s32 s1, s30  }
0xba: {  	s0 =	sor.u32 s3, s0;
	s1 =	sshll.u32 s1, $0x11  }
0xbb: {  	s0 =	sor.u32 s1, s0  }
0xbc: {  	s0 =	sadd.s32 $0x8F2B, s0  }
0xbd: {  	[sflag:s0] =	ssyncadd.remote.s32 $0x1  }
0xbe: {  	_ =	sfence.sel $0xFFFF  }
0xbf: {  	[dreg:$0x0] =	wrdreg $0xFFFFFFFF;
	(pc) =	sbr.abs _section_cstart, $3  }
0xc0: {  	[dreg:$0x1] =	wrdreg $0xFFFFFFFF  }
0xc1: {  	_ =	task.clear_ibuf [dreg:s6], $0x2FFFF;
	_ =	strace $0x9FFFFFFF  }
0xc2: {  	(tm) =	ssettm $0x7FFFFFFF  }
0xc3: {  	_ =	shalt  }
tec
execute0_lowered:
.L_overlay_start_1:
0x0: {  	(tag) =	ssettag $0x1  }
0x1: {  	s5 =	rddreg [dreg:$0x0]  }
0x2: {  	s2 =	rddreg [dreg:$0x1]  }
0x3: {  	s0 =	rddreg [dreg:$0x2];
	s1 =	stileid.u32  }
0x4: {  	s4 =	srdreg.scid;
	s3 =	simm.s32 $0x0;
	s12 =	simm.s32 $0x320  }
0x5: {  	s13 =	simm.s32 $0x3;
	s14 =	simm.s32 $0x1C20;
	s17 =	simm.s32 $0x190  }
0x6: {  	s18 =	simm.s32 $0x1;
	s19 =	simm.s32 $0x2;
	s6 =	smul.u32 $0x2BC0, s1  }
0x7: {  	s7 =	sand.u32 $0x1, s4;
	s4 =	smul.u32 $0x9C40, s1;
	[smem:$0x7FF] =	sst s3  }
0x8: {  	s8 =	smul.u32 $0xC400, s1;
	s15 =	sshll.u32 s1, $0x6;
	p0 =	seq.s32 s7, $0x0  }
0x9: {  	_ =	strace $0x80000047;
	s30 =	smul.u32 $0x18800, s7;
	s7 =	ssub.s32 $0x2, s7  }
0xa: {  	s15 =	sor.u32 $0x1C03, s15;
	s6 =	sadd.s32 $0x9C400, s6;
	s20 =	sshrl.u32 s8, $0x3  }
0xb: {  	s31 =	sshrl.u32 s7, $0x1;
	s16 =	sadd.s32 s8, s2;
	s6 =	smov.u32 @p0 s4  }
0xc: {  	s9 =	sadd.s32 s20, s5;
	s10 =	sadd.s32 s30, s5;
	s7 =	ssub.s32 s7, s31  }
0xd: {  	s16 =	sshrl.u32 s16, $0x3;
	s4 =	sshrl.u32 s6, $0x3;
	s6 =	sadd.s32 $0x1D800, s9  }
0xe: {  	s21 =	sadd.s32 $0x36400, s10;
	s7 =	smax.u32 s7, $0x1;
	s11 =	sadd.s32 s4, s5  }
0xf: {  	s4 =	sadd.s32 $0x36000, s5;
	s5 =	simm.s32 $0x31;
	s20 =	sadd.s32 s20, s21  }
0x10: {  	s21 =	simm.s32 $0x0;
	s5 =	simm.s32 @!p0 $0xD;
	s8 =	sadd.s32 $0x3800, s11  }
0x11: {  	s9 =	sadd.s32 $0x3832, s11;
	s10 =	sadd.s32 $0x3896, s11;
	s11 =	sadd.s32 $0x3864, s11  }
.LBB2_1:
0x12: {  	[tilespmem:s12], [sflag:$0x3] =	stream.linear.gather [hbm4b:s4+s3], $0x1900, $0x38;
	[tilespmem:$0xF920] =	vst v63  }
0x13: {  	_ =	swait.ge [sflag:s13], $0x1900  }
0x14: {  	[sflag:s13] =	ssyncset.done $0x0  }
0x15: {  	[sflag:s13] =	ssyncadd.s32 $0xFFFFE700  }
0x16: {  	[tilespmem:s14], [sflag:$0x3] =	stream.linear.gather [hbm4b:s4+s3], $0x1900, $0x38;
	[tilespmem:$0xF920] =	vst v63  }
0x17: {  	_ =	swait.ge [sflag:s13], $0x1900  }
0x18: {  	[sflag:s13] =	ssyncset.done $0x0  }
0x19: {  	[sflag:s13] =	ssyncadd.s32 $0xFFFFE700  }
0x1a: {  	[spmem:s16], [sflag:s15] =	dma.local [hbm:s6], $0x1880  }
0x1b: {  	_ =	swait.ge [sflag:s13], $0x1880  }
0x1c: {  	[sflag:s13] =	ssyncset.done $0x0  }
0x1d: {  	[sflag:s13] =	ssyncadd.s32 $0xFFFFE780  }
0x1e: {  	[bflag:$0x0] =	sbarrier.arrive $0xFFFF  }
0x1f: {  	[tilespmem:s3], [sflag:$0x3] =	stream.linear.gather [hbm4b:s8+s3], $0x190, $0x38;
	[tilespmem:$0xF920] =	vst v63  }
0x20: {  	_ =	swait.ge [sflag:s13], $0x190  }
0x21: {  	[sflag:s13] =	ssyncset.done $0x0  }
0x22: {  	[sflag:s13] =	ssyncadd.s32 $0xFFFFFE70  }
0x23: {  	[tilespmem:s17], [sflag:$0x3] =	stream.linear.gather [hbm4b:s9+s3], $0x190, $0x38;
	[tilespmem:$0xF920] =	vst v63  }
0x24: {  	_ =	swait.ge [sflag:s13], $0x190  }
0x25: {  	[sflag:s13] =	ssyncset.done $0x0  }
0x26: {  	[sflag:s13] =	ssyncadd.s32 $0xFFFFFE70  }
0x27: {  	[spmem:s2] =	stream.indirect.scatter.add.f32 [tilespmem:s12], [sflag:$0x1], $0x10, s3, s17, $0xb8;
	[tilespmem:$0xF920] =	vst v63  }
0x28: {  	_ = 	snop  }
0x29: {  	[spmem:s2] =	stream.indirect.scatter.add.f32 [tilespmem:s14], [sflag:$0x2], $0x10, s17, s17, $0xb8;
	[tilespmem:$0xF920] =	vst v63  }
0x2a: {  	_ =	swait.ge [sflag:s18], $0x1900  }
0x2b: {  	[sflag:s18] =	ssyncset.done $0x0  }
0x2c: {  	[sflag:s18] =	ssyncadd.s32 $0xFFFFE700  }
0x2d: {  	_ =	swait.ge [sflag:s19], $0x1900  }
0x2e: {  	[sflag:s19] =	ssyncset.done $0x0  }
0x2f: {  	[sflag:s19] =	ssyncadd.s32 $0xFFFFE700  }
0x30: {  	[tilespmem:s3], [sflag:$0x3] =	stream.linear.gather [hbm4b:s11+s3], $0x190, $0x38;
	[tilespmem:$0xF920] =	vst v63  }
0x31: {  	_ =	swait.ge [sflag:s13], $0x190  }
0x32: {  	[sflag:s13] =	ssyncset.done $0x0  }
0x33: {  	p0 =	sne.s32 s5, $0x1;
	[sflag:s13] =	ssyncadd.s32 $0xFFFFFE70  }
0x34: {  	[tilespmem:s17], [sflag:$0x3] =	stream.linear.gather [hbm4b:s10+s3], $0x190, $0x38;
	[tilespmem:$0xF920] =	vst v63  }
.Ltmp0:
0x35: {  	_ = 	snop;
	(pc) =	sbr.rel @!p0 .LBB2_3-.Ltmp0, $4  }
0x36: {  	_ =	swait.ge [sflag:s13], $0x190  }
0x37: {  	s22 =	sadd.s32 $0xFFFFFFFF, s5;
	[sflag:s13] =	ssyncset.done $0x0  }
0x38: {  	s23 =	sadd.s32 $0x64, s10;
	s24 =	sadd.s32 $0x64, s11;
	[sflag:s13] =	ssyncadd.s32 $0xFFFFFE70  }
0x39: {  	[spmem:s2] =	stream.indirect.scatter.add.f32 [tilespmem:s12], [sflag:$0x1], $0x10, s3, s17, $0xb8;
	[tilespmem:$0xF920] =	vst v63  }
.LBB2_2:
0x3a: {  	[spmem:s2] =	stream.indirect.scatter.add.f32 [tilespmem:s14], [sflag:$0x2], $0x10, s17, s17, $0xb8;
	[tilespmem:$0xF920] =	vst v63  }
0x3b: {  	p0 =	sne.s32 s22, $0x1;
	s22 =	sadd.s32 $0xFFFFFFFF, s22;
	_ =	swait.ge [sflag:s18], $0x1900  }
0x3c: {  	[sflag:s18] =	ssyncset.done $0x0  }
0x3d: {  	[sflag:s18] =	ssyncadd.s32 $0xFFFFE700  }
0x3e: {  	_ =	swait.ge [sflag:s19], $0x1900  }
0x3f: {  	[sflag:s19] =	ssyncset.done $0x0  }
0x40: {  	[sflag:s19] =	ssyncadd.s32 $0xFFFFE700  }
0x41: {  	[tilespmem:s3], [sflag:$0x3] =	stream.linear.gather [hbm4b:s24+s3], $0x190, $0x38;
	[tilespmem:$0xF920] =	vst v63  }
0x42: {  	_ =	swait.ge [sflag:s13], $0x190  }
0x43: {  	[sflag:s13] =	ssyncset.done $0x0  }
0x44: {  	[sflag:s13] =	ssyncadd.s32 $0xFFFFFE70  }
0x45: {  	[tilespmem:s17], [sflag:$0x3] =	stream.linear.gather [hbm4b:s23+s3], $0x190, $0x38;
	[tilespmem:$0xF920] =	vst v63  }
.Ltmp1:
0x46: {  	_ =	swait.ge [sflag:s13], $0x190;
	(pc) =	sbr.rel @p0 .LBB2_2-.Ltmp1, $4  }
0x47: {  	[sflag:s13] =	ssyncset.done $0x0  }
0x48: {  	[sflag:s13] =	ssyncadd.s32 $0xFFFFFE70  }
0x49: {  	[spmem:s2] =	stream.indirect.scatter.add.f32 [tilespmem:s12], [sflag:$0x1], $0x10, s3, s17, $0xb8;
	[tilespmem:$0xF920] =	vst v63  }
0x4a: {  	s24 =	sadd.s32 $0x64, s24;
	s23 =	sadd.s32 $0x64, s23  }
.LBB2_3:
0x4b: {  	[spmem:s2] =	stream.indirect.scatter.add.f32 [tilespmem:s14], [sflag:$0x2], $0x10, s17, s17, $0xb8;
	[tilespmem:$0xF920] =	vst v63  }
0x4c: {  	_ =	swait.ge [sflag:s18], $0x1900  }
0x4d: {  	[sflag:s18] =	ssyncset.done $0x0  }
0x4e: {  	[sflag:s18] =	ssyncadd.s32 $0xFFFFE700  }
0x4f: {  	_ =	swait.ge [sflag:s19], $0x1900  }
0x50: {  	[sflag:s19] =	ssyncset.done $0x0  }
0x51: {  	s21 =	sadd.s32 $0x1, s21;
	[sflag:s19] =	ssyncadd.s32 $0xFFFFE700  }
0x52: {  	p0 =	sne.s32 s21, s7;
	[bflag:$0x0] =	sbarrier.arrive $0xFFFF  }
0x53: {  	[hbm:s20], [sflag:s15] =	dma.local [spmem:s16], $0x1880  }
.Ltmp2:
0x54: {  	_ =	swait.ge [sflag:s13], $0x1880;
	(pc) =	sbr.rel @p0 .LBB2_1-.Ltmp2, $3  }
0x55: {  	[sflag:s13] =	ssyncset.done $0x0  }
0x56: {  	[sflag:s13] =	ssyncadd.s32 $0xFFFFE780  }
0x57: {  	[bflag:$0x0] =	sbarrier.arrive $0xFFFF;
	_ =	sdelay $0x1  }
0x58: {  	_ =	sfence.sel $0x180000  }
0x59: {  	[bflag:$0x0] =	sbarrier.arrive $0xFFFF  }
0x5a: {  	p0 =	sne.s32 s1, $0x0;
	_ =	strace $0x90000047  }
0x5b: {  	s0 =	sadd.s32 @!p0 $0x100000, s0;
	[bflag:$0x2] =	sbarrier.arrive $0xFFFF  }
0x5c: {  	[sflag:s0] =	ssyncadd.tile.s32 @!p0 $0x1;
	_ =	shalt  }
.Lfunc_end2:
_tile_overlayer_lowered:
.L_overlay_start_2:
0x5d: {  	(tag) =	ssettag $0x2  }
0x5e: {  	s0 =	rddreg [dreg:$0x0];
	s2 =	stileid.u32  }
0x5f: {  	s1 =	rddreg [dreg:$0x1];
	p0 =	sne.s32 s2, $0x0  }
0x60: {  	s3 =	rddreg [dreg:$0x2];
	[bflag:$0x3] =	sbarrier.arrive $0xFFFF;
	s2 =	simm.s32 @!p0 $0x1C03  }
0x61: {  	[timem:s3], [sflag:s2] =	dma.local @!p0 [hbm:s0], s1  }
0x62: {  	s0 =	simm.s32 @!p0 $0x3  }
0x63: {  	_ =	swait.ge @!p0 [sflag:s0], s1  }
0x64: {  	s1 =	ssub.s32 @!p0 $0x0, s1;
	[sflag:s0] =	ssyncset.done @!p0 $0x0  }
0x65: {  	[sflag:s0] =	ssyncadd.s32 @!p0 s1  }
0x66: {  	[bflag:$0x3] =	sbarrier.arrive $0xFFFF  }
0x67: {  	_ =	shalt  }

</sc_bundles>
